<compile_context>
chip_gen: v7x
topology: tpu7x:2x2x1
jax: 0.10.2.dev20260603
libtpu: 0.0.44.dev20260713+nightly
codegen_flags: <defaults>
</compile_context>

<pallas_src>
import functools

import jax
import jax.numpy as jnp
from jax import lax
from jax.experimental import pallas as pl
from jax.experimental.pallas import tpu as pltpu
from jax.experimental.pallas import tpu_sc as plsc

_K = 32
_SX = 2
_SY = 2
_NP = 10240
_MP = 9088
_MPP = _MP + 16
_QPW = _NP // 32
_CAP = 144
_BUFN = 176
_EB = 128
_INF = 1e30


def _mesh():
    return plsc.VectorSubcoreMesh(core_axis_name="c", subcore_axis_name="s",
                                  num_cores=2, num_subcores=16)


def _spi(x):
    return jnp.zeros((16,), jnp.int32) + x


def _spf(x):
    return jnp.zeros((16,), jnp.float32) + x


def _select_body(sox_h, soy_h, ord_h, qx_h, qy_h, par_h,
                 idx_h, cnt_h, c_h,
                 sox, soy, ordv, qx, qy, par,
                 d2b, posb, selb, idx_st, c_st, cnt_st):
    cid = lax.axis_index("c")
    sid = lax.axis_index("s")
    wid = sid * 2 + cid
    pltpu.sync_copy(sox_h, sox)
    pltpu.sync_copy(soy_h, soy)
    pltpu.sync_copy(ord_h, ordv)
    pltpu.sync_copy(qx_h.at[pl.ds(wid * _QPW, _QPW)], qx)
    pltpu.sync_copy(qy_h.at[pl.ds(wid * _QPW, _QPW)], qy)
    pltpu.sync_copy(par_h, par)

    iota16 = lax.iota(jnp.int32, 16)
    lane0 = iota16 == 0
    zero16 = jnp.zeros((16,), jnp.float32)
    inf16 = jnp.full((16,), _INF, jnp.float32)
    parv = par[...]
    r2s = parv[0]
    rs = parv[1]
    invrv = _spf(parv[2])
    r2v = _spf(r2s)

    def per_query(i, _c2):
            qxv = plsc.load_gather(qx, [_spi(i)])
            qyv = plsc.load_gather(qy, [_spi(i)])
            qxi = qxv[0]
            qlo = qxi - rs
            qhi = qxi + rs

            def bs(_t, lh):
                lo, hi = lh
                mid = (lo + hi) >> 1
                p = sox[pl.ds(mid, 16)][0] < qlo
                return (jnp.where(p, mid + 1, lo), jnp.where(p, hi, mid))
            lo, _ = lax.fori_loop(0, 14, bs, (jnp.int32(0), jnp.int32(_MP)))
            base = (lo >> 4) << 4

            def sc_cond(st):
                return st[2]

            def sc_body(st):
                pos, cnt, _go = st
                ox = sox[pl.ds(pos, 16)]
                oy = soy[pl.ds(pos, 16)]
                dx = ox - qxv
                dy = oy - qyv
                d2 = dx * dx + dy * dy
                pred = d2 <= r2v
                plsc.store_compressed(posb.at[pl.ds(cnt, 16)], pos + iota16,
                                      mask=pred)
                plsc.store_compressed(d2b.at[pl.ds(cnt, 16)], d2, mask=pred)
                cnt2 = cnt + plsc.all_reduce_population_count(pred)[0]
                pos2 = pos + 16
                go2 = ((pos2 < _MP) & (ox[15] <= qhi)
                       & (cnt2 <= _CAP))
                return (pos2, cnt2, go2)

            _, cnt, _ = lax.while_loop(
                sc_cond, sc_body,
                (base, jnp.int32(0), base < _MP))

            d2b[pl.ds(cnt, 16)] = inf16
            nsel = jnp.minimum(cnt, _K)
            nch = (cnt + 15) >> 4

            @pl.when(cnt > _K)
            def _():
                def ext(k, _c3):
                    def ch(ci, best):
                        bd, bp = best
                        d2c = d2b[pl.ds(ci * 16, 16)]
                        mn = jnp.min(d2c)
                        pin = jnp.min(jnp.where(d2c == mn, iota16, 16))
                        better = mn < bd
                        return (jnp.where(better, mn, bd),
                                jnp.where(better, ci * 16 + pin, bp))
                    _, bpos = lax.fori_loop(0, nch, ch,
                                            (jnp.float32(_INF), jnp.int32(0)))
                    pv = plsc.load_gather(posb, [_spi(bpos)])
                    plsc.store_scatter(selb, [_spi(k)], pv, mask=lane0)
                    plsc.store_scatter(d2b, [_spi(bpos)], inf16, mask=lane0)
                    return _c3
                lax.fori_loop(0, _K, ext, 0)
                posb[pl.ds(0, 16)] = selb[pl.ds(0, 16)]
                posb[pl.ds(16, 16)] = selb[pl.ds(16, 16)]

            for kk in range(2):
                lanes = iota16 + kk * 16
                msk = lanes < nsel
                sp = posb[pl.ds(kk * 16, 16)]
                ox = plsc.load_gather(sox, [sp], mask=msk)
                oy = plsc.load_gather(soy, [sp], mask=msk)
                jt = plsc.load_gather(ordv, [sp], mask=msk)
                px = jnp.clip((ox - qxv) * invrv, -1.0, 1.0)
                py = jnp.clip((oy - qyv) * invrv, -1.0, 1.0)
                ex0 = jnp.exp((px + 1.0) * (px + 1.0) * -0.125)
                ex1 = jnp.exp((px - 1.0) * (px - 1.0) * -0.125)
                ey0 = jnp.exp((py + 1.0) * (py + 1.0) * -0.125)
                ey1 = jnp.exp((py - 1.0) * (py - 1.0) * -0.125)
                idx_st[pl.ds(i * _K + kk * 16, 16)] = jnp.where(msk, jt, 0)
                cb = i * 4 * _K + kk * 16
                c_st[pl.ds(cb, 16)] = jnp.where(msk, ex0 * ey0, zero16)
                c_st[pl.ds(cb + _K, 16)] = jnp.where(msk, ex0 * ey1, zero16)
                c_st[pl.ds(cb + 2 * _K, 16)] = jnp.where(msk, ex1 * ey0,
                                                         zero16)
                c_st[pl.ds(cb + 3 * _K, 16)] = jnp.where(msk, ex1 * ey1,
                                                         zero16)
            plsc.store_scatter(cnt_st, [_spi(i)], _spi(nsel), mask=lane0)
            return _c2
    lax.fori_loop(0, _QPW, per_query, 0)
    qg = wid * _QPW
    pltpu.sync_copy(idx_st, idx_h.at[pl.ds(qg * _K, _QPW * _K)])
    pltpu.sync_copy(c_st, c_h.at[pl.ds(qg * 4 * _K, _QPW * 4 * _K)])
    pltpu.sync_copy(cnt_st, cnt_h.at[pl.ds(qg, _QPW)])


def _select_call(sox, soy, ordp, qx, qy, par):
    return pl.kernel(
        _select_body,
        out_type=[
            jax.ShapeDtypeStruct((_NP * _K,), jnp.int32),
            jax.ShapeDtypeStruct((_NP,), jnp.int32),
            jax.ShapeDtypeStruct((_NP * 4 * _K,), jnp.float32),
        ],
        mesh=_mesh(),
        scratch_types=[
            pltpu.VMEM((_MPP,), jnp.float32),
            pltpu.VMEM((_MPP,), jnp.float32),
            pltpu.VMEM((_MPP,), jnp.int32),
            pltpu.VMEM((_QPW,), jnp.float32),
            pltpu.VMEM((_QPW,), jnp.float32),
            pltpu.VMEM((16,), jnp.float32),
            pltpu.VMEM((_BUFN,), jnp.float32),
            pltpu.VMEM((_BUFN,), jnp.int32),
            pltpu.VMEM((_K,), jnp.int32),
            pltpu.VMEM((_QPW * _K,), jnp.int32),
            pltpu.VMEM((_QPW * 4 * _K,), jnp.float32),
            pltpu.VMEM((_QPW,), jnp.int32),
        ],
        compiler_params=pltpu.CompilerParams(needs_layout_passes=False),
    )(sox, soy, ordp, qx, qy, par)


def _accum_body(t_h, idx_h, c_h, cnt_h,
                out_h,
                tblk, cblk, idxblk, cntblk, ebuf, eidx, acc):
    cid = lax.axis_index("c")
    sid = lax.axis_index("s")
    wid = sid * 2 + cid
    rows_per_tile = _MP // 16
    iota16 = lax.iota(jnp.int32, 16)
    lane0 = iota16 == 0
    zero16 = jnp.zeros((16,), jnp.float32)
    zero16i = jnp.zeros((16,), jnp.int32)

    def zrow(ri, _c):
        for j in range(8):
            ebuf[ri, pl.ds(j * 16, 16)] = zero16
        return _c
    lax.fori_loop(0, _EB, zrow, 0)
    for b in range(4):
        pltpu.sync_copy(ebuf, acc.at[pl.ds(sid * rows_per_tile + b * _EB,
                                           _EB)])
    pltpu.sync_copy(ebuf.at[pl.ds(0, rows_per_tile - 4 * _EB)],
                    acc.at[pl.ds(sid * rows_per_tile + 4 * _EB,
                                 rows_per_tile - 4 * _EB)])
    plsc.subcore_barrier()

    qg0 = wid * _QPW

    def blk(qb, eptr):
        qg = qg0 + qb * 32
        pltpu.sync_copy(t_h.at[pl.ds(qg, 32)], tblk)
        pltpu.sync_copy(c_h.at[pl.ds(qg * 4 * _K, 32 * 4 * _K)], cblk)
        pltpu.sync_copy(idx_h.at[pl.ds(qg * _K, 32 * _K)], idxblk)
        pltpu.sync_copy(cnt_h.at[pl.ds(qg, 32)], cntblk)

        def pq(ql, eptr):
            nc = plsc.load_gather(cntblk, [_spi(ql)])[0]
            qlv = _spi(ql)
            trow = [tblk[ql, pl.ds(q * 16, 16)] for q in range(32)]

            def pe(k, eptr):
                cbase = qlv * (4 * _K) + k
                c00 = plsc.load_gather(cblk, [cbase])
                c01 = plsc.load_gather(cblk, [cbase + _K])
                c10 = plsc.load_gather(cblk, [cbase + 2 * _K])
                c11 = plsc.load_gather(cblk, [cbase + 3 * _K])
                for rr in range(8):
                    ms = (trow[rr] * c00 + trow[8 + rr] * c01
                          + trow[16 + rr] * c10 + trow[24 + rr] * c11)
                    ebuf[eptr, pl.ds(rr * 16, 16)] = ms
                jtv = plsc.load_gather(idxblk, [qlv * _K + k])
                plsc.store_scatter(eidx, [_spi(eptr)], jtv, mask=lane0)
                eptr2 = eptr + 1
                full = eptr2 == _EB

                @pl.when(full)
                def _():
                    pltpu.sync_copy(ebuf, acc.at[eidx], add=True)
                return jnp.where(full, 0, eptr2)
            return lax.fori_loop(0, nc, pe, eptr)
        return lax.fori_loop(0, 32, pq, eptr)
    eptr = lax.fori_loop(0, _QPW // 32, blk, jnp.int32(0))

    def ztail(ri, _c):
        @pl.when(ri >= eptr)
        def _():
            for j in range(8):
                ebuf[ri, pl.ds(j * 16, 16)] = zero16
            plsc.store_scatter(eidx, [_spi(ri)], zero16i, mask=lane0)
        return _c
    lax.fori_loop(0, _EB, ztail, 0)

    @pl.when(eptr > 0)
    def _():
        pltpu.sync_copy(ebuf, acc.at[eidx], add=True)
    plsc.subcore_barrier()

    base = sid * rows_per_tile
    pltpu.sync_copy(acc.at[pl.ds(base, rows_per_tile)],
                    out_h.at[cid, pl.ds(base, rows_per_tile)])


def _accum_call(t, idx, c4, cnt):
    return pl.kernel(
        _accum_body,
        out_type=jax.ShapeDtypeStruct((2, _MP, 128), jnp.float32),
        mesh=_mesh(),
        scratch_types=[
            pltpu.VMEM((32, 4 * 128), jnp.float32),
            pltpu.VMEM((32 * 4 * _K,), jnp.float32),
            pltpu.VMEM((32 * _K,), jnp.int32),
            pltpu.VMEM((32,), jnp.int32),
            pltpu.VMEM((_EB, 128), jnp.float32),
            pltpu.VMEM((_EB,), jnp.int32),
            pltpu.VMEM_SHARED((_MP, 128), jnp.float32),
        ],
        compiler_params=pltpu.CompilerParams(needs_layout_passes=False),
    )(t, idx, c4, cnt)


def _mm_body(x_ref, w_ref, o_ref):
    o_ref[...] = jnp.dot(x_ref[...], w_ref[...],
                         preferred_element_type=jnp.float32)


def _node_transform(x, wr):
    n, d = x.shape
    f = wr.shape[1]
    br = 640
    return pl.pallas_call(
        _mm_body,
        grid=(n // br,),
        in_specs=[
            pl.BlockSpec((br, d), lambda i: (i, 0)),
            pl.BlockSpec((d, f), lambda i: (0, 0)),
        ],
        out_specs=pl.BlockSpec((br, f), lambda i: (i, 0)),
        out_shape=jax.ShapeDtypeStruct((n, f), jnp.float32),
    )(x, wr)


def _comb_body(p_ref, o_ref):
    o_ref[...] = jnp.maximum(p_ref[0] + p_ref[1], 0.0)


def _combine(parts):
    br = 1128
    return pl.pallas_call(
        _comb_body,
        grid=(_MP // br,),
        in_specs=[pl.BlockSpec((2, br, 128), lambda i: (0, i, 0))],
        out_specs=pl.BlockSpec((br, 128), lambda i: (i, 0)),
        out_shape=jax.ShapeDtypeStruct((_MP, 128), jnp.float32),
    )(parts)


def kernel(positions, features, output, ghostIndices, support, W1, W2):
    n = positions.shape[0]
    m = output.shape[0]
    d = features.shape[1]
    sup = jnp.float32(support)
    par = jnp.zeros((16,), jnp.float32)
    par = par.at[0].set(sup * sup).at[1].set(sup).at[2].set(1.0 / sup)

    ox = output[:, 0]
    order = jnp.argsort(ox).astype(jnp.int32)
    pad_m = jnp.full((_MPP - m,), 2.0, jnp.float32)
    sox = jnp.concatenate([ox[order], pad_m])
    soy = jnp.concatenate([output[:, 1][order], pad_m])
    ordp = jnp.concatenate([order, jnp.zeros((_MPP - m,), jnp.int32)])
    pad_n = jnp.full((_NP - n,), 2.0, jnp.float32)
    qx = jnp.concatenate([positions[:, 0], pad_n])
    qy = jnp.concatenate([positions[:, 1], pad_n])

    idxA, cntA, cA = _select_call(sox, soy, ordp, qx, qy, par)

    ghosts = ghostIndices[m:]
    ans = features
    for W in (W1, W2):
        wr = jnp.transpose(W, (2, 0, 1, 3)).reshape(d, _SX * _SY * d)
        xpad = jnp.concatenate(
            [ans, jnp.zeros((_NP - n, d), jnp.float32)], axis=0)
        t = _node_transform(xpad, wr)
        parts = _accum_call(t, idxA, cA, cntA)
        ansc = _combine(parts)[:m]
        ans = jnp.concatenate([ansc, jnp.take(ansc, ghosts, axis=0)], axis=0)
    return ans

# --- scband reference (transcript-rebuilt; emitter-appended) ---
"""Pipeline reference for scband-rbf-net-22058952032725 (READ-ONLY COPY).

The authoritative reference and input builder live on the scoring server;
editing this copy changes nothing except your own understanding.
"""

import jax, jax.numpy as jnp
import numpy as np

N = 10000      # positions (source) nodes
M = 9000       # output (target) nodes == non-ghost count
G = 1000       # ghost nodes (N = M + G)
D = 128        # feature dim
K = 32         # max neighbors per query (cap, analog of max_num_neighbors)
SX = 2         # rbf kernel size x
SY = 2         # rbf kernel size y
SUPPORT = 0.024
CHUNK = 500


def _rbf_basis(x, size):
    # gaussian RBF basis with centers on linspace(-1, 1, size)
    centers = jnp.linspace(-1.0, 1.0, size)
    sigma = 2.0 / max(size - 1, 1)
    return jnp.exp(-((x[:, None] - centers[None, :]) ** 2) / (2.0 * sigma ** 2))


def _radius_edges(positions, output, support):
    # brute-force radius search: for each position (query y_i), the K nearest
    # output points (x_j); entries with dist > support are masked out.
    def chunk_fn(pos_chunk):
        d2 = jnp.sum((pos_chunk[:, None, :] - output[None, :, :]) ** 2, axis=-1)
        neg, idx = jax.lax.top_k(-d2, K)
        return neg, idx
    pc = positions.reshape(N // CHUNK, CHUNK, 2)
    neg, idx = jax.lax.map(chunk_fn, pc)
    neg = neg.reshape(N * K)
    idx = idx.reshape(N * K)
    row = jnp.repeat(jnp.arange(N, dtype=jnp.int32), K)  # index into positions
    col = idx.astype(jnp.int32)                          # index into output
    mask = (-neg) <= support * support
    return row, col, mask


def _forward(positions, features, output, ghostIndices, support, Ws):
    row, col, emask = _radius_edges(positions, output, support)
    pseudo = output[col] - positions[row]
    pseudo = pseudo / support
    pseudo = jnp.clip(pseudo, -1.0, 1.0)
    bx = _rbf_basis(pseudo[:, 0], SX)
    by = _rbf_basis(pseudo[:, 1], SY)
    ghosts = ghostIndices[output.shape[0]:]
    em = emask.astype(jnp.float32)[:, None]
    ans = features
    for W in Ws:
        x_src = ans
        # factored continuous conv: per-node transform per basis pair (u, v)
        T = jnp.einsum('ni,uvio->nuvo', x_src, W)
        msg = jnp.zeros((row.shape[0], W.shape[-1]), dtype=jnp.float32)
        for u in range(SX):
            for v in range(SY):
                coeff = (bx[:, u] * by[:, v])[:, None]
                msg = msg + coeff * jnp.take(T[:, u, v, :], row, axis=0)
        msg = msg * em
        aggr = jax.ops.segment_sum(msg, col, num_segments=M)
        ansc = jax.nn.relu(aggr)
        ghostFeatures = jnp.take(ansc, ghosts, axis=0)
        ans = jnp.concatenate([ansc, ghostFeatures], axis=0)
    return ans


def setup_inputs(seed: int = 0) -> dict:
    key = jax.random.key(seed)
    k1, k2, k3, k4, k5, k6 = jax.random.split(key, 6)
    positions = jax.random.uniform(k1, (N, 2), dtype=jnp.float32)
    features = jax.random.normal(k2, (N, D), dtype=jnp.float32)
    output = jax.random.uniform(k3, (M, 2), dtype=jnp.float32)
    ghostIndices = jnp.concatenate([
        jnp.full((M,), -1, dtype=jnp.int32),
        jax.random.randint(k4, (G,), 0, M, dtype=jnp.int32)])
    scale = 1.0 / np.sqrt(D * SX * SY)
    W1 = jax.random.normal(k5, (SX, SY, D, D), dtype=jnp.float32) * scale
    W2 = jax.random.normal(k6, (SX, SY, D, D), dtype=jnp.float32) * scale
    return {"positions": positions, "features": features, "output": output,
            "ghostIndices": ghostIndices, "support": SUPPORT, "W1": W1, "W2": W2}


def reference(positions, features, output, ghostIndices, support, W1, W2):
    return _forward(positions, features, output, ghostIndices, support, (W1, W2))

if __name__ == "__main__":
    import jax
    _d = setup_inputs()
    print(jax.jit(kernel)(*tuple(_d.values())))

</pallas_src>

<mosaic_0001>
#map = affine_map<(d0, d1) -> (0, 0)>
#map1 = affine_map<(d0, d1) -> (0)>
#map2 = affine_map<(d0, d1) -> (0, 0, 0)>
module attributes {stable_mosaic.version = 14 : i64} {
  func.func @_accum_body(%arg0: i32, %arg1: i32, %arg2: memref<10240x512xf32, #tpu.memory_space<hbm>>, %arg3: memref<327680xi32, #tpu.memory_space<hbm>>, %arg4: memref<1310720xf32, #tpu.memory_space<hbm>>, %arg5: memref<10240xi32, #tpu.memory_space<hbm>>, %arg6: memref<2x9088x128xf32, #tpu.memory_space<hbm>>, %arg7: memref<32x512xf32, #tpu.memory_space<vmem>>, %arg8: memref<4096xf32, #tpu.memory_space<vmem>>, %arg9: memref<1024xi32, #tpu.memory_space<vmem>>, %arg10: memref<32xi32, #tpu.memory_space<vmem>>, %arg11: memref<128x128xf32, #tpu.memory_space<vmem>>, %arg12: memref<128xi32, #tpu.memory_space<vmem>>, %arg13: memref<9088x128xf32, #tpu.memory_space<vmem_shared>>) attributes {dimension_semantics = [#tpu.dimension_semantics<core_parallel>, #tpu.dimension_semantics<subcore_parallel>], iteration_bounds = array<i64: 2, 16>, scalar_prefetch = 0 : i64, scratch_operands = 7 : i64, tpu.core_type = #tpu.core_type<sc_vector_subcore>, window_params = [{transform_indices = #map}, {transform_indices = #map1}, {transform_indices = #map1}, {transform_indices = #map1}, {transform_indices = #map2}]} {
    %mul3A = arith.constant 2 : i32
    %mul3A_0 = arith.muli %arg1, %mul3A : i32
    %add3A = arith.addi %mul3A_0, %arg0 : i32
    %iota3A = tpu.iota {dimensions = array<i32: 0>} : vector<16xi32>
    %eq3A = arith.constant 0 : i32
    %eq3A_1 = vector.broadcast %eq3A : i32 to vector<16xi32>
    %eq3A_2 = arith.cmpi eq, %iota3A, %eq3A_1 : vector<16xi32>
    %broadcast_in_dim3A = arith.constant 0.000000e+00 : f32
    %broadcast_in_dim3A_3 = vector.broadcast %broadcast_in_dim3A : f32 to vector<16xf32>
    %broadcast_in_dim3A_4 = arith.constant 0 : i32
    %broadcast_in_dim3A_5 = vector.broadcast %broadcast_in_dim3A_4 : i32 to vector<16xi32>
    %scan3A = arith.constant 0 : i32
    %scan3A_6 = arith.constant 0 : i32
    %scan3A_7 = arith.constant 128 : i32
    %scan3A_8 = arith.addi %scan3A_6, %scan3A_7 : i32
    %scan3A_9 = arith.constant 1 : i32
    scf.for %scan3A_51 = %scan3A_6 to %scan3A_8 step %scan3A_9  : i32 {
      %swap3A = arith.index_cast %scan3A_51 : i32 to index
      %swap3A_52 = arith.constant 0 : index
      %swap3A_53 = tpu.vector_load %arg11[%swap3A, %swap3A_52] {strides = array<i32>} : memref<128x128xf32, #tpu.memory_space<vmem>>, vector<16xf32>,
      tpu.vector_store %arg11[%swap3A, %swap3A_52], %broadcast_in_dim3A_3 {strides = array<i32>} : memref<128x128xf32, #tpu.memory_space<vmem>>, vector<16xf32>,
      %swap3A_54 = arith.index_cast %scan3A_51 : i32 to index
      %swap3A_55 = arith.constant 16 : index
      %swap3A_56 = tpu.vector_load %arg11[%swap3A_54, %swap3A_55] {strides = array<i32>} : memref<128x128xf32, #tpu.memory_space<vmem>>, vector<16xf32>,
      tpu.vector_store %arg11[%swap3A_54, %swap3A_55], %broadcast_in_dim3A_3 {strides = array<i32>} : memref<128x128xf32, #tpu.memory_space<vmem>>, vector<16xf32>,
      %swap3A_57 = arith.index_cast %scan3A_51 : i32 to index
      %swap3A_58 = arith.constant 32 : index
      %swap3A_59 = tpu.vector_load %arg11[%swap3A_57, %swap3A_58] {strides = array<i32>} : memref<128x128xf32, #tpu.memory_space<vmem>>, vector<16xf32>,
      tpu.vector_store %arg11[%swap3A_57, %swap3A_58], %broadcast_in_dim3A_3 {strides = array<i32>} : memref<128x128xf32, #tpu.memory_space<vmem>>, vector<16xf32>,
      %swap3A_60 = arith.index_cast %scan3A_51 : i32 to index
      %swap3A_61 = arith.constant 48 : index
      %swap3A_62 = tpu.vector_load %arg11[%swap3A_60, %swap3A_61] {strides = array<i32>} : memref<128x128xf32, #tpu.memory_space<vmem>>, vector<16xf32>,
      tpu.vector_store %arg11[%swap3A_60, %swap3A_61], %broadcast_in_dim3A_3 {strides = array<i32>} : memref<128x128xf32, #tpu.memory_space<vmem>>, vector<16xf32>,
      %swap3A_63 = arith.index_cast %scan3A_51 : i32 to index
      %swap3A_64 = arith.constant 64 : index
      %swap3A_65 = tpu.vector_load %arg11[%swap3A_63, %swap3A_64] {strides = array<i32>} : memref<128x128xf32, #tpu.memory_space<vmem>>, vector<16xf32>,
      tpu.vector_store %arg11[%swap3A_63, %swap3A_64], %broadcast_in_dim3A_3 {strides = array<i32>} : memref<128x128xf32, #tpu.memory_space<vmem>>, vector<16xf32>,
      %swap3A_66 = arith.index_cast %scan3A_51 : i32 to index
      %swap3A_67 = arith.constant 80 : index
      %swap3A_68 = tpu.vector_load %arg11[%swap3A_66, %swap3A_67] {strides = array<i32>} : memref<128x128xf32, #tpu.memory_space<vmem>>, vector<16xf32>,
      tpu.vector_store %arg11[%swap3A_66, %swap3A_67], %broadcast_in_dim3A_3 {strides = array<i32>} : memref<128x128xf32, #tpu.memory_space<vmem>>, vector<16xf32>,
      %swap3A_69 = arith.index_cast %scan3A_51 : i32 to index
      %swap3A_70 = arith.constant 96 : index
      %swap3A_71 = tpu.vector_load %arg11[%swap3A_69, %swap3A_70] {strides = array<i32>} : memref<128x128xf32, #tpu.memory_space<vmem>>, vector<16xf32>,
      tpu.vector_store %arg11[%swap3A_69, %swap3A_70], %broadcast_in_dim3A_3 {strides = array<i32>} : memref<128x128xf32, #tpu.memory_space<vmem>>, vector<16xf32>,
      %swap3A_72 = arith.index_cast %scan3A_51 : i32 to index
      %swap3A_73 = arith.constant 112 : index
      %swap3A_74 = tpu.vector_load %arg11[%swap3A_72, %swap3A_73] {strides = array<i32>} : memref<128x128xf32, #tpu.memory_space<vmem>>, vector<16xf32>,
      tpu.vector_store %arg11[%swap3A_72, %swap3A_73], %broadcast_in_dim3A_3 {strides = array<i32>} : memref<128x128xf32, #tpu.memory_space<vmem>>, vector<16xf32>,
    }
    %scan3A_10 = arith.constant 128 : i32
    %mul3A_11 = arith.constant 568 : i32
    %mul3A_12 = arith.muli %arg1, %mul3A_11 : i32
    %add3A_13 = arith.constant 0 : i32
    %add3A_14 = arith.addi %mul3A_12, %add3A_13 : i32
    "tpu.region"() ({
      %run_scoped3A = tpu.sem_alloc : memref<!tpu.dma_semaphore, #tpu.memory_space<semaphore_mem>>
      %dma_start3A = arith.constant 0 : i32
      %dma_start3A_51 = tpu.memref_slice %arg13[%add3A_14, %dma_start3A] : memref<9088x128xf32, #tpu.memory_space<vmem_shared>> -> memref<128x128xf32, #tpu.memory_space<vmem_shared>>
      %dma_start3A_52 = arith.constant 0 : i32
      %dma_start3A_53 = tpu.memref_slice %arg13[%add3A_14, %dma_start3A_52] : memref<9088x128xf32, #tpu.memory_space<vmem_shared>> -> memref<128x128xf32, #tpu.memory_space<vmem_shared>>
      tpu.enqueue_dma source(%arg11 : memref<128x128xf32, #tpu.memory_space<vmem>>) target(%dma_start3A_53 : memref<128x128xf32, #tpu.memory_space<vmem_shared>>) target_semaphore(%run_scoped3A : memref<!tpu.dma_semaphore, #tpu.memory_space<semaphore_mem>>)
      %dma_wait3A = arith.constant 0 : i32
      %dma_wait3A_54 = tpu.memref_slice %arg13[%add3A_14, %dma_wait3A] : memref<9088x128xf32, #tpu.memory_space<vmem_shared>> -> memref<128x128xf32, #tpu.memory_space<vmem_shared>>
      %dma_wait3A_55 = arith.constant 0 : i32
      %dma_wait3A_56 = tpu.memref_slice %arg13[%add3A_14, %dma_wait3A_55] : memref<9088x128xf32, #tpu.memory_space<vmem_shared>> -> memref<128x128xf32, #tpu.memory_space<vmem_shared>>
      tpu.wait_dma2 semaphore(%run_scoped3A : memref<!tpu.dma_semaphore, #tpu.memory_space<semaphore_mem>>) src(%arg11 : memref<128x128xf32, #tpu.memory_space<vmem>>) dst(%dma_wait3A_56 : memref<128x128xf32, #tpu.memory_space<vmem_shared>>)
      tpu.yield
    }) : () -> ()
    %mul3A_15 = arith.constant 568 : i32
    %mul3A_16 = arith.muli %arg1, %mul3A_15 : i32
    %add3A_17 = arith.constant 128 : i32
    %add3A_18 = arith.addi %mul3A_16, %add3A_17 : i32
    "tpu.region"() ({
      %run_scoped3A = tpu.sem_alloc : memref<!tpu.dma_semaphore, #tpu.memory_space<semaphore_mem>>
      %dma_start3A = arith.constant 0 : i32
      %dma_start3A_51 = tpu.memref_slice %arg13[%add3A_18, %dma_start3A] : memref<9088x128xf32, #tpu.memory_space<vmem_shared>> -> memref<128x128xf32, #tpu.memory_space<vmem_shared>>
      %dma_start3A_52 = arith.constant 0 : i32
      %dma_start3A_53 = tpu.memref_slice %arg13[%add3A_18, %dma_start3A_52] : memref<9088x128xf32, #tpu.memory_space<vmem_shared>> -> memref<128x128xf32, #tpu.memory_space<vmem_shared>>
      tpu.enqueue_dma source(%arg11 : memref<128x128xf32, #tpu.memory_space<vmem>>) target(%dma_start3A_53 : memref<128x128xf32, #tpu.memory_space<vmem_shared>>) target_semaphore(%run_scoped3A : memref<!tpu.dma_semaphore, #tpu.memory_space<semaphore_mem>>)
      %dma_wait3A = arith.constant 0 : i32
      %dma_wait3A_54 = tpu.memref_slice %arg13[%add3A_18, %dma_wait3A] : memref<9088x128xf32, #tpu.memory_space<vmem_shared>> -> memref<128x128xf32, #tpu.memory_space<vmem_shared>>
      %dma_wait3A_55 = arith.constant 0 : i32
      %dma_wait3A_56 = tpu.memref_slice %arg13[%add3A_18, %dma_wait3A_55] : memref<9088x128xf32, #tpu.memory_space<vmem_shared>> -> memref<128x128xf32, #tpu.memory_space<vmem_shared>>
      tpu.wait_dma2 semaphore(%run_scoped3A : memref<!tpu.dma_semaphore, #tpu.memory_space<semaphore_mem>>) src(%arg11 : memref<128x128xf32, #tpu.memory_space<vmem>>) dst(%dma_wait3A_56 : memref<128x128xf32, #tpu.memory_space<vmem_shared>>)
      tpu.yield
    }) : () -> ()
    %mul3A_19 = arith.constant 568 : i32
    %mul3A_20 = arith.muli %arg1, %mul3A_19 : i32
    %add3A_21 = arith.constant 256 : i32
    %add3A_22 = arith.addi %mul3A_20, %add3A_21 : i32
    "tpu.region"() ({
      %run_scoped3A = tpu.sem_alloc : memref<!tpu.dma_semaphore, #tpu.memory_space<semaphore_mem>>
      %dma_start3A = arith.constant 0 : i32
      %dma_start3A_51 = tpu.memref_slice %arg13[%add3A_22, %dma_start3A] : memref<9088x128xf32, #tpu.memory_space<vmem_shared>> -> memref<128x128xf32, #tpu.memory_space<vmem_shared>>
      %dma_start3A_52 = arith.constant 0 : i32
      %dma_start3A_53 = tpu.memref_slice %arg13[%add3A_22, %dma_start3A_52] : memref<9088x128xf32, #tpu.memory_space<vmem_shared>> -> memref<128x128xf32, #tpu.memory_space<vmem_shared>>
      tpu.enqueue_dma source(%arg11 : memref<128x128xf32, #tpu.memory_space<vmem>>) target(%dma_start3A_53 : memref<128x128xf32, #tpu.memory_space<vmem_shared>>) target_semaphore(%run_scoped3A : memref<!tpu.dma_semaphore, #tpu.memory_space<semaphore_mem>>)
      %dma_wait3A = arith.constant 0 : i32
      %dma_wait3A_54 = tpu.memref_slice %arg13[%add3A_22, %dma_wait3A] : memref<9088x128xf32, #tpu.memory_space<vmem_shared>> -> memref<128x128xf32, #tpu.memory_space<vmem_shared>>
      %dma_wait3A_55 = arith.constant 0 : i32
      %dma_wait3A_56 = tpu.memref_slice %arg13[%add3A_22, %dma_wait3A_55] : memref<9088x128xf32, #tpu.memory_space<vmem_shared>> -> memref<128x128xf32, #tpu.memory_space<vmem_shared>>
      tpu.wait_dma2 semaphore(%run_scoped3A : memref<!tpu.dma_semaphore, #tpu.memory_space<semaphore_mem>>) src(%arg11 : memref<128x128xf32, #tpu.memory_space<vmem>>) dst(%dma_wait3A_56 : memref<128x128xf32, #tpu.memory_space<vmem_shared>>)
      tpu.yield
    }) : () -> ()
    %mul3A_23 = arith.constant 568 : i32
    %mul3A_24 = arith.muli %arg1, %mul3A_23 : i32
    %add3A_25 = arith.constant 384 : i32
    %add3A_26 = arith.addi %mul3A_24, %add3A_25 : i32
    "tpu.region"() ({
      %run_scoped3A = tpu.sem_alloc : memref<!tpu.dma_semaphore, #tpu.memory_space<semaphore_mem>>
      %dma_start3A = arith.constant 0 : i32
      %dma_start3A_51 = tpu.memref_slice %arg13[%add3A_26, %dma_start3A] : memref<9088x128xf32, #tpu.memory_space<vmem_shared>> -> memref<128x128xf32, #tpu.memory_space<vmem_shared>>
      %dma_start3A_52 = arith.constant 0 : i32
      %dma_start3A_53 = tpu.memref_slice %arg13[%add3A_26, %dma_start3A_52] : memref<9088x128xf32, #tpu.memory_space<vmem_shared>> -> memref<128x128xf32, #tpu.memory_space<vmem_shared>>
      tpu.enqueue_dma source(%arg11 : memref<128x128xf32, #tpu.memory_space<vmem>>) target(%dma_start3A_53 : memref<128x128xf32, #tpu.memory_space<vmem_shared>>) target_semaphore(%run_scoped3A : memref<!tpu.dma_semaphore, #tpu.memory_space<semaphore_mem>>)
      %dma_wait3A = arith.constant 0 : i32
      %dma_wait3A_54 = tpu.memref_slice %arg13[%add3A_26, %dma_wait3A] : memref<9088x128xf32, #tpu.memory_space<vmem_shared>> -> memref<128x128xf32, #tpu.memory_space<vmem_shared>>
      %dma_wait3A_55 = arith.constant 0 : i32
      %dma_wait3A_56 = tpu.memref_slice %arg13[%add3A_26, %dma_wait3A_55] : memref<9088x128xf32, #tpu.memory_space<vmem_shared>> -> memref<128x128xf32, #tpu.memory_space<vmem_shared>>
      tpu.wait_dma2 semaphore(%run_scoped3A : memref<!tpu.dma_semaphore, #tpu.memory_space<semaphore_mem>>) src(%arg11 : memref<128x128xf32, #tpu.memory_space<vmem>>) dst(%dma_wait3A_56 : memref<128x128xf32, #tpu.memory_space<vmem_shared>>)
      tpu.yield
    }) : () -> ()
    %mul3A_27 = arith.constant 568 : i32
    %mul3A_28 = arith.muli %arg1, %mul3A_27 : i32
    %add3A_29 = arith.constant 512 : i32
    %add3A_30 = arith.addi %mul3A_28, %add3A_29 : i32
    "tpu.region"() ({
      %run_scoped3A = tpu.sem_alloc : memref<!tpu.dma_semaphore, #tpu.memory_space<semaphore_mem>>
      %dma_start3A = arith.constant 0 : i32
      %dma_start3A_51 = arith.constant 0 : i32
      %dma_start3A_52 = tpu.memref_slice %arg11[%dma_start3A, %dma_start3A_51] : memref<128x128xf32, #tpu.memory_space<vmem>> -> memref<56x128xf32, #tpu.memory_space<vmem>>
      %dma_start3A_53 = arith.constant 0 : i32
      %dma_start3A_54 = tpu.memref_slice %arg13[%add3A_30, %dma_start3A_53] : memref<9088x128xf32, #tpu.memory_space<vmem_shared>> -> memref<56x128xf32, #tpu.memory_space<vmem_shared>>
      %dma_start3A_55 = arith.constant 0 : i32
      %dma_start3A_56 = tpu.memref_slice %arg13[%add3A_30, %dma_start3A_55] : memref<9088x128xf32, #tpu.memory_space<vmem_shared>> -> memref<56x128xf32, #tpu.memory_space<vmem_shared>>
      %dma_start3A_57 = arith.constant 0 : i32
      %dma_start3A_58 = arith.constant 0 : i32
      %dma_start3A_59 = tpu.memref_slice %arg11[%dma_start3A_57, %dma_start3A_58] : memref<128x128xf32, #tpu.memory_space<vmem>> -> memref<56x128xf32, #tpu.memory_space<vmem>>
      tpu.enqueue_dma source(%dma_start3A_59 : memref<56x128xf32, #tpu.memory_space<vmem>>) target(%dma_start3A_56 : memref<56x128xf32, #tpu.memory_space<vmem_shared>>) target_semaphore(%run_scoped3A : memref<!tpu.dma_semaphore, #tpu.memory_space<semaphore_mem>>)
      %dma_wait3A = arith.constant 0 : i32
      %dma_wait3A_60 = arith.constant 0 : i32
      %dma_wait3A_61 = tpu.memref_slice %arg11[%dma_wait3A, %dma_wait3A_60] : memref<128x128xf32, #tpu.memory_space<vmem>> -> memref<56x128xf32, #tpu.memory_space<vmem>>
      %dma_wait3A_62 = arith.constant 0 : i32
      %dma_wait3A_63 = tpu.memref_slice %arg13[%add3A_30, %dma_wait3A_62] : memref<9088x128xf32, #tpu.memory_space<vmem_shared>> -> memref<56x128xf32, #tpu.memory_space<vmem_shared>>
      %dma_wait3A_64 = arith.constant 0 : i32
      %dma_wait3A_65 = tpu.memref_slice %arg13[%add3A_30, %dma_wait3A_64] : memref<9088x128xf32, #tpu.memory_space<vmem_shared>> -> memref<56x128xf32, #tpu.memory_space<vmem_shared>>
      %dma_wait3A_66 = arith.constant 0 : i32
      %dma_wait3A_67 = arith.constant 0 : i32
      %dma_wait3A_68 = tpu.memref_slice %arg11[%dma_wait3A_66, %dma_wait3A_67] : memref<128x128xf32, #tpu.memory_space<vmem>> -> memref<56x128xf32, #tpu.memory_space<vmem>>
      tpu.wait_dma2 semaphore(%run_scoped3A : memref<!tpu.dma_semaphore, #tpu.memory_space<semaphore_mem>>) src(%dma_wait3A_68 : memref<56x128xf32, #tpu.memory_space<vmem>>) dst(%dma_wait3A_65 : memref<56x128xf32, #tpu.memory_space<vmem_shared>>)
      tpu.yield
    }) : () -> ()
    %barrier3A = arith.constant 0 : index
    tpu.barrier barrier_id(%barrier3A)
    %mul3A_31 = arith.constant 320 : i32
    %mul3A_32 = arith.muli %add3A, %mul3A_31 : i32
    %scan3A_33 = arith.constant 0 : i32
    %scan3A_34 = arith.constant 0 : i32
    %scan3A_35 = arith.constant 10 : i32
    %scan3A_36 = arith.addi %scan3A_34, %scan3A_35 : i32
    %scan3A_37 = arith.constant 1 : i32
    %scan3A_38 = scf.for %scan3A_51 = %scan3A_34 to %scan3A_36 step %scan3A_37 iter_args(%scan3A_52 = %scan3A_33) -> (i32)  : i32 {
      %mul3A_53 = arith.constant 32 : i32
      %mul3A_54 = arith.muli %scan3A_51, %mul3A_53 : i32
      %add3A_55 = arith.addi %mul3A_32, %mul3A_54 : i32
      "tpu.region"() ({
        %run_scoped3A = tpu.sem_alloc : memref<!tpu.dma_semaphore, #tpu.memory_space<semaphore_mem>>
        %dma_start3A = arith.constant 0 : i32
        %dma_start3A_68 = tpu.memref_slice %arg2[%add3A_55, %dma_start3A] : memref<10240x512xf32, #tpu.memory_space<hbm>> -> memref<32x512xf32, #tpu.memory_space<hbm>>
        %dma_start3A_69 = arith.constant 0 : i32
        %dma_start3A_70 = tpu.memref_slice %arg2[%add3A_55, %dma_start3A_69] : memref<10240x512xf32, #tpu.memory_space<hbm>> -> memref<32x512xf32, #tpu.memory_space<hbm>>
        tpu.enqueue_dma source(%dma_start3A_70 : memref<32x512xf32, #tpu.memory_space<hbm>>) target(%arg7 : memref<32x512xf32, #tpu.memory_space<vmem>>) target_semaphore(%run_scoped3A : memref<!tpu.dma_semaphore, #tpu.memory_space<semaphore_mem>>)
        %dma_wait3A = arith.constant 0 : i32
        %dma_wait3A_71 = tpu.memref_slice %arg2[%add3A_55, %dma_wait3A] : memref<10240x512xf32, #tpu.memory_space<hbm>> -> memref<32x512xf32, #tpu.memory_space<hbm>>
        %dma_wait3A_72 = arith.constant 0 : i32
        %dma_wait3A_73 = tpu.memref_slice %arg2[%add3A_55, %dma_wait3A_72] : memref<10240x512xf32, #tpu.memory_space<hbm>> -> memref<32x512xf32, #tpu.memory_space<hbm>>
        tpu.wait_dma2 semaphore(%run_scoped3A : memref<!tpu.dma_semaphore, #tpu.memory_space<semaphore_mem>>) src(%dma_wait3A_73 : memref<32x512xf32, #tpu.memory_space<hbm>>) dst(%arg7 : memref<32x512xf32, #tpu.memory_space<vmem>>)
        tpu.yield
      }) : () -> ()
      %mul3A_56 = arith.constant 4 : i32
      %mul3A_57 = arith.muli %add3A_55, %mul3A_56 : i32
      %mul3A_58 = arith.constant 32 : i32
      %mul3A_59 = arith.muli %mul3A_57, %mul3A_58 : i32
      "tpu.region"() ({
        %run_scoped3A = tpu.sem_alloc : memref<!tpu.dma_semaphore, #tpu.memory_space<semaphore_mem>>
        %dma_start3A = tpu.memref_slice %arg4[%mul3A_59] : memref<1310720xf32, #tpu.memory_space<hbm>> -> memref<4096xf32, #tpu.memory_space<hbm>>
        %dma_start3A_68 = tpu.memref_slice %arg4[%mul3A_59] : memref<1310720xf32, #tpu.memory_space<hbm>> -> memref<4096xf32, #tpu.memory_space<hbm>>
        tpu.enqueue_dma source(%dma_start3A_68 : memref<4096xf32, #tpu.memory_space<hbm>>) target(%arg8 : memref<4096xf32, #tpu.memory_space<vmem>>) target_semaphore(%run_scoped3A : memref<!tpu.dma_semaphore, #tpu.memory_space<semaphore_mem>>)
        %dma_wait3A = tpu.memref_slice %arg4[%mul3A_59] : memref<1310720xf32, #tpu.memory_space<hbm>> -> memref<4096xf32, #tpu.memory_space<hbm>>
        %dma_wait3A_69 = tpu.memref_slice %arg4[%mul3A_59] : memref<1310720xf32, #tpu.memory_space<hbm>> -> memref<4096xf32, #tpu.memory_space<hbm>>
        tpu.wait_dma2 semaphore(%run_scoped3A : memref<!tpu.dma_semaphore, #tpu.memory_space<semaphore_mem>>) src(%dma_wait3A_69 : memref<4096xf32, #tpu.memory_space<hbm>>) dst(%arg8 : memref<4096xf32, #tpu.memory_space<vmem>>)
        tpu.yield
      }) : () -> ()
      %mul3A_60 = arith.constant 32 : i32
      %mul3A_61 = arith.muli %add3A_55, %mul3A_60 : i32
      "tpu.region"() ({
        %run_scoped3A = tpu.sem_alloc : memref<!tpu.dma_semaphore, #tpu.memory_space<semaphore_mem>>
        %dma_start3A = tpu.memref_slice %arg3[%mul3A_61] : memref<327680xi32, #tpu.memory_space<hbm>> -> memref<1024xi32, #tpu.memory_space<hbm>>
        %dma_start3A_68 = tpu.memref_slice %arg3[%mul3A_61] : memref<327680xi32, #tpu.memory_space<hbm>> -> memref<1024xi32, #tpu.memory_space<hbm>>
        tpu.enqueue_dma source(%dma_start3A_68 : memref<1024xi32, #tpu.memory_space<hbm>>) target(%arg9 : memref<1024xi32, #tpu.memory_space<vmem>>) target_semaphore(%run_scoped3A : memref<!tpu.dma_semaphore, #tpu.memory_space<semaphore_mem>>)
        %dma_wait3A = tpu.memref_slice %arg3[%mul3A_61] : memref<327680xi32, #tpu.memory_space<hbm>> -> memref<1024xi32, #tpu.memory_space<hbm>>
        %dma_wait3A_69 = tpu.memref_slice %arg3[%mul3A_61] : memref<327680xi32, #tpu.memory_space<hbm>> -> memref<1024xi32, #tpu.memory_space<hbm>>
        tpu.wait_dma2 semaphore(%run_scoped3A : memref<!tpu.dma_semaphore, #tpu.memory_space<semaphore_mem>>) src(%dma_wait3A_69 : memref<1024xi32, #tpu.memory_space<hbm>>) dst(%arg9 : memref<1024xi32, #tpu.memory_space<vmem>>)
        tpu.yield
      }) : () -> ()
      "tpu.region"() ({
        %run_scoped3A = tpu.sem_alloc : memref<!tpu.dma_semaphore, #tpu.memory_space<semaphore_mem>>
        %dma_start3A = tpu.memref_slice %arg5[%add3A_55] : memref<10240xi32, #tpu.memory_space<hbm>> -> memref<32xi32, #tpu.memory_space<hbm>>
        %dma_start3A_68 = tpu.memref_slice %arg5[%add3A_55] : memref<10240xi32, #tpu.memory_space<hbm>> -> memref<32xi32, #tpu.memory_space<hbm>>
        tpu.enqueue_dma source(%dma_start3A_68 : memref<32xi32, #tpu.memory_space<hbm>>) target(%arg10 : memref<32xi32, #tpu.memory_space<vmem>>) target_semaphore(%run_scoped3A : memref<!tpu.dma_semaphore, #tpu.memory_space<semaphore_mem>>)
        %dma_wait3A = tpu.memref_slice %arg5[%add3A_55] : memref<10240xi32, #tpu.memory_space<hbm>> -> memref<32xi32, #tpu.memory_space<hbm>>
        %dma_wait3A_69 = tpu.memref_slice %arg5[%add3A_55] : memref<10240xi32, #tpu.memory_space<hbm>> -> memref<32xi32, #tpu.memory_space<hbm>>
        tpu.wait_dma2 semaphore(%run_scoped3A : memref<!tpu.dma_semaphore, #tpu.memory_space<semaphore_mem>>) src(%dma_wait3A_69 : memref<32xi32, #tpu.memory_space<hbm>>) dst(%arg10 : memref<32xi32, #tpu.memory_space<vmem>>)
        tpu.yield
      }) : () -> ()
      %scan3A_62 = arith.constant 0 : i32
      %scan3A_63 = arith.constant 32 : i32
      %scan3A_64 = arith.addi %scan3A_62, %scan3A_63 : i32
      %scan3A_65 = arith.constant 1 : i32
      %scan3A_66 = scf.for %scan3A_68 = %scan3A_62 to %scan3A_64 step %scan3A_65 iter_args(%scan3A_69 = %scan3A_52) -> (i32)  : i32 {
        %broadcast_in_dim3A_70 = arith.constant 0 : i32
        %broadcast_in_dim3A_71 = vector.broadcast %broadcast_in_dim3A_70 : i32 to vector<16xi32>
        %add3A_72 = vector.broadcast %scan3A_68 : i32 to vector<16xi32>
        %add3A_73 = arith.addi %broadcast_in_dim3A_71, %add3A_72 : vector<16xi32>
        %gather3A = tpu.vector_load_idx %arg10[%add3A_73] : memref<32xi32, #tpu.memory_space<vmem>>[vector<16xi32>], vector<16xi32>,
        %slice3A = vector.extract_strided_slice %gather3A {offsets = [0], sizes = [1], strides = [1]} : vector<16xi32> to vector<1xi32>
        %squeeze3A = vector.extract %slice3A[0] : i32 from vector<1xi32>
        %broadcast_in_dim3A_74 = arith.constant 0 : i32
        %broadcast_in_dim3A_75 = vector.broadcast %broadcast_in_dim3A_74 : i32 to vector<16xi32>
        %add3A_76 = vector.broadcast %scan3A_68 : i32 to vector<16xi32>
        %add3A_77 = arith.addi %broadcast_in_dim3A_75, %add3A_76 : vector<16xi32>
        %get3A = arith.index_cast %scan3A_68 : i32 to index
        %get3A_78 = arith.constant 0 : index
        %get3A_79 = tpu.vector_load %arg7[%get3A, %get3A_78] {strides = array<i32>} : memref<32x512xf32, #tpu.memory_space<vmem>>, vector<16xf32>,
        %get3A_80 = arith.index_cast %scan3A_68 : i32 to index
        %get3A_81 = arith.constant 16 : index
        %get3A_82 = tpu.vector_load %arg7[%get3A_80, %get3A_81] {strides = array<i32>} : memref<32x512xf32, #tpu.memory_space<vmem>>, vector<16xf32>,
        %get3A_83 = arith.index_cast %scan3A_68 : i32 to index
        %get3A_84 = arith.constant 32 : index
        %get3A_85 = tpu.vector_load %arg7[%get3A_83, %get3A_84] {strides = array<i32>} : memref<32x512xf32, #tpu.memory_space<vmem>>, vector<16xf32>,
        %get3A_86 = arith.index_cast %scan3A_68 : i32 to index
        %get3A_87 = arith.constant 48 : index
        %get3A_88 = tpu.vector_load %arg7[%get3A_86, %get3A_87] {strides = array<i32>} : memref<32x512xf32, #tpu.memory_space<vmem>>, vector<16xf32>,
        %get3A_89 = arith.index_cast %scan3A_68 : i32 to index
        %get3A_90 = arith.constant 64 : index
        %get3A_91 = tpu.vector_load %arg7[%get3A_89, %get3A_90] {strides = array<i32>} : memref<32x512xf32, #tpu.memory_space<vmem>>, vector<16xf32>,
        %get3A_92 = arith.index_cast %scan3A_68 : i32 to index
        %get3A_93 = arith.constant 80 : index
        %get3A_94 = tpu.vector_load %arg7[%get3A_92, %get3A_93] {strides = array<i32>} : memref<32x512xf32, #tpu.memory_space<vmem>>, vector<16xf32>,
        %get3A_95 = arith.index_cast %scan3A_68 : i32 to index
        %get3A_96 = arith.constant 96 : index
        %get3A_97 = tpu.vector_load %arg7[%get3A_95, %get3A_96] {strides = array<i32>} : memref<32x512xf32, #tpu.memory_space<vmem>>, vector<16xf32>,
        %get3A_98 = arith.index_cast %scan3A_68 : i32 to index
        %get3A_99 = arith.constant 112 : index
        %get3A_100 = tpu.vector_load %arg7[%get3A_98, %get3A_99] {strides = array<i32>} : memref<32x512xf32, #tpu.memory_space<vmem>>, vector<16xf32>,
        %get3A_101 = arith.index_cast %scan3A_68 : i32 to index
        %get3A_102 = arith.constant 128 : index
        %get3A_103 = tpu.vector_load %arg7[%get3A_101, %get3A_102] {strides = array<i32>} : memref<32x512xf32, #tpu.memory_space<vmem>>, vector<16xf32>,
        %get3A_104 = arith.index_cast %scan3A_68 : i32 to index
        %get3A_105 = arith.constant 144 : index
        %get3A_106 = tpu.vector_load %arg7[%get3A_104, %get3A_105] {strides = array<i32>} : memref<32x512xf32, #tpu.memory_space<vmem>>, vector<16xf32>,
        %get3A_107 = arith.index_cast %scan3A_68 : i32 to index
        %get3A_108 = arith.constant 160 : index
        %get3A_109 = tpu.vector_load %arg7[%get3A_107, %get3A_108] {strides = array<i32>} : memref<32x512xf32, #tpu.memory_space<vmem>>, vector<16xf32>,
        %get3A_110 = arith.index_cast %scan3A_68 : i32 to index
        %get3A_111 = arith.constant 176 : index
        %get3A_112 = tpu.vector_load %arg7[%get3A_110, %get3A_111] {strides = array<i32>} : memref<32x512xf32, #tpu.memory_space<vmem>>, vector<16xf32>,
        %get3A_113 = arith.index_cast %scan3A_68 : i32 to index
        %get3A_114 = arith.constant 192 : index
        %get3A_115 = tpu.vector_load %arg7[%get3A_113, %get3A_114] {strides = array<i32>} : memref<32x512xf32, #tpu.memory_space<vmem>>, vector<16xf32>,
        %get3A_116 = arith.index_cast %scan3A_68 : i32 to index
        %get3A_117 = arith.constant 208 : index
        %get3A_118 = tpu.vector_load %arg7[%get3A_116, %get3A_117] {strides = array<i32>} : memref<32x512xf32, #tpu.memory_space<vmem>>, vector<16xf32>,
        %get3A_119 = arith.index_cast %scan3A_68 : i32 to index
        %get3A_120 = arith.constant 224 : index
        %get3A_121 = tpu.vector_load %arg7[%get3A_119, %get3A_120] {strides = array<i32>} : memref<32x512xf32, #tpu.memory_space<vmem>>, vector<16xf32>,
        %get3A_122 = arith.index_cast %scan3A_68 : i32 to index
        %get3A_123 = arith.constant 240 : index
        %get3A_124 = tpu.vector_load %arg7[%get3A_122, %get3A_123] {strides = array<i32>} : memref<32x512xf32, #tpu.memory_space<vmem>>, vector<16xf32>,
        %get3A_125 = arith.index_cast %scan3A_68 : i32 to index
        %get3A_126 = arith.constant 256 : index
        %get3A_127 = tpu.vector_load %arg7[%get3A_125, %get3A_126] {strides = array<i32>} : memref<32x512xf32, #tpu.memory_space<vmem>>, vector<16xf32>,
        %get3A_128 = arith.index_cast %scan3A_68 : i32 to index
        %get3A_129 = arith.constant 272 : index
        %get3A_130 = tpu.vector_load %arg7[%get3A_128, %get3A_129] {strides = array<i32>} : memref<32x512xf32, #tpu.memory_space<vmem>>, vector<16xf32>,
        %get3A_131 = arith.index_cast %scan3A_68 : i32 to index
        %get3A_132 = arith.constant 288 : index
        %get3A_133 = tpu.vector_load %arg7[%get3A_131, %get3A_132] {strides = array<i32>} : memref<32x512xf32, #tpu.memory_space<vmem>>, vector<16xf32>,
        %get3A_134 = arith.index_cast %scan3A_68 : i32 to index
        %get3A_135 = arith.constant 304 : index
        %get3A_136 = tpu.vector_load %arg7[%get3A_134, %get3A_135] {strides = array<i32>} : memref<32x512xf32, #tpu.memory_space<vmem>>, vector<16xf32>,
        %get3A_137 = arith.index_cast %scan3A_68 : i32 to index
        %get3A_138 = arith.constant 320 : index
        %get3A_139 = tpu.vector_load %arg7[%get3A_137, %get3A_138] {strides = array<i32>} : memref<32x512xf32, #tpu.memory_space<vmem>>, vector<16xf32>,
        %get3A_140 = arith.index_cast %scan3A_68 : i32 to index
        %get3A_141 = arith.constant 336 : index
        %get3A_142 = tpu.vector_load %arg7[%get3A_140, %get3A_141] {strides = array<i32>} : memref<32x512xf32, #tpu.memory_space<vmem>>, vector<16xf32>,
        %get3A_143 = arith.index_cast %scan3A_68 : i32 to index
        %get3A_144 = arith.constant 352 : index
        %get3A_145 = tpu.vector_load %arg7[%get3A_143, %get3A_144] {strides = array<i32>} : memref<32x512xf32, #tpu.memory_space<vmem>>, vector<16xf32>,
        %get3A_146 = arith.index_cast %scan3A_68 : i32 to index
        %get3A_147 = arith.constant 368 : index
        %get3A_148 = tpu.vector_load %arg7[%get3A_146, %get3A_147] {strides = array<i32>} : memref<32x512xf32, #tpu.memory_space<vmem>>, vector<16xf32>,
        %get3A_149 = arith.index_cast %scan3A_68 : i32 to index
        %get3A_150 = arith.constant 384 : index
        %get3A_151 = tpu.vector_load %arg7[%get3A_149, %get3A_150] {strides = array<i32>} : memref<32x512xf32, #tpu.memory_space<vmem>>, vector<16xf32>,
        %get3A_152 = arith.index_cast %scan3A_68 : i32 to index
        %get3A_153 = arith.constant 400 : index
        %get3A_154 = tpu.vector_load %arg7[%get3A_152, %get3A_153] {strides = array<i32>} : memref<32x512xf32, #tpu.memory_space<vmem>>, vector<16xf32>,
        %get3A_155 = arith.index_cast %scan3A_68 : i32 to index
        %get3A_156 = arith.constant 416 : index
        %get3A_157 = tpu.vector_load %arg7[%get3A_155, %get3A_156] {strides = array<i32>} : memref<32x512xf32, #tpu.memory_space<vmem>>, vector<16xf32>,
        %get3A_158 = arith.index_cast %scan3A_68 : i32 to index
        %get3A_159 = arith.constant 432 : index
        %get3A_160 = tpu.vector_load %arg7[%get3A_158, %get3A_159] {strides = array<i32>} : memref<32x512xf32, #tpu.memory_space<vmem>>, vector<16xf32>,
        %get3A_161 = arith.index_cast %scan3A_68 : i32 to index
        %get3A_162 = arith.constant 448 : index
        %get3A_163 = tpu.vector_load %arg7[%get3A_161, %get3A_162] {strides = array<i32>} : memref<32x512xf32, #tpu.memory_space<vmem>>, vector<16xf32>,
        %get3A_164 = arith.index_cast %scan3A_68 : i32 to index
        %get3A_165 = arith.constant 464 : index
        %get3A_166 = tpu.vector_load %arg7[%get3A_164, %get3A_165] {strides = array<i32>} : memref<32x512xf32, #tpu.memory_space<vmem>>, vector<16xf32>,
        %get3A_167 = arith.index_cast %scan3A_68 : i32 to index
        %get3A_168 = arith.constant 480 : index
        %get3A_169 = tpu.vector_load %arg7[%get3A_167, %get3A_168] {strides = array<i32>} : memref<32x512xf32, #tpu.memory_space<vmem>>, vector<16xf32>,
        %get3A_170 = arith.index_cast %scan3A_68 : i32 to index
        %get3A_171 = arith.constant 496 : index
        %get3A_172 = tpu.vector_load %arg7[%get3A_170, %get3A_171] {strides = array<i32>} : memref<32x512xf32, #tpu.memory_space<vmem>>, vector<16xf32>,
        %while3A = arith.constant 0 : i32
        %while3A_173 = arith.subi %squeeze3A, %while3A : i32
        %while3A_174 = arith.addi %while3A, %while3A_173 : i32
        %while3A_175 = arith.constant 1 : i32
        %while3A_176 = arith.divsi %while3A_173, %while3A_175 : i32
        %while3A_177 = arith.muli %while3A_176, %while3A_175 : i32
        %while3A_178 = arith.addi %while3A, %while3A_177 : i32
        %while3A_179 = arith.constant 1 : i32
        %while3A_180 = scf.for %while3A_183 = %while3A to %while3A_178 step %while3A_179 iter_args(%while3A_184 = %scan3A_69) -> (i32)  : i32 {
          %mul3A_185 = arith.constant 128 : i32
          %mul3A_186 = vector.broadcast %mul3A_185 : i32 to vector<16xi32>
          %mul3A_187 = arith.muli %add3A_77, %mul3A_186 : vector<16xi32>
          %add3A_188 = vector.broadcast %while3A_183 : i32 to vector<16xi32>
          %add3A_189 = arith.addi %mul3A_187, %add3A_188 : vector<16xi32>
          %gather3A_190 = tpu.vector_load_idx %arg8[%add3A_189] : memref<4096xf32, #tpu.memory_space<vmem>>[vector<16xi32>], vector<16xf32>,
          %add3A_191 = arith.constant 32 : i32
          %add3A_192 = vector.broadcast %add3A_191 : i32 to vector<16xi32>
          %add3A_193 = arith.addi %add3A_189, %add3A_192 : vector<16xi32>
          %gather3A_194 = tpu.vector_load_idx %arg8[%add3A_193] : memref<4096xf32, #tpu.memory_space<vmem>>[vector<16xi32>], vector<16xf32>,
          %add3A_195 = arith.constant 64 : i32
          %add3A_196 = vector.broadcast %add3A_195 : i32 to vector<16xi32>
          %add3A_197 = arith.addi %add3A_189, %add3A_196 : vector<16xi32>
          %gather3A_198 = tpu.vector_load_idx %arg8[%add3A_197] : memref<4096xf32, #tpu.memory_space<vmem>>[vector<16xi32>], vector<16xf32>,
          %add3A_199 = arith.constant 96 : i32
          %add3A_200 = vector.broadcast %add3A_199 : i32 to vector<16xi32>
          %add3A_201 = arith.addi %add3A_189, %add3A_200 : vector<16xi32>
          %gather3A_202 = tpu.vector_load_idx %arg8[%add3A_201] : memref<4096xf32, #tpu.memory_space<vmem>>[vector<16xi32>], vector<16xf32>,
          %mul3A_203 = arith.mulf %get3A_79, %gather3A_190 : vector<16xf32>
          %mul3A_204 = arith.mulf %get3A_103, %gather3A_194 : vector<16xf32>
          %add3A_205 = arith.addf %mul3A_203, %mul3A_204 : vector<16xf32>
          %mul3A_206 = arith.mulf %get3A_127, %gather3A_198 : vector<16xf32>
          %add3A_207 = arith.addf %add3A_205, %mul3A_206 : vector<16xf32>
          %mul3A_208 = arith.mulf %get3A_151, %gather3A_202 : vector<16xf32>
          %add3A_209 = arith.addf %add3A_207, %mul3A_208 : vector<16xf32>
          %swap3A = arith.index_cast %while3A_184 : i32 to index
          %swap3A_210 = arith.constant 0 : index
          %swap3A_211 = tpu.vector_load %arg11[%swap3A, %swap3A_210] {strides = array<i32>} : memref<128x128xf32, #tpu.memory_space<vmem>>, vector<16xf32>,
          tpu.vector_store %arg11[%swap3A, %swap3A_210], %add3A_209 {strides = array<i32>} : memref<128x128xf32, #tpu.memory_space<vmem>>, vector<16xf32>,
          %mul3A_212 = arith.mulf %get3A_82, %gather3A_190 : vector<16xf32>
          %mul3A_213 = arith.mulf %get3A_106, %gather3A_194 : vector<16xf32>
          %add3A_214 = arith.addf %mul3A_212, %mul3A_213 : vector<16xf32>
          %mul3A_215 = arith.mulf %get3A_130, %gather3A_198 : vector<16xf32>
          %add3A_216 = arith.addf %add3A_214, %mul3A_215 : vector<16xf32>
          %mul3A_217 = arith.mulf %get3A_154, %gather3A_202 : vector<16xf32>
          %add3A_218 = arith.addf %add3A_216, %mul3A_217 : vector<16xf32>
          %swap3A_219 = arith.index_cast %while3A_184 : i32 to index
          %swap3A_220 = arith.constant 16 : index
          %swap3A_221 = tpu.vector_load %arg11[%swap3A_219, %swap3A_220] {strides = array<i32>} : memref<128x128xf32, #tpu.memory_space<vmem>>, vector<16xf32>,
          tpu.vector_store %arg11[%swap3A_219, %swap3A_220], %add3A_218 {strides = array<i32>} : memref<128x128xf32, #tpu.memory_space<vmem>>, vector<16xf32>,
          %mul3A_222 = arith.mulf %get3A_85, %gather3A_190 : vector<16xf32>
          %mul3A_223 = arith.mulf %get3A_109, %gather3A_194 : vector<16xf32>
          %add3A_224 = arith.addf %mul3A_222, %mul3A_223 : vector<16xf32>
          %mul3A_225 = arith.mulf %get3A_133, %gather3A_198 : vector<16xf32>
          %add3A_226 = arith.addf %add3A_224, %mul3A_225 : vector<16xf32>
          %mul3A_227 = arith.mulf %get3A_157, %gather3A_202 : vector<16xf32>
          %add3A_228 = arith.addf %add3A_226, %mul3A_227 : vector<16xf32>
          %swap3A_229 = arith.index_cast %while3A_184 : i32 to index
          %swap3A_230 = arith.constant 32 : index
          %swap3A_231 = tpu.vector_load %arg11[%swap3A_229, %swap3A_230] {strides = array<i32>} : memref<128x128xf32, #tpu.memory_space<vmem>>, vector<16xf32>,
          tpu.vector_store %arg11[%swap3A_229, %swap3A_230], %add3A_228 {strides = array<i32>} : memref<128x128xf32, #tpu.memory_space<vmem>>, vector<16xf32>,
          %mul3A_232 = arith.mulf %get3A_88, %gather3A_190 : vector<16xf32>
          %mul3A_233 = arith.mulf %get3A_112, %gather3A_194 : vector<16xf32>
          %add3A_234 = arith.addf %mul3A_232, %mul3A_233 : vector<16xf32>
          %mul3A_235 = arith.mulf %get3A_136, %gather3A_198 : vector<16xf32>
          %add3A_236 = arith.addf %add3A_234, %mul3A_235 : vector<16xf32>
          %mul3A_237 = arith.mulf %get3A_160, %gather3A_202 : vector<16xf32>
          %add3A_238 = arith.addf %add3A_236, %mul3A_237 : vector<16xf32>
          %swap3A_239 = arith.index_cast %while3A_184 : i32 to index
          %swap3A_240 = arith.constant 48 : index
          %swap3A_241 = tpu.vector_load %arg11[%swap3A_239, %swap3A_240] {strides = array<i32>} : memref<128x128xf32, #tpu.memory_space<vmem>>, vector<16xf32>,
          tpu.vector_store %arg11[%swap3A_239, %swap3A_240], %add3A_238 {strides = array<i32>} : memref<128x128xf32, #tpu.memory_space<vmem>>, vector<16xf32>,
          %mul3A_242 = arith.mulf %get3A_91, %gather3A_190 : vector<16xf32>
          %mul3A_243 = arith.mulf %get3A_115, %gather3A_194 : vector<16xf32>
          %add3A_244 = arith.addf %mul3A_242, %mul3A_243 : vector<16xf32>
          %mul3A_245 = arith.mulf %get3A_139, %gather3A_198 : vector<16xf32>
          %add3A_246 = arith.addf %add3A_244, %mul3A_245 : vector<16xf32>
          %mul3A_247 = arith.mulf %get3A_163, %gather3A_202 : vector<16xf32>
          %add3A_248 = arith.addf %add3A_246, %mul3A_247 : vector<16xf32>
          %swap3A_249 = arith.index_cast %while3A_184 : i32 to index
          %swap3A_250 = arith.constant 64 : index
          %swap3A_251 = tpu.vector_load %arg11[%swap3A_249, %swap3A_250] {strides = array<i32>} : memref<128x128xf32, #tpu.memory_space<vmem>>, vector<16xf32>,
          tpu.vector_store %arg11[%swap3A_249, %swap3A_250], %add3A_248 {strides = array<i32>} : memref<128x128xf32, #tpu.memory_space<vmem>>, vector<16xf32>,
          %mul3A_252 = arith.mulf %get3A_94, %gather3A_190 : vector<16xf32>
          %mul3A_253 = arith.mulf %get3A_118, %gather3A_194 : vector<16xf32>
          %add3A_254 = arith.addf %mul3A_252, %mul3A_253 : vector<16xf32>
          %mul3A_255 = arith.mulf %get3A_142, %gather3A_198 : vector<16xf32>
          %add3A_256 = arith.addf %add3A_254, %mul3A_255 : vector<16xf32>
          %mul3A_257 = arith.mulf %get3A_166, %gather3A_202 : vector<16xf32>
          %add3A_258 = arith.addf %add3A_256, %mul3A_257 : vector<16xf32>
          %swap3A_259 = arith.index_cast %while3A_184 : i32 to index
          %swap3A_260 = arith.constant 80 : index
          %swap3A_261 = tpu.vector_load %arg11[%swap3A_259, %swap3A_260] {strides = array<i32>} : memref<128x128xf32, #tpu.memory_space<vmem>>, vector<16xf32>,
          tpu.vector_store %arg11[%swap3A_259, %swap3A_260], %add3A_258 {strides = array<i32>} : memref<128x128xf32, #tpu.memory_space<vmem>>, vector<16xf32>,
          %mul3A_262 = arith.mulf %get3A_97, %gather3A_190 : vector<16xf32>
          %mul3A_263 = arith.mulf %get3A_121, %gather3A_194 : vector<16xf32>
          %add3A_264 = arith.addf %mul3A_262, %mul3A_263 : vector<16xf32>
          %mul3A_265 = arith.mulf %get3A_145, %gather3A_198 : vector<16xf32>
          %add3A_266 = arith.addf %add3A_264, %mul3A_265 : vector<16xf32>
          %mul3A_267 = arith.mulf %get3A_169, %gather3A_202 : vector<16xf32>
          %add3A_268 = arith.addf %add3A_266, %mul3A_267 : vector<16xf32>
          %swap3A_269 = arith.index_cast %while3A_184 : i32 to index
          %swap3A_270 = arith.constant 96 : index
          %swap3A_271 = tpu.vector_load %arg11[%swap3A_269, %swap3A_270] {strides = array<i32>} : memref<128x128xf32, #tpu.memory_space<vmem>>, vector<16xf32>,
          tpu.vector_store %arg11[%swap3A_269, %swap3A_270], %add3A_268 {strides = array<i32>} : memref<128x128xf32, #tpu.memory_space<vmem>>, vector<16xf32>,
          %mul3A_272 = arith.mulf %get3A_100, %gather3A_190 : vector<16xf32>
          %mul3A_273 = arith.mulf %get3A_124, %gather3A_194 : vector<16xf32>
          %add3A_274 = arith.addf %mul3A_272, %mul3A_273 : vector<16xf32>
          %mul3A_275 = arith.mulf %get3A_148, %gather3A_198 : vector<16xf32>
          %add3A_276 = arith.addf %add3A_274, %mul3A_275 : vector<16xf32>
          %mul3A_277 = arith.mulf %get3A_172, %gather3A_202 : vector<16xf32>
          %add3A_278 = arith.addf %add3A_276, %mul3A_277 : vector<16xf32>
          %swap3A_279 = arith.index_cast %while3A_184 : i32 to index
          %swap3A_280 = arith.constant 112 : index
          %swap3A_281 = tpu.vector_load %arg11[%swap3A_279, %swap3A_280] {strides = array<i32>} : memref<128x128xf32, #tpu.memory_space<vmem>>, vector<16xf32>,
          tpu.vector_store %arg11[%swap3A_279, %swap3A_280], %add3A_278 {strides = array<i32>} : memref<128x128xf32, #tpu.memory_space<vmem>>, vector<16xf32>,
          %mul3A_282 = arith.constant 32 : i32
          %mul3A_283 = vector.broadcast %mul3A_282 : i32 to vector<16xi32>
          %mul3A_284 = arith.muli %add3A_77, %mul3A_283 : vector<16xi32>
          %add3A_285 = vector.broadcast %while3A_183 : i32 to vector<16xi32>
          %add3A_286 = arith.addi %mul3A_284, %add3A_285 : vector<16xi32>
          %gather3A_287 = tpu.vector_load_idx %arg9[%add3A_286] : memref<1024xi32, #tpu.memory_space<vmem>>[vector<16xi32>], vector<16xi32>,
          %broadcast_in_dim3A_288 = arith.constant 0 : i32
          %broadcast_in_dim3A_289 = vector.broadcast %broadcast_in_dim3A_288 : i32 to vector<16xi32>
          %add3A_290 = vector.broadcast %while3A_184 : i32 to vector<16xi32>
          %add3A_291 = arith.addi %broadcast_in_dim3A_289, %add3A_290 : vector<16xi32>
          tpu.vector_store_idx %arg12[%add3A_291], %gather3A_287 masked %eq3A_2 : memref<128xi32, #tpu.memory_space<vmem>>[vector<16xi32>], vector<16xi32>, vector<16xi1>
          %add3A_292 = arith.constant 1 : i32
          %add3A_293 = arith.addi %while3A_184, %add3A_292 : i32
          %eq3A_294 = arith.constant 128 : i32
          %eq3A_295 = arith.cmpi eq, %add3A_293, %eq3A_294 : i32
          %convert_element_type3A_296 = arith.extui %eq3A_295 : i1 to i32
          %cond3A_297 = arith.constant 0 : i32
          %cond3A_298 = arith.cmpi ne, %convert_element_type3A_296, %cond3A_297 : i32
          scf.if %cond3A_298 {
            "tpu.region"() ({
              %run_scoped3A = tpu.sem_alloc : memref<!tpu.dma_semaphore, #tpu.memory_space<semaphore_mem>>
              %dma_start3A = arith.constant 0 : i32
              %dma_start3A_299 = arith.constant 0 : i32
              %dma_start3A_300 = tpu.memref_slice %arg13[%dma_start3A, %dma_start3A_299] : memref<9088x128xf32, #tpu.memory_space<vmem_shared>> -> memref<9088x128xf32, #tpu.memory_space<vmem_shared>>
              tpu.enqueue_indirect_dma source(%arg11 : memref<128x128xf32, #tpu.memory_space<vmem>>) target(%dma_start3A_300 : memref<9088x128xf32, #tpu.memory_space<vmem_shared>>) offsets(%arg12 : memref<128xi32, #tpu.memory_space<vmem>>) semaphore(%run_scoped3A : memref<!tpu.dma_semaphore, #tpu.memory_space<semaphore_mem>>) {add = true}
              %dma_wait3A = arith.constant 0 : i32
              %dma_wait3A_301 = arith.constant 0 : i32
              %dma_wait3A_302 = tpu.memref_slice %arg13[%dma_wait3A, %dma_wait3A_301] : memref<9088x128xf32, #tpu.memory_space<vmem_shared>> -> memref<9088x128xf32, #tpu.memory_space<vmem_shared>>
              tpu.wait_indirect_dma semaphore(%run_scoped3A : memref<!tpu.dma_semaphore, #tpu.memory_space<semaphore_mem>>) src(%arg11 : memref<128x128xf32, #tpu.memory_space<vmem>>) dst(%dma_wait3A_302 : memref<9088x128xf32, #tpu.memory_space<vmem_shared>>)
              tpu.yield
            }) : () -> ()
          } else {
          }
          %jit3A = arith.constant 0 : i32
          %select_n3A = arith.select %eq3A_295, %jit3A, %add3A_293 : i32
          scf.yield %select_n3A : i32
        }
        %while3A_181 = arith.constant 1 : i32
        %while3A_182 = scf.for %while3A_183 = %while3A_178 to %while3A_174 step %while3A_181 iter_args(%while3A_184 = %while3A_180) -> (i32)  : i32 {
          %mul3A_185 = arith.constant 128 : i32
          %mul3A_186 = vector.broadcast %mul3A_185 : i32 to vector<16xi32>
          %mul3A_187 = arith.muli %add3A_77, %mul3A_186 : vector<16xi32>
          %add3A_188 = vector.broadcast %while3A_183 : i32 to vector<16xi32>
          %add3A_189 = arith.addi %mul3A_187, %add3A_188 : vector<16xi32>
          %gather3A_190 = tpu.vector_load_idx %arg8[%add3A_189] : memref<4096xf32, #tpu.memory_space<vmem>>[vector<16xi32>], vector<16xf32>,
          %add3A_191 = arith.constant 32 : i32
          %add3A_192 = vector.broadcast %add3A_191 : i32 to vector<16xi32>
          %add3A_193 = arith.addi %add3A_189, %add3A_192 : vector<16xi32>
          %gather3A_194 = tpu.vector_load_idx %arg8[%add3A_193] : memref<4096xf32, #tpu.memory_space<vmem>>[vector<16xi32>], vector<16xf32>,
          %add3A_195 = arith.constant 64 : i32
          %add3A_196 = vector.broadcast %add3A_195 : i32 to vector<16xi32>
          %add3A_197 = arith.addi %add3A_189, %add3A_196 : vector<16xi32>
          %gather3A_198 = tpu.vector_load_idx %arg8[%add3A_197] : memref<4096xf32, #tpu.memory_space<vmem>>[vector<16xi32>], vector<16xf32>,
          %add3A_199 = arith.constant 96 : i32
          %add3A_200 = vector.broadcast %add3A_199 : i32 to vector<16xi32>
          %add3A_201 = arith.addi %add3A_189, %add3A_200 : vector<16xi32>
          %gather3A_202 = tpu.vector_load_idx %arg8[%add3A_201] : memref<4096xf32, #tpu.memory_space<vmem>>[vector<16xi32>], vector<16xf32>,
          %mul3A_203 = arith.mulf %get3A_79, %gather3A_190 : vector<16xf32>
          %mul3A_204 = arith.mulf %get3A_103, %gather3A_194 : vector<16xf32>
          %add3A_205 = arith.addf %mul3A_203, %mul3A_204 : vector<16xf32>
          %mul3A_206 = arith.mulf %get3A_127, %gather3A_198 : vector<16xf32>
          %add3A_207 = arith.addf %add3A_205, %mul3A_206 : vector<16xf32>
          %mul3A_208 = arith.mulf %get3A_151, %gather3A_202 : vector<16xf32>
          %add3A_209 = arith.addf %add3A_207, %mul3A_208 : vector<16xf32>
          %swap3A = arith.index_cast %while3A_184 : i32 to index
          %swap3A_210 = arith.constant 0 : index
          %swap3A_211 = tpu.vector_load %arg11[%swap3A, %swap3A_210] {strides = array<i32>} : memref<128x128xf32, #tpu.memory_space<vmem>>, vector<16xf32>,
          tpu.vector_store %arg11[%swap3A, %swap3A_210], %add3A_209 {strides = array<i32>} : memref<128x128xf32, #tpu.memory_space<vmem>>, vector<16xf32>,
          %mul3A_212 = arith.mulf %get3A_82, %gather3A_190 : vector<16xf32>
          %mul3A_213 = arith.mulf %get3A_106, %gather3A_194 : vector<16xf32>
          %add3A_214 = arith.addf %mul3A_212, %mul3A_213 : vector<16xf32>
          %mul3A_215 = arith.mulf %get3A_130, %gather3A_198 : vector<16xf32>
          %add3A_216 = arith.addf %add3A_214, %mul3A_215 : vector<16xf32>
          %mul3A_217 = arith.mulf %get3A_154, %gather3A_202 : vector<16xf32>
          %add3A_218 = arith.addf %add3A_216, %mul3A_217 : vector<16xf32>
          %swap3A_219 = arith.index_cast %while3A_184 : i32 to index
          %swap3A_220 = arith.constant 16 : index
          %swap3A_221 = tpu.vector_load %arg11[%swap3A_219, %swap3A_220] {strides = array<i32>} : memref<128x128xf32, #tpu.memory_space<vmem>>, vector<16xf32>,
          tpu.vector_store %arg11[%swap3A_219, %swap3A_220], %add3A_218 {strides = array<i32>} : memref<128x128xf32, #tpu.memory_space<vmem>>, vector<16xf32>,
          %mul3A_222 = arith.mulf %get3A_85, %gather3A_190 : vector<16xf32>
          %mul3A_223 = arith.mulf %get3A_109, %gather3A_194 : vector<16xf32>
          %add3A_224 = arith.addf %mul3A_222, %mul3A_223 : vector<16xf32>
          %mul3A_225 = arith.mulf %get3A_133, %gather3A_198 : vector<16xf32>
          %add3A_226 = arith.addf %add3A_224, %mul3A_225 : vector<16xf32>
          %mul3A_227 = arith.mulf %get3A_157, %gather3A_202 : vector<16xf32>
          %add3A_228 = arith.addf %add3A_226, %mul3A_227 : vector<16xf32>
          %swap3A_229 = arith.index_cast %while3A_184 : i32 to index
          %swap3A_230 = arith.constant 32 : index
          %swap3A_231 = tpu.vector_load %arg11[%swap3A_229, %swap3A_230] {strides = array<i32>} : memref<128x128xf32, #tpu.memory_space<vmem>>, vector<16xf32>,
          tpu.vector_store %arg11[%swap3A_229, %swap3A_230], %add3A_228 {strides = array<i32>} : memref<128x128xf32, #tpu.memory_space<vmem>>, vector<16xf32>,
          %mul3A_232 = arith.mulf %get3A_88, %gather3A_190 : vector<16xf32>
          %mul3A_233 = arith.mulf %get3A_112, %gather3A_194 : vector<16xf32>
          %add3A_234 = arith.addf %mul3A_232, %mul3A_233 : vector<16xf32>
          %mul3A_235 = arith.mulf %get3A_136, %gather3A_198 : vector<16xf32>
          %add3A_236 = arith.addf %add3A_234, %mul3A_235 : vector<16xf32>
          %mul3A_237 = arith.mulf %get3A_160, %gather3A_202 : vector<16xf32>
          %add3A_238 = arith.addf %add3A_236, %mul3A_237 : vector<16xf32>
          %swap3A_239 = arith.index_cast %while3A_184 : i32 to index
          %swap3A_240 = arith.constant 48 : index
          %swap3A_241 = tpu.vector_load %arg11[%swap3A_239, %swap3A_240] {strides = array<i32>} : memref<128x128xf32, #tpu.memory_space<vmem>>, vector<16xf32>,
          tpu.vector_store %arg11[%swap3A_239, %swap3A_240], %add3A_238 {strides = array<i32>} : memref<128x128xf32, #tpu.memory_space<vmem>>, vector<16xf32>,
          %mul3A_242 = arith.mulf %get3A_91, %gather3A_190 : vector<16xf32>
          %mul3A_243 = arith.mulf %get3A_115, %gather3A_194 : vector<16xf32>
          %add3A_244 = arith.addf %mul3A_242, %mul3A_243 : vector<16xf32>
          %mul3A_245 = arith.mulf %get3A_139, %gather3A_198 : vector<16xf32>
          %add3A_246 = arith.addf %add3A_244, %mul3A_245 : vector<16xf32>
          %mul3A_247 = arith.mulf %get3A_163, %gather3A_202 : vector<16xf32>
          %add3A_248 = arith.addf %add3A_246, %mul3A_247 : vector<16xf32>
          %swap3A_249 = arith.index_cast %while3A_184 : i32 to index
          %swap3A_250 = arith.constant 64 : index
          %swap3A_251 = tpu.vector_load %arg11[%swap3A_249, %swap3A_250] {strides = array<i32>} : memref<128x128xf32, #tpu.memory_space<vmem>>, vector<16xf32>,
          tpu.vector_store %arg11[%swap3A_249, %swap3A_250], %add3A_248 {strides = array<i32>} : memref<128x128xf32, #tpu.memory_space<vmem>>, vector<16xf32>,
          %mul3A_252 = arith.mulf %get3A_94, %gather3A_190 : vector<16xf32>
          %mul3A_253 = arith.mulf %get3A_118, %gather3A_194 : vector<16xf32>
          %add3A_254 = arith.addf %mul3A_252, %mul3A_253 : vector<16xf32>
          %mul3A_255 = arith.mulf %get3A_142, %gather3A_198 : vector<16xf32>
          %add3A_256 = arith.addf %add3A_254, %mul3A_255 : vector<16xf32>
          %mul3A_257 = arith.mulf %get3A_166, %gather3A_202 : vector<16xf32>
          %add3A_258 = arith.addf %add3A_256, %mul3A_257 : vector<16xf32>
          %swap3A_259 = arith.index_cast %while3A_184 : i32 to index
          %swap3A_260 = arith.constant 80 : index
          %swap3A_261 = tpu.vector_load %arg11[%swap3A_259, %swap3A_260] {strides = array<i32>} : memref<128x128xf32, #tpu.memory_space<vmem>>, vector<16xf32>,
          tpu.vector_store %arg11[%swap3A_259, %swap3A_260], %add3A_258 {strides = array<i32>} : memref<128x128xf32, #tpu.memory_space<vmem>>, vector<16xf32>,
          %mul3A_262 = arith.mulf %get3A_97, %gather3A_190 : vector<16xf32>
          %mul3A_263 = arith.mulf %get3A_121, %gather3A_194 : vector<16xf32>
          %add3A_264 = arith.addf %mul3A_262, %mul3A_263 : vector<16xf32>
          %mul3A_265 = arith.mulf %get3A_145, %gather3A_198 : vector<16xf32>
          %add3A_266 = arith.addf %add3A_264, %mul3A_265 : vector<16xf32>
          %mul3A_267 = arith.mulf %get3A_169, %gather3A_202 : vector<16xf32>
          %add3A_268 = arith.addf %add3A_266, %mul3A_267 : vector<16xf32>
          %swap3A_269 = arith.index_cast %while3A_184 : i32 to index
          %swap3A_270 = arith.constant 96 : index
          %swap3A_271 = tpu.vector_load %arg11[%swap3A_269, %swap3A_270] {strides = array<i32>} : memref<128x128xf32, #tpu.memory_space<vmem>>, vector<16xf32>,
          tpu.vector_store %arg11[%swap3A_269, %swap3A_270], %add3A_268 {strides = array<i32>} : memref<128x128xf32, #tpu.memory_space<vmem>>, vector<16xf32>,
          %mul3A_272 = arith.mulf %get3A_100, %gather3A_190 : vector<16xf32>
          %mul3A_273 = arith.mulf %get3A_124, %gather3A_194 : vector<16xf32>
          %add3A_274 = arith.addf %mul3A_272, %mul3A_273 : vector<16xf32>
          %mul3A_275 = arith.mulf %get3A_148, %gather3A_198 : vector<16xf32>
          %add3A_276 = arith.addf %add3A_274, %mul3A_275 : vector<16xf32>
          %mul3A_277 = arith.mulf %get3A_172, %gather3A_202 : vector<16xf32>
          %add3A_278 = arith.addf %add3A_276, %mul3A_277 : vector<16xf32>
          %swap3A_279 = arith.index_cast %while3A_184 : i32 to index
          %swap3A_280 = arith.constant 112 : index
          %swap3A_281 = tpu.vector_load %arg11[%swap3A_279, %swap3A_280] {strides = array<i32>} : memref<128x128xf32, #tpu.memory_space<vmem>>, vector<16xf32>,
          tpu.vector_store %arg11[%swap3A_279, %swap3A_280], %add3A_278 {strides = array<i32>} : memref<128x128xf32, #tpu.memory_space<vmem>>, vector<16xf32>,
          %mul3A_282 = arith.constant 32 : i32
          %mul3A_283 = vector.broadcast %mul3A_282 : i32 to vector<16xi32>
          %mul3A_284 = arith.muli %add3A_77, %mul3A_283 : vector<16xi32>
          %add3A_285 = vector.broadcast %while3A_183 : i32 to vector<16xi32>
          %add3A_286 = arith.addi %mul3A_284, %add3A_285 : vector<16xi32>
          %gather3A_287 = tpu.vector_load_idx %arg9[%add3A_286] : memref<1024xi32, #tpu.memory_space<vmem>>[vector<16xi32>], vector<16xi32>,
          %broadcast_in_dim3A_288 = arith.constant 0 : i32
          %broadcast_in_dim3A_289 = vector.broadcast %broadcast_in_dim3A_288 : i32 to vector<16xi32>
          %add3A_290 = vector.broadcast %while3A_184 : i32 to vector<16xi32>
          %add3A_291 = arith.addi %broadcast_in_dim3A_289, %add3A_290 : vector<16xi32>
          tpu.vector_store_idx %arg12[%add3A_291], %gather3A_287 masked %eq3A_2 : memref<128xi32, #tpu.memory_space<vmem>>[vector<16xi32>], vector<16xi32>, vector<16xi1>
          %add3A_292 = arith.constant 1 : i32
          %add3A_293 = arith.addi %while3A_184, %add3A_292 : i32
          %eq3A_294 = arith.constant 128 : i32
          %eq3A_295 = arith.cmpi eq, %add3A_293, %eq3A_294 : i32
          %convert_element_type3A_296 = arith.extui %eq3A_295 : i1 to i32
          %cond3A_297 = arith.constant 0 : i32
          %cond3A_298 = arith.cmpi ne, %convert_element_type3A_296, %cond3A_297 : i32
          scf.if %cond3A_298 {
            "tpu.region"() ({
              %run_scoped3A = tpu.sem_alloc : memref<!tpu.dma_semaphore, #tpu.memory_space<semaphore_mem>>
              %dma_start3A = arith.constant 0 : i32
              %dma_start3A_299 = arith.constant 0 : i32
              %dma_start3A_300 = tpu.memref_slice %arg13[%dma_start3A, %dma_start3A_299] : memref<9088x128xf32, #tpu.memory_space<vmem_shared>> -> memref<9088x128xf32, #tpu.memory_space<vmem_shared>>
              tpu.enqueue_indirect_dma source(%arg11 : memref<128x128xf32, #tpu.memory_space<vmem>>) target(%dma_start3A_300 : memref<9088x128xf32, #tpu.memory_space<vmem_shared>>) offsets(%arg12 : memref<128xi32, #tpu.memory_space<vmem>>) semaphore(%run_scoped3A : memref<!tpu.dma_semaphore, #tpu.memory_space<semaphore_mem>>) {add = true}
              %dma_wait3A = arith.constant 0 : i32
              %dma_wait3A_301 = arith.constant 0 : i32
              %dma_wait3A_302 = tpu.memref_slice %arg13[%dma_wait3A, %dma_wait3A_301] : memref<9088x128xf32, #tpu.memory_space<vmem_shared>> -> memref<9088x128xf32, #tpu.memory_space<vmem_shared>>
              tpu.wait_indirect_dma semaphore(%run_scoped3A : memref<!tpu.dma_semaphore, #tpu.memory_space<semaphore_mem>>) src(%arg11 : memref<128x128xf32, #tpu.memory_space<vmem>>) dst(%dma_wait3A_302 : memref<9088x128xf32, #tpu.memory_space<vmem_shared>>)
              tpu.yield
            }) : () -> ()
          } else {
          }
          %jit3A = arith.constant 0 : i32
          %select_n3A = arith.select %eq3A_295, %jit3A, %add3A_293 : i32
          scf.yield %select_n3A : i32
        }
        scf.yield %while3A_182 : i32
      }
      %scan3A_67 = arith.constant 32 : i32
      scf.yield %scan3A_66 : i32
    }
    %scan3A_39 = arith.constant 10 : i32
    %scan3A_40 = arith.constant 0 : i32
    %scan3A_41 = arith.constant 0 : i32
    %scan3A_42 = arith.constant 128 : i32
    %scan3A_43 = arith.addi %scan3A_41, %scan3A_42 : i32
    %scan3A_44 = arith.constant 1 : i32
    scf.for %scan3A_51 = %scan3A_41 to %scan3A_43 step %scan3A_44  : i32 {
      %ge3A = arith.cmpi sge, %scan3A_51, %scan3A_38 : i32
      %convert_element_type3A_52 = arith.extui %ge3A : i1 to i32
      %cond3A_53 = arith.constant 0 : i32
      %cond3A_54 = arith.cmpi ne, %convert_element_type3A_52, %cond3A_53 : i32
      scf.if %cond3A_54 {
        %swap3A = arith.index_cast %scan3A_51 : i32 to index
        %swap3A_55 = arith.constant 0 : index
        %swap3A_56 = tpu.vector_load %arg11[%swap3A, %swap3A_55] {strides = array<i32>} : memref<128x128xf32, #tpu.memory_space<vmem>>, vector<16xf32>,
        tpu.vector_store %arg11[%swap3A, %swap3A_55], %broadcast_in_dim3A_3 {strides = array<i32>} : memref<128x128xf32, #tpu.memory_space<vmem>>, vector<16xf32>,
        %swap3A_57 = arith.index_cast %scan3A_51 : i32 to index
        %swap3A_58 = arith.constant 16 : index
        %swap3A_59 = tpu.vector_load %arg11[%swap3A_57, %swap3A_58] {strides = array<i32>} : memref<128x128xf32, #tpu.memory_space<vmem>>, vector<16xf32>,
        tpu.vector_store %arg11[%swap3A_57, %swap3A_58], %broadcast_in_dim3A_3 {strides = array<i32>} : memref<128x128xf32, #tpu.memory_space<vmem>>, vector<16xf32>,
        %swap3A_60 = arith.index_cast %scan3A_51 : i32 to index
        %swap3A_61 = arith.constant 32 : index
        %swap3A_62 = tpu.vector_load %arg11[%swap3A_60, %swap3A_61] {strides = array<i32>} : memref<128x128xf32, #tpu.memory_space<vmem>>, vector<16xf32>,
        tpu.vector_store %arg11[%swap3A_60, %swap3A_61], %broadcast_in_dim3A_3 {strides = array<i32>} : memref<128x128xf32, #tpu.memory_space<vmem>>, vector<16xf32>,
        %swap3A_63 = arith.index_cast %scan3A_51 : i32 to index
        %swap3A_64 = arith.constant 48 : index
        %swap3A_65 = tpu.vector_load %arg11[%swap3A_63, %swap3A_64] {strides = array<i32>} : memref<128x128xf32, #tpu.memory_space<vmem>>, vector<16xf32>,
        tpu.vector_store %arg11[%swap3A_63, %swap3A_64], %broadcast_in_dim3A_3 {strides = array<i32>} : memref<128x128xf32, #tpu.memory_space<vmem>>, vector<16xf32>,
        %swap3A_66 = arith.index_cast %scan3A_51 : i32 to index
        %swap3A_67 = arith.constant 64 : index
        %swap3A_68 = tpu.vector_load %arg11[%swap3A_66, %swap3A_67] {strides = array<i32>} : memref<128x128xf32, #tpu.memory_space<vmem>>, vector<16xf32>,
        tpu.vector_store %arg11[%swap3A_66, %swap3A_67], %broadcast_in_dim3A_3 {strides = array<i32>} : memref<128x128xf32, #tpu.memory_space<vmem>>, vector<16xf32>,
        %swap3A_69 = arith.index_cast %scan3A_51 : i32 to index
        %swap3A_70 = arith.constant 80 : index
        %swap3A_71 = tpu.vector_load %arg11[%swap3A_69, %swap3A_70] {strides = array<i32>} : memref<128x128xf32, #tpu.memory_space<vmem>>, vector<16xf32>,
        tpu.vector_store %arg11[%swap3A_69, %swap3A_70], %broadcast_in_dim3A_3 {strides = array<i32>} : memref<128x128xf32, #tpu.memory_space<vmem>>, vector<16xf32>,
        %swap3A_72 = arith.index_cast %scan3A_51 : i32 to index
        %swap3A_73 = arith.constant 96 : index
        %swap3A_74 = tpu.vector_load %arg11[%swap3A_72, %swap3A_73] {strides = array<i32>} : memref<128x128xf32, #tpu.memory_space<vmem>>, vector<16xf32>,
        tpu.vector_store %arg11[%swap3A_72, %swap3A_73], %broadcast_in_dim3A_3 {strides = array<i32>} : memref<128x128xf32, #tpu.memory_space<vmem>>, vector<16xf32>,
        %swap3A_75 = arith.index_cast %scan3A_51 : i32 to index
        %swap3A_76 = arith.constant 112 : index
        %swap3A_77 = tpu.vector_load %arg11[%swap3A_75, %swap3A_76] {strides = array<i32>} : memref<128x128xf32, #tpu.memory_space<vmem>>, vector<16xf32>,
        tpu.vector_store %arg11[%swap3A_75, %swap3A_76], %broadcast_in_dim3A_3 {strides = array<i32>} : memref<128x128xf32, #tpu.memory_space<vmem>>, vector<16xf32>,
        %broadcast_in_dim3A_78 = arith.constant 0 : i32
        %broadcast_in_dim3A_79 = vector.broadcast %broadcast_in_dim3A_78 : i32 to vector<16xi32>
        %add3A_80 = vector.broadcast %scan3A_51 : i32 to vector<16xi32>
        %add3A_81 = arith.addi %broadcast_in_dim3A_79, %add3A_80 : vector<16xi32>
        tpu.vector_store_idx %arg12[%add3A_81], %broadcast_in_dim3A_5 masked %eq3A_2 : memref<128xi32, #tpu.memory_space<vmem>>[vector<16xi32>], vector<16xi32>, vector<16xi1>
      } else {
      }
    }
    %scan3A_45 = arith.constant 128 : i32
    %gt3A = arith.constant 0 : i32
    %gt3A_46 = arith.cmpi sgt, %scan3A_38, %gt3A : i32
    %convert_element_type3A = arith.extui %gt3A_46 : i1 to i32
    %cond3A = arith.constant 0 : i32
    %cond3A_47 = arith.cmpi ne, %convert_element_type3A, %cond3A : i32
    scf.if %cond3A_47 {
      "tpu.region"() ({
        %run_scoped3A = tpu.sem_alloc : memref<!tpu.dma_semaphore, #tpu.memory_space<semaphore_mem>>
        %dma_start3A = arith.constant 0 : i32
        %dma_start3A_51 = arith.constant 0 : i32
        %dma_start3A_52 = tpu.memref_slice %arg13[%dma_start3A, %dma_start3A_51] : memref<9088x128xf32, #tpu.memory_space<vmem_shared>> -> memref<9088x128xf32, #tpu.memory_space<vmem_shared>>
        tpu.enqueue_indirect_dma source(%arg11 : memref<128x128xf32, #tpu.memory_space<vmem>>) target(%dma_start3A_52 : memref<9088x128xf32, #tpu.memory_space<vmem_shared>>) offsets(%arg12 : memref<128xi32, #tpu.memory_space<vmem>>) semaphore(%run_scoped3A : memref<!tpu.dma_semaphore, #tpu.memory_space<semaphore_mem>>) {add = true}
        %dma_wait3A = arith.constant 0 : i32
        %dma_wait3A_53 = arith.constant 0 : i32
        %dma_wait3A_54 = tpu.memref_slice %arg13[%dma_wait3A, %dma_wait3A_53] : memref<9088x128xf32, #tpu.memory_space<vmem_shared>> -> memref<9088x128xf32, #tpu.memory_space<vmem_shared>>
        tpu.wait_indirect_dma semaphore(%run_scoped3A : memref<!tpu.dma_semaphore, #tpu.memory_space<semaphore_mem>>) src(%arg11 : memref<128x128xf32, #tpu.memory_space<vmem>>) dst(%dma_wait3A_54 : memref<9088x128xf32, #tpu.memory_space<vmem_shared>>)
        tpu.yield
      }) : () -> ()
    } else {
    }
    %barrier3A_48 = arith.constant 0 : index
    tpu.barrier barrier_id(%barrier3A_48)
    %mul3A_49 = arith.constant 568 : i32
    %mul3A_50 = arith.muli %arg1, %mul3A_49 : i32
    "tpu.region"() ({
      %run_scoped3A = tpu.sem_alloc : memref<!tpu.dma_semaphore, #tpu.memory_space<semaphore_mem>>
      %dma_start3A = arith.constant 0 : i32
      %dma_start3A_51 = tpu.memref_slice %arg6[%arg0, %mul3A_50, %dma_start3A] : memref<2x9088x128xf32, #tpu.memory_space<hbm>> -> memref<1x568x128xf32, #tpu.memory_space<hbm>>
      %dma_start3A_52 = tpu.memref_squeeze %dma_start3A_51 : memref<1x568x128xf32, #tpu.memory_space<hbm>> -> memref<568x128xf32, #tpu.memory_space<hbm>>
      %dma_start3A_53 = arith.constant 0 : i32
      %dma_start3A_54 = tpu.memref_slice %arg13[%mul3A_50, %dma_start3A_53] : memref<9088x128xf32, #tpu.memory_space<vmem_shared>> -> memref<568x128xf32, #tpu.memory_space<vmem_shared>>
      tpu.enqueue_dma source(%dma_start3A_54 : memref<568x128xf32, #tpu.memory_space<vmem_shared>>) target(%dma_start3A_52 : memref<568x128xf32, #tpu.memory_space<hbm>>) target_semaphore(%run_scoped3A : memref<!tpu.dma_semaphore, #tpu.memory_space<semaphore_mem>>)
      %dma_wait3A = arith.constant 0 : i32
      %dma_wait3A_55 = tpu.memref_slice %arg6[%arg0, %mul3A_50, %dma_wait3A] : memref<2x9088x128xf32, #tpu.memory_space<hbm>> -> memref<1x568x128xf32, #tpu.memory_space<hbm>>
      %dma_wait3A_56 = tpu.memref_squeeze %dma_wait3A_55 : memref<1x568x128xf32, #tpu.memory_space<hbm>> -> memref<568x128xf32, #tpu.memory_space<hbm>>
      %dma_wait3A_57 = arith.constant 0 : i32
      %dma_wait3A_58 = tpu.memref_slice %arg13[%mul3A_50, %dma_wait3A_57] : memref<9088x128xf32, #tpu.memory_space<vmem_shared>> -> memref<568x128xf32, #tpu.memory_space<vmem_shared>>
      tpu.wait_dma2 semaphore(%run_scoped3A : memref<!tpu.dma_semaphore, #tpu.memory_space<semaphore_mem>>) src(%dma_wait3A_58 : memref<568x128xf32, #tpu.memory_space<vmem_shared>>) dst(%dma_wait3A_56 : memref<568x128xf32, #tpu.memory_space<hbm>>)
      tpu.yield
    }) : () -> ()
    return
  }
}

#map = affine_map<(d0, d1) -> (0)>
module attributes {stable_mosaic.version = 14 : i64} {
  func.func @_select_body(%arg0: i32, %arg1: i32, %arg2: memref<9104xf32, #tpu.memory_space<hbm>>, %arg3: memref<9104xf32, #tpu.memory_space<hbm>>, %arg4: memref<9104xi32, #tpu.memory_space<hbm>>, %arg5: memref<10240xf32, #tpu.memory_space<hbm>>, %arg6: memref<10240xf32, #tpu.memory_space<hbm>>, %arg7: memref<16xf32, #tpu.memory_space<hbm>>, %arg8: memref<327680xi32, #tpu.memory_space<hbm>>, %arg9: memref<10240xi32, #tpu.memory_space<hbm>>, %arg10: memref<1310720xf32, #tpu.memory_space<hbm>>, %arg11: memref<9104xf32, #tpu.memory_space<vmem>>, %arg12: memref<9104xf32, #tpu.memory_space<vmem>>, %arg13: memref<9104xi32, #tpu.memory_space<vmem>>, %arg14: memref<320xf32, #tpu.memory_space<vmem>>, %arg15: memref<320xf32, #tpu.memory_space<vmem>>, %arg16: memref<16xf32, #tpu.memory_space<vmem>>, %arg17: memref<176xf32, #tpu.memory_space<vmem>>, %arg18: memref<176xi32, #tpu.memory_space<vmem>>, %arg19: memref<32xi32, #tpu.memory_space<vmem>>, %arg20: memref<10240xi32, #tpu.memory_space<vmem>>, %arg21: memref<40960xf32, #tpu.memory_space<vmem>>, %arg22: memref<320xi32, #tpu.memory_space<vmem>>) attributes {dimension_semantics = [#tpu.dimension_semantics<core_parallel>, #tpu.dimension_semantics<subcore_parallel>], iteration_bounds = array<i64: 2, 16>, scalar_prefetch = 0 : i64, scratch_operands = 12 : i64, tpu.core_type = #tpu.core_type<sc_vector_subcore>, window_params = [{transform_indices = #map}, {transform_indices = #map}, {transform_indices = #map}, {transform_indices = #map}, {transform_indices = #map}, {transform_indices = #map}, {transform_indices = #map}, {transform_indices = #map}, {transform_indices = #map}]} {
    %mul3A = arith.constant 2 : i32
    %mul3A_0 = arith.muli %arg1, %mul3A : i32
    %add3A = arith.addi %mul3A_0, %arg0 : i32
    "tpu.region"() ({
      %run_scoped3A = tpu.sem_alloc : memref<!tpu.dma_semaphore, #tpu.memory_space<semaphore_mem>>
      tpu.enqueue_dma source(%arg2 : memref<9104xf32, #tpu.memory_space<hbm>>) target(%arg11 : memref<9104xf32, #tpu.memory_space<vmem>>) target_semaphore(%run_scoped3A : memref<!tpu.dma_semaphore, #tpu.memory_space<semaphore_mem>>)
      tpu.wait_dma2 semaphore(%run_scoped3A : memref<!tpu.dma_semaphore, #tpu.memory_space<semaphore_mem>>) src(%arg2 : memref<9104xf32, #tpu.memory_space<hbm>>) dst(%arg11 : memref<9104xf32, #tpu.memory_space<vmem>>)
      tpu.yield
    }) : () -> ()
    "tpu.region"() ({
      %run_scoped3A = tpu.sem_alloc : memref<!tpu.dma_semaphore, #tpu.memory_space<semaphore_mem>>
      tpu.enqueue_dma source(%arg3 : memref<9104xf32, #tpu.memory_space<hbm>>) target(%arg12 : memref<9104xf32, #tpu.memory_space<vmem>>) target_semaphore(%run_scoped3A : memref<!tpu.dma_semaphore, #tpu.memory_space<semaphore_mem>>)
      tpu.wait_dma2 semaphore(%run_scoped3A : memref<!tpu.dma_semaphore, #tpu.memory_space<semaphore_mem>>) src(%arg3 : memref<9104xf32, #tpu.memory_space<hbm>>) dst(%arg12 : memref<9104xf32, #tpu.memory_space<vmem>>)
      tpu.yield
    }) : () -> ()
    "tpu.region"() ({
      %run_scoped3A = tpu.sem_alloc : memref<!tpu.dma_semaphore, #tpu.memory_space<semaphore_mem>>
      tpu.enqueue_dma source(%arg4 : memref<9104xi32, #tpu.memory_space<hbm>>) target(%arg13 : memref<9104xi32, #tpu.memory_space<vmem>>) target_semaphore(%run_scoped3A : memref<!tpu.dma_semaphore, #tpu.memory_space<semaphore_mem>>)
      tpu.wait_dma2 semaphore(%run_scoped3A : memref<!tpu.dma_semaphore, #tpu.memory_space<semaphore_mem>>) src(%arg4 : memref<9104xi32, #tpu.memory_space<hbm>>) dst(%arg13 : memref<9104xi32, #tpu.memory_space<vmem>>)
      tpu.yield
    }) : () -> ()
    %mul3A_1 = arith.constant 320 : i32
    %mul3A_2 = arith.muli %add3A, %mul3A_1 : i32
    "tpu.region"() ({
      %run_scoped3A = tpu.sem_alloc : memref<!tpu.dma_semaphore, #tpu.memory_space<semaphore_mem>>
      %dma_start3A = tpu.memref_slice %arg5[%mul3A_2] : memref<10240xf32, #tpu.memory_space<hbm>> -> memref<320xf32, #tpu.memory_space<hbm>>
      %dma_start3A_36 = tpu.memref_slice %arg5[%mul3A_2] : memref<10240xf32, #tpu.memory_space<hbm>> -> memref<320xf32, #tpu.memory_space<hbm>>
      tpu.enqueue_dma source(%dma_start3A_36 : memref<320xf32, #tpu.memory_space<hbm>>) target(%arg14 : memref<320xf32, #tpu.memory_space<vmem>>) target_semaphore(%run_scoped3A : memref<!tpu.dma_semaphore, #tpu.memory_space<semaphore_mem>>)
      %dma_wait3A = tpu.memref_slice %arg5[%mul3A_2] : memref<10240xf32, #tpu.memory_space<hbm>> -> memref<320xf32, #tpu.memory_space<hbm>>
      %dma_wait3A_37 = tpu.memref_slice %arg5[%mul3A_2] : memref<10240xf32, #tpu.memory_space<hbm>> -> memref<320xf32, #tpu.memory_space<hbm>>
      tpu.wait_dma2 semaphore(%run_scoped3A : memref<!tpu.dma_semaphore, #tpu.memory_space<semaphore_mem>>) src(%dma_wait3A_37 : memref<320xf32, #tpu.memory_space<hbm>>) dst(%arg14 : memref<320xf32, #tpu.memory_space<vmem>>)
      tpu.yield
    }) : () -> ()
    %mul3A_3 = arith.constant 320 : i32
    %mul3A_4 = arith.muli %add3A, %mul3A_3 : i32
    "tpu.region"() ({
      %run_scoped3A = tpu.sem_alloc : memref<!tpu.dma_semaphore, #tpu.memory_space<semaphore_mem>>
      %dma_start3A = tpu.memref_slice %arg6[%mul3A_4] : memref<10240xf32, #tpu.memory_space<hbm>> -> memref<320xf32, #tpu.memory_space<hbm>>
      %dma_start3A_36 = tpu.memref_slice %arg6[%mul3A_4] : memref<10240xf32, #tpu.memory_space<hbm>> -> memref<320xf32, #tpu.memory_space<hbm>>
      tpu.enqueue_dma source(%dma_start3A_36 : memref<320xf32, #tpu.memory_space<hbm>>) target(%arg15 : memref<320xf32, #tpu.memory_space<vmem>>) target_semaphore(%run_scoped3A : memref<!tpu.dma_semaphore, #tpu.memory_space<semaphore_mem>>)
      %dma_wait3A = tpu.memref_slice %arg6[%mul3A_4] : memref<10240xf32, #tpu.memory_space<hbm>> -> memref<320xf32, #tpu.memory_space<hbm>>
      %dma_wait3A_37 = tpu.memref_slice %arg6[%mul3A_4] : memref<10240xf32, #tpu.memory_space<hbm>> -> memref<320xf32, #tpu.memory_space<hbm>>
      tpu.wait_dma2 semaphore(%run_scoped3A : memref<!tpu.dma_semaphore, #tpu.memory_space<semaphore_mem>>) src(%dma_wait3A_37 : memref<320xf32, #tpu.memory_space<hbm>>) dst(%arg15 : memref<320xf32, #tpu.memory_space<vmem>>)
      tpu.yield
    }) : () -> ()
    "tpu.region"() ({
      %run_scoped3A = tpu.sem_alloc : memref<!tpu.dma_semaphore, #tpu.memory_space<semaphore_mem>>
      tpu.enqueue_dma source(%arg7 : memref<16xf32, #tpu.memory_space<hbm>>) target(%arg16 : memref<16xf32, #tpu.memory_space<vmem>>) target_semaphore(%run_scoped3A : memref<!tpu.dma_semaphore, #tpu.memory_space<semaphore_mem>>)
      tpu.wait_dma2 semaphore(%run_scoped3A : memref<!tpu.dma_semaphore, #tpu.memory_space<semaphore_mem>>) src(%arg7 : memref<16xf32, #tpu.memory_space<hbm>>) dst(%arg16 : memref<16xf32, #tpu.memory_space<vmem>>)
      tpu.yield
    }) : () -> ()
    %iota3A = tpu.iota {dimensions = array<i32: 0>} : vector<16xi32>
    %eq3A = arith.constant 0 : i32
    %eq3A_5 = vector.broadcast %eq3A : i32 to vector<16xi32>
    %eq3A_6 = arith.cmpi eq, %iota3A, %eq3A_5 : vector<16xi32>
    %broadcast_in_dim3A = arith.constant 0.000000e+00 : f32
    %broadcast_in_dim3A_7 = vector.broadcast %broadcast_in_dim3A : f32 to vector<16xf32>
    %broadcast_in_dim3A_8 = arith.constant 1.000000e+30 : f32
    %broadcast_in_dim3A_9 = vector.broadcast %broadcast_in_dim3A_8 : f32 to vector<16xf32>
    %get3A = arith.constant 0 : index
    %get3A_10 = tpu.vector_load %arg16[%get3A] {strides = array<i32>} : memref<16xf32, #tpu.memory_space<vmem>>, vector<16xf32>,
    %slice3A = vector.extract_strided_slice %get3A_10 {offsets = [0], sizes = [1], strides = [1]} : vector<16xf32> to vector<1xf32>
    %squeeze3A = vector.extract %slice3A[0] : f32 from vector<1xf32>
    %slice3A_11 = vector.extract_strided_slice %get3A_10 {offsets = [1], sizes = [1], strides = [1]} : vector<16xf32> to vector<1xf32>
    %squeeze3A_12 = vector.extract %slice3A_11[0] : f32 from vector<1xf32>
    %slice3A_13 = vector.extract_strided_slice %get3A_10 {offsets = [2], sizes = [1], strides = [1]} : vector<16xf32> to vector<1xf32>
    %squeeze3A_14 = vector.extract %slice3A_13[0] : f32 from vector<1xf32>
    %broadcast_in_dim3A_15 = arith.constant 0.000000e+00 : f32
    %broadcast_in_dim3A_16 = vector.broadcast %broadcast_in_dim3A_15 : f32 to vector<16xf32>
    %add3A_17 = vector.broadcast %squeeze3A_14 : f32 to vector<16xf32>
    %add3A_18 = arith.addf %broadcast_in_dim3A_16, %add3A_17 : vector<16xf32>
    %broadcast_in_dim3A_19 = arith.constant 0.000000e+00 : f32
    %broadcast_in_dim3A_20 = vector.broadcast %broadcast_in_dim3A_19 : f32 to vector<16xf32>
    %add3A_21 = vector.broadcast %squeeze3A : f32 to vector<16xf32>
    %add3A_22 = arith.addf %broadcast_in_dim3A_20, %add3A_21 : vector<16xf32>
    %scan3A = arith.constant 0 : i32
    %scan3A_23 = arith.constant 0 : i32
    %scan3A_24 = arith.constant 320 : i32
    %scan3A_25 = arith.addi %scan3A_23, %scan3A_24 : i32
    %scan3A_26 = arith.constant 1 : i32
    scf.for %scan3A_36 = %scan3A_23 to %scan3A_25 step %scan3A_26  : i32 {
      %broadcast_in_dim3A_37 = arith.constant 0 : i32
      %broadcast_in_dim3A_38 = vector.broadcast %broadcast_in_dim3A_37 : i32 to vector<16xi32>
      %add3A_39 = vector.broadcast %scan3A_36 : i32 to vector<16xi32>
      %add3A_40 = arith.addi %broadcast_in_dim3A_38, %add3A_39 : vector<16xi32>
      %gather3A = tpu.vector_load_idx %arg14[%add3A_40] : memref<320xf32, #tpu.memory_space<vmem>>[vector<16xi32>], vector<16xf32>,
      %broadcast_in_dim3A_41 = arith.constant 0 : i32
      %broadcast_in_dim3A_42 = vector.broadcast %broadcast_in_dim3A_41 : i32 to vector<16xi32>
      %add3A_43 = vector.broadcast %scan3A_36 : i32 to vector<16xi32>
      %add3A_44 = arith.addi %broadcast_in_dim3A_42, %add3A_43 : vector<16xi32>
      %gather3A_45 = tpu.vector_load_idx %arg15[%add3A_44] : memref<320xf32, #tpu.memory_space<vmem>>[vector<16xi32>], vector<16xf32>,
      %slice3A_46 = vector.extract_strided_slice %gather3A {offsets = [0], sizes = [1], strides = [1]} : vector<16xf32> to vector<1xf32>
      %squeeze3A_47 = vector.extract %slice3A_46[0] : f32 from vector<1xf32>
      %sub3A = arith.subf %squeeze3A_47, %squeeze3A_12 : f32
      %add3A_48 = arith.addf %squeeze3A_47, %squeeze3A_12 : f32
      %scan3A_49 = arith.constant 0 : i32
      %scan3A_50 = arith.constant 9088 : i32
      %scan3A_51 = arith.constant 0 : i32
      %scan3A_52 = arith.constant 14 : i32
      %scan3A_53 = arith.addi %scan3A_51, %scan3A_52 : i32
      %scan3A_54 = arith.constant 1 : i32
      %scan3A_55:2 = scf.for %scan3A_287 = %scan3A_51 to %scan3A_53 step %scan3A_54 iter_args(%scan3A_288 = %scan3A_49, %scan3A_289 = %scan3A_50) -> (i32, i32)  : i32 {
        %add3A_290 = arith.addi %scan3A_288, %scan3A_289 : i32
        %shift_right_arithmetic3A_291 = arith.constant 1 : i32
        %shift_right_arithmetic3A_292 = arith.shrsi %add3A_290, %shift_right_arithmetic3A_291 : i32
        %get3A_293 = arith.index_cast %shift_right_arithmetic3A_292 : i32 to index
        %get3A_294 = tpu.vector_load %arg11[%get3A_293] {strides = array<i32>} : memref<9104xf32, #tpu.memory_space<vmem>>, vector<16xf32>,
        %slice3A_295 = vector.extract_strided_slice %get3A_294 {offsets = [0], sizes = [1], strides = [1]} : vector<16xf32> to vector<1xf32>
        %squeeze3A_296 = vector.extract %slice3A_295[0] : f32 from vector<1xf32>
        %lt3A_297 = arith.cmpf olt, %squeeze3A_296, %sub3A : f32
        %add3A_298 = arith.constant 1 : i32
        %add3A_299 = arith.addi %shift_right_arithmetic3A_292, %add3A_298 : i32
        %select_n3A_300 = arith.select %lt3A_297, %add3A_299, %scan3A_288 : i32
        %select_n3A_301 = arith.select %lt3A_297, %scan3A_289, %shift_right_arithmetic3A_292 : i32
        scf.yield %select_n3A_300, %select_n3A_301 : i32, i32
      }
      %scan3A_56 = arith.constant 14 : i32
      %shift_right_arithmetic3A = arith.constant 4 : i32
      %shift_right_arithmetic3A_57 = arith.shrsi %scan3A_55#0, %shift_right_arithmetic3A : i32
      %shift_left3A = arith.constant 4 : i32
      %shift_left3A_58 = arith.shli %shift_right_arithmetic3A_57, %shift_left3A : i32
      %lt3A = arith.constant 9088 : i32
      %lt3A_59 = arith.cmpi slt, %shift_left3A_58, %lt3A : i32
      %while3A = arith.constant 0 : i32
      %while3A_60:3 = scf.while (%while3A_287 = %shift_left3A_58, %while3A_288 = %while3A, %while3A_289 = %lt3A_59) : (i32, i32, i1) -> (i32, i32, i1) {
        scf.condition(%while3A_289) %while3A_287, %while3A_288, %while3A_289 : i32, i32, i1
      } do {
      ^bb0(%while3A_287: i32, %while3A_288: i32, %while3A_289: i1):
        %get3A_290 = arith.index_cast %while3A_287 : i32 to index
        %get3A_291 = tpu.vector_load %arg11[%get3A_290] {strides = array<i32>} : memref<9104xf32, #tpu.memory_space<vmem>>, vector<16xf32>,
        %get3A_292 = arith.index_cast %while3A_287 : i32 to index
        %get3A_293 = tpu.vector_load %arg12[%get3A_292] {strides = array<i32>} : memref<9104xf32, #tpu.memory_space<vmem>>, vector<16xf32>,
        %sub3A_294 = arith.subf %get3A_291, %gather3A : vector<16xf32>
        %sub3A_295 = arith.subf %get3A_293, %gather3A_45 : vector<16xf32>
        %mul3A_296 = arith.mulf %sub3A_294, %sub3A_294 : vector<16xf32>
        %mul3A_297 = arith.mulf %sub3A_295, %sub3A_295 : vector<16xf32>
        %add3A_298 = arith.addf %mul3A_296, %mul3A_297 : vector<16xf32>
        %le3A = arith.cmpf ole, %add3A_298, %add3A_22 : vector<16xf32>
        %add3A_299 = vector.broadcast %while3A_287 : i32 to vector<16xi32>
        %add3A_300 = arith.addi %add3A_299, %iota3A : vector<16xi32>
        %swap3A_301 = arith.index_cast %while3A_288 : i32 to index
        %swap3A_302 = tpu.vector_load %arg18[%swap3A_301] masked %le3A {strides = array<i32>} : memref<176xi32, #tpu.memory_space<vmem>>, vector<16xi32>, vector<16xi1>
        tpu.vector_store %arg18[%swap3A_301], %add3A_300 masked %le3A {strides = array<i32>} : memref<176xi32, #tpu.memory_space<vmem>>, vector<16xi32>, vector<16xi1>
        %swap3A_303 = arith.index_cast %while3A_288 : i32 to index
        %swap3A_304 = tpu.vector_load %arg17[%swap3A_303] masked %le3A {strides = array<i32>} : memref<176xf32, #tpu.memory_space<vmem>>, vector<16xf32>, vector<16xi1>
        tpu.vector_store %arg17[%swap3A_303], %add3A_298 masked %le3A {strides = array<i32>} : memref<176xf32, #tpu.memory_space<vmem>>, vector<16xf32>, vector<16xi1>
        %all_reduce_population_count3A = tpu.all_reduce %le3A {dim = 0 : i64, kind = #tpu.reduction_kind<sum>} : vector<16xi1> -> vector<16xi32>
        %slice3A_305 = vector.extract_strided_slice %all_reduce_population_count3A {offsets = [0], sizes = [1], strides = [1]} : vector<16xi32> to vector<1xi32>
        %squeeze3A_306 = vector.extract %slice3A_305[0] : i32 from vector<1xi32>
        %add3A_307 = arith.addi %while3A_288, %squeeze3A_306 : i32
        %add3A_308 = arith.constant 16 : i32
        %add3A_309 = arith.addi %while3A_287, %add3A_308 : i32
        %lt3A_310 = arith.constant 9088 : i32
        %lt3A_311 = arith.cmpi slt, %add3A_309, %lt3A_310 : i32
        %slice3A_312 = vector.extract_strided_slice %get3A_291 {offsets = [15], sizes = [1], strides = [1]} : vector<16xf32> to vector<1xf32>
        %squeeze3A_313 = vector.extract %slice3A_312[0] : f32 from vector<1xf32>
        %le3A_314 = arith.cmpf ole, %squeeze3A_313, %add3A_48 : f32
        %and3A = arith.andi %lt3A_311, %le3A_314 : i1
        %le3A_315 = arith.constant 144 : i32
        %le3A_316 = arith.cmpi sle, %add3A_307, %le3A_315 : i32
        %and3A_317 = arith.andi %and3A, %le3A_316 : i1
        scf.yield %add3A_309, %add3A_307, %and3A_317 : i32, i32, i1
      }
      %swap3A = arith.index_cast %while3A_60#1 : i32 to index
      %swap3A_61 = tpu.vector_load %arg17[%swap3A] {strides = array<i32>} : memref<176xf32, #tpu.memory_space<vmem>>, vector<16xf32>,
      tpu.vector_store %arg17[%swap3A], %broadcast_in_dim3A_9 {strides = array<i32>} : memref<176xf32, #tpu.memory_space<vmem>>, vector<16xf32>,
      %min3A = arith.constant 32 : i32
      %min3A_62 = arith.minsi %while3A_60#1, %min3A : i32
      %add3A_63 = arith.constant 15 : i32
      %add3A_64 = arith.addi %while3A_60#1, %add3A_63 : i32
      %shift_right_arithmetic3A_65 = arith.constant 4 : i32
      %shift_right_arithmetic3A_66 = arith.shrsi %add3A_64, %shift_right_arithmetic3A_65 : i32
      %gt3A = arith.constant 32 : i32
      %gt3A_67 = arith.cmpi sgt, %while3A_60#1, %gt3A : i32
      %convert_element_type3A = arith.extui %gt3A_67 : i1 to i32
      %cond3A = arith.constant 0 : i32
      %cond3A_68 = arith.cmpi ne, %convert_element_type3A, %cond3A : i32
      scf.if %cond3A_68 {
        %scan3A_287 = arith.constant 0 : i32
        %scan3A_288 = arith.constant 0 : i32
        %scan3A_289 = arith.constant 32 : i32
        %scan3A_290 = arith.addi %scan3A_288, %scan3A_289 : i32
        %scan3A_291 = arith.constant 1 : i32
        scf.for %scan3A_301 = %scan3A_288 to %scan3A_290 step %scan3A_291  : i32 {
          %while3A_302 = arith.constant 0 : i32
          %while3A_303 = arith.constant 1.000000e+30 : f32
          %while3A_304 = arith.constant 0 : i32
          %while3A_305 = arith.subi %shift_right_arithmetic3A_66, %while3A_302 : i32
          %while3A_306 = arith.addi %while3A_302, %while3A_305 : i32
          %while3A_307 = arith.constant 1 : i32
          %while3A_308 = arith.divsi %while3A_305, %while3A_307 : i32
          %while3A_309 = arith.muli %while3A_308, %while3A_307 : i32
          %while3A_310 = arith.addi %while3A_302, %while3A_309 : i32
          %while3A_311 = arith.constant 1 : i32
          %while3A_312:2 = scf.for %while3A_328 = %while3A_302 to %while3A_310 step %while3A_311 iter_args(%while3A_329 = %while3A_303, %while3A_330 = %while3A_304) -> (f32, i32)  : i32 {
            %mul3A_331 = arith.constant 16 : i32
            %mul3A_332 = arith.muli %while3A_328, %mul3A_331 : i32
            %get3A_333 = arith.index_cast %mul3A_332 : i32 to index
            %get3A_334 = tpu.vector_load %arg17[%get3A_333] {strides = array<i32>} : memref<176xf32, #tpu.memory_space<vmem>>, vector<16xf32>,
            %reduce_min3A = arith.constant true
            %reduce_min3A_335 = vector.broadcast %reduce_min3A : i1 to vector<16xi1>
            %reduce_min3A_336 = tpu.scan <min>, %get3A_334 masked %reduce_min3A_335 : vector<16xf32>, vector<16xi1> -> vector<16xf32>
            %reduce_min3A_337 = vector.extract %reduce_min3A_336[15] : f32 from vector<16xf32>
            %eq3A_338 = vector.broadcast %reduce_min3A_337 : f32 to vector<16xf32>
            %eq3A_339 = arith.cmpf oeq, %get3A_334, %eq3A_338 : vector<16xf32>
            %jit3A_340 = arith.constant 16 : i32
            %broadcast_in_dim3A_341 = vector.broadcast %jit3A_340 : i32 to vector<16xi32>
            %select_n3A_342 = arith.select %eq3A_339, %iota3A, %broadcast_in_dim3A_341 : vector<16xi1>, vector<16xi32>
            %reduce_min3A_343 = arith.constant true
            %reduce_min3A_344 = vector.broadcast %reduce_min3A_343 : i1 to vector<16xi1>
            %reduce_min3A_345 = arith.constant -2147483648 : i32
            %reduce_min3A_346 = vector.broadcast %reduce_min3A_345 : i32 to vector<16xi32>
            %reduce_min3A_347 = arith.xori %select_n3A_342, %reduce_min3A_346 : vector<16xi32>
            %reduce_min3A_348 = tpu.scan <min>, %reduce_min3A_347 masked %reduce_min3A_344 : vector<16xi32>, vector<16xi1> -> vector<16xi32>
            %reduce_min3A_349 = arith.xori %reduce_min3A_348, %reduce_min3A_346 : vector<16xi32>
            %reduce_min3A_350 = vector.extract %reduce_min3A_349[15] : i32 from vector<16xi32>
            %lt3A_351 = arith.cmpf olt, %reduce_min3A_337, %while3A_329 : f32
            %select_n3A_352 = arith.select %lt3A_351, %reduce_min3A_337, %while3A_329 : f32
            %mul3A_353 = arith.constant 16 : i32
            %mul3A_354 = arith.muli %while3A_328, %mul3A_353 : i32
            %add3A_355 = arith.addi %mul3A_354, %reduce_min3A_350 : i32
            %select_n3A_356 = arith.select %lt3A_351, %add3A_355, %while3A_330 : i32
            scf.yield %select_n3A_352, %select_n3A_356 : f32, i32
          }
          %while3A_313 = arith.constant 1 : i32
          %while3A_314:2 = scf.for %while3A_328 = %while3A_310 to %while3A_306 step %while3A_313 iter_args(%while3A_329 = %while3A_312#0, %while3A_330 = %while3A_312#1) -> (f32, i32)  : i32 {
            %mul3A_331 = arith.constant 16 : i32
            %mul3A_332 = arith.muli %while3A_328, %mul3A_331 : i32
            %get3A_333 = arith.index_cast %mul3A_332 : i32 to index
            %get3A_334 = tpu.vector_load %arg17[%get3A_333] {strides = array<i32>} : memref<176xf32, #tpu.memory_space<vmem>>, vector<16xf32>,
            %reduce_min3A = arith.constant true
            %reduce_min3A_335 = vector.broadcast %reduce_min3A : i1 to vector<16xi1>
            %reduce_min3A_336 = tpu.scan <min>, %get3A_334 masked %reduce_min3A_335 : vector<16xf32>, vector<16xi1> -> vector<16xf32>
            %reduce_min3A_337 = vector.extract %reduce_min3A_336[15] : f32 from vector<16xf32>
            %eq3A_338 = vector.broadcast %reduce_min3A_337 : f32 to vector<16xf32>
            %eq3A_339 = arith.cmpf oeq, %get3A_334, %eq3A_338 : vector<16xf32>
            %jit3A_340 = arith.constant 16 : i32
            %broadcast_in_dim3A_341 = vector.broadcast %jit3A_340 : i32 to vector<16xi32>
            %select_n3A_342 = arith.select %eq3A_339, %iota3A, %broadcast_in_dim3A_341 : vector<16xi1>, vector<16xi32>
            %reduce_min3A_343 = arith.constant true
            %reduce_min3A_344 = vector.broadcast %reduce_min3A_343 : i1 to vector<16xi1>
            %reduce_min3A_345 = arith.constant -2147483648 : i32
            %reduce_min3A_346 = vector.broadcast %reduce_min3A_345 : i32 to vector<16xi32>
            %reduce_min3A_347 = arith.xori %select_n3A_342, %reduce_min3A_346 : vector<16xi32>
            %reduce_min3A_348 = tpu.scan <min>, %reduce_min3A_347 masked %reduce_min3A_344 : vector<16xi32>, vector<16xi1> -> vector<16xi32>
            %reduce_min3A_349 = arith.xori %reduce_min3A_348, %reduce_min3A_346 : vector<16xi32>
            %reduce_min3A_350 = vector.extract %reduce_min3A_349[15] : i32 from vector<16xi32>
            %lt3A_351 = arith.cmpf olt, %reduce_min3A_337, %while3A_329 : f32
            %select_n3A_352 = arith.select %lt3A_351, %reduce_min3A_337, %while3A_329 : f32
            %mul3A_353 = arith.constant 16 : i32
            %mul3A_354 = arith.muli %while3A_328, %mul3A_353 : i32
            %add3A_355 = arith.addi %mul3A_354, %reduce_min3A_350 : i32
            %select_n3A_356 = arith.select %lt3A_351, %add3A_355, %while3A_330 : i32
            scf.yield %select_n3A_352, %select_n3A_356 : f32, i32
          }
          %broadcast_in_dim3A_315 = arith.constant 0 : i32
          %broadcast_in_dim3A_316 = vector.broadcast %broadcast_in_dim3A_315 : i32 to vector<16xi32>
          %add3A_317 = vector.broadcast %while3A_314#1 : i32 to vector<16xi32>
          %add3A_318 = arith.addi %broadcast_in_dim3A_316, %add3A_317 : vector<16xi32>
          %gather3A_319 = tpu.vector_load_idx %arg18[%add3A_318] : memref<176xi32, #tpu.memory_space<vmem>>[vector<16xi32>], vector<16xi32>,
          %broadcast_in_dim3A_320 = arith.constant 0 : i32
          %broadcast_in_dim3A_321 = vector.broadcast %broadcast_in_dim3A_320 : i32 to vector<16xi32>
          %add3A_322 = vector.broadcast %scan3A_301 : i32 to vector<16xi32>
          %add3A_323 = arith.addi %broadcast_in_dim3A_321, %add3A_322 : vector<16xi32>
          tpu.vector_store_idx %arg19[%add3A_323], %gather3A_319 masked %eq3A_6 : memref<32xi32, #tpu.memory_space<vmem>>[vector<16xi32>], vector<16xi32>, vector<16xi1>
          %broadcast_in_dim3A_324 = arith.constant 0 : i32
          %broadcast_in_dim3A_325 = vector.broadcast %broadcast_in_dim3A_324 : i32 to vector<16xi32>
          %add3A_326 = vector.broadcast %while3A_314#1 : i32 to vector<16xi32>
          %add3A_327 = arith.addi %broadcast_in_dim3A_325, %add3A_326 : vector<16xi32>
          tpu.vector_store_idx %arg17[%add3A_327], %broadcast_in_dim3A_9 masked %eq3A_6 : memref<176xf32, #tpu.memory_space<vmem>>[vector<16xi32>], vector<16xf32>, vector<16xi1>
        }
        %scan3A_292 = arith.constant 32 : i32
        %get3A_293 = arith.constant 0 : index
        %get3A_294 = tpu.vector_load %arg19[%get3A_293] {strides = array<i32>} : memref<32xi32, #tpu.memory_space<vmem>>, vector<16xi32>,
        %swap3A_295 = arith.constant 0 : index
        %swap3A_296 = tpu.vector_load %arg18[%swap3A_295] {strides = array<i32>} : memref<176xi32, #tpu.memory_space<vmem>>, vector<16xi32>,
        tpu.vector_store %arg18[%swap3A_295], %get3A_294 {strides = array<i32>} : memref<176xi32, #tpu.memory_space<vmem>>, vector<16xi32>,
        %get3A_297 = arith.constant 16 : index
        %get3A_298 = tpu.vector_load %arg19[%get3A_297] {strides = array<i32>} : memref<32xi32, #tpu.memory_space<vmem>>, vector<16xi32>,
        %swap3A_299 = arith.constant 16 : index
        %swap3A_300 = tpu.vector_load %arg18[%swap3A_299] {strides = array<i32>} : memref<176xi32, #tpu.memory_space<vmem>>, vector<16xi32>,
        tpu.vector_store %arg18[%swap3A_299], %get3A_298 {strides = array<i32>} : memref<176xi32, #tpu.memory_space<vmem>>, vector<16xi32>,
      } else {
      }
      %add3A_69 = arith.constant 0 : i32
      %add3A_70 = vector.broadcast %add3A_69 : i32 to vector<16xi32>
      %add3A_71 = arith.addi %iota3A, %add3A_70 : vector<16xi32>
      %lt3A_72 = vector.broadcast %min3A_62 : i32 to vector<16xi32>
      %lt3A_73 = arith.cmpi slt, %add3A_71, %lt3A_72 : vector<16xi32>
      %get3A_74 = arith.constant 0 : index
      %get3A_75 = tpu.vector_load %arg18[%get3A_74] {strides = array<i32>} : memref<176xi32, #tpu.memory_space<vmem>>, vector<16xi32>,
      %gather3A_76 = tpu.vector_load_idx %arg11[%get3A_75] masked %lt3A_73 : memref<9104xf32, #tpu.memory_space<vmem>>[vector<16xi32>], vector<16xf32>, vector<16xi1>
      %gather3A_77 = tpu.vector_load_idx %arg12[%get3A_75] masked %lt3A_73 : memref<9104xf32, #tpu.memory_space<vmem>>[vector<16xi32>], vector<16xf32>, vector<16xi1>
      %gather3A_78 = tpu.vector_load_idx %arg13[%get3A_75] masked %lt3A_73 : memref<9104xi32, #tpu.memory_space<vmem>>[vector<16xi32>], vector<16xi32>, vector<16xi1>
      %sub3A_79 = arith.subf %gather3A_76, %gather3A : vector<16xf32>
      %mul3A_80 = arith.mulf %sub3A_79, %add3A_18 : vector<16xf32>
      %jit3A = arith.constant -1.000000e+00 : f32
      %jit3A_81 = arith.constant 1.000000e+00 : f32
      %max3A = vector.broadcast %jit3A : f32 to vector<16xf32>
      %max3A_82 = arith.maximumf %max3A, %mul3A_80 : vector<16xf32>
      %min3A_83 = vector.broadcast %jit3A_81 : f32 to vector<16xf32>
      %min3A_84 = arith.minimumf %min3A_83, %max3A_82 : vector<16xf32>
      %sub3A_85 = arith.subf %gather3A_77, %gather3A_45 : vector<16xf32>
      %mul3A_86 = arith.mulf %sub3A_85, %add3A_18 : vector<16xf32>
      %jit3A_87 = arith.constant -1.000000e+00 : f32
      %jit3A_88 = arith.constant 1.000000e+00 : f32
      %max3A_89 = vector.broadcast %jit3A_87 : f32 to vector<16xf32>
      %max3A_90 = arith.maximumf %max3A_89, %mul3A_86 : vector<16xf32>
      %min3A_91 = vector.broadcast %jit3A_88 : f32 to vector<16xf32>
      %min3A_92 = arith.minimumf %min3A_91, %max3A_90 : vector<16xf32>
      %add3A_93 = arith.constant 1.000000e+00 : f32
      %add3A_94 = vector.broadcast %add3A_93 : f32 to vector<16xf32>
      %add3A_95 = arith.addf %min3A_84, %add3A_94 : vector<16xf32>
      %add3A_96 = arith.constant 1.000000e+00 : f32
      %add3A_97 = vector.broadcast %add3A_96 : f32 to vector<16xf32>
      %add3A_98 = arith.addf %min3A_84, %add3A_97 : vector<16xf32>
      %mul3A_99 = arith.mulf %add3A_95, %add3A_98 : vector<16xf32>
      %mul3A_100 = arith.constant -1.250000e-01 : f32
      %mul3A_101 = vector.broadcast %mul3A_100 : f32 to vector<16xf32>
      %mul3A_102 = arith.mulf %mul3A_99, %mul3A_101 : vector<16xf32>
      %exp3A = math.exp %mul3A_102 : vector<16xf32>
      %sub3A_103 = arith.constant 1.000000e+00 : f32
      %sub3A_104 = vector.broadcast %sub3A_103 : f32 to vector<16xf32>
      %sub3A_105 = arith.subf %min3A_84, %sub3A_104 : vector<16xf32>
      %sub3A_106 = arith.constant 1.000000e+00 : f32
      %sub3A_107 = vector.broadcast %sub3A_106 : f32 to vector<16xf32>
      %sub3A_108 = arith.subf %min3A_84, %sub3A_107 : vector<16xf32>
      %mul3A_109 = arith.mulf %sub3A_105, %sub3A_108 : vector<16xf32>
      %mul3A_110 = arith.constant -1.250000e-01 : f32
      %mul3A_111 = vector.broadcast %mul3A_110 : f32 to vector<16xf32>
      %mul3A_112 = arith.mulf %mul3A_109, %mul3A_111 : vector<16xf32>
      %exp3A_113 = math.exp %mul3A_112 : vector<16xf32>
      %add3A_114 = arith.constant 1.000000e+00 : f32
      %add3A_115 = vector.broadcast %add3A_114 : f32 to vector<16xf32>
      %add3A_116 = arith.addf %min3A_92, %add3A_115 : vector<16xf32>
      %add3A_117 = arith.constant 1.000000e+00 : f32
      %add3A_118 = vector.broadcast %add3A_117 : f32 to vector<16xf32>
      %add3A_119 = arith.addf %min3A_92, %add3A_118 : vector<16xf32>
      %mul3A_120 = arith.mulf %add3A_116, %add3A_119 : vector<16xf32>
      %mul3A_121 = arith.constant -1.250000e-01 : f32
      %mul3A_122 = vector.broadcast %mul3A_121 : f32 to vector<16xf32>
      %mul3A_123 = arith.mulf %mul3A_120, %mul3A_122 : vector<16xf32>
      %exp3A_124 = math.exp %mul3A_123 : vector<16xf32>
      %sub3A_125 = arith.constant 1.000000e+00 : f32
      %sub3A_126 = vector.broadcast %sub3A_125 : f32 to vector<16xf32>
      %sub3A_127 = arith.subf %min3A_92, %sub3A_126 : vector<16xf32>
      %sub3A_128 = arith.constant 1.000000e+00 : f32
      %sub3A_129 = vector.broadcast %sub3A_128 : f32 to vector<16xf32>
      %sub3A_130 = arith.subf %min3A_92, %sub3A_129 : vector<16xf32>
      %mul3A_131 = arith.mulf %sub3A_127, %sub3A_130 : vector<16xf32>
      %mul3A_132 = arith.constant -1.250000e-01 : f32
      %mul3A_133 = vector.broadcast %mul3A_132 : f32 to vector<16xf32>
      %mul3A_134 = arith.mulf %mul3A_131, %mul3A_133 : vector<16xf32>
      %exp3A_135 = math.exp %mul3A_134 : vector<16xf32>
      %jit3A_136 = arith.constant 0 : i32
      %broadcast_in_dim3A_137 = vector.broadcast %jit3A_136 : i32 to vector<16xi32>
      %select_n3A = arith.select %lt3A_73, %gather3A_78, %broadcast_in_dim3A_137 : vector<16xi1>, vector<16xi32>
      %mul3A_138 = arith.constant 32 : i32
      %mul3A_139 = arith.muli %scan3A_36, %mul3A_138 : i32
      %add3A_140 = arith.constant 0 : i32
      %add3A_141 = arith.addi %mul3A_139, %add3A_140 : i32
      %swap3A_142 = arith.index_cast %add3A_141 : i32 to index
      %swap3A_143 = tpu.vector_load %arg20[%swap3A_142] {strides = array<i32>} : memref<10240xi32, #tpu.memory_space<vmem>>, vector<16xi32>,
      tpu.vector_store %arg20[%swap3A_142], %select_n3A {strides = array<i32>} : memref<10240xi32, #tpu.memory_space<vmem>>, vector<16xi32>,
      %mul3A_144 = arith.constant 4 : i32
      %mul3A_145 = arith.muli %scan3A_36, %mul3A_144 : i32
      %mul3A_146 = arith.constant 32 : i32
      %mul3A_147 = arith.muli %mul3A_145, %mul3A_146 : i32
      %add3A_148 = arith.constant 0 : i32
      %add3A_149 = arith.addi %mul3A_147, %add3A_148 : i32
      %mul3A_150 = arith.mulf %exp3A, %exp3A_124 : vector<16xf32>
      %select_n3A_151 = arith.select %lt3A_73, %mul3A_150, %broadcast_in_dim3A_7 : vector<16xi1>, vector<16xf32>
      %swap3A_152 = arith.index_cast %add3A_149 : i32 to index
      %swap3A_153 = tpu.vector_load %arg21[%swap3A_152] {strides = array<i32>} : memref<40960xf32, #tpu.memory_space<vmem>>, vector<16xf32>,
      tpu.vector_store %arg21[%swap3A_152], %select_n3A_151 {strides = array<i32>} : memref<40960xf32, #tpu.memory_space<vmem>>, vector<16xf32>,
      %mul3A_154 = arith.mulf %exp3A, %exp3A_135 : vector<16xf32>
      %select_n3A_155 = arith.select %lt3A_73, %mul3A_154, %broadcast_in_dim3A_7 : vector<16xi1>, vector<16xf32>
      %add3A_156 = arith.constant 32 : i32
      %add3A_157 = arith.addi %add3A_149, %add3A_156 : i32
      %swap3A_158 = arith.index_cast %add3A_157 : i32 to index
      %swap3A_159 = tpu.vector_load %arg21[%swap3A_158] {strides = array<i32>} : memref<40960xf32, #tpu.memory_space<vmem>>, vector<16xf32>,
      tpu.vector_store %arg21[%swap3A_158], %select_n3A_155 {strides = array<i32>} : memref<40960xf32, #tpu.memory_space<vmem>>, vector<16xf32>,
      %mul3A_160 = arith.mulf %exp3A_113, %exp3A_124 : vector<16xf32>
      %select_n3A_161 = arith.select %lt3A_73, %mul3A_160, %broadcast_in_dim3A_7 : vector<16xi1>, vector<16xf32>
      %add3A_162 = arith.constant 64 : i32
      %add3A_163 = arith.addi %add3A_149, %add3A_162 : i32
      %swap3A_164 = arith.index_cast %add3A_163 : i32 to index
      %swap3A_165 = tpu.vector_load %arg21[%swap3A_164] {strides = array<i32>} : memref<40960xf32, #tpu.memory_space<vmem>>, vector<16xf32>,
      tpu.vector_store %arg21[%swap3A_164], %select_n3A_161 {strides = array<i32>} : memref<40960xf32, #tpu.memory_space<vmem>>, vector<16xf32>,
      %mul3A_166 = arith.mulf %exp3A_113, %exp3A_135 : vector<16xf32>
      %select_n3A_167 = arith.select %lt3A_73, %mul3A_166, %broadcast_in_dim3A_7 : vector<16xi1>, vector<16xf32>
      %add3A_168 = arith.constant 96 : i32
      %add3A_169 = arith.addi %add3A_149, %add3A_168 : i32
      %swap3A_170 = arith.index_cast %add3A_169 : i32 to index
      %swap3A_171 = tpu.vector_load %arg21[%swap3A_170] {strides = array<i32>} : memref<40960xf32, #tpu.memory_space<vmem>>, vector<16xf32>,
      tpu.vector_store %arg21[%swap3A_170], %select_n3A_167 {strides = array<i32>} : memref<40960xf32, #tpu.memory_space<vmem>>, vector<16xf32>,
      %add3A_172 = arith.constant 16 : i32
      %add3A_173 = vector.broadcast %add3A_172 : i32 to vector<16xi32>
      %add3A_174 = arith.addi %iota3A, %add3A_173 : vector<16xi32>
      %lt3A_175 = vector.broadcast %min3A_62 : i32 to vector<16xi32>
      %lt3A_176 = arith.cmpi slt, %add3A_174, %lt3A_175 : vector<16xi32>
      %get3A_177 = arith.constant 16 : index
      %get3A_178 = tpu.vector_load %arg18[%get3A_177] {strides = array<i32>} : memref<176xi32, #tpu.memory_space<vmem>>, vector<16xi32>,
      %gather3A_179 = tpu.vector_load_idx %arg11[%get3A_178] masked %lt3A_176 : memref<9104xf32, #tpu.memory_space<vmem>>[vector<16xi32>], vector<16xf32>, vector<16xi1>
      %gather3A_180 = tpu.vector_load_idx %arg12[%get3A_178] masked %lt3A_176 : memref<9104xf32, #tpu.memory_space<vmem>>[vector<16xi32>], vector<16xf32>, vector<16xi1>
      %gather3A_181 = tpu.vector_load_idx %arg13[%get3A_178] masked %lt3A_176 : memref<9104xi32, #tpu.memory_space<vmem>>[vector<16xi32>], vector<16xi32>, vector<16xi1>
      %sub3A_182 = arith.subf %gather3A_179, %gather3A : vector<16xf32>
      %mul3A_183 = arith.mulf %sub3A_182, %add3A_18 : vector<16xf32>
      %jit3A_184 = arith.constant -1.000000e+00 : f32
      %jit3A_185 = arith.constant 1.000000e+00 : f32
      %max3A_186 = vector.broadcast %jit3A_184 : f32 to vector<16xf32>
      %max3A_187 = arith.maximumf %max3A_186, %mul3A_183 : vector<16xf32>
      %min3A_188 = vector.broadcast %jit3A_185 : f32 to vector<16xf32>
      %min3A_189 = arith.minimumf %min3A_188, %max3A_187 : vector<16xf32>
      %sub3A_190 = arith.subf %gather3A_180, %gather3A_45 : vector<16xf32>
      %mul3A_191 = arith.mulf %sub3A_190, %add3A_18 : vector<16xf32>
      %jit3A_192 = arith.constant -1.000000e+00 : f32
      %jit3A_193 = arith.constant 1.000000e+00 : f32
      %max3A_194 = vector.broadcast %jit3A_192 : f32 to vector<16xf32>
      %max3A_195 = arith.maximumf %max3A_194, %mul3A_191 : vector<16xf32>
      %min3A_196 = vector.broadcast %jit3A_193 : f32 to vector<16xf32>
      %min3A_197 = arith.minimumf %min3A_196, %max3A_195 : vector<16xf32>
      %add3A_198 = arith.constant 1.000000e+00 : f32
      %add3A_199 = vector.broadcast %add3A_198 : f32 to vector<16xf32>
      %add3A_200 = arith.addf %min3A_189, %add3A_199 : vector<16xf32>
      %add3A_201 = arith.constant 1.000000e+00 : f32
      %add3A_202 = vector.broadcast %add3A_201 : f32 to vector<16xf32>
      %add3A_203 = arith.addf %min3A_189, %add3A_202 : vector<16xf32>
      %mul3A_204 = arith.mulf %add3A_200, %add3A_203 : vector<16xf32>
      %mul3A_205 = arith.constant -1.250000e-01 : f32
      %mul3A_206 = vector.broadcast %mul3A_205 : f32 to vector<16xf32>
      %mul3A_207 = arith.mulf %mul3A_204, %mul3A_206 : vector<16xf32>
      %exp3A_208 = math.exp %mul3A_207 : vector<16xf32>
      %sub3A_209 = arith.constant 1.000000e+00 : f32
      %sub3A_210 = vector.broadcast %sub3A_209 : f32 to vector<16xf32>
      %sub3A_211 = arith.subf %min3A_189, %sub3A_210 : vector<16xf32>
      %sub3A_212 = arith.constant 1.000000e+00 : f32
      %sub3A_213 = vector.broadcast %sub3A_212 : f32 to vector<16xf32>
      %sub3A_214 = arith.subf %min3A_189, %sub3A_213 : vector<16xf32>
      %mul3A_215 = arith.mulf %sub3A_211, %sub3A_214 : vector<16xf32>
      %mul3A_216 = arith.constant -1.250000e-01 : f32
      %mul3A_217 = vector.broadcast %mul3A_216 : f32 to vector<16xf32>
      %mul3A_218 = arith.mulf %mul3A_215, %mul3A_217 : vector<16xf32>
      %exp3A_219 = math.exp %mul3A_218 : vector<16xf32>
      %add3A_220 = arith.constant 1.000000e+00 : f32
      %add3A_221 = vector.broadcast %add3A_220 : f32 to vector<16xf32>
      %add3A_222 = arith.addf %min3A_197, %add3A_221 : vector<16xf32>
      %add3A_223 = arith.constant 1.000000e+00 : f32
      %add3A_224 = vector.broadcast %add3A_223 : f32 to vector<16xf32>
      %add3A_225 = arith.addf %min3A_197, %add3A_224 : vector<16xf32>
      %mul3A_226 = arith.mulf %add3A_222, %add3A_225 : vector<16xf32>
      %mul3A_227 = arith.constant -1.250000e-01 : f32
      %mul3A_228 = vector.broadcast %mul3A_227 : f32 to vector<16xf32>
      %mul3A_229 = arith.mulf %mul3A_226, %mul3A_228 : vector<16xf32>
      %exp3A_230 = math.exp %mul3A_229 : vector<16xf32>
      %sub3A_231 = arith.constant 1.000000e+00 : f32
      %sub3A_232 = vector.broadcast %sub3A_231 : f32 to vector<16xf32>
      %sub3A_233 = arith.subf %min3A_197, %sub3A_232 : vector<16xf32>
      %sub3A_234 = arith.constant 1.000000e+00 : f32
      %sub3A_235 = vector.broadcast %sub3A_234 : f32 to vector<16xf32>
      %sub3A_236 = arith.subf %min3A_197, %sub3A_235 : vector<16xf32>
      %mul3A_237 = arith.mulf %sub3A_233, %sub3A_236 : vector<16xf32>
      %mul3A_238 = arith.constant -1.250000e-01 : f32
      %mul3A_239 = vector.broadcast %mul3A_238 : f32 to vector<16xf32>
      %mul3A_240 = arith.mulf %mul3A_237, %mul3A_239 : vector<16xf32>
      %exp3A_241 = math.exp %mul3A_240 : vector<16xf32>
      %jit3A_242 = arith.constant 0 : i32
      %broadcast_in_dim3A_243 = vector.broadcast %jit3A_242 : i32 to vector<16xi32>
      %select_n3A_244 = arith.select %lt3A_176, %gather3A_181, %broadcast_in_dim3A_243 : vector<16xi1>, vector<16xi32>
      %mul3A_245 = arith.constant 32 : i32
      %mul3A_246 = arith.muli %scan3A_36, %mul3A_245 : i32
      %add3A_247 = arith.constant 16 : i32
      %add3A_248 = arith.addi %mul3A_246, %add3A_247 : i32
      %swap3A_249 = arith.index_cast %add3A_248 : i32 to index
      %swap3A_250 = tpu.vector_load %arg20[%swap3A_249] {strides = array<i32>} : memref<10240xi32, #tpu.memory_space<vmem>>, vector<16xi32>,
      tpu.vector_store %arg20[%swap3A_249], %select_n3A_244 {strides = array<i32>} : memref<10240xi32, #tpu.memory_space<vmem>>, vector<16xi32>,
      %mul3A_251 = arith.constant 4 : i32
      %mul3A_252 = arith.muli %scan3A_36, %mul3A_251 : i32
      %mul3A_253 = arith.constant 32 : i32
      %mul3A_254 = arith.muli %mul3A_252, %mul3A_253 : i32
      %add3A_255 = arith.constant 16 : i32
      %add3A_256 = arith.addi %mul3A_254, %add3A_255 : i32
      %mul3A_257 = arith.mulf %exp3A_208, %exp3A_230 : vector<16xf32>
      %select_n3A_258 = arith.select %lt3A_176, %mul3A_257, %broadcast_in_dim3A_7 : vector<16xi1>, vector<16xf32>
      %swap3A_259 = arith.index_cast %add3A_256 : i32 to index
      %swap3A_260 = tpu.vector_load %arg21[%swap3A_259] {strides = array<i32>} : memref<40960xf32, #tpu.memory_space<vmem>>, vector<16xf32>,
      tpu.vector_store %arg21[%swap3A_259], %select_n3A_258 {strides = array<i32>} : memref<40960xf32, #tpu.memory_space<vmem>>, vector<16xf32>,
      %mul3A_261 = arith.mulf %exp3A_208, %exp3A_241 : vector<16xf32>
      %select_n3A_262 = arith.select %lt3A_176, %mul3A_261, %broadcast_in_dim3A_7 : vector<16xi1>, vector<16xf32>
      %add3A_263 = arith.constant 32 : i32
      %add3A_264 = arith.addi %add3A_256, %add3A_263 : i32
      %swap3A_265 = arith.index_cast %add3A_264 : i32 to index
      %swap3A_266 = tpu.vector_load %arg21[%swap3A_265] {strides = array<i32>} : memref<40960xf32, #tpu.memory_space<vmem>>, vector<16xf32>,
      tpu.vector_store %arg21[%swap3A_265], %select_n3A_262 {strides = array<i32>} : memref<40960xf32, #tpu.memory_space<vmem>>, vector<16xf32>,
      %mul3A_267 = arith.mulf %exp3A_219, %exp3A_230 : vector<16xf32>
      %select_n3A_268 = arith.select %lt3A_176, %mul3A_267, %broadcast_in_dim3A_7 : vector<16xi1>, vector<16xf32>
      %add3A_269 = arith.constant 64 : i32
      %add3A_270 = arith.addi %add3A_256, %add3A_269 : i32
      %swap3A_271 = arith.index_cast %add3A_270 : i32 to index
      %swap3A_272 = tpu.vector_load %arg21[%swap3A_271] {strides = array<i32>} : memref<40960xf32, #tpu.memory_space<vmem>>, vector<16xf32>,
      tpu.vector_store %arg21[%swap3A_271], %select_n3A_268 {strides = array<i32>} : memref<40960xf32, #tpu.memory_space<vmem>>, vector<16xf32>,
      %mul3A_273 = arith.mulf %exp3A_219, %exp3A_241 : vector<16xf32>
      %select_n3A_274 = arith.select %lt3A_176, %mul3A_273, %broadcast_in_dim3A_7 : vector<16xi1>, vector<16xf32>
      %add3A_275 = arith.constant 96 : i32
      %add3A_276 = arith.addi %add3A_256, %add3A_275 : i32
      %swap3A_277 = arith.index_cast %add3A_276 : i32 to index
      %swap3A_278 = tpu.vector_load %arg21[%swap3A_277] {strides = array<i32>} : memref<40960xf32, #tpu.memory_space<vmem>>, vector<16xf32>,
      tpu.vector_store %arg21[%swap3A_277], %select_n3A_274 {strides = array<i32>} : memref<40960xf32, #tpu.memory_space<vmem>>, vector<16xf32>,
      %broadcast_in_dim3A_279 = arith.constant 0 : i32
      %broadcast_in_dim3A_280 = vector.broadcast %broadcast_in_dim3A_279 : i32 to vector<16xi32>
      %add3A_281 = vector.broadcast %scan3A_36 : i32 to vector<16xi32>
      %add3A_282 = arith.addi %broadcast_in_dim3A_280, %add3A_281 : vector<16xi32>
      %broadcast_in_dim3A_283 = arith.constant 0 : i32
      %broadcast_in_dim3A_284 = vector.broadcast %broadcast_in_dim3A_283 : i32 to vector<16xi32>
      %add3A_285 = vector.broadcast %min3A_62 : i32 to vector<16xi32>
      %add3A_286 = arith.addi %broadcast_in_dim3A_284, %add3A_285 : vector<16xi32>
      tpu.vector_store_idx %arg22[%add3A_282], %add3A_286 masked %eq3A_6 : memref<320xi32, #tpu.memory_space<vmem>>[vector<16xi32>], vector<16xi32>, vector<16xi1>
    }
    %scan3A_27 = arith.constant 320 : i32
    %mul3A_28 = arith.constant 320 : i32
    %mul3A_29 = arith.muli %add3A, %mul3A_28 : i32
    %mul3A_30 = arith.constant 32 : i32
    %mul3A_31 = arith.muli %mul3A_29, %mul3A_30 : i32
    "tpu.region"() ({
      %run_scoped3A = tpu.sem_alloc : memref<!tpu.dma_semaphore, #tpu.memory_space<semaphore_mem>>
      %dma_start3A = tpu.memref_slice %arg8[%mul3A_31] : memref<327680xi32, #tpu.memory_space<hbm>> -> memref<10240xi32, #tpu.memory_space<hbm>>
      %dma_start3A_36 = tpu.memref_slice %arg8[%mul3A_31] : memref<327680xi32, #tpu.memory_space<hbm>> -> memref<10240xi32, #tpu.memory_space<hbm>>
      tpu.enqueue_dma source(%arg20 : memref<10240xi32, #tpu.memory_space<vmem>>) target(%dma_start3A_36 : memref<10240xi32, #tpu.memory_space<hbm>>) target_semaphore(%run_scoped3A : memref<!tpu.dma_semaphore, #tpu.memory_space<semaphore_mem>>)
      %dma_wait3A = tpu.memref_slice %arg8[%mul3A_31] : memref<327680xi32, #tpu.memory_space<hbm>> -> memref<10240xi32, #tpu.memory_space<hbm>>
      %dma_wait3A_37 = tpu.memref_slice %arg8[%mul3A_31] : memref<327680xi32, #tpu.memory_space<hbm>> -> memref<10240xi32, #tpu.memory_space<hbm>>
      tpu.wait_dma2 semaphore(%run_scoped3A : memref<!tpu.dma_semaphore, #tpu.memory_space<semaphore_mem>>) src(%arg20 : memref<10240xi32, #tpu.memory_space<vmem>>) dst(%dma_wait3A_37 : memref<10240xi32, #tpu.memory_space<hbm>>)
      tpu.yield
    }) : () -> ()
    %mul3A_32 = arith.constant 4 : i32
    %mul3A_33 = arith.muli %mul3A_29, %mul3A_32 : i32
    %mul3A_34 = arith.constant 32 : i32
    %mul3A_35 = arith.muli %mul3A_33, %mul3A_34 : i32
    "tpu.region"() ({
      %run_scoped3A = tpu.sem_alloc : memref<!tpu.dma_semaphore, #tpu.memory_space<semaphore_mem>>
      %dma_start3A = tpu.memref_slice %arg10[%mul3A_35] : memref<1310720xf32, #tpu.memory_space<hbm>> -> memref<40960xf32, #tpu.memory_space<hbm>>
      %dma_start3A_36 = tpu.memref_slice %arg10[%mul3A_35] : memref<1310720xf32, #tpu.memory_space<hbm>> -> memref<40960xf32, #tpu.memory_space<hbm>>
      tpu.enqueue_dma source(%arg21 : memref<40960xf32, #tpu.memory_space<vmem>>) target(%dma_start3A_36 : memref<40960xf32, #tpu.memory_space<hbm>>) target_semaphore(%run_scoped3A : memref<!tpu.dma_semaphore, #tpu.memory_space<semaphore_mem>>)
      %dma_wait3A = tpu.memref_slice %arg10[%mul3A_35] : memref<1310720xf32, #tpu.memory_space<hbm>> -> memref<40960xf32, #tpu.memory_space<hbm>>
      %dma_wait3A_37 = tpu.memref_slice %arg10[%mul3A_35] : memref<1310720xf32, #tpu.memory_space<hbm>> -> memref<40960xf32, #tpu.memory_space<hbm>>
      tpu.wait_dma2 semaphore(%run_scoped3A : memref<!tpu.dma_semaphore, #tpu.memory_space<semaphore_mem>>) src(%arg21 : memref<40960xf32, #tpu.memory_space<vmem>>) dst(%dma_wait3A_37 : memref<40960xf32, #tpu.memory_space<hbm>>)
      tpu.yield
    }) : () -> ()
    "tpu.region"() ({
      %run_scoped3A = tpu.sem_alloc : memref<!tpu.dma_semaphore, #tpu.memory_space<semaphore_mem>>
      %dma_start3A = tpu.memref_slice %arg9[%mul3A_29] : memref<10240xi32, #tpu.memory_space<hbm>> -> memref<320xi32, #tpu.memory_space<hbm>>
      %dma_start3A_36 = tpu.memref_slice %arg9[%mul3A_29] : memref<10240xi32, #tpu.memory_space<hbm>> -> memref<320xi32, #tpu.memory_space<hbm>>
      tpu.enqueue_dma source(%arg22 : memref<320xi32, #tpu.memory_space<vmem>>) target(%dma_start3A_36 : memref<320xi32, #tpu.memory_space<hbm>>) target_semaphore(%run_scoped3A : memref<!tpu.dma_semaphore, #tpu.memory_space<semaphore_mem>>)
      %dma_wait3A = tpu.memref_slice %arg9[%mul3A_29] : memref<10240xi32, #tpu.memory_space<hbm>> -> memref<320xi32, #tpu.memory_space<hbm>>
      %dma_wait3A_37 = tpu.memref_slice %arg9[%mul3A_29] : memref<10240xi32, #tpu.memory_space<hbm>> -> memref<320xi32, #tpu.memory_space<hbm>>
      tpu.wait_dma2 semaphore(%run_scoped3A : memref<!tpu.dma_semaphore, #tpu.memory_space<semaphore_mem>>) src(%arg22 : memref<320xi32, #tpu.memory_space<vmem>>) dst(%dma_wait3A_37 : memref<320xi32, #tpu.memory_space<hbm>>)
      tpu.yield
    }) : () -> ()
    return
  }
}

#map = affine_map<(d0, d1) -> (0, 0)>
#map1 = affine_map<(d0, d1) -> (0)>
#map2 = affine_map<(d0, d1) -> (0, 0, 0)>
module attributes {stable_mosaic.version = 14 : i64} {
  func.func @_accum_body(%arg0: i32, %arg1: i32, %arg2: memref<10240x512xf32, #tpu.memory_space<hbm>>, %arg3: memref<327680xi32, #tpu.memory_space<hbm>>, %arg4: memref<1310720xf32, #tpu.memory_space<hbm>>, %arg5: memref<10240xi32, #tpu.memory_space<hbm>>, %arg6: memref<2x9088x128xf32, #tpu.memory_space<hbm>>, %arg7: memref<32x512xf32, #tpu.memory_space<vmem>>, %arg8: memref<4096xf32, #tpu.memory_space<vmem>>, %arg9: memref<1024xi32, #tpu.memory_space<vmem>>, %arg10: memref<32xi32, #tpu.memory_space<vmem>>, %arg11: memref<128x128xf32, #tpu.memory_space<vmem>>, %arg12: memref<128xi32, #tpu.memory_space<vmem>>, %arg13: memref<9088x128xf32, #tpu.memory_space<vmem_shared>>) attributes {dimension_semantics = [#tpu.dimension_semantics<core_parallel>, #tpu.dimension_semantics<subcore_parallel>], iteration_bounds = array<i64: 2, 16>, scalar_prefetch = 0 : i64, scratch_operands = 7 : i64, tpu.core_type = #tpu.core_type<sc_vector_subcore>, window_params = [{transform_indices = #map}, {transform_indices = #map1}, {transform_indices = #map1}, {transform_indices = #map1}, {transform_indices = #map2}]} {
    %mul3A = arith.constant 2 : i32
    %mul3A_0 = arith.muli %arg1, %mul3A : i32
    %add3A = arith.addi %mul3A_0, %arg0 : i32
    %iota3A = tpu.iota {dimensions = array<i32: 0>} : vector<16xi32>
    %eq3A = arith.constant 0 : i32
    %eq3A_1 = vector.broadcast %eq3A : i32 to vector<16xi32>
    %eq3A_2 = arith.cmpi eq, %iota3A, %eq3A_1 : vector<16xi32>
    %broadcast_in_dim3A = arith.constant 0.000000e+00 : f32
    %broadcast_in_dim3A_3 = vector.broadcast %broadcast_in_dim3A : f32 to vector<16xf32>
    %broadcast_in_dim3A_4 = arith.constant 0 : i32
    %broadcast_in_dim3A_5 = vector.broadcast %broadcast_in_dim3A_4 : i32 to vector<16xi32>
    %scan3A = arith.constant 0 : i32
    %scan3A_6 = arith.constant 0 : i32
    %scan3A_7 = arith.constant 128 : i32
    %scan3A_8 = arith.addi %scan3A_6, %scan3A_7 : i32
    %scan3A_9 = arith.constant 1 : i32
    scf.for %scan3A_51 = %scan3A_6 to %scan3A_8 step %scan3A_9  : i32 {
      %swap3A = arith.index_cast %scan3A_51 : i32 to index
      %swap3A_52 = arith.constant 0 : index
      %swap3A_53 = tpu.vector_load %arg11[%swap3A, %swap3A_52] {strides = array<i32>} : memref<128x128xf32, #tpu.memory_space<vmem>>, vector<16xf32>,
      tpu.vector_store %arg11[%swap3A, %swap3A_52], %broadcast_in_dim3A_3 {strides = array<i32>} : memref<128x128xf32, #tpu.memory_space<vmem>>, vector<16xf32>,
      %swap3A_54 = arith.index_cast %scan3A_51 : i32 to index
      %swap3A_55 = arith.constant 16 : index
      %swap3A_56 = tpu.vector_load %arg11[%swap3A_54, %swap3A_55] {strides = array<i32>} : memref<128x128xf32, #tpu.memory_space<vmem>>, vector<16xf32>,
      tpu.vector_store %arg11[%swap3A_54, %swap3A_55], %broadcast_in_dim3A_3 {strides = array<i32>} : memref<128x128xf32, #tpu.memory_space<vmem>>, vector<16xf32>,
      %swap3A_57 = arith.index_cast %scan3A_51 : i32 to index
      %swap3A_58 = arith.constant 32 : index
      %swap3A_59 = tpu.vector_load %arg11[%swap3A_57, %swap3A_58] {strides = array<i32>} : memref<128x128xf32, #tpu.memory_space<vmem>>, vector<16xf32>,
      tpu.vector_store %arg11[%swap3A_57, %swap3A_58], %broadcast_in_dim3A_3 {strides = array<i32>} : memref<128x128xf32, #tpu.memory_space<vmem>>, vector<16xf32>,
      %swap3A_60 = arith.index_cast %scan3A_51 : i32 to index
      %swap3A_61 = arith.constant 48 : index
      %swap3A_62 = tpu.vector_load %arg11[%swap3A_60, %swap3A_61] {strides = array<i32>} : memref<128x128xf32, #tpu.memory_space<vmem>>, vector<16xf32>,
      tpu.vector_store %arg11[%swap3A_60, %swap3A_61], %broadcast_in_dim3A_3 {strides = array<i32>} : memref<128x128xf32, #tpu.memory_space<vmem>>, vector<16xf32>,
      %swap3A_63 = arith.index_cast %scan3A_51 : i32 to index
      %swap3A_64 = arith.constant 64 : index
      %swap3A_65 = tpu.vector_load %arg11[%swap3A_63, %swap3A_64] {strides = array<i32>} : memref<128x128xf32, #tpu.memory_space<vmem>>, vector<16xf32>,
      tpu.vector_store %arg11[%swap3A_63, %swap3A_64], %broadcast_in_dim3A_3 {strides = array<i32>} : memref<128x128xf32, #tpu.memory_space<vmem>>, vector<16xf32>,
      %swap3A_66 = arith.index_cast %scan3A_51 : i32 to index
      %swap3A_67 = arith.constant 80 : index
      %swap3A_68 = tpu.vector_load %arg11[%swap3A_66, %swap3A_67] {strides = array<i32>} : memref<128x128xf32, #tpu.memory_space<vmem>>, vector<16xf32>,
      tpu.vector_store %arg11[%swap3A_66, %swap3A_67], %broadcast_in_dim3A_3 {strides = array<i32>} : memref<128x128xf32, #tpu.memory_space<vmem>>, vector<16xf32>,
      %swap3A_69 = arith.index_cast %scan3A_51 : i32 to index
      %swap3A_70 = arith.constant 96 : index
      %swap3A_71 = tpu.vector_load %arg11[%swap3A_69, %swap3A_70] {strides = array<i32>} : memref<128x128xf32, #tpu.memory_space<vmem>>, vector<16xf32>,
      tpu.vector_store %arg11[%swap3A_69, %swap3A_70], %broadcast_in_dim3A_3 {strides = array<i32>} : memref<128x128xf32, #tpu.memory_space<vmem>>, vector<16xf32>,
      %swap3A_72 = arith.index_cast %scan3A_51 : i32 to index
      %swap3A_73 = arith.constant 112 : index
      %swap3A_74 = tpu.vector_load %arg11[%swap3A_72, %swap3A_73] {strides = array<i32>} : memref<128x128xf32, #tpu.memory_space<vmem>>, vector<16xf32>,
      tpu.vector_store %arg11[%swap3A_72, %swap3A_73], %broadcast_in_dim3A_3 {strides = array<i32>} : memref<128x128xf32, #tpu.memory_space<vmem>>, vector<16xf32>,
    }
    %scan3A_10 = arith.constant 128 : i32
    %mul3A_11 = arith.constant 568 : i32
    %mul3A_12 = arith.muli %arg1, %mul3A_11 : i32
    %add3A_13 = arith.constant 0 : i32
    %add3A_14 = arith.addi %mul3A_12, %add3A_13 : i32
    "tpu.region"() ({
      %run_scoped3A = tpu.sem_alloc : memref<!tpu.dma_semaphore, #tpu.memory_space<semaphore_mem>>
      %dma_start3A = arith.constant 0 : i32
      %dma_start3A_51 = tpu.memref_slice %arg13[%add3A_14, %dma_start3A] : memref<9088x128xf32, #tpu.memory_space<vmem_shared>> -> memref<128x128xf32, #tpu.memory_space<vmem_shared>>
      %dma_start3A_52 = arith.constant 0 : i32
      %dma_start3A_53 = tpu.memref_slice %arg13[%add3A_14, %dma_start3A_52] : memref<9088x128xf32, #tpu.memory_space<vmem_shared>> -> memref<128x128xf32, #tpu.memory_space<vmem_shared>>
      tpu.enqueue_dma source(%arg11 : memref<128x128xf32, #tpu.memory_space<vmem>>) target(%dma_start3A_53 : memref<128x128xf32, #tpu.memory_space<vmem_shared>>) target_semaphore(%run_scoped3A : memref<!tpu.dma_semaphore, #tpu.memory_space<semaphore_mem>>)
      %dma_wait3A = arith.constant 0 : i32
      %dma_wait3A_54 = tpu.memref_slice %arg13[%add3A_14, %dma_wait3A] : memref<9088x128xf32, #tpu.memory_space<vmem_shared>> -> memref<128x128xf32, #tpu.memory_space<vmem_shared>>
      %dma_wait3A_55 = arith.constant 0 : i32
      %dma_wait3A_56 = tpu.memref_slice %arg13[%add3A_14, %dma_wait3A_55] : memref<9088x128xf32, #tpu.memory_space<vmem_shared>> -> memref<128x128xf32, #tpu.memory_space<vmem_shared>>
      tpu.wait_dma2 semaphore(%run_scoped3A : memref<!tpu.dma_semaphore, #tpu.memory_space<semaphore_mem>>) src(%arg11 : memref<128x128xf32, #tpu.memory_space<vmem>>) dst(%dma_wait3A_56 : memref<128x128xf32, #tpu.memory_space<vmem_shared>>)
      tpu.yield
    }) : () -> ()
    %mul3A_15 = arith.constant 568 : i32
    %mul3A_16 = arith.muli %arg1, %mul3A_15 : i32
    %add3A_17 = arith.constant 128 : i32
    %add3A_18 = arith.addi %mul3A_16, %add3A_17 : i32
    "tpu.region"() ({
      %run_scoped3A = tpu.sem_alloc : memref<!tpu.dma_semaphore, #tpu.memory_space<semaphore_mem>>
      %dma_start3A = arith.constant 0 : i32
      %dma_start3A_51 = tpu.memref_slice %arg13[%add3A_18, %dma_start3A] : memref<9088x128xf32, #tpu.memory_space<vmem_shared>> -> memref<128x128xf32, #tpu.memory_space<vmem_shared>>
      %dma_start3A_52 = arith.constant 0 : i32
      %dma_start3A_53 = tpu.memref_slice %arg13[%add3A_18, %dma_start3A_52] : memref<9088x128xf32, #tpu.memory_space<vmem_shared>> -> memref<128x128xf32, #tpu.memory_space<vmem_shared>>
      tpu.enqueue_dma source(%arg11 : memref<128x128xf32, #tpu.memory_space<vmem>>) target(%dma_start3A_53 : memref<128x128xf32, #tpu.memory_space<vmem_shared>>) target_semaphore(%run_scoped3A : memref<!tpu.dma_semaphore, #tpu.memory_space<semaphore_mem>>)
      %dma_wait3A = arith.constant 0 : i32
      %dma_wait3A_54 = tpu.memref_slice %arg13[%add3A_18, %dma_wait3A] : memref<9088x128xf32, #tpu.memory_space<vmem_shared>> -> memref<128x128xf32, #tpu.memory_space<vmem_shared>>
      %dma_wait3A_55 = arith.constant 0 : i32
      %dma_wait3A_56 = tpu.memref_slice %arg13[%add3A_18, %dma_wait3A_55] : memref<9088x128xf32, #tpu.memory_space<vmem_shared>> -> memref<128x128xf32, #tpu.memory_space<vmem_shared>>
      tpu.wait_dma2 semaphore(%run_scoped3A : memref<!tpu.dma_semaphore, #tpu.memory_space<semaphore_mem>>) src(%arg11 : memref<128x128xf32, #tpu.memory_space<vmem>>) dst(%dma_wait3A_56 : memref<128x128xf32, #tpu.memory_space<vmem_shared>>)
      tpu.yield
    }) : () -> ()
    %mul3A_19 = arith.constant 568 : i32
    %mul3A_20 = arith.muli %arg1, %mul3A_19 : i32
    %add3A_21 = arith.constant 256 : i32
    %add3A_22 = arith.addi %mul3A_20, %add3A_21 : i32
    "tpu.region"() ({
      %run_scoped3A = tpu.sem_alloc : memref<!tpu.dma_semaphore, #tpu.memory_space<semaphore_mem>>
      %dma_start3A = arith.constant 0 : i32
      %dma_start3A_51 = tpu.memref_slice %arg13[%add3A_22, %dma_start3A] : memref<9088x128xf32, #tpu.memory_space<vmem_shared>> -> memref<128x128xf32, #tpu.memory_space<vmem_shared>>
      %dma_start3A_52 = arith.constant 0 : i32
      %dma_start3A_53 = tpu.memref_slice %arg13[%add3A_22, %dma_start3A_52] : memref<9088x128xf32, #tpu.memory_space<vmem_shared>> -> memref<128x128xf32, #tpu.memory_space<vmem_shared>>
      tpu.enqueue_dma source(%arg11 : memref<128x128xf32, #tpu.memory_space<vmem>>) target(%dma_start3A_53 : memref<128x128xf32, #tpu.memory_space<vmem_shared>>) target_semaphore(%run_scoped3A : memref<!tpu.dma_semaphore, #tpu.memory_space<semaphore_mem>>)
      %dma_wait3A = arith.constant 0 : i32
      %dma_wait3A_54 = tpu.memref_slice %arg13[%add3A_22, %dma_wait3A] : memref<9088x128xf32, #tpu.memory_space<vmem_shared>> -> memref<128x128xf32, #tpu.memory_space<vmem_shared>>
      %dma_wait3A_55 = arith.constant 0 : i32
      %dma_wait3A_56 = tpu.memref_slice %arg13[%add3A_22, %dma_wait3A_55] : memref<9088x128xf32, #tpu.memory_space<vmem_shared>> -> memref<128x128xf32, #tpu.memory_space<vmem_shared>>
      tpu.wait_dma2 semaphore(%run_scoped3A : memref<!tpu.dma_semaphore, #tpu.memory_space<semaphore_mem>>) src(%arg11 : memref<128x128xf32, #tpu.memory_space<vmem>>) dst(%dma_wait3A_56 : memref<128x128xf32, #tpu.memory_space<vmem_shared>>)
      tpu.yield
    }) : () -> ()
    %mul3A_23 = arith.constant 568 : i32
    %mul3A_24 = arith.muli %arg1, %mul3A_23 : i32
    %add3A_25 = arith.constant 384 : i32
    %add3A_26 = arith.addi %mul3A_24, %add3A_25 : i32
    "tpu.region"() ({
      %run_scoped3A = tpu.sem_alloc : memref<!tpu.dma_semaphore, #tpu.memory_space<semaphore_mem>>
      %dma_start3A = arith.constant 0 : i32
      %dma_start3A_51 = tpu.memref_slice %arg13[%add3A_26, %dma_start3A] : memref<9088x128xf32, #tpu.memory_space<vmem_shared>> -> memref<128x128xf32, #tpu.memory_space<vmem_shared>>
      %dma_start3A_52 = arith.constant 0 : i32
      %dma_start3A_53 = tpu.memref_slice %arg13[%add3A_26, %dma_start3A_52] : memref<9088x128xf32, #tpu.memory_space<vmem_shared>> -> memref<128x128xf32, #tpu.memory_space<vmem_shared>>
      tpu.enqueue_dma source(%arg11 : memref<128x128xf32, #tpu.memory_space<vmem>>) target(%dma_start3A_53 : memref<128x128xf32, #tpu.memory_space<vmem_shared>>) target_semaphore(%run_scoped3A : memref<!tpu.dma_semaphore, #tpu.memory_space<semaphore_mem>>)
      %dma_wait3A = arith.constant 0 : i32
      %dma_wait3A_54 = tpu.memref_slice %arg13[%add3A_26, %dma_wait3A] : memref<9088x128xf32, #tpu.memory_space<vmem_shared>> -> memref<128x128xf32, #tpu.memory_space<vmem_shared>>
      %dma_wait3A_55 = arith.constant 0 : i32
      %dma_wait3A_56 = tpu.memref_slice %arg13[%add3A_26, %dma_wait3A_55] : memref<9088x128xf32, #tpu.memory_space<vmem_shared>> -> memref<128x128xf32, #tpu.memory_space<vmem_shared>>
      tpu.wait_dma2 semaphore(%run_scoped3A : memref<!tpu.dma_semaphore, #tpu.memory_space<semaphore_mem>>) src(%arg11 : memref<128x128xf32, #tpu.memory_space<vmem>>) dst(%dma_wait3A_56 : memref<128x128xf32, #tpu.memory_space<vmem_shared>>)
      tpu.yield
    }) : () -> ()
    %mul3A_27 = arith.constant 568 : i32
    %mul3A_28 = arith.muli %arg1, %mul3A_27 : i32
    %add3A_29 = arith.constant 512 : i32
    %add3A_30 = arith.addi %mul3A_28, %add3A_29 : i32
    "tpu.region"() ({
      %run_scoped3A = tpu.sem_alloc : memref<!tpu.dma_semaphore, #tpu.memory_space<semaphore_mem>>
      %dma_start3A = arith.constant 0 : i32
      %dma_start3A_51 = arith.constant 0 : i32
      %dma_start3A_52 = tpu.memref_slice %arg11[%dma_start3A, %dma_start3A_51] : memref<128x128xf32, #tpu.memory_space<vmem>> -> memref<56x128xf32, #tpu.memory_space<vmem>>
      %dma_start3A_53 = arith.constant 0 : i32
      %dma_start3A_54 = tpu.memref_slice %arg13[%add3A_30, %dma_start3A_53] : memref<9088x128xf32, #tpu.memory_space<vmem_shared>> -> memref<56x128xf32, #tpu.memory_space<vmem_shared>>
      %dma_start3A_55 = arith.constant 0 : i32
      %dma_start3A_56 = tpu.memref_slice %arg13[%add3A_30, %dma_start3A_55] : memref<9088x128xf32, #tpu.memory_space<vmem_shared>> -> memref<56x128xf32, #tpu.memory_space<vmem_shared>>
      %dma_start3A_57 = arith.constant 0 : i32
      %dma_start3A_58 = arith.constant 0 : i32
      %dma_start3A_59 = tpu.memref_slice %arg11[%dma_start3A_57, %dma_start3A_58] : memref<128x128xf32, #tpu.memory_space<vmem>> -> memref<56x128xf32, #tpu.memory_space<vmem>>
      tpu.enqueue_dma source(%dma_start3A_59 : memref<56x128xf32, #tpu.memory_space<vmem>>) target(%dma_start3A_56 : memref<56x128xf32, #tpu.memory_space<vmem_shared>>) target_semaphore(%run_scoped3A : memref<!tpu.dma_semaphore, #tpu.memory_space<semaphore_mem>>)
      %dma_wait3A = arith.constant 0 : i32
      %dma_wait3A_60 = arith.constant 0 : i32
      %dma_wait3A_61 = tpu.memref_slice %arg11[%dma_wait3A, %dma_wait3A_60] : memref<128x128xf32, #tpu.memory_space<vmem>> -> memref<56x128xf32, #tpu.memory_space<vmem>>
      %dma_wait3A_62 = arith.constant 0 : i32
      %dma_wait3A_63 = tpu.memref_slice %arg13[%add3A_30, %dma_wait3A_62] : memref<9088x128xf32, #tpu.memory_space<vmem_shared>> -> memref<56x128xf32, #tpu.memory_space<vmem_shared>>
      %dma_wait3A_64 = arith.constant 0 : i32
      %dma_wait3A_65 = tpu.memref_slice %arg13[%add3A_30, %dma_wait3A_64] : memref<9088x128xf32, #tpu.memory_space<vmem_shared>> -> memref<56x128xf32, #tpu.memory_space<vmem_shared>>
      %dma_wait3A_66 = arith.constant 0 : i32
      %dma_wait3A_67 = arith.constant 0 : i32
      %dma_wait3A_68 = tpu.memref_slice %arg11[%dma_wait3A_66, %dma_wait3A_67] : memref<128x128xf32, #tpu.memory_space<vmem>> -> memref<56x128xf32, #tpu.memory_space<vmem>>
      tpu.wait_dma2 semaphore(%run_scoped3A : memref<!tpu.dma_semaphore, #tpu.memory_space<semaphore_mem>>) src(%dma_wait3A_68 : memref<56x128xf32, #tpu.memory_space<vmem>>) dst(%dma_wait3A_65 : memref<56x128xf32, #tpu.memory_space<vmem_shared>>)
      tpu.yield
    }) : () -> ()
    %barrier3A = arith.constant 0 : index
    tpu.barrier barrier_id(%barrier3A)
    %mul3A_31 = arith.constant 320 : i32
    %mul3A_32 = arith.muli %add3A, %mul3A_31 : i32
    %scan3A_33 = arith.constant 0 : i32
    %scan3A_34 = arith.constant 0 : i32
    %scan3A_35 = arith.constant 10 : i32
    %scan3A_36 = arith.addi %scan3A_34, %scan3A_35 : i32
    %scan3A_37 = arith.constant 1 : i32
    %scan3A_38 = scf.for %scan3A_51 = %scan3A_34 to %scan3A_36 step %scan3A_37 iter_args(%scan3A_52 = %scan3A_33) -> (i32)  : i32 {
      %mul3A_53 = arith.constant 32 : i32
      %mul3A_54 = arith.muli %scan3A_51, %mul3A_53 : i32
      %add3A_55 = arith.addi %mul3A_32, %mul3A_54 : i32
      "tpu.region"() ({
        %run_scoped3A = tpu.sem_alloc : memref<!tpu.dma_semaphore, #tpu.memory_space<semaphore_mem>>
        %dma_start3A = arith.constant 0 : i32
        %dma_start3A_68 = tpu.memref_slice %arg2[%add3A_55, %dma_start3A] : memref<10240x512xf32, #tpu.memory_space<hbm>> -> memref<32x512xf32, #tpu.memory_space<hbm>>
        %dma_start3A_69 = arith.constant 0 : i32
        %dma_start3A_70 = tpu.memref_slice %arg2[%add3A_55, %dma_start3A_69] : memref<10240x512xf32, #tpu.memory_space<hbm>> -> memref<32x512xf32, #tpu.memory_space<hbm>>
        tpu.enqueue_dma source(%dma_start3A_70 : memref<32x512xf32, #tpu.memory_space<hbm>>) target(%arg7 : memref<32x512xf32, #tpu.memory_space<vmem>>) target_semaphore(%run_scoped3A : memref<!tpu.dma_semaphore, #tpu.memory_space<semaphore_mem>>)
        %dma_wait3A = arith.constant 0 : i32
        %dma_wait3A_71 = tpu.memref_slice %arg2[%add3A_55, %dma_wait3A] : memref<10240x512xf32, #tpu.memory_space<hbm>> -> memref<32x512xf32, #tpu.memory_space<hbm>>
        %dma_wait3A_72 = arith.constant 0 : i32
        %dma_wait3A_73 = tpu.memref_slice %arg2[%add3A_55, %dma_wait3A_72] : memref<10240x512xf32, #tpu.memory_space<hbm>> -> memref<32x512xf32, #tpu.memory_space<hbm>>
        tpu.wait_dma2 semaphore(%run_scoped3A : memref<!tpu.dma_semaphore, #tpu.memory_space<semaphore_mem>>) src(%dma_wait3A_73 : memref<32x512xf32, #tpu.memory_space<hbm>>) dst(%arg7 : memref<32x512xf32, #tpu.memory_space<vmem>>)
        tpu.yield
      }) : () -> ()
      %mul3A_56 = arith.constant 4 : i32
      %mul3A_57 = arith.muli %add3A_55, %mul3A_56 : i32
      %mul3A_58 = arith.constant 32 : i32
      %mul3A_59 = arith.muli %mul3A_57, %mul3A_58 : i32
      "tpu.region"() ({
        %run_scoped3A = tpu.sem_alloc : memref<!tpu.dma_semaphore, #tpu.memory_space<semaphore_mem>>
        %dma_start3A = tpu.memref_slice %arg4[%mul3A_59] : memref<1310720xf32, #tpu.memory_space<hbm>> -> memref<4096xf32, #tpu.memory_space<hbm>>
        %dma_start3A_68 = tpu.memref_slice %arg4[%mul3A_59] : memref<1310720xf32, #tpu.memory_space<hbm>> -> memref<4096xf32, #tpu.memory_space<hbm>>
        tpu.enqueue_dma source(%dma_start3A_68 : memref<4096xf32, #tpu.memory_space<hbm>>) target(%arg8 : memref<4096xf32, #tpu.memory_space<vmem>>) target_semaphore(%run_scoped3A : memref<!tpu.dma_semaphore, #tpu.memory_space<semaphore_mem>>)
        %dma_wait3A = tpu.memref_slice %arg4[%mul3A_59] : memref<1310720xf32, #tpu.memory_space<hbm>> -> memref<4096xf32, #tpu.memory_space<hbm>>
        %dma_wait3A_69 = tpu.memref_slice %arg4[%mul3A_59] : memref<1310720xf32, #tpu.memory_space<hbm>> -> memref<4096xf32, #tpu.memory_space<hbm>>
        tpu.wait_dma2 semaphore(%run_scoped3A : memref<!tpu.dma_semaphore, #tpu.memory_space<semaphore_mem>>) src(%dma_wait3A_69 : memref<4096xf32, #tpu.memory_space<hbm>>) dst(%arg8 : memref<4096xf32, #tpu.memory_space<vmem>>)
        tpu.yield
      }) : () -> ()
      %mul3A_60 = arith.constant 32 : i32
      %mul3A_61 = arith.muli %add3A_55, %mul3A_60 : i32
      "tpu.region"() ({
        %run_scoped3A = tpu.sem_alloc : memref<!tpu.dma_semaphore, #tpu.memory_space<semaphore_mem>>
        %dma_start3A = tpu.memref_slice %arg3[%mul3A_61] : memref<327680xi32, #tpu.memory_space<hbm>> -> memref<1024xi32, #tpu.memory_space<hbm>>
        %dma_start3A_68 = tpu.memref_slice %arg3[%mul3A_61] : memref<327680xi32, #tpu.memory_space<hbm>> -> memref<1024xi32, #tpu.memory_space<hbm>>
        tpu.enqueue_dma source(%dma_start3A_68 : memref<1024xi32, #tpu.memory_space<hbm>>) target(%arg9 : memref<1024xi32, #tpu.memory_space<vmem>>) target_semaphore(%run_scoped3A : memref<!tpu.dma_semaphore, #tpu.memory_space<semaphore_mem>>)
        %dma_wait3A = tpu.memref_slice %arg3[%mul3A_61] : memref<327680xi32, #tpu.memory_space<hbm>> -> memref<1024xi32, #tpu.memory_space<hbm>>
        %dma_wait3A_69 = tpu.memref_slice %arg3[%mul3A_61] : memref<327680xi32, #tpu.memory_space<hbm>> -> memref<1024xi32, #tpu.memory_space<hbm>>
        tpu.wait_dma2 semaphore(%run_scoped3A : memref<!tpu.dma_semaphore, #tpu.memory_space<semaphore_mem>>) src(%dma_wait3A_69 : memref<1024xi32, #tpu.memory_space<hbm>>) dst(%arg9 : memref<1024xi32, #tpu.memory_space<vmem>>)
        tpu.yield
      }) : () -> ()
      "tpu.region"() ({
        %run_scoped3A = tpu.sem_alloc : memref<!tpu.dma_semaphore, #tpu.memory_space<semaphore_mem>>
        %dma_start3A = tpu.memref_slice %arg5[%add3A_55] : memref<10240xi32, #tpu.memory_space<hbm>> -> memref<32xi32, #tpu.memory_space<hbm>>
        %dma_start3A_68 = tpu.memref_slice %arg5[%add3A_55] : memref<10240xi32, #tpu.memory_space<hbm>> -> memref<32xi32, #tpu.memory_space<hbm>>
        tpu.enqueue_dma source(%dma_start3A_68 : memref<32xi32, #tpu.memory_space<hbm>>) target(%arg10 : memref<32xi32, #tpu.memory_space<vmem>>) target_semaphore(%run_scoped3A : memref<!tpu.dma_semaphore, #tpu.memory_space<semaphore_mem>>)
        %dma_wait3A = tpu.memref_slice %arg5[%add3A_55] : memref<10240xi32, #tpu.memory_space<hbm>> -> memref<32xi32, #tpu.memory_space<hbm>>
        %dma_wait3A_69 = tpu.memref_slice %arg5[%add3A_55] : memref<10240xi32, #tpu.memory_space<hbm>> -> memref<32xi32, #tpu.memory_space<hbm>>
        tpu.wait_dma2 semaphore(%run_scoped3A : memref<!tpu.dma_semaphore, #tpu.memory_space<semaphore_mem>>) src(%dma_wait3A_69 : memref<32xi32, #tpu.memory_space<hbm>>) dst(%arg10 : memref<32xi32, #tpu.memory_space<vmem>>)
        tpu.yield
      }) : () -> ()
      %scan3A_62 = arith.constant 0 : i32
      %scan3A_63 = arith.constant 32 : i32
      %scan3A_64 = arith.addi %scan3A_62, %scan3A_63 : i32
      %scan3A_65 = arith.constant 1 : i32
      %scan3A_66 = scf.for %scan3A_68 = %scan3A_62 to %scan3A_64 step %scan3A_65 iter_args(%scan3A_69 = %scan3A_52) -> (i32)  : i32 {
        %broadcast_in_dim3A_70 = arith.constant 0 : i32
        %broadcast_in_dim3A_71 = vector.broadcast %broadcast_in_dim3A_70 : i32 to vector<16xi32>
        %add3A_72 = vector.broadcast %scan3A_68 : i32 to vector<16xi32>
        %add3A_73 = arith.addi %broadcast_in_dim3A_71, %add3A_72 : vector<16xi32>
        %gather3A = tpu.vector_load_idx %arg10[%add3A_73] : memref<32xi32, #tpu.memory_space<vmem>>[vector<16xi32>], vector<16xi32>,
        %slice3A = vector.extract_strided_slice %gather3A {offsets = [0], sizes = [1], strides = [1]} : vector<16xi32> to vector<1xi32>
        %squeeze3A = vector.extract %slice3A[0] : i32 from vector<1xi32>
        %broadcast_in_dim3A_74 = arith.constant 0 : i32
        %broadcast_in_dim3A_75 = vector.broadcast %broadcast_in_dim3A_74 : i32 to vector<16xi32>
        %add3A_76 = vector.broadcast %scan3A_68 : i32 to vector<16xi32>
        %add3A_77 = arith.addi %broadcast_in_dim3A_75, %add3A_76 : vector<16xi32>
        %get3A = arith.index_cast %scan3A_68 : i32 to index
        %get3A_78 = arith.constant 0 : index
        %get3A_79 = tpu.vector_load %arg7[%get3A, %get3A_78] {strides = array<i32>} : memref<32x512xf32, #tpu.memory_space<vmem>>, vector<16xf32>,
        %get3A_80 = arith.index_cast %scan3A_68 : i32 to index
        %get3A_81 = arith.constant 16 : index
        %get3A_82 = tpu.vector_load %arg7[%get3A_80, %get3A_81] {strides = array<i32>} : memref<32x512xf32, #tpu.memory_space<vmem>>, vector<16xf32>,
        %get3A_83 = arith.index_cast %scan3A_68 : i32 to index
        %get3A_84 = arith.constant 32 : index
        %get3A_85 = tpu.vector_load %arg7[%get3A_83, %get3A_84] {strides = array<i32>} : memref<32x512xf32, #tpu.memory_space<vmem>>, vector<16xf32>,
        %get3A_86 = arith.index_cast %scan3A_68 : i32 to index
        %get3A_87 = arith.constant 48 : index
        %get3A_88 = tpu.vector_load %arg7[%get3A_86, %get3A_87] {strides = array<i32>} : memref<32x512xf32, #tpu.memory_space<vmem>>, vector<16xf32>,
        %get3A_89 = arith.index_cast %scan3A_68 : i32 to index
        %get3A_90 = arith.constant 64 : index
        %get3A_91 = tpu.vector_load %arg7[%get3A_89, %get3A_90] {strides = array<i32>} : memref<32x512xf32, #tpu.memory_space<vmem>>, vector<16xf32>,
        %get3A_92 = arith.index_cast %scan3A_68 : i32 to index
        %get3A_93 = arith.constant 80 : index
        %get3A_94 = tpu.vector_load %arg7[%get3A_92, %get3A_93] {strides = array<i32>} : memref<32x512xf32, #tpu.memory_space<vmem>>, vector<16xf32>,
        %get3A_95 = arith.index_cast %scan3A_68 : i32 to index
        %get3A_96 = arith.constant 96 : index
        %get3A_97 = tpu.vector_load %arg7[%get3A_95, %get3A_96] {strides = array<i32>} : memref<32x512xf32, #tpu.memory_space<vmem>>, vector<16xf32>,
        %get3A_98 = arith.index_cast %scan3A_68 : i32 to index
        %get3A_99 = arith.constant 112 : index
        %get3A_100 = tpu.vector_load %arg7[%get3A_98, %get3A_99] {strides = array<i32>} : memref<32x512xf32, #tpu.memory_space<vmem>>, vector<16xf32>,
        %get3A_101 = arith.index_cast %scan3A_68 : i32 to index
        %get3A_102 = arith.constant 128 : index
        %get3A_103 = tpu.vector_load %arg7[%get3A_101, %get3A_102] {strides = array<i32>} : memref<32x512xf32, #tpu.memory_space<vmem>>, vector<16xf32>,
        %get3A_104 = arith.index_cast %scan3A_68 : i32 to index
        %get3A_105 = arith.constant 144 : index
        %get3A_106 = tpu.vector_load %arg7[%get3A_104, %get3A_105] {strides = array<i32>} : memref<32x512xf32, #tpu.memory_space<vmem>>, vector<16xf32>,
        %get3A_107 = arith.index_cast %scan3A_68 : i32 to index
        %get3A_108 = arith.constant 160 : index
        %get3A_109 = tpu.vector_load %arg7[%get3A_107, %get3A_108] {strides = array<i32>} : memref<32x512xf32, #tpu.memory_space<vmem>>, vector<16xf32>,
        %get3A_110 = arith.index_cast %scan3A_68 : i32 to index
        %get3A_111 = arith.constant 176 : index
        %get3A_112 = tpu.vector_load %arg7[%get3A_110, %get3A_111] {strides = array<i32>} : memref<32x512xf32, #tpu.memory_space<vmem>>, vector<16xf32>,
        %get3A_113 = arith.index_cast %scan3A_68 : i32 to index
        %get3A_114 = arith.constant 192 : index
        %get3A_115 = tpu.vector_load %arg7[%get3A_113, %get3A_114] {strides = array<i32>} : memref<32x512xf32, #tpu.memory_space<vmem>>, vector<16xf32>,
        %get3A_116 = arith.index_cast %scan3A_68 : i32 to index
        %get3A_117 = arith.constant 208 : index
        %get3A_118 = tpu.vector_load %arg7[%get3A_116, %get3A_117] {strides = array<i32>} : memref<32x512xf32, #tpu.memory_space<vmem>>, vector<16xf32>,
        %get3A_119 = arith.index_cast %scan3A_68 : i32 to index
        %get3A_120 = arith.constant 224 : index
        %get3A_121 = tpu.vector_load %arg7[%get3A_119, %get3A_120] {strides = array<i32>} : memref<32x512xf32, #tpu.memory_space<vmem>>, vector<16xf32>,
        %get3A_122 = arith.index_cast %scan3A_68 : i32 to index
        %get3A_123 = arith.constant 240 : index
        %get3A_124 = tpu.vector_load %arg7[%get3A_122, %get3A_123] {strides = array<i32>} : memref<32x512xf32, #tpu.memory_space<vmem>>, vector<16xf32>,
        %get3A_125 = arith.index_cast %scan3A_68 : i32 to index
        %get3A_126 = arith.constant 256 : index
        %get3A_127 = tpu.vector_load %arg7[%get3A_125, %get3A_126] {strides = array<i32>} : memref<32x512xf32, #tpu.memory_space<vmem>>, vector<16xf32>,
        %get3A_128 = arith.index_cast %scan3A_68 : i32 to index
        %get3A_129 = arith.constant 272 : index
        %get3A_130 = tpu.vector_load %arg7[%get3A_128, %get3A_129] {strides = array<i32>} : memref<32x512xf32, #tpu.memory_space<vmem>>, vector<16xf32>,
        %get3A_131 = arith.index_cast %scan3A_68 : i32 to index
        %get3A_132 = arith.constant 288 : index
        %get3A_133 = tpu.vector_load %arg7[%get3A_131, %get3A_132] {strides = array<i32>} : memref<32x512xf32, #tpu.memory_space<vmem>>, vector<16xf32>,
        %get3A_134 = arith.index_cast %scan3A_68 : i32 to index
        %get3A_135 = arith.constant 304 : index
        %get3A_136 = tpu.vector_load %arg7[%get3A_134, %get3A_135] {strides = array<i32>} : memref<32x512xf32, #tpu.memory_space<vmem>>, vector<16xf32>,
        %get3A_137 = arith.index_cast %scan3A_68 : i32 to index
        %get3A_138 = arith.constant 320 : index
        %get3A_139 = tpu.vector_load %arg7[%get3A_137, %get3A_138] {strides = array<i32>} : memref<32x512xf32, #tpu.memory_space<vmem>>, vector<16xf32>,
        %get3A_140 = arith.index_cast %scan3A_68 : i32 to index
        %get3A_141 = arith.constant 336 : index
        %get3A_142 = tpu.vector_load %arg7[%get3A_140, %get3A_141] {strides = array<i32>} : memref<32x512xf32, #tpu.memory_space<vmem>>, vector<16xf32>,
        %get3A_143 = arith.index_cast %scan3A_68 : i32 to index
        %get3A_144 = arith.constant 352 : index
        %get3A_145 = tpu.vector_load %arg7[%get3A_143, %get3A_144] {strides = array<i32>} : memref<32x512xf32, #tpu.memory_space<vmem>>, vector<16xf32>,
        %get3A_146 = arith.index_cast %scan3A_68 : i32 to index
        %get3A_147 = arith.constant 368 : index
        %get3A_148 = tpu.vector_load %arg7[%get3A_146, %get3A_147] {strides = array<i32>} : memref<32x512xf32, #tpu.memory_space<vmem>>, vector<16xf32>,
        %get3A_149 = arith.index_cast %scan3A_68 : i32 to index
        %get3A_150 = arith.constant 384 : index
        %get3A_151 = tpu.vector_load %arg7[%get3A_149, %get3A_150] {strides = array<i32>} : memref<32x512xf32, #tpu.memory_space<vmem>>, vector<16xf32>,
        %get3A_152 = arith.index_cast %scan3A_68 : i32 to index
        %get3A_153 = arith.constant 400 : index
        %get3A_154 = tpu.vector_load %arg7[%get3A_152, %get3A_153] {strides = array<i32>} : memref<32x512xf32, #tpu.memory_space<vmem>>, vector<16xf32>,
        %get3A_155 = arith.index_cast %scan3A_68 : i32 to index
        %get3A_156 = arith.constant 416 : index
        %get3A_157 = tpu.vector_load %arg7[%get3A_155, %get3A_156] {strides = array<i32>} : memref<32x512xf32, #tpu.memory_space<vmem>>, vector<16xf32>,
        %get3A_158 = arith.index_cast %scan3A_68 : i32 to index
        %get3A_159 = arith.constant 432 : index
        %get3A_160 = tpu.vector_load %arg7[%get3A_158, %get3A_159] {strides = array<i32>} : memref<32x512xf32, #tpu.memory_space<vmem>>, vector<16xf32>,
        %get3A_161 = arith.index_cast %scan3A_68 : i32 to index
        %get3A_162 = arith.constant 448 : index
        %get3A_163 = tpu.vector_load %arg7[%get3A_161, %get3A_162] {strides = array<i32>} : memref<32x512xf32, #tpu.memory_space<vmem>>, vector<16xf32>,
        %get3A_164 = arith.index_cast %scan3A_68 : i32 to index
        %get3A_165 = arith.constant 464 : index
        %get3A_166 = tpu.vector_load %arg7[%get3A_164, %get3A_165] {strides = array<i32>} : memref<32x512xf32, #tpu.memory_space<vmem>>, vector<16xf32>,
        %get3A_167 = arith.index_cast %scan3A_68 : i32 to index
        %get3A_168 = arith.constant 480 : index
        %get3A_169 = tpu.vector_load %arg7[%get3A_167, %get3A_168] {strides = array<i32>} : memref<32x512xf32, #tpu.memory_space<vmem>>, vector<16xf32>,
        %get3A_170 = arith.index_cast %scan3A_68 : i32 to index
        %get3A_171 = arith.constant 496 : index
        %get3A_172 = tpu.vector_load %arg7[%get3A_170, %get3A_171] {strides = array<i32>} : memref<32x512xf32, #tpu.memory_space<vmem>>, vector<16xf32>,
        %while3A = arith.constant 0 : i32
        %while3A_173 = arith.subi %squeeze3A, %while3A : i32
        %while3A_174 = arith.addi %while3A, %while3A_173 : i32
        %while3A_175 = arith.constant 1 : i32
        %while3A_176 = arith.divsi %while3A_173, %while3A_175 : i32
        %while3A_177 = arith.muli %while3A_176, %while3A_175 : i32
        %while3A_178 = arith.addi %while3A, %while3A_177 : i32
        %while3A_179 = arith.constant 1 : i32
        %while3A_180 = scf.for %while3A_183 = %while3A to %while3A_178 step %while3A_179 iter_args(%while3A_184 = %scan3A_69) -> (i32)  : i32 {
          %mul3A_185 = arith.constant 128 : i32
          %mul3A_186 = vector.broadcast %mul3A_185 : i32 to vector<16xi32>
          %mul3A_187 = arith.muli %add3A_77, %mul3A_186 : vector<16xi32>
          %add3A_188 = vector.broadcast %while3A_183 : i32 to vector<16xi32>
          %add3A_189 = arith.addi %mul3A_187, %add3A_188 : vector<16xi32>
          %gather3A_190 = tpu.vector_load_idx %arg8[%add3A_189] : memref<4096xf32, #tpu.memory_space<vmem>>[vector<16xi32>], vector<16xf32>,
          %add3A_191 = arith.constant 32 : i32
          %add3A_192 = vector.broadcast %add3A_191 : i32 to vector<16xi32>
          %add3A_193 = arith.addi %add3A_189, %add3A_192 : vector<16xi32>
          %gather3A_194 = tpu.vector_load_idx %arg8[%add3A_193] : memref<4096xf32, #tpu.memory_space<vmem>>[vector<16xi32>], vector<16xf32>,
          %add3A_195 = arith.constant 64 : i32
          %add3A_196 = vector.broadcast %add3A_195 : i32 to vector<16xi32>
          %add3A_197 = arith.addi %add3A_189, %add3A_196 : vector<16xi32>
          %gather3A_198 = tpu.vector_load_idx %arg8[%add3A_197] : memref<4096xf32, #tpu.memory_space<vmem>>[vector<16xi32>], vector<16xf32>,
          %add3A_199 = arith.constant 96 : i32
          %add3A_200 = vector.broadcast %add3A_199 : i32 to vector<16xi32>
          %add3A_201 = arith.addi %add3A_189, %add3A_200 : vector<16xi32>
          %gather3A_202 = tpu.vector_load_idx %arg8[%add3A_201] : memref<4096xf32, #tpu.memory_space<vmem>>[vector<16xi32>], vector<16xf32>,
          %mul3A_203 = arith.mulf %get3A_79, %gather3A_190 : vector<16xf32>
          %mul3A_204 = arith.mulf %get3A_103, %gather3A_194 : vector<16xf32>
          %add3A_205 = arith.addf %mul3A_203, %mul3A_204 : vector<16xf32>
          %mul3A_206 = arith.mulf %get3A_127, %gather3A_198 : vector<16xf32>
          %add3A_207 = arith.addf %add3A_205, %mul3A_206 : vector<16xf32>
          %mul3A_208 = arith.mulf %get3A_151, %gather3A_202 : vector<16xf32>
          %add3A_209 = arith.addf %add3A_207, %mul3A_208 : vector<16xf32>
          %swap3A = arith.index_cast %while3A_184 : i32 to index
          %swap3A_210 = arith.constant 0 : index
          %swap3A_211 = tpu.vector_load %arg11[%swap3A, %swap3A_210] {strides = array<i32>} : memref<128x128xf32, #tpu.memory_space<vmem>>, vector<16xf32>,
          tpu.vector_store %arg11[%swap3A, %swap3A_210], %add3A_209 {strides = array<i32>} : memref<128x128xf32, #tpu.memory_space<vmem>>, vector<16xf32>,
          %mul3A_212 = arith.mulf %get3A_82, %gather3A_190 : vector<16xf32>
          %mul3A_213 = arith.mulf %get3A_106, %gather3A_194 : vector<16xf32>
          %add3A_214 = arith.addf %mul3A_212, %mul3A_213 : vector<16xf32>
          %mul3A_215 = arith.mulf %get3A_130, %gather3A_198 : vector<16xf32>
          %add3A_216 = arith.addf %add3A_214, %mul3A_215 : vector<16xf32>
          %mul3A_217 = arith.mulf %get3A_154, %gather3A_202 : vector<16xf32>
          %add3A_218 = arith.addf %add3A_216, %mul3A_217 : vector<16xf32>
          %swap3A_219 = arith.index_cast %while3A_184 : i32 to index
          %swap3A_220 = arith.constant 16 : index
          %swap3A_221 = tpu.vector_load %arg11[%swap3A_219, %swap3A_220] {strides = array<i32>} : memref<128x128xf32, #tpu.memory_space<vmem>>, vector<16xf32>,
          tpu.vector_store %arg11[%swap3A_219, %swap3A_220], %add3A_218 {strides = array<i32>} : memref<128x128xf32, #tpu.memory_space<vmem>>, vector<16xf32>,
          %mul3A_222 = arith.mulf %get3A_85, %gather3A_190 : vector<16xf32>
          %mul3A_223 = arith.mulf %get3A_109, %gather3A_194 : vector<16xf32>
          %add3A_224 = arith.addf %mul3A_222, %mul3A_223 : vector<16xf32>
          %mul3A_225 = arith.mulf %get3A_133, %gather3A_198 : vector<16xf32>
          %add3A_226 = arith.addf %add3A_224, %mul3A_225 : vector<16xf32>
          %mul3A_227 = arith.mulf %get3A_157, %gather3A_202 : vector<16xf32>
          %add3A_228 = arith.addf %add3A_226, %mul3A_227 : vector<16xf32>
          %swap3A_229 = arith.index_cast %while3A_184 : i32 to index
          %swap3A_230 = arith.constant 32 : index
          %swap3A_231 = tpu.vector_load %arg11[%swap3A_229, %swap3A_230] {strides = array<i32>} : memref<128x128xf32, #tpu.memory_space<vmem>>, vector<16xf32>,
          tpu.vector_store %arg11[%swap3A_229, %swap3A_230], %add3A_228 {strides = array<i32>} : memref<128x128xf32, #tpu.memory_space<vmem>>, vector<16xf32>,
          %mul3A_232 = arith.mulf %get3A_88, %gather3A_190 : vector<16xf32>
          %mul3A_233 = arith.mulf %get3A_112, %gather3A_194 : vector<16xf32>
          %add3A_234 = arith.addf %mul3A_232, %mul3A_233 : vector<16xf32>
          %mul3A_235 = arith.mulf %get3A_136, %gather3A_198 : vector<16xf32>
          %add3A_236 = arith.addf %add3A_234, %mul3A_235 : vector<16xf32>
          %mul3A_237 = arith.mulf %get3A_160, %gather3A_202 : vector<16xf32>
          %add3A_238 = arith.addf %add3A_236, %mul3A_237 : vector<16xf32>
          %swap3A_239 = arith.index_cast %while3A_184 : i32 to index
          %swap3A_240 = arith.constant 48 : index
          %swap3A_241 = tpu.vector_load %arg11[%swap3A_239, %swap3A_240] {strides = array<i32>} : memref<128x128xf32, #tpu.memory_space<vmem>>, vector<16xf32>,
          tpu.vector_store %arg11[%swap3A_239, %swap3A_240], %add3A_238 {strides = array<i32>} : memref<128x128xf32, #tpu.memory_space<vmem>>, vector<16xf32>,
          %mul3A_242 = arith.mulf %get3A_91, %gather3A_190 : vector<16xf32>
          %mul3A_243 = arith.mulf %get3A_115, %gather3A_194 : vector<16xf32>
          %add3A_244 = arith.addf %mul3A_242, %mul3A_243 : vector<16xf32>
          %mul3A_245 = arith.mulf %get3A_139, %gather3A_198 : vector<16xf32>
          %add3A_246 = arith.addf %add3A_244, %mul3A_245 : vector<16xf32>
          %mul3A_247 = arith.mulf %get3A_163, %gather3A_202 : vector<16xf32>
          %add3A_248 = arith.addf %add3A_246, %mul3A_247 : vector<16xf32>
          %swap3A_249 = arith.index_cast %while3A_184 : i32 to index
          %swap3A_250 = arith.constant 64 : index
          %swap3A_251 = tpu.vector_load %arg11[%swap3A_249, %swap3A_250] {strides = array<i32>} : memref<128x128xf32, #tpu.memory_space<vmem>>, vector<16xf32>,
          tpu.vector_store %arg11[%swap3A_249, %swap3A_250], %add3A_248 {strides = array<i32>} : memref<128x128xf32, #tpu.memory_space<vmem>>, vector<16xf32>,
          %mul3A_252 = arith.mulf %get3A_94, %gather3A_190 : vector<16xf32>
          %mul3A_253 = arith.mulf %get3A_118, %gather3A_194 : vector<16xf32>
          %add3A_254 = arith.addf %mul3A_252, %mul3A_253 : vector<16xf32>
          %mul3A_255 = arith.mulf %get3A_142, %gather3A_198 : vector<16xf32>
          %add3A_256 = arith.addf %add3A_254, %mul3A_255 : vector<16xf32>
          %mul3A_257 = arith.mulf %get3A_166, %gather3A_202 : vector<16xf32>
          %add3A_258 = arith.addf %add3A_256, %mul3A_257 : vector<16xf32>
          %swap3A_259 = arith.index_cast %while3A_184 : i32 to index
          %swap3A_260 = arith.constant 80 : index
          %swap3A_261 = tpu.vector_load %arg11[%swap3A_259, %swap3A_260] {strides = array<i32>} : memref<128x128xf32, #tpu.memory_space<vmem>>, vector<16xf32>,
          tpu.vector_store %arg11[%swap3A_259, %swap3A_260], %add3A_258 {strides = array<i32>} : memref<128x128xf32, #tpu.memory_space<vmem>>, vector<16xf32>,
          %mul3A_262 = arith.mulf %get3A_97, %gather3A_190 : vector<16xf32>
          %mul3A_263 = arith.mulf %get3A_121, %gather3A_194 : vector<16xf32>
          %add3A_264 = arith.addf %mul3A_262, %mul3A_263 : vector<16xf32>
          %mul3A_265 = arith.mulf %get3A_145, %gather3A_198 : vector<16xf32>
          %add3A_266 = arith.addf %add3A_264, %mul3A_265 : vector<16xf32>
          %mul3A_267 = arith.mulf %get3A_169, %gather3A_202 : vector<16xf32>
          %add3A_268 = arith.addf %add3A_266, %mul3A_267 : vector<16xf32>
          %swap3A_269 = arith.index_cast %while3A_184 : i32 to index
          %swap3A_270 = arith.constant 96 : index
          %swap3A_271 = tpu.vector_load %arg11[%swap3A_269, %swap3A_270] {strides = array<i32>} : memref<128x128xf32, #tpu.memory_space<vmem>>, vector<16xf32>,
          tpu.vector_store %arg11[%swap3A_269, %swap3A_270], %add3A_268 {strides = array<i32>} : memref<128x128xf32, #tpu.memory_space<vmem>>, vector<16xf32>,
          %mul3A_272 = arith.mulf %get3A_100, %gather3A_190 : vector<16xf32>
          %mul3A_273 = arith.mulf %get3A_124, %gather3A_194 : vector<16xf32>
          %add3A_274 = arith.addf %mul3A_272, %mul3A_273 : vector<16xf32>
          %mul3A_275 = arith.mulf %get3A_148, %gather3A_198 : vector<16xf32>
          %add3A_276 = arith.addf %add3A_274, %mul3A_275 : vector<16xf32>
          %mul3A_277 = arith.mulf %get3A_172, %gather3A_202 : vector<16xf32>
          %add3A_278 = arith.addf %add3A_276, %mul3A_277 : vector<16xf32>
          %swap3A_279 = arith.index_cast %while3A_184 : i32 to index
          %swap3A_280 = arith.constant 112 : index
          %swap3A_281 = tpu.vector_load %arg11[%swap3A_279, %swap3A_280] {strides = array<i32>} : memref<128x128xf32, #tpu.memory_space<vmem>>, vector<16xf32>,
          tpu.vector_store %arg11[%swap3A_279, %swap3A_280], %add3A_278 {strides = array<i32>} : memref<128x128xf32, #tpu.memory_space<vmem>>, vector<16xf32>,
          %mul3A_282 = arith.constant 32 : i32
          %mul3A_283 = vector.broadcast %mul3A_282 : i32 to vector<16xi32>
          %mul3A_284 = arith.muli %add3A_77, %mul3A_283 : vector<16xi32>
          %add3A_285 = vector.broadcast %while3A_183 : i32 to vector<16xi32>
          %add3A_286 = arith.addi %mul3A_284, %add3A_285 : vector<16xi32>
          %gather3A_287 = tpu.vector_load_idx %arg9[%add3A_286] : memref<1024xi32, #tpu.memory_space<vmem>>[vector<16xi32>], vector<16xi32>,
          %broadcast_in_dim3A_288 = arith.constant 0 : i32
          %broadcast_in_dim3A_289 = vector.broadcast %broadcast_in_dim3A_288 : i32 to vector<16xi32>
          %add3A_290 = vector.broadcast %while3A_184 : i32 to vector<16xi32>
          %add3A_291 = arith.addi %broadcast_in_dim3A_289, %add3A_290 : vector<16xi32>
          tpu.vector_store_idx %arg12[%add3A_291], %gather3A_287 masked %eq3A_2 : memref<128xi32, #tpu.memory_space<vmem>>[vector<16xi32>], vector<16xi32>, vector<16xi1>
          %add3A_292 = arith.constant 1 : i32
          %add3A_293 = arith.addi %while3A_184, %add3A_292 : i32
          %eq3A_294 = arith.constant 128 : i32
          %eq3A_295 = arith.cmpi eq, %add3A_293, %eq3A_294 : i32
          %convert_element_type3A_296 = arith.extui %eq3A_295 : i1 to i32
          %cond3A_297 = arith.constant 0 : i32
          %cond3A_298 = arith.cmpi ne, %convert_element_type3A_296, %cond3A_297 : i32
          scf.if %cond3A_298 {
            "tpu.region"() ({
              %run_scoped3A = tpu.sem_alloc : memref<!tpu.dma_semaphore, #tpu.memory_space<semaphore_mem>>
              %dma_start3A = arith.constant 0 : i32
              %dma_start3A_299 = arith.constant 0 : i32
              %dma_start3A_300 = tpu.memref_slice %arg13[%dma_start3A, %dma_start3A_299] : memref<9088x128xf32, #tpu.memory_space<vmem_shared>> -> memref<9088x128xf32, #tpu.memory_space<vmem_shared>>
              tpu.enqueue_indirect_dma source(%arg11 : memref<128x128xf32, #tpu.memory_space<vmem>>) target(%dma_start3A_300 : memref<9088x128xf32, #tpu.memory_space<vmem_shared>>) offsets(%arg12 : memref<128xi32, #tpu.memory_space<vmem>>) semaphore(%run_scoped3A : memref<!tpu.dma_semaphore, #tpu.memory_space<semaphore_mem>>) {add = true}
              %dma_wait3A = arith.constant 0 : i32
              %dma_wait3A_301 = arith.constant 0 : i32
              %dma_wait3A_302 = tpu.memref_slice %arg13[%dma_wait3A, %dma_wait3A_301] : memref<9088x128xf32, #tpu.memory_space<vmem_shared>> -> memref<9088x128xf32, #tpu.memory_space<vmem_shared>>
              tpu.wait_indirect_dma semaphore(%run_scoped3A : memref<!tpu.dma_semaphore, #tpu.memory_space<semaphore_mem>>) src(%arg11 : memref<128x128xf32, #tpu.memory_space<vmem>>) dst(%dma_wait3A_302 : memref<9088x128xf32, #tpu.memory_space<vmem_shared>>)
              tpu.yield
            }) : () -> ()
          } else {
          }
          %jit3A = arith.constant 0 : i32
          %select_n3A = arith.select %eq3A_295, %jit3A, %add3A_293 : i32
          scf.yield %select_n3A : i32
        }
        %while3A_181 = arith.constant 1 : i32
        %while3A_182 = scf.for %while3A_183 = %while3A_178 to %while3A_174 step %while3A_181 iter_args(%while3A_184 = %while3A_180) -> (i32)  : i32 {
          %mul3A_185 = arith.constant 128 : i32
          %mul3A_186 = vector.broadcast %mul3A_185 : i32 to vector<16xi32>
          %mul3A_187 = arith.muli %add3A_77, %mul3A_186 : vector<16xi32>
          %add3A_188 = vector.broadcast %while3A_183 : i32 to vector<16xi32>
          %add3A_189 = arith.addi %mul3A_187, %add3A_188 : vector<16xi32>
          %gather3A_190 = tpu.vector_load_idx %arg8[%add3A_189] : memref<4096xf32, #tpu.memory_space<vmem>>[vector<16xi32>], vector<16xf32>,
          %add3A_191 = arith.constant 32 : i32
          %add3A_192 = vector.broadcast %add3A_191 : i32 to vector<16xi32>
          %add3A_193 = arith.addi %add3A_189, %add3A_192 : vector<16xi32>
          %gather3A_194 = tpu.vector_load_idx %arg8[%add3A_193] : memref<4096xf32, #tpu.memory_space<vmem>>[vector<16xi32>], vector<16xf32>,
          %add3A_195 = arith.constant 64 : i32
          %add3A_196 = vector.broadcast %add3A_195 : i32 to vector<16xi32>
          %add3A_197 = arith.addi %add3A_189, %add3A_196 : vector<16xi32>
          %gather3A_198 = tpu.vector_load_idx %arg8[%add3A_197] : memref<4096xf32, #tpu.memory_space<vmem>>[vector<16xi32>], vector<16xf32>,
          %add3A_199 = arith.constant 96 : i32
          %add3A_200 = vector.broadcast %add3A_199 : i32 to vector<16xi32>
          %add3A_201 = arith.addi %add3A_189, %add3A_200 : vector<16xi32>
          %gather3A_202 = tpu.vector_load_idx %arg8[%add3A_201] : memref<4096xf32, #tpu.memory_space<vmem>>[vector<16xi32>], vector<16xf32>,
          %mul3A_203 = arith.mulf %get3A_79, %gather3A_190 : vector<16xf32>
          %mul3A_204 = arith.mulf %get3A_103, %gather3A_194 : vector<16xf32>
          %add3A_205 = arith.addf %mul3A_203, %mul3A_204 : vector<16xf32>
          %mul3A_206 = arith.mulf %get3A_127, %gather3A_198 : vector<16xf32>
          %add3A_207 = arith.addf %add3A_205, %mul3A_206 : vector<16xf32>
          %mul3A_208 = arith.mulf %get3A_151, %gather3A_202 : vector<16xf32>
          %add3A_209 = arith.addf %add3A_207, %mul3A_208 : vector<16xf32>
          %swap3A = arith.index_cast %while3A_184 : i32 to index
          %swap3A_210 = arith.constant 0 : index
          %swap3A_211 = tpu.vector_load %arg11[%swap3A, %swap3A_210] {strides = array<i32>} : memref<128x128xf32, #tpu.memory_space<vmem>>, vector<16xf32>,
          tpu.vector_store %arg11[%swap3A, %swap3A_210], %add3A_209 {strides = array<i32>} : memref<128x128xf32, #tpu.memory_space<vmem>>, vector<16xf32>,
          %mul3A_212 = arith.mulf %get3A_82, %gather3A_190 : vector<16xf32>
          %mul3A_213 = arith.mulf %get3A_106, %gather3A_194 : vector<16xf32>
          %add3A_214 = arith.addf %mul3A_212, %mul3A_213 : vector<16xf32>
          %mul3A_215 = arith.mulf %get3A_130, %gather3A_198 : vector<16xf32>
          %add3A_216 = arith.addf %add3A_214, %mul3A_215 : vector<16xf32>
          %mul3A_217 = arith.mulf %get3A_154, %gather3A_202 : vector<16xf32>
          %add3A_218 = arith.addf %add3A_216, %mul3A_217 : vector<16xf32>
          %swap3A_219 = arith.index_cast %while3A_184 : i32 to index
          %swap3A_220 = arith.constant 16 : index
          %swap3A_221 = tpu.vector_load %arg11[%swap3A_219, %swap3A_220] {strides = array<i32>} : memref<128x128xf32, #tpu.memory_space<vmem>>, vector<16xf32>,
          tpu.vector_store %arg11[%swap3A_219, %swap3A_220], %add3A_218 {strides = array<i32>} : memref<128x128xf32, #tpu.memory_space<vmem>>, vector<16xf32>,
          %mul3A_222 = arith.mulf %get3A_85, %gather3A_190 : vector<16xf32>
          %mul3A_223 = arith.mulf %get3A_109, %gather3A_194 : vector<16xf32>
          %add3A_224 = arith.addf %mul3A_222, %mul3A_223 : vector<16xf32>
          %mul3A_225 = arith.mulf %get3A_133, %gather3A_198 : vector<16xf32>
          %add3A_226 = arith.addf %add3A_224, %mul3A_225 : vector<16xf32>
          %mul3A_227 = arith.mulf %get3A_157, %gather3A_202 : vector<16xf32>
          %add3A_228 = arith.addf %add3A_226, %mul3A_227 : vector<16xf32>
          %swap3A_229 = arith.index_cast %while3A_184 : i32 to index
          %swap3A_230 = arith.constant 32 : index
          %swap3A_231 = tpu.vector_load %arg11[%swap3A_229, %swap3A_230] {strides = array<i32>} : memref<128x128xf32, #tpu.memory_space<vmem>>, vector<16xf32>,
          tpu.vector_store %arg11[%swap3A_229, %swap3A_230], %add3A_228 {strides = array<i32>} : memref<128x128xf32, #tpu.memory_space<vmem>>, vector<16xf32>,
          %mul3A_232 = arith.mulf %get3A_88, %gather3A_190 : vector<16xf32>
          %mul3A_233 = arith.mulf %get3A_112, %gather3A_194 : vector<16xf32>
          %add3A_234 = arith.addf %mul3A_232, %mul3A_233 : vector<16xf32>
          %mul3A_235 = arith.mulf %get3A_136, %gather3A_198 : vector<16xf32>
          %add3A_236 = arith.addf %add3A_234, %mul3A_235 : vector<16xf32>
          %mul3A_237 = arith.mulf %get3A_160, %gather3A_202 : vector<16xf32>
          %add3A_238 = arith.addf %add3A_236, %mul3A_237 : vector<16xf32>
          %swap3A_239 = arith.index_cast %while3A_184 : i32 to index
          %swap3A_240 = arith.constant 48 : index
          %swap3A_241 = tpu.vector_load %arg11[%swap3A_239, %swap3A_240] {strides = array<i32>} : memref<128x128xf32, #tpu.memory_space<vmem>>, vector<16xf32>,
          tpu.vector_store %arg11[%swap3A_239, %swap3A_240], %add3A_238 {strides = array<i32>} : memref<128x128xf32, #tpu.memory_space<vmem>>, vector<16xf32>,
          %mul3A_242 = arith.mulf %get3A_91, %gather3A_190 : vector<16xf32>
          %mul3A_243 = arith.mulf %get3A_115, %gather3A_194 : vector<16xf32>
          %add3A_244 = arith.addf %mul3A_242, %mul3A_243 : vector<16xf32>
          %mul3A_245 = arith.mulf %get3A_139, %gather3A_198 : vector<16xf32>
          %add3A_246 = arith.addf %add3A_244, %mul3A_245 : vector<16xf32>
          %mul3A_247 = arith.mulf %get3A_163, %gather3A_202 : vector<16xf32>
          %add3A_248 = arith.addf %add3A_246, %mul3A_247 : vector<16xf32>
          %swap3A_249 = arith.index_cast %while3A_184 : i32 to index
          %swap3A_250 = arith.constant 64 : index
          %swap3A_251 = tpu.vector_load %arg11[%swap3A_249, %swap3A_250] {strides = array<i32>} : memref<128x128xf32, #tpu.memory_space<vmem>>, vector<16xf32>,
          tpu.vector_store %arg11[%swap3A_249, %swap3A_250], %add3A_248 {strides = array<i32>} : memref<128x128xf32, #tpu.memory_space<vmem>>, vector<16xf32>,
          %mul3A_252 = arith.mulf %get3A_94, %gather3A_190 : vector<16xf32>
          %mul3A_253 = arith.mulf %get3A_118, %gather3A_194 : vector<16xf32>
          %add3A_254 = arith.addf %mul3A_252, %mul3A_253 : vector<16xf32>
          %mul3A_255 = arith.mulf %get3A_142, %gather3A_198 : vector<16xf32>
          %add3A_256 = arith.addf %add3A_254, %mul3A_255 : vector<16xf32>
          %mul3A_257 = arith.mulf %get3A_166, %gather3A_202 : vector<16xf32>
          %add3A_258 = arith.addf %add3A_256, %mul3A_257 : vector<16xf32>
          %swap3A_259 = arith.index_cast %while3A_184 : i32 to index
          %swap3A_260 = arith.constant 80 : index
          %swap3A_261 = tpu.vector_load %arg11[%swap3A_259, %swap3A_260] {strides = array<i32>} : memref<128x128xf32, #tpu.memory_space<vmem>>, vector<16xf32>,
          tpu.vector_store %arg11[%swap3A_259, %swap3A_260], %add3A_258 {strides = array<i32>} : memref<128x128xf32, #tpu.memory_space<vmem>>, vector<16xf32>,
          %mul3A_262 = arith.mulf %get3A_97, %gather3A_190 : vector<16xf32>
          %mul3A_263 = arith.mulf %get3A_121, %gather3A_194 : vector<16xf32>
          %add3A_264 = arith.addf %mul3A_262, %mul3A_263 : vector<16xf32>
          %mul3A_265 = arith.mulf %get3A_145, %gather3A_198 : vector<16xf32>
          %add3A_266 = arith.addf %add3A_264, %mul3A_265 : vector<16xf32>
          %mul3A_267 = arith.mulf %get3A_169, %gather3A_202 : vector<16xf32>
          %add3A_268 = arith.addf %add3A_266, %mul3A_267 : vector<16xf32>
          %swap3A_269 = arith.index_cast %while3A_184 : i32 to index
          %swap3A_270 = arith.constant 96 : index
          %swap3A_271 = tpu.vector_load %arg11[%swap3A_269, %swap3A_270] {strides = array<i32>} : memref<128x128xf32, #tpu.memory_space<vmem>>, vector<16xf32>,
          tpu.vector_store %arg11[%swap3A_269, %swap3A_270], %add3A_268 {strides = array<i32>} : memref<128x128xf32, #tpu.memory_space<vmem>>, vector<16xf32>,
          %mul3A_272 = arith.mulf %get3A_100, %gather3A_190 : vector<16xf32>
          %mul3A_273 = arith.mulf %get3A_124, %gather3A_194 : vector<16xf32>
          %add3A_274 = arith.addf %mul3A_272, %mul3A_273 : vector<16xf32>
          %mul3A_275 = arith.mulf %get3A_148, %gather3A_198 : vector<16xf32>
          %add3A_276 = arith.addf %add3A_274, %mul3A_275 : vector<16xf32>
          %mul3A_277 = arith.mulf %get3A_172, %gather3A_202 : vector<16xf32>
          %add3A_278 = arith.addf %add3A_276, %mul3A_277 : vector<16xf32>
          %swap3A_279 = arith.index_cast %while3A_184 : i32 to index
          %swap3A_280 = arith.constant 112 : index
          %swap3A_281 = tpu.vector_load %arg11[%swap3A_279, %swap3A_280] {strides = array<i32>} : memref<128x128xf32, #tpu.memory_space<vmem>>, vector<16xf32>,
          tpu.vector_store %arg11[%swap3A_279, %swap3A_280], %add3A_278 {strides = array<i32>} : memref<128x128xf32, #tpu.memory_space<vmem>>, vector<16xf32>,
          %mul3A_282 = arith.constant 32 : i32
          %mul3A_283 = vector.broadcast %mul3A_282 : i32 to vector<16xi32>
          %mul3A_284 = arith.muli %add3A_77, %mul3A_283 : vector<16xi32>
          %add3A_285 = vector.broadcast %while3A_183 : i32 to vector<16xi32>
          %add3A_286 = arith.addi %mul3A_284, %add3A_285 : vector<16xi32>
          %gather3A_287 = tpu.vector_load_idx %arg9[%add3A_286] : memref<1024xi32, #tpu.memory_space<vmem>>[vector<16xi32>], vector<16xi32>,
          %broadcast_in_dim3A_288 = arith.constant 0 : i32
          %broadcast_in_dim3A_289 = vector.broadcast %broadcast_in_dim3A_288 : i32 to vector<16xi32>
          %add3A_290 = vector.broadcast %while3A_184 : i32 to vector<16xi32>
          %add3A_291 = arith.addi %broadcast_in_dim3A_289, %add3A_290 : vector<16xi32>
          tpu.vector_store_idx %arg12[%add3A_291], %gather3A_287 masked %eq3A_2 : memref<128xi32, #tpu.memory_space<vmem>>[vector<16xi32>], vector<16xi32>, vector<16xi1>
          %add3A_292 = arith.constant 1 : i32
          %add3A_293 = arith.addi %while3A_184, %add3A_292 : i32
          %eq3A_294 = arith.constant 128 : i32
          %eq3A_295 = arith.cmpi eq, %add3A_293, %eq3A_294 : i32
          %convert_element_type3A_296 = arith.extui %eq3A_295 : i1 to i32
          %cond3A_297 = arith.constant 0 : i32
          %cond3A_298 = arith.cmpi ne, %convert_element_type3A_296, %cond3A_297 : i32
          scf.if %cond3A_298 {
            "tpu.region"() ({
              %run_scoped3A = tpu.sem_alloc : memref<!tpu.dma_semaphore, #tpu.memory_space<semaphore_mem>>
              %dma_start3A = arith.constant 0 : i32
              %dma_start3A_299 = arith.constant 0 : i32
              %dma_start3A_300 = tpu.memref_slice %arg13[%dma_start3A, %dma_start3A_299] : memref<9088x128xf32, #tpu.memory_space<vmem_shared>> -> memref<9088x128xf32, #tpu.memory_space<vmem_shared>>
              tpu.enqueue_indirect_dma source(%arg11 : memref<128x128xf32, #tpu.memory_space<vmem>>) target(%dma_start3A_300 : memref<9088x128xf32, #tpu.memory_space<vmem_shared>>) offsets(%arg12 : memref<128xi32, #tpu.memory_space<vmem>>) semaphore(%run_scoped3A : memref<!tpu.dma_semaphore, #tpu.memory_space<semaphore_mem>>) {add = true}
              %dma_wait3A = arith.constant 0 : i32
              %dma_wait3A_301 = arith.constant 0 : i32
              %dma_wait3A_302 = tpu.memref_slice %arg13[%dma_wait3A, %dma_wait3A_301] : memref<9088x128xf32, #tpu.memory_space<vmem_shared>> -> memref<9088x128xf32, #tpu.memory_space<vmem_shared>>
              tpu.wait_indirect_dma semaphore(%run_scoped3A : memref<!tpu.dma_semaphore, #tpu.memory_space<semaphore_mem>>) src(%arg11 : memref<128x128xf32, #tpu.memory_space<vmem>>) dst(%dma_wait3A_302 : memref<9088x128xf32, #tpu.memory_space<vmem_shared>>)
              tpu.yield
            }) : () -> ()
          } else {
          }
          %jit3A = arith.constant 0 : i32
          %select_n3A = arith.select %eq3A_295, %jit3A, %add3A_293 : i32
          scf.yield %select_n3A : i32
        }
        scf.yield %while3A_182 : i32
      }
      %scan3A_67 = arith.constant 32 : i32
      scf.yield %scan3A_66 : i32
    }
    %scan3A_39 = arith.constant 10 : i32
    %scan3A_40 = arith.constant 0 : i32
    %scan3A_41 = arith.constant 0 : i32
    %scan3A_42 = arith.constant 128 : i32
    %scan3A_43 = arith.addi %scan3A_41, %scan3A_42 : i32
    %scan3A_44 = arith.constant 1 : i32
    scf.for %scan3A_51 = %scan3A_41 to %scan3A_43 step %scan3A_44  : i32 {
      %ge3A = arith.cmpi sge, %scan3A_51, %scan3A_38 : i32
      %convert_element_type3A_52 = arith.extui %ge3A : i1 to i32
      %cond3A_53 = arith.constant 0 : i32
      %cond3A_54 = arith.cmpi ne, %convert_element_type3A_52, %cond3A_53 : i32
      scf.if %cond3A_54 {
        %swap3A = arith.index_cast %scan3A_51 : i32 to index
        %swap3A_55 = arith.constant 0 : index
        %swap3A_56 = tpu.vector_load %arg11[%swap3A, %swap3A_55] {strides = array<i32>} : memref<128x128xf32, #tpu.memory_space<vmem>>, vector<16xf32>,
        tpu.vector_store %arg11[%swap3A, %swap3A_55], %broadcast_in_dim3A_3 {strides = array<i32>} : memref<128x128xf32, #tpu.memory_space<vmem>>, vector<16xf32>,
        %swap3A_57 = arith.index_cast %scan3A_51 : i32 to index
        %swap3A_58 = arith.constant 16 : index
        %swap3A_59 = tpu.vector_load %arg11[%swap3A_57, %swap3A_58] {strides = array<i32>} : memref<128x128xf32, #tpu.memory_space<vmem>>, vector<16xf32>,
        tpu.vector_store %arg11[%swap3A_57, %swap3A_58], %broadcast_in_dim3A_3 {strides = array<i32>} : memref<128x128xf32, #tpu.memory_space<vmem>>, vector<16xf32>,
        %swap3A_60 = arith.index_cast %scan3A_51 : i32 to index
        %swap3A_61 = arith.constant 32 : index
        %swap3A_62 = tpu.vector_load %arg11[%swap3A_60, %swap3A_61] {strides = array<i32>} : memref<128x128xf32, #tpu.memory_space<vmem>>, vector<16xf32>,
        tpu.vector_store %arg11[%swap3A_60, %swap3A_61], %broadcast_in_dim3A_3 {strides = array<i32>} : memref<128x128xf32, #tpu.memory_space<vmem>>, vector<16xf32>,
        %swap3A_63 = arith.index_cast %scan3A_51 : i32 to index
        %swap3A_64 = arith.constant 48 : index
        %swap3A_65 = tpu.vector_load %arg11[%swap3A_63, %swap3A_64] {strides = array<i32>} : memref<128x128xf32, #tpu.memory_space<vmem>>, vector<16xf32>,
        tpu.vector_store %arg11[%swap3A_63, %swap3A_64], %broadcast_in_dim3A_3 {strides = array<i32>} : memref<128x128xf32, #tpu.memory_space<vmem>>, vector<16xf32>,
        %swap3A_66 = arith.index_cast %scan3A_51 : i32 to index
        %swap3A_67 = arith.constant 64 : index
        %swap3A_68 = tpu.vector_load %arg11[%swap3A_66, %swap3A_67] {strides = array<i32>} : memref<128x128xf32, #tpu.memory_space<vmem>>, vector<16xf32>,
        tpu.vector_store %arg11[%swap3A_66, %swap3A_67], %broadcast_in_dim3A_3 {strides = array<i32>} : memref<128x128xf32, #tpu.memory_space<vmem>>, vector<16xf32>,
        %swap3A_69 = arith.index_cast %scan3A_51 : i32 to index
        %swap3A_70 = arith.constant 80 : index
        %swap3A_71 = tpu.vector_load %arg11[%swap3A_69, %swap3A_70] {strides = array<i32>} : memref<128x128xf32, #tpu.memory_space<vmem>>, vector<16xf32>,
        tpu.vector_store %arg11[%swap3A_69, %swap3A_70], %broadcast_in_dim3A_3 {strides = array<i32>} : memref<128x128xf32, #tpu.memory_space<vmem>>, vector<16xf32>,
        %swap3A_72 = arith.index_cast %scan3A_51 : i32 to index
        %swap3A_73 = arith.constant 96 : index
        %swap3A_74 = tpu.vector_load %arg11[%swap3A_72, %swap3A_73] {strides = array<i32>} : memref<128x128xf32, #tpu.memory_space<vmem>>, vector<16xf32>,
        tpu.vector_store %arg11[%swap3A_72, %swap3A_73], %broadcast_in_dim3A_3 {strides = array<i32>} : memref<128x128xf32, #tpu.memory_space<vmem>>, vector<16xf32>,
        %swap3A_75 = arith.index_cast %scan3A_51 : i32 to index
        %swap3A_76 = arith.constant 112 : index
        %swap3A_77 = tpu.vector_load %arg11[%swap3A_75, %swap3A_76] {strides = array<i32>} : memref<128x128xf32, #tpu.memory_space<vmem>>, vector<16xf32>,
        tpu.vector_store %arg11[%swap3A_75, %swap3A_76], %broadcast_in_dim3A_3 {strides = array<i32>} : memref<128x128xf32, #tpu.memory_space<vmem>>, vector<16xf32>,
        %broadcast_in_dim3A_78 = arith.constant 0 : i32
        %broadcast_in_dim3A_79 = vector.broadcast %broadcast_in_dim3A_78 : i32 to vector<16xi32>
        %add3A_80 = vector.broadcast %scan3A_51 : i32 to vector<16xi32>
        %add3A_81 = arith.addi %broadcast_in_dim3A_79, %add3A_80 : vector<16xi32>
        tpu.vector_store_idx %arg12[%add3A_81], %broadcast_in_dim3A_5 masked %eq3A_2 : memref<128xi32, #tpu.memory_space<vmem>>[vector<16xi32>], vector<16xi32>, vector<16xi1>
      } else {
      }
    }
    %scan3A_45 = arith.constant 128 : i32
    %gt3A = arith.constant 0 : i32
    %gt3A_46 = arith.cmpi sgt, %scan3A_38, %gt3A : i32
    %convert_element_type3A = arith.extui %gt3A_46 : i1 to i32
    %cond3A = arith.constant 0 : i32
    %cond3A_47 = arith.cmpi ne, %convert_element_type3A, %cond3A : i32
    scf.if %cond3A_47 {
      "tpu.region"() ({
        %run_scoped3A = tpu.sem_alloc : memref<!tpu.dma_semaphore, #tpu.memory_space<semaphore_mem>>
        %dma_start3A = arith.constant 0 : i32
        %dma_start3A_51 = arith.constant 0 : i32
        %dma_start3A_52 = tpu.memref_slice %arg13[%dma_start3A, %dma_start3A_51] : memref<9088x128xf32, #tpu.memory_space<vmem_shared>> -> memref<9088x128xf32, #tpu.memory_space<vmem_shared>>
        tpu.enqueue_indirect_dma source(%arg11 : memref<128x128xf32, #tpu.memory_space<vmem>>) target(%dma_start3A_52 : memref<9088x128xf32, #tpu.memory_space<vmem_shared>>) offsets(%arg12 : memref<128xi32, #tpu.memory_space<vmem>>) semaphore(%run_scoped3A : memref<!tpu.dma_semaphore, #tpu.memory_space<semaphore_mem>>) {add = true}
        %dma_wait3A = arith.constant 0 : i32
        %dma_wait3A_53 = arith.constant 0 : i32
        %dma_wait3A_54 = tpu.memref_slice %arg13[%dma_wait3A, %dma_wait3A_53] : memref<9088x128xf32, #tpu.memory_space<vmem_shared>> -> memref<9088x128xf32, #tpu.memory_space<vmem_shared>>
        tpu.wait_indirect_dma semaphore(%run_scoped3A : memref<!tpu.dma_semaphore, #tpu.memory_space<semaphore_mem>>) src(%arg11 : memref<128x128xf32, #tpu.memory_space<vmem>>) dst(%dma_wait3A_54 : memref<9088x128xf32, #tpu.memory_space<vmem_shared>>)
        tpu.yield
      }) : () -> ()
    } else {
    }
    %barrier3A_48 = arith.constant 0 : index
    tpu.barrier barrier_id(%barrier3A_48)
    %mul3A_49 = arith.constant 568 : i32
    %mul3A_50 = arith.muli %arg1, %mul3A_49 : i32
    "tpu.region"() ({
      %run_scoped3A = tpu.sem_alloc : memref<!tpu.dma_semaphore, #tpu.memory_space<semaphore_mem>>
      %dma_start3A = arith.constant 0 : i32
      %dma_start3A_51 = tpu.memref_slice %arg6[%arg0, %mul3A_50, %dma_start3A] : memref<2x9088x128xf32, #tpu.memory_space<hbm>> -> memref<1x568x128xf32, #tpu.memory_space<hbm>>
      %dma_start3A_52 = tpu.memref_squeeze %dma_start3A_51 : memref<1x568x128xf32, #tpu.memory_space<hbm>> -> memref<568x128xf32, #tpu.memory_space<hbm>>
      %dma_start3A_53 = arith.constant 0 : i32
      %dma_start3A_54 = tpu.memref_slice %arg13[%mul3A_50, %dma_start3A_53] : memref<9088x128xf32, #tpu.memory_space<vmem_shared>> -> memref<568x128xf32, #tpu.memory_space<vmem_shared>>
      tpu.enqueue_dma source(%dma_start3A_54 : memref<568x128xf32, #tpu.memory_space<vmem_shared>>) target(%dma_start3A_52 : memref<568x128xf32, #tpu.memory_space<hbm>>) target_semaphore(%run_scoped3A : memref<!tpu.dma_semaphore, #tpu.memory_space<semaphore_mem>>)
      %dma_wait3A = arith.constant 0 : i32
      %dma_wait3A_55 = tpu.memref_slice %arg6[%arg0, %mul3A_50, %dma_wait3A] : memref<2x9088x128xf32, #tpu.memory_space<hbm>> -> memref<1x568x128xf32, #tpu.memory_space<hbm>>
      %dma_wait3A_56 = tpu.memref_squeeze %dma_wait3A_55 : memref<1x568x128xf32, #tpu.memory_space<hbm>> -> memref<568x128xf32, #tpu.memory_space<hbm>>
      %dma_wait3A_57 = arith.constant 0 : i32
      %dma_wait3A_58 = tpu.memref_slice %arg13[%mul3A_50, %dma_wait3A_57] : memref<9088x128xf32, #tpu.memory_space<vmem_shared>> -> memref<568x128xf32, #tpu.memory_space<vmem_shared>>
      tpu.wait_dma2 semaphore(%run_scoped3A : memref<!tpu.dma_semaphore, #tpu.memory_space<semaphore_mem>>) src(%dma_wait3A_58 : memref<568x128xf32, #tpu.memory_space<vmem_shared>>) dst(%dma_wait3A_56 : memref<568x128xf32, #tpu.memory_space<hbm>>)
      tpu.yield
    }) : () -> ()
    return
  }
}

module attributes {stable_mosaic.version = 14 : i64} {
  func.func @_mm_body(%arg0: i32, %arg1: memref<640x128xf32, #tpu.memory_space<vmem>>, %arg2: memref<128x512xf32, #tpu.memory_space<vmem>>, %arg3: memref<640x512xf32, #tpu.memory_space<vmem>>) attributes {dimension_semantics = [#tpu.dimension_semantics<arbitrary>], iteration_bounds = array<i64: 16>, scalar_prefetch = 0 : i64, scratch_operands = 0 : i64, tpu.core_type = #tpu.core_type<tc>, window_params = [{transform_indices = @transform_0, window_bounds = array<i64: 640, 128>}, {pipeline_mode = #tpu.pipeline_mode<synchronous>, transform_indices = @transform_1, window_bounds = array<i64: 128, 512>}, {transform_indices = @transform_2, window_bounds = array<i64: 640, 512>}]} {
    %get3A = arith.constant 0 : index
    %get3A_0 = arith.constant 0 : index
    %get3A_1 = vector.load %arg1[%get3A, %get3A_0] : memref<640x128xf32, #tpu.memory_space<vmem>>, vector<640x128xf32>
    %get3A_2 = arith.constant 0 : index
    %get3A_3 = arith.constant 0 : index
    %get3A_4 = vector.load %arg2[%get3A_2, %get3A_3] : memref<128x512xf32, #tpu.memory_space<vmem>>, vector<128x512xf32>
    %dot_general3A = arith.constant dense<0.000000e+00> : vector<640x512xf32>
    %dot_general3A_5 = tpu.matmul %get3A_1, %get3A_4, %dot_general3A {dimension_numbers = #tpu.dot_dimension_numbers<[1], [0], [0], [1], [0, 0, 1, 1], [], []>, transpose_lhs_hint = false} : vector<640x128xf32>, vector<128x512xf32>, vector<640x512xf32> -> vector<640x512xf32>
    %swap3A = arith.constant 0 : index
    %swap3A_6 = arith.constant 0 : index
    %swap3A_7 = vector.load %arg3[%swap3A, %swap3A_6] : memref<640x512xf32, #tpu.memory_space<vmem>>, vector<640x512xf32>
    tpu.vector_store %arg3[%swap3A, %swap3A_6], %dot_general3A_5 {strides = array<i32>} : memref<640x512xf32, #tpu.memory_space<vmem>>, vector<640x512xf32>,
    return
  }
  func.func @transform_0(%arg0: i32) -> (i32, i32) {
    %c0_i32 = arith.constant 0 : i32
    %c0_i32_0 = arith.constant 0 : i32
    return %arg0, %c0_i32 : i32, i32
  }
  func.func @transform_1(%arg0: i32) -> (i32, i32) {
    %c0_i32 = arith.constant 0 : i32
    %c0_i32_0 = arith.constant 0 : i32
    %c0_i32_1 = arith.constant 0 : i32
    return %c0_i32, %c0_i32_0 : i32, i32
  }
  func.func @transform_2(%arg0: i32) -> (i32, i32) {
    %c0_i32 = arith.constant 0 : i32
    %c0_i32_0 = arith.constant 0 : i32
    return %arg0, %c0_i32 : i32, i32
  }
}

module attributes {stable_mosaic.version = 14 : i64} {
  func.func @_comb_body(%arg0: i32, %arg1: memref<2x1128x128xf32, #tpu.memory_space<vmem>>, %arg2: memref<1128x128xf32, #tpu.memory_space<vmem>>) attributes {dimension_semantics = [#tpu.dimension_semantics<arbitrary>], iteration_bounds = array<i64: 8>, scalar_prefetch = 0 : i64, scratch_operands = 0 : i64, tpu.core_type = #tpu.core_type<tc>, window_params = [{transform_indices = @transform_0, window_bounds = array<i64: 2, 1128, 128>}, {transform_indices = @transform_1, window_bounds = array<i64: 1128, 128>}]} {
    %get3A = arith.constant 0 : index
    %get3A_0 = arith.constant 0 : index
    %get3A_1 = arith.constant 0 : index
    %get3A_2 = vector.load %arg1[%get3A, %get3A_0, %get3A_1] : memref<2x1128x128xf32, #tpu.memory_space<vmem>>, vector<1x1128x128xf32>
    %get3A_3 = vector.shape_cast %get3A_2 : vector<1x1128x128xf32> to vector<1128x128xf32>
    %get3A_4 = arith.constant 1 : index
    %get3A_5 = arith.constant 0 : index
    %get3A_6 = arith.constant 0 : index
    %get3A_7 = vector.load %arg1[%get3A_4, %get3A_5, %get3A_6] : memref<2x1128x128xf32, #tpu.memory_space<vmem>>, vector<1x1128x128xf32>
    %get3A_8 = vector.shape_cast %get3A_7 : vector<1x1128x128xf32> to vector<1128x128xf32>
    %add3A = arith.addf %get3A_3, %get3A_8 : vector<1128x128xf32>
    %max3A = arith.constant 0.000000e+00 : f32
    %max3A_9 = vector.broadcast %max3A : f32 to vector<1128x128xf32>
    %max3A_10 = arith.maximumf %add3A, %max3A_9 : vector<1128x128xf32>
    %swap3A = arith.constant 0 : index
    %swap3A_11 = arith.constant 0 : index
    %swap3A_12 = vector.load %arg2[%swap3A, %swap3A_11] : memref<1128x128xf32, #tpu.memory_space<vmem>>, vector<1128x128xf32>
    tpu.vector_store %arg2[%swap3A, %swap3A_11], %max3A_10 {strides = array<i32>} : memref<1128x128xf32, #tpu.memory_space<vmem>>, vector<1128x128xf32>,
    return
  }
  func.func @transform_0(%arg0: i32) -> (i32, i32, i32) {
    %c0_i32 = arith.constant 0 : i32
    %c0_i32_0 = arith.constant 0 : i32
    %c0_i32_1 = arith.constant 0 : i32
    return %c0_i32, %arg0, %c0_i32_0 : i32, i32, i32
  }
  func.func @transform_1(%arg0: i32) -> (i32, i32) {
    %c0_i32 = arith.constant 0 : i32
    %c0_i32_0 = arith.constant 0 : i32
    return %arg0, %c0_i32 : i32, i32
  }
}

</mosaic_0001>

<sc_bundles>
// kernel: gather_offload_async_start.1
scs
__scs_entry_jumppad:
0x0: {  	(pc) =	sbr.rel $0x88, $3  }
0x1: {  	(tag) =	ssettag $0x0;
	lr =	simm.s32 $0x1  }
0x2: {  	[smem:$0x3F9A] =	sst lr;
	_ =	strace $0xD0000000  }
0x3: {  	_ = 	snop  }
0x4: {  	_ = 	snop  }
0x5: {  	_ = 	snop  }
0x6: {  	_ = 	snop  }
0x7: {  	_ = 	snop  }
__scs_overlays_trampoline_lowered:
0x8: {  	[smem:$0x3FA9] =	sst s0  }
0x9: {  	[smem:$0x3FAA] =	sst s1  }
0xa: {  	[smem:$0x3FAB] =	sst s2  }
0xb: {  	[smem:$0x3FAC] =	sst s3  }
0xc: {  	[smem:$0x3FAD] =	sst s4  }
0xd: {  	[smem:$0x3FAE] =	sst s5  }
0xe: {  	[smem:$0x3FAF] =	sst s6  }
0xf: {  	[smem:$0x3FB0] =	sst s7  }
0x10: {  	[smem:$0x3FB1] =	sst s8  }
0x11: {  	[smem:$0x3FB2] =	sst s9;
	s0 =	simm.s32 @!p0 $0x0  }
0x12: {  	s1 =	sld [smem:$0x3F98];
	s0 =	simm.s32 @p0 $0x1  }
0x13: {  	[smem:$0x3FB3] =	sst s0;
	s0 =	simm.s32 @!p1 $0x0  }
0x14: {  	s2 =	sld [smem:$0x3F97];
	s0 =	simm.s32 @p1 $0x1  }
0x15: {  	[smem:$0x3FB4] =	sst s0;
	s0 =	simm.s32 @!p2 $0x0  }
0x16: {  	s3 =	sld [smem:$0x3FDB];
	s0 =	simm.s32 @p2 $0x1  }
0x17: {  	s4 =	simm.s32 $0x1BF5;
	[smem:$0x3FB6] =	sst s0  }
0x18: {  	s0 =	sld [smem:$0x3F99];
	_ =	swait.ge [sflag:s4], $0x0  }
0x19: {  	s7 =	sld [smem:$0x3F9A]  }
0x1a: {  	s8 =	sadd.s32 $0xFFFFE003, lr  }
0x1b: {  	s9 =	sadd.s32 $0xFFFFFEF7, lr;
	s5 =	simm.s32 $0xFFFFFFFF;
	p2 =	slt.u32 s8, $0xFFFFF086  }
0x1c: {  	p1 =	slt.u32 s9, $0xF7A;
	s5 =	simm.s32 @!p2 $0x0  }
0x1d: {  	s5 =	simm.s32 @p1 $0x1;
	p0 =	seq.s32 s7, s2  }
0x1e: {  	s7 =	smul.u32 @!p0 $0xF7A, s2;
	p2 =	seq.s32 @!p0 s5, $0x0  }
0x1f: {  	s9 =	smul.u32 $0xF7A, s1;
	s8 =	simm.s32 @!p0 $0x1BF5;
	p2 =	por !p2, p0  }
0x20: {  	[sflag:s8] =	ssyncset.s32 @!p0 $0xFFFFF086;
	s6 =	sadd.s32 @!p0 s3, s7;
	s7 =	simm.s32 @!p0 $0x108  }
0x21: {  	s3 =	sadd.s32 s3, s9;
	s6 =	sadd.s32 @!p0 $0x88, s6;
	s7 =	simm.s32 @p2 $0x1082  }
0x22: {  	[simem:s7], [sflag:s8] =	dma.local @!p0 [hbm:s6], $0xF7A  }
0x23: {  	s9 =	sor.u32 $0xD0000000, s2;
	s6 =	simm.s32 $0x108;
	_ =	swait.ge @!p0 [sflag:s8], $0x0  }
0x24: {  	s3 =	sadd.s32 $0x88, s3;
	s6 =	simm.s32 @!p1 $0x1082;
	[sflag:s4] =	ssyncset.s32 $0xFFFFF086  }
0x25: {  	[simem:s6], [sflag:s4] =	dma.local [hbm:s3], $0xF7A  }
0x26: {  	[smem:$0x3F9A] =	sst s1;
	(tag) =	ssettag s2;
	_ =	strace s9  }
0x27: {  	s1 =	sld [smem:$0x3FAA]  }
0x28: {  	s2 =	sld [smem:$0x3FAB]  }
0x29: {  	s4 =	sld [smem:$0x3FAD]  }
0x2a: {  	p0 =	seq.s32 s5, $0x0;
	s5 =	sld [smem:$0x3FAE]  }
0x2b: {  	s6 =	sld [smem:$0x3FAF]  }
0x2c: {  	s7 =	sld [smem:$0x3FB0]  }
0x2d: {  	s3 =	simm.s32 $0x108;
	s8 =	sld [smem:$0x3FB1]  }
0x2e: {  	s3 =	simm.s32 @!p0 $0x1082;
	s9 =	sld [smem:$0x3FB2]  }
0x2f: {  	lr =	sadd.s32 s0, s3;
	s0 =	sld [smem:$0x3FA9]  }
0x30: {  	s3 =	sld [smem:$0x3FAC]  }
0x31: {  	[smem:$0x3FB5] =	sst s10  }
0x32: {  	s10 =	sld [smem:$0x3FB3];
	_ =	sdelay $0x3  }
0x33: {  	p0 =	seq.s32 s10, $0x1;
	s10 =	sld [smem:$0x3FB5];
	_ =	sdelay $0x3  }
0x34: {  	[smem:$0x3FB5] =	sst s10  }
0x35: {  	s10 =	sld [smem:$0x3FB4];
	_ =	sdelay $0x3  }
0x36: {  	p1 =	seq.s32 s10, $0x1;
	s10 =	sld [smem:$0x3FB5];
	_ =	sdelay $0x3  }
0x37: {  	[smem:$0x3FB5] =	sst s10  }
0x38: {  	s10 =	sld [smem:$0x3FB6]  }
0x39: {  	_ = 	snop;
	(pc) =	sbr.ind lr, $3  }
0x3a: {  	_ = 	snop  }
0x3b: {  	_ = 	snop  }
0x3c: {  	p2 =	seq.s32 s10, $0x1;
	s10 =	sld [smem:$0x3FB5]  }
0x3d: {  	_ =	shalt  }
0x3e: {  	_ =	shalt  }
0x3f: {  	_ =	shalt  }
0x40: {  	_ =	shalt  }
0x41: {  	_ =	shalt  }
0x42: {  	_ =	shalt  }
0x43: {  	_ =	shalt  }
0x44: {  	_ =	shalt  }
0x45: {  	_ =	shalt  }
0x46: {  	_ =	shalt  }
0x47: {  	_ =	shalt  }
0x48: {  	_ =	shalt  }
0x49: {  	_ =	shalt  }
0x4a: {  	_ =	shalt  }
0x4b: {  	_ =	shalt  }
0x4c: {  	_ =	shalt  }
0x4d: {  	_ =	shalt  }
0x4e: {  	_ =	shalt  }
0x4f: {  	_ =	shalt  }
0x50: {  	_ =	shalt  }
0x51: {  	_ =	shalt  }
0x52: {  	_ =	shalt  }
0x53: {  	_ =	shalt  }
0x54: {  	_ =	shalt  }
0x55: {  	_ =	shalt  }
0x56: {  	_ =	shalt  }
0x57: {  	_ =	shalt  }
0x58: {  	_ =	shalt  }
0x59: {  	_ =	shalt  }
0x5a: {  	_ =	shalt  }
0x5b: {  	_ =	shalt  }
0x5c: {  	_ =	shalt  }
0x5d: {  	_ =	shalt  }
0x5e: {  	_ =	shalt  }
0x5f: {  	_ =	shalt  }
0x60: {  	_ =	shalt  }
0x61: {  	_ =	shalt  }
0x62: {  	_ =	shalt  }
0x63: {  	_ =	shalt  }
0x64: {  	_ =	shalt  }
0x65: {  	_ =	shalt  }
0x66: {  	_ =	shalt  }
0x67: {  	_ =	shalt  }
0x68: {  	_ =	shalt  }
0x69: {  	_ =	shalt  }
0x6a: {  	_ =	shalt  }
0x6b: {  	_ =	shalt  }
0x6c: {  	_ =	shalt  }
0x6d: {  	_ =	shalt  }
0x6e: {  	_ =	shalt  }
0x6f: {  	_ =	shalt  }
0x70: {  	_ =	shalt  }
0x71: {  	_ =	shalt  }
0x72: {  	_ =	shalt  }
0x73: {  	_ =	shalt  }
0x74: {  	_ =	shalt  }
0x75: {  	_ =	shalt  }
0x76: {  	_ =	shalt  }
0x77: {  	_ =	shalt  }
0x78: {  	_ =	shalt  }
0x79: {  	_ =	shalt  }
0x7a: {  	_ =	shalt  }
0x7b: {  	_ =	shalt  }
0x7c: {  	_ =	shalt  }
0x7d: {  	_ =	shalt  }
0x7e: {  	_ =	shalt  }
0x7f: {  	_ =	shalt  }
0x80: {  	_ =	shalt  }
0x81: {  	_ =	shalt  }
0x82: {  	_ =	shalt  }
0x83: {  	_ =	shalt  }
0x84: {  	_ =	shalt  }
0x85: {  	_ =	shalt  }
0x86: {  	_ =	shalt  }
0x87: {  	_ =	shalt  }
.Lfunc_end0:
.L_simem_size_0:
called_computation.1_lowered:
.L_overlay_start_0:
0x88: {  	s0 =	sld [smem:$0x3FD9]  }
0x89: {  	s1 =	sld [smem:$0x3FFE];
	_ =	sdelay $0x3  }
0x8a: {  	s0 =	sadd.s32 s1, s0  }
0x8b: {  	[smem:$0x3FC1] =	sst s0  }
0x8c: {  	_ = 	snop  }
0x8d: {  	s0 =	sld [smem:$0x3FD0];
	(tm) =	ssettm $0x1  }
0x8e: {  	s16 =	sld [smem:$0x3FFB];
	_ =	sdelay $0x3  }
0x8f: {  	_ =	strace s16  }
0x90: {  	s1 =	sld [smem:$0x3FFC];
	_ =	sdelay $0x3  }
0x91: {  	_ =	strace s1  }
0x92: {  	s1 =	sld [smem:$0x3FFD];
	_ =	sdelay $0x3  }
0x93: {  	_ =	strace s1  }
0x94: {  	_ =	strace $0x8FFFFFFF  }
0x95: {  	s17 =	sld [smem:$0x3FDB];
	_ =	sdelay $0x1  }
0x96: {  	s2 =	simm.s32 $_scs_section_size  }
0x97: {  	s3 =	simm.s32 $_size__tile_overlayer_lowered;
	s4 =	simm.s32 $_tile_overlayer_lowered  }
0x98: {  	s20 =	simm.s32 $0x1BFF;
	s19 =	sshll.u32 s4, $0x1;
	s1 =	sadd.s32 s2, s17  }
0x99: {  	s5 =	simm.s32 $0x0;
	s18 =	sshll.u32 s3, $0x1;
	s3 =	sadd.s32 s19, s1  }
0x9a: {  	[timem:s5], [sflag:s20] =	dma.local [hbm:s3], s18  }
0x9b: {  	_ =	swait.ge [sflag:s20], s18  }
0x9c: {  	s2 =	ssub.s32 $0x0, s18;
	[sflag:s20] =	ssyncset.done $0x0  }
0x9d: {  	[sflag:s20] =	ssyncadd.s32 s2;
	_ =	sdelay $0x1  }
0x9e: {  	s21 =	simm.s32 $0x1B8B  }
0x9f: {  	_ =	swait.ge [sflag:s21], $0x1  }
0xa0: {  	[sflag:s21] =	ssyncset.done $0x0  }
0xa1: {  	s23 =	simm.s32 $0x1B8E;
	s22 =	sld [smem:$0x3FFE];
	[sflag:s21] =	ssyncadd.s32 $0xFFFFFFFF  }
0xa2: {  	s24 =	simm.s32 $execute0_lowered;
	[smem:$0x3FD2] =	sst s23  }
0xa3: {  	s3 =	sshll.u32 s24, $0x1;
	_ =	strace $0x80000049;
	[dreg:$0x1] =	wrdreg $0xFFFFFFFF  }
0xa4: {  	s25 =	simm.s32 $_size_execute0_lowered;
	s1 =	sadd.s32 s1, s3;
	[dreg:$0x0] =	wrdreg $0x0  }
0xa5: {  	s3 =	sshll.u32 s25, $0x1;
	[dreg:$0x2] =	wrdreg s1  }
0xa6: {  	[dreg:$0x3] =	wrdreg s3  }
0xa7: {  	[dreg:$0x4] =	wrdreg $0xC0  }
0xa8: {  	_ =	task [dreg:s5], $0x5FFFF  }
0xa9: {  	[dreg:$0x1] =	wrdreg $0xFFFFFFFF  }
0xaa: {  	[dreg:$0x0] =	wrdreg $0x60  }
0xab: {  	[dreg:$0x2] =	wrdreg s0  }
0xac: {  	[dreg:$0x3] =	wrdreg s22  }
0xad: {  	[dreg:$0x4] =	wrdreg $0xA  }
0xae: {  	_ =	task.clear_ibuf [dreg:s5], $0x5FFFF;
	_ =	strace $0x90000049  }
0xaf: {  	s26 =	simm.s32 $0xA;
	_ =	strace $0x8000004B  }
0xb0: {  	_ =	swait.ge [sflag:s26], $0x1  }
0xb1: {  	[sflag:s26] =	ssyncadd.s32 $0xFFFFFFFF  }
0xb2: {  	_ =	strace $0x9000004B  }
0xb3: {  	_ =	sfence  }
0xb4: {  	s28 =	sld [smem:$0x0];
	_ =	sdelay $0x1  }
0xb5: {  	s29 =	srdreg.scid  }
0xb6: {  	s30 =	sshll.u32 s29, $0xD;
	s31 =	sshrl.u32 s29, $0x2  }
0xb7: {  	s2 =	sand.u32 $0x4000, s30;
	s1 =	sand.u32 $0x1, s29;
	s0 =	sadd.s32 s31, s28  }
0xb8: {  	s1 =	sor.u32 s2, s1;
	s0 =	sshll.u32 s0, $0x11  }
0xb9: {  	s0 =	sor.u32 s0, s1  }
0xba: {  	s0 =	sadd.s32 $0x8F2B, s0  }
0xbb: {  	[sflag:s0] =	ssyncadd.remote.s32 $0x1  }
0xbc: {  	_ =	sfence.sel $0xFFFF  }
0xbd: {  	[dreg:$0x0] =	wrdreg $0xFFFFFFFF;
	(pc) =	sbr.abs _section_cstart, $3  }
0xbe: {  	[dreg:$0x1] =	wrdreg $0xFFFFFFFF  }
0xbf: {  	_ =	task.clear_ibuf [dreg:s5], $0x2FFFF;
	_ =	strace $0x9FFFFFFF  }
0xc0: {  	(tm) =	ssettm $0x7FFFFFFF  }
0xc1: {  	_ =	shalt  }
tec
execute0_lowered:
.L_overlay_start_1:
0x0: {  	(tag) =	ssettag $0x1  }
0x1: {  	s2 =	rddreg [dreg:$0x0]  }
0x2: {  	s5 =	rddreg [dreg:$0x1]  }
0x3: {  	s0 =	rddreg [dreg:$0x2];
	s1 =	stileid.u32;
	_ =	strace $0x8000004A  }
0x4: {  	s6 =	simm.s32 $0x1;
	s8 =	simm.s32 $0x2;
	s30 =	simm.s32 $0x3  }
0x5: {  	s12 =	simm.s32 $0x0;
	s9 =	simm.s32 $0x0;
	s4 =	sshll.u32 s1, $0x4  }
0x6: {  	s10 =	simm.s32 $0x0;
	s3 =	sadd.s32 $0x600, s5;
	s7 =	ssub.s32 $0x2320, s4  }
0x7: {  	s5 =	sadd.s32 $0x2A00, s5;
	[sflag:s6] =	ssyncpa.u1 $0x0;
	s6 =	sshrl.u32 s7, $0x8  }
0x8: {  	[sflag:s8] =	ssyncpa.u1 $0x0;
	s11 =	smov.u32 s4;
	s31 =	sshll.u32 s6, $0x4  }
0x9: {  	[sflag:s30] =	ssyncpa.u1 $0x0;
	s7 =	sadd.s32 $0x2, s6;
	s8 =	sadd.s32 $0x30, s31  }
.LBB2_1:
0xa: {  	p0 =	sgt.u32 s10, s6  }
0xb: {  	s13 =	sxor.u32 @!p0 $0xFFFFFFFF, s9;
	s14 =	sshrl.u32 @!p0 s11, $0x3  }
0xc: {  	s15 =	sand.u32 @!p0 $0x7, s11;
	s13 =	sand.u32 @!p0 $0x10, s13;
	s14 =	sadd.s32 @!p0 s3, s14  }
0xd: {  	[tilespmem:s13], [sflag:$0x2] =	stream.linear.gather @!p0 [hbm4b:s14+s15], $0x10, $0x38;
	[tilespmem:$0x40] =	vst v63  }
0xe: {  	p0 =	seq.s32 s9, $0x0  }
0xf: {  	p1 =	sge.u32 @!p0 s10, s7  }
0x10: {  	p0 =	por p1, p0  }
0x11: {  	s13 =	simm.s32 @!p0 $0x2  }
0x12: {  	_ =	swait.ge @!p0 [sflag:s13], $0x10  }
0x13: {  	[sflag:s13] =	ssyncset.done @!p0 $0x0  }
0x14: {  	[sflag:s13] =	ssyncadd.s32 @!p0 $0xFFFFFFF0;
	s13 =	sand.u32 @!p0 $0x10, s9  }
0x15: {  	(ifvalue) =	ssetifvalue @!p0 $0x7FFFFFFF;
	v0 =	vld.msk @!p0 [tilespmem:s13+$0x0 ss:$0x1], $0xffff;
	_ =	sdelay $0x4  }
0x16: {  	vm0 =	vgt.s32 @!p0 v0, $0x0  }
0x17: {  	v0 =	vnsel @!p0 vm0, $0x0, v0  }
0x18: {  	v0 =	vmin.u32 @!p0 v0, $0x2327;
	_ =	sdelay $0x3  }
0x19: {  	s14 =	simm.s32 @!p0 $0x0;
	s13 =	sor.u32 @!p0 $0x20, s13;
	(ifvalue) =	ssetifvalue @!p0 $0x7FFFFFFF;
	vm0 =	vmmov @!p0 $0xffff  }
0x1a: {  	[tilespmem:s13], [sflag:$0x1] =	stream.indirect_vreg.gather @!p0 [hbm4b:s2+s14], $0x1, v0, vm0, $0x4038;
	[tilespmem:$0x40] =	vst v63  }
0x1b: {  	s14 =	simm.s32 @!p0 $0x1  }
0x1c: {  	_ =	swait.ge @!p0 [sflag:s14], $0x10  }
0x1d: {  	s15 =	sshrl.u32 @!p0 s12, $0x3;
	[sflag:s14] =	ssyncset.done @!p0 $0x0  }
0x1e: {  	s12 =	sand.u32 @!p0 $0x7, s12;
	[sflag:s14] =	ssyncadd.s32 @!p0 $0xFFFFFFF0;
	s14 =	sadd.s32 @!p0 s5, s15  }
0x1f: {  	[hbm4b:s14+s12] =	stream.linear.scatter @!p0 [tilespmem:s13], [sflag:$0x3], $0x10, $0x38;
	[tilespmem:$0x40] =	vst v63  }
0x20: {  	s14 =	sadd.s32 $0x100, s11  }
0x21: {  	s9 =	sadd.s32 $0x10, s9;
	p1 =	sgt.s32 s14, $0x2327  }
0x22: {  	s14 =	smov.u32 @p1 s4;
	p1 =	sne.s32 s8, s9  }
.Ltmp0:
0x23: {  	p0 =	slt.u32 s10, $0x2;
	(pc) =	sbr.rel @p1 .LBB2_1-.Ltmp0, $4  }
0x24: {  	s13 =	simm.s32 @!p0 $0x3  }
0x25: {  	_ =	swait.ge @!p0 [sflag:s13], $0x10  }
0x26: {  	s12 =	smov.u32 s11;
	[sflag:s13] =	ssyncset.done @!p0 $0x0  }
0x27: {  	s10 =	sadd.s32 $0x1, s10;
	s11 =	smov.u32 s14;
	[sflag:s13] =	ssyncadd.s32 @!p0 $0xFFFFFFF0  }
0x28: {  	_ =	sfence.sel $0x180000  }
0x29: {  	s2 =	simm.s32 $0x2;
	[bflag:$0x0] =	sbarrier.arrive $0xFFFF  }
0x2a: {  	s30 =	simm.s32 $0x3;
	[sflag:s2] =	ssyncpa.u1 $0x1  }
0x2b: {  	s31 =	simm.s32 $0x1;
	[sflag:s30] =	ssyncpa.u1 $0x1  }
0x2c: {  	[sflag:s31] =	ssyncpa.u1 $0x1  }
0x2d: {  	p0 =	sne.s32 s1, $0x0;
	_ =	strace $0x9000004A  }
0x2e: {  	s0 =	sadd.s32 @!p0 $0x100000, s0;
	[bflag:$0x2] =	sbarrier.arrive $0xFFFF  }
0x2f: {  	[sflag:s0] =	ssyncadd.tile.s32 @!p0 $0x1;
	_ =	shalt  }
.Lfunc_end2:
_tile_overlayer_lowered:
.L_overlay_start_2:
0x30: {  	(tag) =	ssettag $0x2  }
0x31: {  	s0 =	rddreg [dreg:$0x0];
	s2 =	stileid.u32  }
0x32: {  	s1 =	rddreg [dreg:$0x1];
	p0 =	sne.s32 s2, $0x0  }
0x33: {  	s3 =	rddreg [dreg:$0x2];
	[bflag:$0x3] =	sbarrier.arrive $0xFFFF;
	s2 =	simm.s32 @!p0 $0x1C01  }
0x34: {  	[timem:s3], [sflag:s2] =	dma.local @!p0 [hbm:s0], s1  }
0x35: {  	s0 =	simm.s32 @!p0 $0x1  }
0x36: {  	_ =	swait.ge @!p0 [sflag:s0], s1  }
0x37: {  	s1 =	ssub.s32 @!p0 $0x0, s1;
	[sflag:s0] =	ssyncset.done @!p0 $0x0  }
0x38: {  	[sflag:s0] =	ssyncadd.s32 @!p0 s1  }
0x39: {  	[bflag:$0x3] =	sbarrier.arrive $0xFFFF  }
0x3a: {  	_ =	shalt  }

// kernel: gather_offload_async_start
scs
__scs_entry_jumppad:
0x0: {  	(pc) =	sbr.rel $0x88, $3  }
0x1: {  	(tag) =	ssettag $0x0;
	lr =	simm.s32 $0x1  }
0x2: {  	[smem:$0x3F9A] =	sst lr;
	_ =	strace $0xD0000000  }
0x3: {  	_ = 	snop  }
0x4: {  	_ = 	snop  }
0x5: {  	_ = 	snop  }
0x6: {  	_ = 	snop  }
0x7: {  	_ = 	snop  }
__scs_overlays_trampoline_lowered:
0x8: {  	[smem:$0x3FA9] =	sst s0  }
0x9: {  	[smem:$0x3FAA] =	sst s1  }
0xa: {  	[smem:$0x3FAB] =	sst s2  }
0xb: {  	[smem:$0x3FAC] =	sst s3  }
0xc: {  	[smem:$0x3FAD] =	sst s4  }
0xd: {  	[smem:$0x3FAE] =	sst s5  }
0xe: {  	[smem:$0x3FAF] =	sst s6  }
0xf: {  	[smem:$0x3FB0] =	sst s7  }
0x10: {  	[smem:$0x3FB1] =	sst s8  }
0x11: {  	[smem:$0x3FB2] =	sst s9;
	s0 =	simm.s32 @!p0 $0x0  }
0x12: {  	s1 =	sld [smem:$0x3F98];
	s0 =	simm.s32 @p0 $0x1  }
0x13: {  	[smem:$0x3FB3] =	sst s0;
	s0 =	simm.s32 @!p1 $0x0  }
0x14: {  	s2 =	sld [smem:$0x3F97];
	s0 =	simm.s32 @p1 $0x1  }
0x15: {  	[smem:$0x3FB4] =	sst s0;
	s0 =	simm.s32 @!p2 $0x0  }
0x16: {  	s3 =	sld [smem:$0x3FDB];
	s0 =	simm.s32 @p2 $0x1  }
0x17: {  	s4 =	simm.s32 $0x1BF5;
	[smem:$0x3FB6] =	sst s0  }
0x18: {  	s0 =	sld [smem:$0x3F99];
	_ =	swait.ge [sflag:s4], $0x0  }
0x19: {  	s7 =	sld [smem:$0x3F9A]  }
0x1a: {  	s8 =	sadd.s32 $0xFFFFE003, lr  }
0x1b: {  	s9 =	sadd.s32 $0xFFFFFEF7, lr;
	s5 =	simm.s32 $0xFFFFFFFF;
	p2 =	slt.u32 s8, $0xFFFFF086  }
0x1c: {  	p1 =	slt.u32 s9, $0xF7A;
	s5 =	simm.s32 @!p2 $0x0  }
0x1d: {  	s5 =	simm.s32 @p1 $0x1;
	p0 =	seq.s32 s7, s2  }
0x1e: {  	s7 =	smul.u32 @!p0 $0xF7A, s2;
	p2 =	seq.s32 @!p0 s5, $0x0  }
0x1f: {  	s9 =	smul.u32 $0xF7A, s1;
	s8 =	simm.s32 @!p0 $0x1BF5;
	p2 =	por !p2, p0  }
0x20: {  	[sflag:s8] =	ssyncset.s32 @!p0 $0xFFFFF086;
	s6 =	sadd.s32 @!p0 s3, s7;
	s7 =	simm.s32 @!p0 $0x108  }
0x21: {  	s3 =	sadd.s32 s3, s9;
	s6 =	sadd.s32 @!p0 $0x88, s6;
	s7 =	simm.s32 @p2 $0x1082  }
0x22: {  	[simem:s7], [sflag:s8] =	dma.local @!p0 [hbm:s6], $0xF7A  }
0x23: {  	s9 =	sor.u32 $0xD0000000, s2;
	s6 =	simm.s32 $0x108;
	_ =	swait.ge @!p0 [sflag:s8], $0x0  }
0x24: {  	s3 =	sadd.s32 $0x88, s3;
	s6 =	simm.s32 @!p1 $0x1082;
	[sflag:s4] =	ssyncset.s32 $0xFFFFF086  }
0x25: {  	[simem:s6], [sflag:s4] =	dma.local [hbm:s3], $0xF7A  }
0x26: {  	[smem:$0x3F9A] =	sst s1;
	(tag) =	ssettag s2;
	_ =	strace s9  }
0x27: {  	s1 =	sld [smem:$0x3FAA]  }
0x28: {  	s2 =	sld [smem:$0x3FAB]  }
0x29: {  	s4 =	sld [smem:$0x3FAD]  }
0x2a: {  	p0 =	seq.s32 s5, $0x0;
	s5 =	sld [smem:$0x3FAE]  }
0x2b: {  	s6 =	sld [smem:$0x3FAF]  }
0x2c: {  	s7 =	sld [smem:$0x3FB0]  }
0x2d: {  	s3 =	simm.s32 $0x108;
	s8 =	sld [smem:$0x3FB1]  }
0x2e: {  	s3 =	simm.s32 @!p0 $0x1082;
	s9 =	sld [smem:$0x3FB2]  }
0x2f: {  	lr =	sadd.s32 s0, s3;
	s0 =	sld [smem:$0x3FA9]  }
0x30: {  	s3 =	sld [smem:$0x3FAC]  }
0x31: {  	[smem:$0x3FB5] =	sst s10  }
0x32: {  	s10 =	sld [smem:$0x3FB3];
	_ =	sdelay $0x3  }
0x33: {  	p0 =	seq.s32 s10, $0x1;
	s10 =	sld [smem:$0x3FB5];
	_ =	sdelay $0x3  }
0x34: {  	[smem:$0x3FB5] =	sst s10  }
0x35: {  	s10 =	sld [smem:$0x3FB4];
	_ =	sdelay $0x3  }
0x36: {  	p1 =	seq.s32 s10, $0x1;
	s10 =	sld [smem:$0x3FB5];
	_ =	sdelay $0x3  }
0x37: {  	[smem:$0x3FB5] =	sst s10  }
0x38: {  	s10 =	sld [smem:$0x3FB6]  }
0x39: {  	_ = 	snop;
	(pc) =	sbr.ind lr, $3  }
0x3a: {  	_ = 	snop  }
0x3b: {  	_ = 	snop  }
0x3c: {  	p2 =	seq.s32 s10, $0x1;
	s10 =	sld [smem:$0x3FB5]  }
0x3d: {  	_ =	shalt  }
0x3e: {  	_ =	shalt  }
0x3f: {  	_ =	shalt  }
0x40: {  	_ =	shalt  }
0x41: {  	_ =	shalt  }
0x42: {  	_ =	shalt  }
0x43: {  	_ =	shalt  }
0x44: {  	_ =	shalt  }
0x45: {  	_ =	shalt  }
0x46: {  	_ =	shalt  }
0x47: {  	_ =	shalt  }
0x48: {  	_ =	shalt  }
0x49: {  	_ =	shalt  }
0x4a: {  	_ =	shalt  }
0x4b: {  	_ =	shalt  }
0x4c: {  	_ =	shalt  }
0x4d: {  	_ =	shalt  }
0x4e: {  	_ =	shalt  }
0x4f: {  	_ =	shalt  }
0x50: {  	_ =	shalt  }
0x51: {  	_ =	shalt  }
0x52: {  	_ =	shalt  }
0x53: {  	_ =	shalt  }
0x54: {  	_ =	shalt  }
0x55: {  	_ =	shalt  }
0x56: {  	_ =	shalt  }
0x57: {  	_ =	shalt  }
0x58: {  	_ =	shalt  }
0x59: {  	_ =	shalt  }
0x5a: {  	_ =	shalt  }
0x5b: {  	_ =	shalt  }
0x5c: {  	_ =	shalt  }
0x5d: {  	_ =	shalt  }
0x5e: {  	_ =	shalt  }
0x5f: {  	_ =	shalt  }
0x60: {  	_ =	shalt  }
0x61: {  	_ =	shalt  }
0x62: {  	_ =	shalt  }
0x63: {  	_ =	shalt  }
0x64: {  	_ =	shalt  }
0x65: {  	_ =	shalt  }
0x66: {  	_ =	shalt  }
0x67: {  	_ =	shalt  }
0x68: {  	_ =	shalt  }
0x69: {  	_ =	shalt  }
0x6a: {  	_ =	shalt  }
0x6b: {  	_ =	shalt  }
0x6c: {  	_ =	shalt  }
0x6d: {  	_ =	shalt  }
0x6e: {  	_ =	shalt  }
0x6f: {  	_ =	shalt  }
0x70: {  	_ =	shalt  }
0x71: {  	_ =	shalt  }
0x72: {  	_ =	shalt  }
0x73: {  	_ =	shalt  }
0x74: {  	_ =	shalt  }
0x75: {  	_ =	shalt  }
0x76: {  	_ =	shalt  }
0x77: {  	_ =	shalt  }
0x78: {  	_ =	shalt  }
0x79: {  	_ =	shalt  }
0x7a: {  	_ =	shalt  }
0x7b: {  	_ =	shalt  }
0x7c: {  	_ =	shalt  }
0x7d: {  	_ =	shalt  }
0x7e: {  	_ =	shalt  }
0x7f: {  	_ =	shalt  }
0x80: {  	_ =	shalt  }
0x81: {  	_ =	shalt  }
0x82: {  	_ =	shalt  }
0x83: {  	_ =	shalt  }
0x84: {  	_ =	shalt  }
0x85: {  	_ =	shalt  }
0x86: {  	_ =	shalt  }
0x87: {  	_ =	shalt  }
.Lfunc_end0:
.L_simem_size_0:
called_computation_lowered:
.L_overlay_start_0:
0x88: {  	s0 =	sld [smem:$0x3FD9]  }
0x89: {  	s1 =	sld [smem:$0x3FFE];
	_ =	sdelay $0x3  }
0x8a: {  	s0 =	sadd.s32 s1, s0  }
0x8b: {  	[smem:$0x3FC1] =	sst s0  }
0x8c: {  	_ = 	snop  }
0x8d: {  	(tm) =	ssettm $0x1  }
0x8e: {  	s15 =	sld [smem:$0x3FFB];
	_ =	sdelay $0x3  }
0x8f: {  	_ =	strace s15  }
0x90: {  	s0 =	sld [smem:$0x3FFC];
	_ =	sdelay $0x3  }
0x91: {  	_ =	strace s0  }
0x92: {  	s0 =	sld [smem:$0x3FFD];
	_ =	sdelay $0x3  }
0x93: {  	_ =	strace s0  }
0x94: {  	_ =	strace $0x8FFFFFFF  }
0x95: {  	s16 =	sld [smem:$0x3FDB];
	_ =	sdelay $0x1  }
0x96: {  	s17 =	simm.s32 $_scs_section_size  }
0x97: {  	s2 =	simm.s32 $_size__tile_overlayer_lowered;
	s3 =	simm.s32 $_tile_overlayer_lowered  }
0x98: {  	s20 =	simm.s32 $0x1BFF;
	s19 =	sshll.u32 s3, $0x1;
	s0 =	sadd.s32 s17, s16  }
0x99: {  	s4 =	simm.s32 $0x0;
	s18 =	sshll.u32 s2, $0x1;
	s2 =	sadd.s32 s19, s0  }
0x9a: {  	[timem:s4], [sflag:s20] =	dma.local [hbm:s2], s18  }
0x9b: {  	_ =	swait.ge [sflag:s20], s18  }
0x9c: {  	s1 =	ssub.s32 $0x0, s18;
	[sflag:s20] =	ssyncset.done $0x0  }
0x9d: {  	[sflag:s20] =	ssyncadd.s32 s1;
	_ =	sdelay $0x1  }
0x9e: {  	s21 =	simm.s32 $0x1B8B  }
0x9f: {  	_ =	swait.ge [sflag:s21], $0x1  }
0xa0: {  	[sflag:s21] =	ssyncset.done $0x0  }
0xa1: {  	s23 =	simm.s32 $0x1B8E;
	s22 =	sld [smem:$0x3FFE];
	[sflag:s21] =	ssyncadd.s32 $0xFFFFFFFF  }
0xa2: {  	s24 =	simm.s32 $execute0_lowered;
	[smem:$0x3FD2] =	sst s23  }
0xa3: {  	s2 =	sshll.u32 s24, $0x1;
	_ =	strace $0x80000046;
	[dreg:$0x1] =	wrdreg $0xFFFFFFFF  }
0xa4: {  	s25 =	simm.s32 $_size_execute0_lowered;
	s0 =	sadd.s32 s0, s2;
	[dreg:$0x0] =	wrdreg $0x0  }
0xa5: {  	s2 =	sshll.u32 s25, $0x1;
	[dreg:$0x2] =	wrdreg s0  }
0xa6: {  	[dreg:$0x3] =	wrdreg s2  }
0xa7: {  	[dreg:$0x4] =	wrdreg $0xC0  }
0xa8: {  	_ =	task [dreg:s4], $0x5FFFF  }
0xa9: {  	[dreg:$0x1] =	wrdreg $0xFFFFFFFF  }
0xaa: {  	[dreg:$0x0] =	wrdreg $0x60  }
0xab: {  	[dreg:$0x2] =	wrdreg s22  }
0xac: {  	[dreg:$0x3] =	wrdreg $0x9  }
0xad: {  	_ =	task.clear_ibuf [dreg:s4], $0x4FFFF;
	_ =	strace $0x90000046  }
0xae: {  	s26 =	simm.s32 $0x9;
	_ =	strace $0x80000048  }
0xaf: {  	_ =	swait.ge [sflag:s26], $0x1  }
0xb0: {  	[sflag:s26] =	ssyncadd.s32 $0xFFFFFFFF  }
0xb1: {  	_ =	strace $0x90000048  }
0xb2: {  	_ =	sfence  }
0xb3: {  	s28 =	sld [smem:$0x0];
	_ =	sdelay $0x1  }
0xb4: {  	s29 =	srdreg.scid  }
0xb5: {  	s30 =	sshll.u32 s29, $0xD;
	s31 =	sshrl.u32 s29, $0x2  }
0xb6: {  	s1 =	sand.u32 $0x1, s29;
	s2 =	sand.u32 $0x4000, s30;
	s0 =	sadd.s32 s31, s28  }
0xb7: {  	s1 =	sor.u32 s2, s1;
	s0 =	sshll.u32 s0, $0x11  }
0xb8: {  	s0 =	sor.u32 s0, s1  }
0xb9: {  	s0 =	sadd.s32 $0x8F2B, s0  }
0xba: {  	[sflag:s0] =	ssyncadd.remote.s32 $0x1  }
0xbb: {  	_ =	sfence.sel $0xFFFF  }
0xbc: {  	[dreg:$0x0] =	wrdreg $0xFFFFFFFF;
	(pc) =	sbr.abs _section_cstart, $3  }
0xbd: {  	[dreg:$0x1] =	wrdreg $0xFFFFFFFF  }
0xbe: {  	_ =	task.clear_ibuf [dreg:s4], $0x2FFFF;
	_ =	strace $0x9FFFFFFF  }
0xbf: {  	(tm) =	ssettm $0x7FFFFFFF  }
tec
execute0_lowered:
.L_overlay_start_1:
0x0: {  	(tag) =	ssettag $0x1  }
0x1: {  	s2 =	rddreg [dreg:$0x0]  }
0x2: {  	s0 =	rddreg [dreg:$0x1];
	s1 =	stileid.u32;
	_ =	strace $0x80000047  }
0x3: {  	s6 =	simm.s32 $0x1;
	s8 =	simm.s32 $0x2;
	s30 =	simm.s32 $0x3  }
0x4: {  	s12 =	simm.s32 $0x0;
	s9 =	simm.s32 $0x0;
	s4 =	sshll.u32 s1, $0x4  }
0x5: {  	s10 =	simm.s32 $0x0;
	s3 =	sadd.s32 $0x600, s2;
	s7 =	ssub.s32 $0x2320, s4  }
0x6: {  	s5 =	sadd.s32 $0x2400, s2;
	[sflag:s6] =	ssyncpa.u1 $0x0;
	s6 =	sshrl.u32 s7, $0x8  }
0x7: {  	[sflag:s8] =	ssyncpa.u1 $0x0;
	s11 =	smov.u32 s4;
	s31 =	sshll.u32 s6, $0x4  }
0x8: {  	[sflag:s30] =	ssyncpa.u1 $0x0;
	s7 =	sadd.s32 $0x2, s6;
	s8 =	sadd.s32 $0x30, s31  }
.LBB2_1:
0x9: {  	p0 =	sgt.u32 s10, s6  }
0xa: {  	s13 =	sxor.u32 @!p0 $0xFFFFFFFF, s9;
	s14 =	sshrl.u32 @!p0 s11, $0x3  }
0xb: {  	s15 =	sand.u32 @!p0 $0x7, s11;
	s13 =	sand.u32 @!p0 $0x10, s13;
	s14 =	sadd.s32 @!p0 s3, s14  }
0xc: {  	[tilespmem:s13], [sflag:$0x2] =	stream.linear.gather @!p0 [hbm4b:s14+s15], $0x10, $0x38;
	[tilespmem:$0x40] =	vst v63  }
0xd: {  	p0 =	seq.s32 s9, $0x0  }
0xe: {  	p1 =	sge.u32 @!p0 s10, s7  }
0xf: {  	p0 =	por p1, p0  }
0x10: {  	s13 =	simm.s32 @!p0 $0x2  }
0x11: {  	_ =	swait.ge @!p0 [sflag:s13], $0x10  }
0x12: {  	[sflag:s13] =	ssyncset.done @!p0 $0x0  }
0x13: {  	[sflag:s13] =	ssyncadd.s32 @!p0 $0xFFFFFFF0;
	s13 =	sand.u32 @!p0 $0x10, s9  }
0x14: {  	(ifvalue) =	ssetifvalue @!p0 $0x7FFFFFFF;
	v0 =	vld.msk @!p0 [tilespmem:s13+$0x0 ss:$0x1], $0xffff;
	_ =	sdelay $0x4  }
0x15: {  	vm0 =	vgt.s32 @!p0 v0, $0x0  }
0x16: {  	v0 =	vnsel @!p0 vm0, $0x0, v0  }
0x17: {  	v0 =	vmin.u32 @!p0 v0, $0x2327;
	_ =	sdelay $0x3  }
0x18: {  	s14 =	simm.s32 @!p0 $0x0;
	s13 =	sor.u32 @!p0 $0x20, s13;
	(ifvalue) =	ssetifvalue @!p0 $0x7FFFFFFF;
	vm0 =	vmmov @!p0 $0xffff  }
0x19: {  	[tilespmem:s13], [sflag:$0x1] =	stream.indirect_vreg.gather @!p0 [hbm4b:s2+s14], $0x1, v0, vm0, $0x4038;
	[tilespmem:$0x40] =	vst v63  }
0x1a: {  	s14 =	simm.s32 @!p0 $0x1  }
0x1b: {  	_ =	swait.ge @!p0 [sflag:s14], $0x10  }
0x1c: {  	s15 =	sshrl.u32 @!p0 s12, $0x3;
	[sflag:s14] =	ssyncset.done @!p0 $0x0  }
0x1d: {  	s12 =	sand.u32 @!p0 $0x7, s12;
	[sflag:s14] =	ssyncadd.s32 @!p0 $0xFFFFFFF0;
	s14 =	sadd.s32 @!p0 s5, s15  }
0x1e: {  	[hbm4b:s14+s12] =	stream.linear.scatter @!p0 [tilespmem:s13], [sflag:$0x3], $0x10, $0x38;
	[tilespmem:$0x40] =	vst v63  }
0x1f: {  	s14 =	sadd.s32 $0x100, s11  }
0x20: {  	s9 =	sadd.s32 $0x10, s9;
	p1 =	sgt.s32 s14, $0x2327  }
0x21: {  	s14 =	smov.u32 @p1 s4;
	p1 =	sne.s32 s8, s9  }
.Ltmp0:
0x22: {  	p0 =	slt.u32 s10, $0x2;
	(pc) =	sbr.rel @p1 .LBB2_1-.Ltmp0, $4  }
0x23: {  	s13 =	simm.s32 @!p0 $0x3  }
0x24: {  	_ =	swait.ge @!p0 [sflag:s13], $0x10  }
0x25: {  	s12 =	smov.u32 s11;
	[sflag:s13] =	ssyncset.done @!p0 $0x0  }
0x26: {  	s10 =	sadd.s32 $0x1, s10;
	s11 =	smov.u32 s14;
	[sflag:s13] =	ssyncadd.s32 @!p0 $0xFFFFFFF0  }
0x27: {  	_ =	sfence.sel $0x180000  }
0x28: {  	s2 =	simm.s32 $0x2;
	[bflag:$0x0] =	sbarrier.arrive $0xFFFF  }
0x29: {  	s30 =	simm.s32 $0x3;
	[sflag:s2] =	ssyncpa.u1 $0x1  }
0x2a: {  	s31 =	simm.s32 $0x1;
	[sflag:s30] =	ssyncpa.u1 $0x1  }
0x2b: {  	[sflag:s31] =	ssyncpa.u1 $0x1  }
0x2c: {  	p0 =	sne.s32 s1, $0x0;
	_ =	strace $0x90000047  }
0x2d: {  	s0 =	sadd.s32 @!p0 $0x100000, s0;
	[bflag:$0x2] =	sbarrier.arrive $0xFFFF  }
0x2e: {  	[sflag:s0] =	ssyncadd.tile.s32 @!p0 $0x1;
	_ =	shalt  }
.Lfunc_end2:
_tile_overlayer_lowered:
.L_overlay_start_2:
0x2f: {  	(tag) =	ssettag $0x2  }
0x30: {  	s0 =	rddreg [dreg:$0x0];
	s2 =	stileid.u32  }
0x31: {  	s1 =	rddreg [dreg:$0x1];
	p0 =	sne.s32 s2, $0x0  }
0x32: {  	s3 =	rddreg [dreg:$0x2];
	[bflag:$0x3] =	sbarrier.arrive $0xFFFF;
	s2 =	simm.s32 @!p0 $0x1C01  }
0x33: {  	[timem:s3], [sflag:s2] =	dma.local @!p0 [hbm:s0], s1  }
0x34: {  	s0 =	simm.s32 @!p0 $0x1  }
0x35: {  	_ =	swait.ge @!p0 [sflag:s0], s1  }
0x36: {  	s1 =	ssub.s32 @!p0 $0x0, s1;
	[sflag:s0] =	ssyncset.done @!p0 $0x0  }
0x37: {  	[sflag:s0] =	ssyncadd.s32 @!p0 s1  }
0x38: {  	[bflag:$0x3] =	sbarrier.arrive $0xFFFF  }
0x39: {  	_ =	shalt  }

// kernel: kernel.12.cloned.1.call-start
scs
__scs_entry_jumppad:
0x0: {  	(pc) =	sbr.rel $0x88, $3  }
0x1: {  	(tag) =	ssettag $0x0;
	lr =	simm.s32 $0x1  }
0x2: {  	[smem:$0x3F9A] =	sst lr;
	_ =	strace $0xD0000000  }
0x3: {  	_ = 	snop  }
0x4: {  	_ = 	snop  }
0x5: {  	_ = 	snop  }
0x6: {  	_ = 	snop  }
0x7: {  	_ = 	snop  }
__scs_overlays_trampoline_lowered:
0x8: {  	[smem:$0x3FA9] =	sst s0  }
0x9: {  	[smem:$0x3FAA] =	sst s1  }
0xa: {  	[smem:$0x3FAB] =	sst s2  }
0xb: {  	[smem:$0x3FAC] =	sst s3  }
0xc: {  	[smem:$0x3FAD] =	sst s4  }
0xd: {  	[smem:$0x3FAE] =	sst s5  }
0xe: {  	[smem:$0x3FAF] =	sst s6  }
0xf: {  	[smem:$0x3FB0] =	sst s7  }
0x10: {  	[smem:$0x3FB1] =	sst s8  }
0x11: {  	[smem:$0x3FB2] =	sst s9;
	s0 =	simm.s32 @!p0 $0x0  }
0x12: {  	s1 =	sld [smem:$0x3F98];
	s0 =	simm.s32 @p0 $0x1  }
0x13: {  	[smem:$0x3FB3] =	sst s0;
	s0 =	simm.s32 @!p1 $0x0  }
0x14: {  	s2 =	sld [smem:$0x3F97];
	s0 =	simm.s32 @p1 $0x1  }
0x15: {  	[smem:$0x3FB4] =	sst s0;
	s0 =	simm.s32 @!p2 $0x0  }
0x16: {  	s3 =	sld [smem:$0x3FDB];
	s0 =	simm.s32 @p2 $0x1  }
0x17: {  	s4 =	simm.s32 $0x1BF5;
	[smem:$0x3FB6] =	sst s0  }
0x18: {  	s0 =	sld [smem:$0x3F99];
	_ =	swait.ge [sflag:s4], $0x0  }
0x19: {  	s7 =	sld [smem:$0x3F9A]  }
0x1a: {  	s8 =	sadd.s32 $0xFFFFE003, lr  }
0x1b: {  	s9 =	sadd.s32 $0xFFFFFEF7, lr;
	s5 =	simm.s32 $0xFFFFFFFF;
	p2 =	slt.u32 s8, $0xFFFFF086  }
0x1c: {  	p1 =	slt.u32 s9, $0xF7A;
	s5 =	simm.s32 @!p2 $0x0  }
0x1d: {  	s5 =	simm.s32 @p1 $0x1;
	p0 =	seq.s32 s7, s2  }
0x1e: {  	s7 =	smul.u32 @!p0 $0xF7A, s2;
	p2 =	seq.s32 @!p0 s5, $0x0  }
0x1f: {  	s9 =	smul.u32 $0xF7A, s1;
	s8 =	simm.s32 @!p0 $0x1BF5;
	p2 =	por !p2, p0  }
0x20: {  	[sflag:s8] =	ssyncset.s32 @!p0 $0xFFFFF086;
	s6 =	sadd.s32 @!p0 s3, s7;
	s7 =	simm.s32 @!p0 $0x108  }
0x21: {  	s3 =	sadd.s32 s3, s9;
	s6 =	sadd.s32 @!p0 $0x88, s6;
	s7 =	simm.s32 @p2 $0x1082  }
0x22: {  	[simem:s7], [sflag:s8] =	dma.local @!p0 [hbm:s6], $0xF7A  }
0x23: {  	s9 =	sor.u32 $0xD0000000, s2;
	s6 =	simm.s32 $0x108;
	_ =	swait.ge @!p0 [sflag:s8], $0x0  }
0x24: {  	s3 =	sadd.s32 $0x88, s3;
	s6 =	simm.s32 @!p1 $0x1082;
	[sflag:s4] =	ssyncset.s32 $0xFFFFF086  }
0x25: {  	[simem:s6], [sflag:s4] =	dma.local [hbm:s3], $0xF7A  }
0x26: {  	[smem:$0x3F9A] =	sst s1;
	(tag) =	ssettag s2;
	_ =	strace s9  }
0x27: {  	s1 =	sld [smem:$0x3FAA]  }
0x28: {  	s2 =	sld [smem:$0x3FAB]  }
0x29: {  	s4 =	sld [smem:$0x3FAD]  }
0x2a: {  	p0 =	seq.s32 s5, $0x0;
	s5 =	sld [smem:$0x3FAE]  }
0x2b: {  	s6 =	sld [smem:$0x3FAF]  }
0x2c: {  	s7 =	sld [smem:$0x3FB0]  }
0x2d: {  	s3 =	simm.s32 $0x108;
	s8 =	sld [smem:$0x3FB1]  }
0x2e: {  	s3 =	simm.s32 @!p0 $0x1082;
	s9 =	sld [smem:$0x3FB2]  }
0x2f: {  	lr =	sadd.s32 s0, s3;
	s0 =	sld [smem:$0x3FA9]  }
0x30: {  	s3 =	sld [smem:$0x3FAC]  }
0x31: {  	[smem:$0x3FB5] =	sst s10  }
0x32: {  	s10 =	sld [smem:$0x3FB3];
	_ =	sdelay $0x3  }
0x33: {  	p0 =	seq.s32 s10, $0x1;
	s10 =	sld [smem:$0x3FB5];
	_ =	sdelay $0x3  }
0x34: {  	[smem:$0x3FB5] =	sst s10  }
0x35: {  	s10 =	sld [smem:$0x3FB4];
	_ =	sdelay $0x3  }
0x36: {  	p1 =	seq.s32 s10, $0x1;
	s10 =	sld [smem:$0x3FB5];
	_ =	sdelay $0x3  }
0x37: {  	[smem:$0x3FB5] =	sst s10  }
0x38: {  	s10 =	sld [smem:$0x3FB6]  }
0x39: {  	_ = 	snop;
	(pc) =	sbr.ind lr, $3  }
0x3a: {  	_ = 	snop  }
0x3b: {  	_ = 	snop  }
0x3c: {  	p2 =	seq.s32 s10, $0x1;
	s10 =	sld [smem:$0x3FB5]  }
0x3d: {  	_ =	shalt  }
0x3e: {  	_ =	shalt  }
0x3f: {  	_ =	shalt  }
0x40: {  	_ =	shalt  }
0x41: {  	_ =	shalt  }
0x42: {  	_ =	shalt  }
0x43: {  	_ =	shalt  }
0x44: {  	_ =	shalt  }
0x45: {  	_ =	shalt  }
0x46: {  	_ =	shalt  }
0x47: {  	_ =	shalt  }
0x48: {  	_ =	shalt  }
0x49: {  	_ =	shalt  }
0x4a: {  	_ =	shalt  }
0x4b: {  	_ =	shalt  }
0x4c: {  	_ =	shalt  }
0x4d: {  	_ =	shalt  }
0x4e: {  	_ =	shalt  }
0x4f: {  	_ =	shalt  }
0x50: {  	_ =	shalt  }
0x51: {  	_ =	shalt  }
0x52: {  	_ =	shalt  }
0x53: {  	_ =	shalt  }
0x54: {  	_ =	shalt  }
0x55: {  	_ =	shalt  }
0x56: {  	_ =	shalt  }
0x57: {  	_ =	shalt  }
0x58: {  	_ =	shalt  }
0x59: {  	_ =	shalt  }
0x5a: {  	_ =	shalt  }
0x5b: {  	_ =	shalt  }
0x5c: {  	_ =	shalt  }
0x5d: {  	_ =	shalt  }
0x5e: {  	_ =	shalt  }
0x5f: {  	_ =	shalt  }
0x60: {  	_ =	shalt  }
0x61: {  	_ =	shalt  }
0x62: {  	_ =	shalt  }
0x63: {  	_ =	shalt  }
0x64: {  	_ =	shalt  }
0x65: {  	_ =	shalt  }
0x66: {  	_ =	shalt  }
0x67: {  	_ =	shalt  }
0x68: {  	_ =	shalt  }
0x69: {  	_ =	shalt  }
0x6a: {  	_ =	shalt  }
0x6b: {  	_ =	shalt  }
0x6c: {  	_ =	shalt  }
0x6d: {  	_ =	shalt  }
0x6e: {  	_ =	shalt  }
0x6f: {  	_ =	shalt  }
0x70: {  	_ =	shalt  }
0x71: {  	_ =	shalt  }
0x72: {  	_ =	shalt  }
0x73: {  	_ =	shalt  }
0x74: {  	_ =	shalt  }
0x75: {  	_ =	shalt  }
0x76: {  	_ =	shalt  }
0x77: {  	_ =	shalt  }
0x78: {  	_ =	shalt  }
0x79: {  	_ =	shalt  }
0x7a: {  	_ =	shalt  }
0x7b: {  	_ =	shalt  }
0x7c: {  	_ =	shalt  }
0x7d: {  	_ =	shalt  }
0x7e: {  	_ =	shalt  }
0x7f: {  	_ =	shalt  }
0x80: {  	_ =	shalt  }
0x81: {  	_ =	shalt  }
0x82: {  	_ =	shalt  }
0x83: {  	_ =	shalt  }
0x84: {  	_ =	shalt  }
0x85: {  	_ =	shalt  }
0x86: {  	_ =	shalt  }
0x87: {  	_ =	shalt  }
.Lfunc_end0:
.L_simem_size_0:
called_computation.3_lowered:
.L_overlay_start_0:
0x88: {  	s2 =	sld [smem:$0x3FD9]  }
0x89: {  	s3 =	sld [smem:$0x3FFE];
	_ =	sdelay $0x1  }
0x8a: {  	s1 =	srdreg.scid  }
0x8b: {  	s0 =	sand.u32 $0x1, s1  }
0x8c: {  	s17 =	sshll.u32 s0, $0xA;
	s2 =	sadd.s32 s3, s2  }
0x8d: {  	s2 =	sadd.s32 s2, s17  }
0x8e: {  	[smem:$0x3FC1] =	sst s2  }
0x8f: {  	_ = 	snop  }
0x90: {  	s2 =	sld [smem:$0x3FD0];
	(tm) =	ssettm $0x1  }
0x91: {  	s18 =	sld [smem:$0x3FFB];
	_ =	sdelay $0x3  }
0x92: {  	_ =	strace s18  }
0x93: {  	s3 =	sld [smem:$0x3FFC];
	_ =	sdelay $0x3  }
0x94: {  	_ =	strace s3  }
0x95: {  	s3 =	sld [smem:$0x3FFD];
	_ =	sdelay $0x3  }
0x96: {  	_ =	strace s3  }
0x97: {  	_ =	strace $0x8FFFFFFF  }
0x98: {  	s19 =	sld [smem:$0x3FDB];
	_ =	sdelay $0x1  }
0x99: {  	s4 =	simm.s32 $_scs_section_size  }
0x9a: {  	s5 =	simm.s32 $_size__tile_overlayer_lowered;
	s6 =	simm.s32 $_tile_overlayer_lowered  }
0x9b: {  	s22 =	simm.s32 $0x1BFF;
	s21 =	sshll.u32 s6, $0x1;
	s3 =	sadd.s32 s4, s19  }
0x9c: {  	s7 =	simm.s32 $0x0;
	s20 =	sshll.u32 s5, $0x1;
	s5 =	sadd.s32 s21, s3  }
0x9d: {  	[timem:s7], [sflag:s22] =	dma.local [hbm:s5], s20  }
0x9e: {  	_ =	swait.ge [sflag:s22], s20  }
0x9f: {  	s4 =	ssub.s32 $0x0, s20;
	[sflag:s22] =	ssyncset.done $0x0  }
0xa0: {  	[sflag:s22] =	ssyncadd.s32 s4;
	_ =	sdelay $0x1  }
0xa1: {  	s23 =	simm.s32 $0x1B8B  }
0xa2: {  	_ =	swait.ge [sflag:s23], $0x1  }
0xa3: {  	[sflag:s23] =	ssyncset.done $0x0  }
0xa4: {  	s25 =	simm.s32 $0x1B8E;
	s24 =	sld [smem:$0x3FFE];
	[sflag:s23] =	ssyncadd.s32 $0xFFFFFFFF  }
0xa5: {  	s26 =	simm.s32 $execute0_lowered;
	[smem:$0x3FD2] =	sst s25  }
0xa6: {  	s5 =	sshll.u32 s26, $0x1;
	_ =	strace $0x8000004F;
	[dreg:$0x1] =	wrdreg $0xFFFFFFFF  }
0xa7: {  	s28 =	simm.s32 $_size_execute0_lowered;
	s3 =	sadd.s32 s3, s5;
	[dreg:$0x0] =	wrdreg $0x0  }
0xa8: {  	s5 =	sshll.u32 s28, $0x1;
	[dreg:$0x2] =	wrdreg s3  }
0xa9: {  	[dreg:$0x3] =	wrdreg s5  }
0xaa: {  	[dreg:$0x4] =	wrdreg $0xC0  }
0xab: {  	_ =	task [dreg:s7], $0x5FFFF  }
0xac: {  	[dreg:$0x1] =	wrdreg $0xFFFFFFFF  }
0xad: {  	[dreg:$0x0] =	wrdreg $0x60  }
0xae: {  	[dreg:$0x2] =	wrdreg s24  }
0xaf: {  	[dreg:$0x3] =	wrdreg s2  }
0xb0: {  	[dreg:$0x4] =	wrdreg $0x95000  }
0xb1: {  	[dreg:$0x5] =	wrdreg $0x9  }
0xb2: {  	_ =	task.clear_ibuf [dreg:s7], $0x6FFFF;
	_ =	strace $0x9000004F  }
0xb3: {  	s29 =	simm.s32 $0x9;
	_ =	strace $0x80000051  }
0xb4: {  	_ =	swait.ge [sflag:s29], $0x1  }
0xb5: {  	[sflag:s29] =	ssyncadd.s32 $0xFFFFFFFF  }
0xb6: {  	_ =	strace $0x90000051  }
0xb7: {  	_ =	sfence  }
0xb8: {  	s30 =	sld [smem:$0x0];
	_ =	sdelay $0x2  }
0xb9: {  	s31 =	sshll.u32 s1, $0xD;
	s1 =	sshrl.u32 s1, $0x2  }
0xba: {  	s3 =	sand.u32 $0x4000, s31;
	s1 =	sadd.s32 s1, s30  }
0xbb: {  	s0 =	sor.u32 s3, s0;
	s1 =	sshll.u32 s1, $0x11  }
0xbc: {  	s0 =	sor.u32 s1, s0  }
0xbd: {  	s0 =	sadd.s32 $0x8F2B, s0  }
0xbe: {  	[sflag:s0] =	ssyncadd.remote.s32 $0x1  }
0xbf: {  	_ =	sfence.sel $0xFFFF  }
0xc0: {  	[dreg:$0x0] =	wrdreg $0xFFFFFFFF;
	(pc) =	sbr.abs _section_cstart, $3  }
0xc1: {  	[dreg:$0x1] =	wrdreg $0xFFFFFFFF  }
0xc2: {  	_ =	task.clear_ibuf [dreg:s7], $0x2FFFF;
	_ =	strace $0x9FFFFFFF  }
0xc3: {  	(tm) =	ssettm $0x7FFFFFFF  }
tec
execute0_lowered:
.L_overlay_start_1:
0x0: {  	(tag) =	ssettag $0x1  }
0x1: {  	s0 =	rddreg [dreg:$0x0]  }
0x2: {  	s1 =	rddreg [dreg:$0x1]  }
0x3: {  	s2 =	rddreg [dreg:$0x2]  }
0x4: {  	s3 =	srdreg.scid;
	s4 =	simm.s32 $0x0;
	s28 =	stileid.u32  }
0x5: {  	s16 =	simm.s32 $0x5480;
	s17 =	simm.s32 $0x1;
	s18 =	simm.s32 $0x4000  }
0x6: {  	s19 =	simm.s32 $0x5000;
	s20 =	simm.s32 $0x5400;
	s21 =	simm.s32 $0x9480  }
0x7: {  	s9 =	sand.u32 $0x1, s3;
	[smem:$0x7FF] =	sst s4;
	s7 =	smul.u32 $0x11C00, s28  }
0x8: {  	s5 =	sadd.s32 $0x2AA00, s0;
	s10 =	smul.u32 $0x47000, s28;
	s12 =	sshll.u32 s28, $0x1  }
0x9: {  	s6 =	smul.u32 $0x11C000, s9;
	_ =	strace $0x80000050;
	s11 =	ssub.s32 $0x2, s9  }
0xa: {  	s13 =	sor.u32 s9, s12;
	s29 =	sshrl.u32 s10, $0x2;
	s30 =	sshrl.u32 s11, $0x1  }
0xb: {  	s13 =	smul.u32 $0x140, s13;
	s8 =	sadd.s32 s7, s6;
	s6 =	sadd.s32 $0x2A00, s0  }
0xc: {  	s7 =	sadd.s32 $0x2400, s0;
	s15 =	ssub.s32 s11, s30;
	s8 =	sshrl.u32 s8, $0x3  }
0xd: {  	s15 =	smax.u32 s15, $0x1;
	s0 =	sadd.s32 s8, s0;
	s8 =	sadd.s32 s29, s2  }
0xe: {  	s31 =	sadd.s32 $0x4000, s8;
	s10 =	sadd.s32 $0x8000, s8;
	s11 =	sadd.s32 $0xC000, s8  }
0xf: {  	v0 =	vimm.f32 $0.0e+00;
	s12 =	sadd.s32 $0x10000, s8;
	s14 =	sadd.s32 $0xCAA00, s0;
	[dreg:$0x4] =	wrdreg s31  }
.LBB2_1:
0x10: {  	s0 =	simm.s32 $0x0;
	s22 =	simm.s32 $0x200  }
.LBB2_2:
0x11: {  	p0 =	sne.s32 s22, $0xFE00;
	[tilespmem:s0+$0x54F0] =	vst v0  }
0x12: {  	[tilespmem:s0+$0x5480] =	vst v0  }
0x13: {  	[tilespmem:s0+$0x5490] =	vst v0  }
.Ltmp0:
0x14: {  	[tilespmem:s0+$0x54A0] =	vst v0;
	(pc) =	sbr.rel @p0 .LBB2_2-.Ltmp0, $4  }
0x15: {  	[tilespmem:s0+$0x54B0] =	vst v0  }
0x16: {  	[tilespmem:s0+$0x54C0] =	vst v0  }
0x17: {  	[tilespmem:s0+$0x54D0] =	vst v0  }
0x18: {  	[tilespmem:s0+$0x54E0] =	vst v0;
	s0 =	sshra.s32 s22, $0x2;
	s22 =	sadd.s32 $0x200, s22  }
0x19: {  	[tilespmem:s0+$0x54F0] =	vst v0  }
0x1a: {  	[tilespmem:s0+$0x5480] =	vst v0  }
0x1b: {  	[tilespmem:s0+$0x5490] =	vst v0  }
0x1c: {  	[tilespmem:s0+$0x54A0] =	vst v0  }
0x1d: {  	[tilespmem:s0+$0x54B0] =	vst v0  }
0x1e: {  	[tilespmem:s0+$0x54C0] =	vst v0  }
0x1f: {  	[tilespmem:s0+$0x54D0] =	vst v0  }
0x20: {  	[tilespmem:s0+$0x54E0] =	vst v0  }
0x21: {  	[spmem:s8] =	stream.linear.scatter [tilespmem:s16], [sflag:$0x1], $0x4000, $0x38;
	[tilespmem:$0x1B100] =	vst v63  }
0x22: {  	_ =	swait.ge [sflag:s17], $0x4000  }
0x23: {  	[sflag:s17] =	ssyncset.done $0x0  }
0x24: {  	s31 =	rddreg [dreg:$0x4];
	[sflag:s17] =	ssyncadd.s32 $0xFFFFC000  }
0x25: {  	[spmem:s31] =	stream.linear.scatter [tilespmem:s16], [sflag:$0x1], $0x4000, $0x38;
	[tilespmem:$0x1B100] =	vst v63  }
0x26: {  	_ =	swait.ge [sflag:s17], $0x4000  }
0x27: {  	[sflag:s17] =	ssyncset.done $0x0  }
0x28: {  	[sflag:s17] =	ssyncadd.s32 $0xFFFFC000  }
0x29: {  	[spmem:s10] =	stream.linear.scatter [tilespmem:s16], [sflag:$0x1], $0x4000, $0x38;
	[tilespmem:$0x1B100] =	vst v63  }
0x2a: {  	_ =	swait.ge [sflag:s17], $0x4000  }
0x2b: {  	[sflag:s17] =	ssyncset.done $0x0  }
0x2c: {  	[sflag:s17] =	ssyncadd.s32 $0xFFFFC000  }
0x2d: {  	[spmem:s11] =	stream.linear.scatter [tilespmem:s16], [sflag:$0x1], $0x4000, $0x38;
	[tilespmem:$0x1B100] =	vst v63  }
0x2e: {  	_ =	swait.ge [sflag:s17], $0x4000  }
0x2f: {  	[sflag:s17] =	ssyncset.done $0x0  }
0x30: {  	[sflag:s17] =	ssyncadd.s32 $0xFFFFC000  }
0x31: {  	[spmem:s12] =	stream.linear.scatter [tilespmem:s16], [sflag:$0x1], $0x1C00, $0x38;
	[tilespmem:$0x1B100] =	vst v63  }
.Ltmp1:
0x32: {  	_ =	swait.ge [sflag:s17], $0x1C00;
	(pc) =	sbr.rel .LBB2_4-.Ltmp1, $4  }
0x33: {  	[sflag:s17] =	ssyncset.done $0x0  }
0x34: {  	[sflag:s17] =	ssyncadd.s32 $0xFFFFE400  }
0x35: {  	[bflag:$0x0] =	sbarrier.arrive $0xFFFF  }
0x36: {  	s23 =	simm.s32 $0x0;
	s0 =	simm.s32 $0x0;
	s24 =	simm.s32 $0x0  }
.LBB2_10:
0x37: {  	s24 =	sadd.s32 $0x1, s24  }
0x38: {  	p0 =	sne.s32 s24, $0xA  }
.Ltmp2:
0x39: {  	_ = 	snop;
	(pc) =	sbr.rel @!p0 .LBB2_11-.Ltmp2, $1  }
0x3a: {  	_ =	sdelay $0x3  }
.LBB2_4:
0x3b: {  	s22 =	sshll.u32 s24, $0x5  }
0x3c: {  	s22 =	sadd.s32 s13, s22  }
0x3d: {  	s25 =	sshll.u32 s22, $0x6  }
0x3e: {  	s25 =	sadd.s32 s5, s25  }
0x3f: {  	[tilespmem:s23], [sflag:$0x1] =	stream.linear.gather [hbm4b:s25+s23], $0x4000, $0x38;
	[tilespmem:$0x1B100] =	vst v63  }
0x40: {  	_ =	swait.ge [sflag:s17], $0x4000  }
0x41: {  	s30 =	sshll.u32 s22, $0x4;
	[sflag:s17] =	ssyncset.done $0x0  }
0x42: {  	s25 =	sadd.s32 s6, s30;
	[sflag:s17] =	ssyncadd.s32 $0xFFFFC000  }
0x43: {  	[tilespmem:s18], [sflag:$0x1] =	stream.linear.gather [hbm4b:s25+s23], $0x1000, $0x38;
	[tilespmem:$0x1B100] =	vst v63  }
0x44: {  	_ =	swait.ge [sflag:s17], $0x1000  }
0x45: {  	s31 =	sshll.u32 s22, $0x2;
	[sflag:s17] =	ssyncset.done $0x0  }
0x46: {  	s25 =	sadd.s32 s1, s31;
	[sflag:s17] =	ssyncadd.s32 $0xFFFFF000  }
0x47: {  	[tilespmem:s19], [sflag:$0x1] =	stream.linear.gather [hbm4b:s25+s23], $0x400, $0x38;
	[tilespmem:$0x1B100] =	vst v63  }
0x48: {  	_ =	swait.ge [sflag:s17], $0x400  }
0x49: {  	s22 =	sshrl.u32 s22, $0x3;
	[sflag:s17] =	ssyncset.done $0x0  }
.Ltmp3:
0x4a: {  	s22 =	sadd.s32 s7, s22;
	[sflag:s17] =	ssyncadd.s32 $0xFFFFFC00;
	(pc) =	sbr.rel .LBB2_5-.Ltmp3, $4  }
0x4b: {  	[tilespmem:s20], [sflag:$0x1] =	stream.linear.gather [hbm4b:s22+s23], $0x20, $0x38;
	[tilespmem:$0x1B100] =	vst v63  }
0x4c: {  	_ =	swait.ge [sflag:s17], $0x20  }
0x4d: {  	[sflag:s17] =	ssyncset.done $0x0  }
0x4e: {  	s25 =	simm.s32 $0x0;
	[sflag:s17] =	ssyncadd.s32 $0xFFFFFFE0  }
.LBB2_8:
0x4f: {  	v1 =	vadd.f32 v36, v39;
	v2 =	vmul.f32 v35, v34  }
0x50: {  	v3 =	vadd.f32 v40, v38;
	v4 =	vadd.s32 s28, v25;
	[tilespmem:s31+$0x5480] =	vst v42  }
0x51: {  	[tilespmem:s31+$0x54E0] =	vst v1;
	v1 =	vadd.f32 v2, v37  }
0x52: {  	v2 =	vadd.f32 v43, v41;
	[tilespmem:s31+$0x54C0] =	vst v3  }
0x53: {  	[tilespmem:s31+$0x54F0] =	vst v1  }
0x54: {  	[tilespmem:s31+$0x54A0] =	vst v2  }
0x55: {  	v2 =	vmov s0;
	v1 =	vld.idx.msk [tilespmem:v4+s19+$0x0], $0xffff;
	_ =	sdelay $0x3  }
0x56: {  	s3 =	simm.s32 @!p0 $0x9480  }
0x57: {  	s9 =	simm.s32 @!p0 $0x5480;
	s26 =	simm.s32 @!p0 $0x1;
	s0 =	simm.s32 @!p0 $0x80;
	[tilespmem:v2+s21+$0x0] =	vst.idx.msk $0x1, v1  }
0x58: {  	[spmem:s2] =	stream.indirect.scatter.add.f32 @!p0 [tilespmem:s9], [sflag:$0x1], $0x80, s3, s0, $0xb8;
	[tilespmem:$0x1B100] =	vst v63  }
0x59: {  	_ =	swait.ge @!p0 [sflag:s26], $0x4000  }
0x5a: {  	[sflag:s26] =	ssyncset.done @!p0 $0x0  }
0x5b: {  	s0 =	smov.u32 s22;
	[sflag:s26] =	ssyncadd.s32 @!p0 $0xFFFFC000  }
.LBB2_9:
0x5c: {  	s25 =	sadd.s32 $0x1, s25  }
0x5d: {  	p0 =	sne.s32 s25, $0x20  }
.Ltmp4:
0x5e: {  	_ = 	snop;
	(pc) =	sbr.rel @!p0 .LBB2_10-.Ltmp4, $1  }
0x5f: {  	_ =	sdelay $0x3  }
.LBB2_5:
0x60: {  	v25 =	vmov s25;
	_ =	sdelay $0x4  }
0x61: {  	v1 =	vld.idx.msk [tilespmem:v25+s20+$0x0], $0xffff;
	_ =	sdelay $0x4  }
0x62: {  	(v2sf) =	vpush v1, $0x0;
	_ =	sdelay $0xe  }
0x63: {  	s26 =	spop (v2sf)  }
0x64: {  	p0 =	slt.s32 s26, $0x1  }
.Ltmp5:
0x65: {  	_ = 	snop;
	(pc) =	sbr.rel @p0 .LBB2_9-.Ltmp5, $1  }
0x66: {  	_ =	sdelay $0x3  }
0x67: {  	s22 =	sshll.u32 s25, $0x9;
	s28 =	sshll.u32 s25, $0x7  }
0x68: {  	s22 =	sand.u32 $0x3000, s22;
	s28 =	sand.u32 $0x380, s28  }
0x69: {  	s29 =	sor.u32 s28, s22  }
0x6a: {  	v1 =	vld [tilespmem:s29+$0x0]  }
0x6b: {  	v2 =	vld [tilespmem:s29+$0x10]  }
0x6c: {  	v3 =	vld [tilespmem:s29+$0x20]  }
0x6d: {  	v4 =	vld [tilespmem:s29+$0x30]  }
0x6e: {  	v5 =	vld [tilespmem:s29+$0x40]  }
0x6f: {  	v6 =	vld [tilespmem:s29+$0x50]  }
0x70: {  	v7 =	vld [tilespmem:s29+$0x60]  }
0x71: {  	v8 =	vld [tilespmem:s29+$0x70]  }
0x72: {  	v9 =	vld [tilespmem:s29+$0x400]  }
0x73: {  	v12 =	vshll.u32 v25, $0x7;
	s28 =	simm.s32 $0x0;
	v10 =	vld [tilespmem:s29+$0x410]  }
0x74: {  	v11 =	vld [tilespmem:s29+$0x420];
	v20 =	vadd.s32 s28, v12  }
0x75: {  	v13 =	vld [tilespmem:s29+$0x430]  }
0x76: {  	v14 =	vld [tilespmem:s29+$0x440]  }
0x77: {  	v15 =	vld [tilespmem:s29+$0x450];
	v18 =	vadd.s32 $0x20, v20  }
0x78: {  	v16 =	vld [tilespmem:s29+$0x460]  }
0x79: {  	v19 =	vadd.s32 $0x40, v20;
	v31 =	vld.idx.msk [tilespmem:v20+s18+$0x0], $0xffff  }
0x7a: {  	v17 =	vld [tilespmem:s29+$0x820]  }
0x7b: {  	v21 =	vld [tilespmem:s29+$0x830]  }
0x7c: {  	v34 =	vld.idx.msk [tilespmem:v18+s18+$0x0], $0xffff  }
0x7d: {  	v18 =	vld [tilespmem:s29+$0x860]  }
0x7e: {  	v24 =	vadd.s32 $0x60, v20;
	v36 =	vld.idx.msk [tilespmem:v19+s18+$0x0], $0xffff;
	v26 =	vmul.f32 v31, v1  }
0x7f: {  	v19 =	vld [tilespmem:s29+$0x800];
	v29 =	vmul.f32 v31, v7;
	v32 =	vmul.f32 v31, v6  }
0x80: {  	v20 =	vld [tilespmem:s29+$0x810];
	v28 =	vmul.f32 v31, v4;
	v38 =	vmul.f32 v31, v5  }
0x81: {  	v22 =	vld [tilespmem:s29+$0x870];
	v44 =	vmul.f32 v31, v2;
	v49 =	vmul.f32 v31, v3  }
0x82: {  	v23 =	vld [tilespmem:s29+$0xC30];
	v50 =	vmul.f32 v31, v8;
	v27 =	vmul.f32 v34, v9  }
0x83: {  	v35 =	vld.idx.msk [tilespmem:v24+s18+$0x0], $0xffff;
	v37 =	vmul.f32 v34, v11;
	v41 =	vmul.f32 v36, v17  }
0x84: {  	v24 =	vld [tilespmem:s29+$0x470];
	v39 =	vmul.f32 v36, v18;
	v30 =	vmul.f32 v36, v19  }
0x85: {  	v25 =	vshll.u32 v25, $0x5;
	v31 =	vld [tilespmem:s29+$0xC00];
	v40 =	vmul.f32 v36, v20;
	v46 =	vmul.f32 v34, v10  }
0x86: {  	v42 =	vmul.f32 v34, v13;
	v43 =	vmul.f32 v34, v16;
	v33 =	vadd.f32 v27, v26;
	v26 =	vld [tilespmem:s29+$0x850]  }
0x87: {  	v62 =	vmul.f32 v36, v21;
	v47 =	vmul.f32 v34, v15;
	v27 =	vld [tilespmem:s29+$0xC10];
	v44 =	vadd.f32 v46, v44  }
0x88: {  	v51 =	vmul.f32 v34, v14;
	v45 =	vadd.f32 v30, v33;
	v30 =	vadd.f32 v42, v28;
	v28 =	vld [tilespmem:s29+$0xC50]  }
0x89: {  	v52 =	vmul.f32 v34, v24;
	v63 =	vadd.f32 v47, v32;
	v42 =	vadd.f32 v43, v29;
	v29 =	vld [tilespmem:s29+$0x840]  }
0x8a: {  	v48 =	vmul.f32 v35, v23;
	v32 =	vld [tilespmem:s29+$0xC40];
	v38 =	vadd.f32 v51, v38;
	v33 =	vadd.f32 v62, v30  }
0x8b: {  	v61 =	vadd.f32 v52, v50;
	v40 =	vadd.f32 v40, v44;
	v30 =	vld [tilespmem:s29+$0xC60];
	v57 =	vmul.f32 v36, v26  }
0x8c: {  	p1 =	sne.s32 s26, $0x1;
	v62 =	vmul.f32 v35, v31;
	v58 =	vmul.f32 v35, v27;
	v56 =	vadd.f32 v48, v33;
	v33 =	vld [tilespmem:s29+$0xC20]  }
.Ltmp6:
0x8d: {  	s9 =	sshll.u32 s0, $0x9;
	v34 =	vld [tilespmem:s29+$0xC70];
	v39 =	vadd.f32 v39, v42;
	v46 =	vadd.f32 v57, v63;
	v59 =	vmul.f32 v35, v28;
	(pc) =	sbr.rel @!p1 .LBB2_8-.Ltmp6, $4  }
0x8e: {  	s31 =	sshra.s32 s9, $0x2;
	s29 =	sadd.s32 $0x1, s0;
	v42 =	vadd.f32 v62, v45;
	v53 =	vmul.f32 v36, v29;
	v40 =	vadd.f32 v58, v40  }
0x8f: {  	v43 =	vmul.f32 v36, v22;
	p0 =	sne.s32 s29, $0x80;
	v63 =	vadd.f32 v37, v49;
	[tilespmem:s31+$0x54B0] =	vst v56;
	v60 =	vadd.f32 v59, v46  }
0x90: {  	s29 =	simm.s32 @!p0 $0x0;
	v36 =	vmul.f32 v35, v30;
	v38 =	vadd.f32 v53, v38;
	[tilespmem:s31+$0x5490] =	vst v40;
	v40 =	vmul.f32 v35, v32  }
0x91: {  	s30 =	simm.s32 $0x1;
	v37 =	vadd.f32 v43, v61;
	p0 =	por p0, p0;
	v41 =	vadd.f32 v41, v63;
	s22 =	smov.u32 s29;
	[tilespmem:s31+$0x54D0] =	vst v60;
	v43 =	vmul.f32 v35, v33  }
.LBB2_7:
0x92: {  	s22 =	sadd.s32 $0x1, s29;
	v38 =	vadd.f32 v40, v38;
	v40 =	vadd.s32 s28, v25;
	s28 =	smov.u32 s30;
	s30 =	sadd.s32 $0x1, s30  }
0x93: {  	v41 =	vadd.f32 v43, v41;
	v36 =	vadd.f32 v36, v39;
	v35 =	vmul.f32 v35, v34;
	s3 =	smov.u32 s29;
	p2 =	sne.s32 s22, $0x80;
	p1 =	sne.s32 s26, s30;
	[tilespmem:s31+$0x5480] =	vst v42  }
0x94: {  	s22 =	simm.s32 @!p2 $0x0  }
0x95: {  	v35 =	vadd.f32 v35, v37;
	[tilespmem:s31+$0x54E0] =	vst v36  }
0x96: {  	[tilespmem:s31+$0x54C0] =	vst v38  }
0x97: {  	[tilespmem:s31+$0x54F0] =	vst v35  }
0x98: {  	[tilespmem:s31+$0x54A0] =	vst v41  }
0x99: {  	v36 =	vmov s0;
	s0 =	smov.u32 s3;
	v35 =	vld.idx.msk [tilespmem:v40+s19+$0x0], $0xffff;
	_ =	sdelay $0x4  }
0x9a: {  	s29 =	simm.s32 @!p0 $0x9480;
	s3 =	simm.s32 @!p0 $0x80;
	s31 =	simm.s32 @!p0 $0x5480  }
0x9b: {  	s9 =	simm.s32 @!p0 $0x1;
	v37 =	vadd.s32 s28, v12;
	[tilespmem:v36+s21+$0x0] =	vst.idx.msk $0x1, v35  }
0x9c: {  	v38 =	vadd.s32 $0x60, v37;
	v35 =	vadd.s32 $0x20, v37;
	v36 =	vadd.s32 $0x40, v37;
	[spmem:s2] =	stream.indirect.scatter.add.f32 @!p0 [tilespmem:s31], [sflag:$0x1], $0x80, s29, s3, $0xb8;
	[tilespmem:$0x1B100] =	vst v63  }
0x9d: {  	_ =	swait.ge @!p0 [sflag:s9], $0x4000  }
0x9e: {  	[sflag:s9] =	ssyncset.done @!p0 $0x0  }
0x9f: {  	[sflag:s9] =	ssyncadd.s32 @!p0 $0xFFFFC000;
	p0 =	por p2, p2  }
0xa0: {  	v37 =	vld.idx.msk [tilespmem:v37+s18+$0x0], $0xffff  }
0xa1: {  	v39 =	vld.idx.msk [tilespmem:v35+s18+$0x0], $0xffff  }
0xa2: {  	v35 =	vld.idx.msk [tilespmem:v38+s18+$0x0], $0xffff  }
0xa3: {  	v36 =	vld.idx.msk [tilespmem:v36+s18+$0x0], $0xffff;
	_ =	sdelay $0x2  }
0xa4: {  	v38 =	vmul.f32 v37, v1;
	v40 =	vmul.f32 v37, v7  }
0xa5: {  	v42 =	vmul.f32 v37, v6;
	v41 =	vmul.f32 v39, v9  }
0xa6: {  	v44 =	vmul.f32 v37, v4;
	v43 =	vmul.f32 v39, v11  }
0xa7: {  	v38 =	vadd.f32 v41, v38;
	v41 =	vmul.f32 v36, v17;
	v45 =	vmul.f32 v36, v18  }
0xa8: {  	v47 =	vmul.f32 v37, v5;
	v46 =	vmul.f32 v36, v19  }
0xa9: {  	v49 =	vmul.f32 v39, v16;
	v48 =	vmul.f32 v36, v20  }
0xaa: {  	v50 =	vmul.f32 v37, v2;
	v51 =	vmul.f32 v39, v13  }
0xab: {  	v49 =	vadd.f32 v49, v40;
	v52 =	vmul.f32 v36, v22;
	v46 =	vadd.f32 v46, v38  }
0xac: {  	v40 =	vadd.f32 v51, v44;
	v44 =	vmul.f32 v36, v21;
	v38 =	vmul.f32 v37, v3  }
0xad: {  	v53 =	vmul.f32 v39, v15;
	v51 =	vmul.f32 v39, v10  }
0xae: {  	v40 =	vadd.f32 v44, v40;
	v44 =	vmul.f32 v35, v23;
	v37 =	vmul.f32 v37, v8  }
0xaf: {  	v42 =	vadd.f32 v53, v42;
	v50 =	vadd.f32 v51, v50;
	v51 =	vmul.f32 v36, v29  }
0xb0: {  	s3 =	sshll.u32 s0, $0x9;
	v36 =	vmul.f32 v36, v26;
	v40 =	vadd.f32 v44, v40;
	v44 =	vmul.f32 v39, v14  }
0xb1: {  	s31 =	sshra.s32 s3, $0x2;
	v48 =	vadd.f32 v48, v50;
	v50 =	vmul.f32 v35, v27;
	v39 =	vmul.f32 v39, v24  }
0xb2: {  	v36 =	vadd.f32 v36, v42;
	[tilespmem:s31+$0x54B0] =	vst v40;
	v40 =	vmul.f32 v35, v28  }
.Ltmp7:
0xb3: {  	v42 =	vadd.f32 v50, v48;
	v44 =	vadd.f32 v44, v47;
	(pc) =	sbr.rel @p1 .LBB2_7-.Ltmp7, $4  }
0xb4: {  	v37 =	vadd.f32 v39, v37;
	v47 =	vadd.f32 v40, v36;
	v36 =	vmul.f32 v35, v30  }
0xb5: {  	v43 =	vadd.f32 v43, v38;
	v48 =	vmul.f32 v35, v31;
	v38 =	vadd.f32 v51, v44;
	[tilespmem:s31+$0x5490] =	vst v42  }
0xb6: {  	v39 =	vadd.f32 v45, v49;
	v37 =	vadd.f32 v52, v37;
	v40 =	vmul.f32 v35, v32;
	[tilespmem:s31+$0x54D0] =	vst v47  }
0xb7: {  	s29 =	smov.u32 s22;
	v41 =	vadd.f32 v41, v43;
	v43 =	vmul.f32 v35, v33;
	v42 =	vadd.f32 v48, v46  }
.Ltmp8:
0xb8: {  	_ = 	snop;
	(pc) =	sbr.rel .LBB2_8-.Ltmp8, $1  }
0xb9: {  	_ =	sdelay $0x3  }
.LBB2_11:
0xba: {  	p0 =	sgt.s32 s0, $0x0  }
0xbb: {  	s23 =	simm.s32 $0x54C0;
	v1 =	vimm.f32 @!p0 $0.0e+00;
	p0 =	por p0, p0  }
0xbc: {  	[tilespmem:s23+$0xFFFFFFD0] =	vst @!p0 v1  }
0xbd: {  	[tilespmem:s23+$0xFFFFFFE0] =	vst @!p0 v1  }
0xbe: {  	s3 =	simm.s32 $0x0;
	[tilespmem:s23+$0xFFFFFFF0] =	vst @!p0 v1  }
0xbf: {  	[tilespmem:s23+$0x0] =	vst @!p0 v1;
	v2 =	vmov @!p0 s3  }
0xc0: {  	[tilespmem:s23+$0x10] =	vst @!p0 v1  }
0xc1: {  	[tilespmem:s23+$0x20] =	vst @!p0 v1  }
0xc2: {  	s22 =	simm.s32 $0x1;
	[tilespmem:s23+$0x30] =	vst @!p0 v1  }
.LBB2_12:
0xc3: {  	p1 =	slt.s32 s22, s0;
	[tilespmem:s23+$0xFFFFFFC0] =	vst @!p0 v1;
	v3 =	vimm.s32 @!p0 $0x0;
	s3 =	simm.s32 @!p0 $0x9480;
	s9 =	smov.u32 s22  }
0xc4: {  	s23 =	sadd.s32 $0x80, s23;
	v1 =	vimm.f32 @!p1 $0.0e+00;
	[tilespmem:v2+s3+$0x0] =	vst.idx.msk @!p0 $0x1, v3;
	p0 =	por p1, p1  }
0xc5: {  	s22 =	sadd.s32 $0x1, s22;
	[tilespmem:s23+$0xFFFFFFD0] =	vst @!p0 v1  }
0xc6: {  	p1 =	sne.s32 s22, $0x80;
	[tilespmem:s23+$0xFFFFFFE0] =	vst @!p0 v1  }
.Ltmp9:
0xc7: {  	[tilespmem:s23+$0xFFFFFFF0] =	vst @!p0 v1;
	(pc) =	sbr.rel @p1 .LBB2_12-.Ltmp9, $4  }
0xc8: {  	v2 =	vmov @!p0 s9;
	[tilespmem:s23+$0x0] =	vst @!p0 v1  }
0xc9: {  	[tilespmem:s23+$0x10] =	vst @!p0 v1  }
0xca: {  	[tilespmem:s23+$0x20] =	vst @!p0 v1  }
0xcb: {  	[tilespmem:s23+$0x30] =	vst @!p0 v1  }
0xcc: {  	_ =	sdelay $0x2  }
0xcd: {  	[tilespmem:s23+$0xFFFFFFC0] =	vst @!p0 v1;
	v1 =	vimm.s32 @!p0 $0x0;
	s3 =	simm.s32 @!p0 $0x9480;
	p1 =	slt.s32 s0, $0x1  }
0xce: {  	[tilespmem:v2+s3+$0x0] =	vst.idx.msk @!p0 $0x1, v1;
	s0 =	simm.s32 @!p1 $0x80;
	s3 =	simm.s32 @!p1 $0x9480;
	s9 =	simm.s32 @!p1 $0x5480  }
0xcf: {  	[spmem:s2] =	stream.indirect.scatter.add.f32 @!p1 [tilespmem:s9], [sflag:$0x1], $0x80, s3, s0, $0xb8;
	[tilespmem:$0x1B100] =	vst v63  }
0xd0: {  	s0 =	simm.s32 @!p1 $0x1  }
0xd1: {  	s30 =	stileid.u32;
	_ =	swait.ge @!p1 [sflag:s0], $0x4000  }
0xd2: {  	s31 =	sshrl.u32 s8, $0x3;
	s4 =	sadd.s32 $0x1, s4;
	[sflag:s0] =	ssyncset.done @!p1 $0x0  }
0xd3: {  	p0 =	sne.s32 s4, s15;
	[sflag:s0] =	ssyncadd.s32 @!p1 $0xFFFFC000;
	s0 =	sshll.u32 s30, $0x6  }
.Ltmp10:
0xd4: {  	[bflag:$0x0] =	sbarrier.arrive $0xFFFF;
	s0 =	sor.u32 $0x1C01, s0;
	(pc) =	sbr.rel @p0 .LBB2_1-.Ltmp10, $4  }
0xd5: {  	[hbm:s14], [sflag:s0] =	dma.local [spmem:s31], $0x2380  }
0xd6: {  	_ =	swait.ge [sflag:s17], $0x2380  }
0xd7: {  	[sflag:s17] =	ssyncset.done $0x0  }
0xd8: {  	[sflag:s17] =	ssyncadd.s32 $0xFFFFDC80  }
0xd9: {  	_ =	sfence.sel $0x180000  }
0xda: {  	[bflag:$0x0] =	sbarrier.arrive $0xFFFF  }
0xdb: {  	_ =	strace $0x90000050  }
0xdc: {  	s0 =	stileid.u32;
	[bflag:$0x2] =	sbarrier.arrive $0xFFFF  }
0xdd: {  	p0 =	sne.s32 s0, $0x0;
	s0 =	rddreg [dreg:$0x3]  }
0xde: {  	s0 =	sadd.s32 @!p0 $0x100000, s0  }
0xdf: {  	[sflag:s0] =	ssyncadd.tile.s32 @!p0 $0x1;
	_ =	shalt  }
.Lfunc_end2:
_tile_overlayer_lowered:
.L_overlay_start_2:
0xe0: {  	(tag) =	ssettag $0x2  }
0xe1: {  	s0 =	rddreg [dreg:$0x0];
	s2 =	stileid.u32  }
0xe2: {  	s1 =	rddreg [dreg:$0x1];
	p0 =	sne.s32 s2, $0x0  }
0xe3: {  	s3 =	rddreg [dreg:$0x2];
	[bflag:$0x3] =	sbarrier.arrive $0xFFFF;
	s2 =	simm.s32 @!p0 $0x1C01  }
0xe4: {  	[timem:s3], [sflag:s2] =	dma.local @!p0 [hbm:s0], s1  }
0xe5: {  	s0 =	simm.s32 @!p0 $0x1  }
0xe6: {  	_ =	swait.ge @!p0 [sflag:s0], s1  }
0xe7: {  	s1 =	ssub.s32 @!p0 $0x0, s1;
	[sflag:s0] =	ssyncset.done @!p0 $0x0  }
0xe8: {  	[sflag:s0] =	ssyncadd.s32 @!p0 s1  }
0xe9: {  	[bflag:$0x3] =	sbarrier.arrive $0xFFFF  }
0xea: {  	_ =	shalt  }

// kernel: kernel.15.cloned.1.call-start
scs
__scs_entry_jumppad:
0x0: {  	(pc) =	sbr.rel $0x88, $3  }
0x1: {  	(tag) =	ssettag $0x0;
	lr =	simm.s32 $0x1  }
0x2: {  	[smem:$0x3F9A] =	sst lr;
	_ =	strace $0xD0000000  }
0x3: {  	_ = 	snop  }
0x4: {  	_ = 	snop  }
0x5: {  	_ = 	snop  }
0x6: {  	_ = 	snop  }
0x7: {  	_ = 	snop  }
__scs_overlays_trampoline_lowered:
0x8: {  	[smem:$0x3FA9] =	sst s0  }
0x9: {  	[smem:$0x3FAA] =	sst s1  }
0xa: {  	[smem:$0x3FAB] =	sst s2  }
0xb: {  	[smem:$0x3FAC] =	sst s3  }
0xc: {  	[smem:$0x3FAD] =	sst s4  }
0xd: {  	[smem:$0x3FAE] =	sst s5  }
0xe: {  	[smem:$0x3FAF] =	sst s6  }
0xf: {  	[smem:$0x3FB0] =	sst s7  }
0x10: {  	[smem:$0x3FB1] =	sst s8  }
0x11: {  	[smem:$0x3FB2] =	sst s9;
	s0 =	simm.s32 @!p0 $0x0  }
0x12: {  	s1 =	sld [smem:$0x3F98];
	s0 =	simm.s32 @p0 $0x1  }
0x13: {  	[smem:$0x3FB3] =	sst s0;
	s0 =	simm.s32 @!p1 $0x0  }
0x14: {  	s2 =	sld [smem:$0x3F97];
	s0 =	simm.s32 @p1 $0x1  }
0x15: {  	[smem:$0x3FB4] =	sst s0;
	s0 =	simm.s32 @!p2 $0x0  }
0x16: {  	s3 =	sld [smem:$0x3FDB];
	s0 =	simm.s32 @p2 $0x1  }
0x17: {  	s4 =	simm.s32 $0x1BF5;
	[smem:$0x3FB6] =	sst s0  }
0x18: {  	s0 =	sld [smem:$0x3F99];
	_ =	swait.ge [sflag:s4], $0x0  }
0x19: {  	s7 =	sld [smem:$0x3F9A]  }
0x1a: {  	s8 =	sadd.s32 $0xFFFFE003, lr  }
0x1b: {  	s9 =	sadd.s32 $0xFFFFFEF7, lr;
	s5 =	simm.s32 $0xFFFFFFFF;
	p2 =	slt.u32 s8, $0xFFFFF086  }
0x1c: {  	p1 =	slt.u32 s9, $0xF7A;
	s5 =	simm.s32 @!p2 $0x0  }
0x1d: {  	s5 =	simm.s32 @p1 $0x1;
	p0 =	seq.s32 s7, s2  }
0x1e: {  	s7 =	smul.u32 @!p0 $0xF7A, s2;
	p2 =	seq.s32 @!p0 s5, $0x0  }
0x1f: {  	s9 =	smul.u32 $0xF7A, s1;
	s8 =	simm.s32 @!p0 $0x1BF5;
	p2 =	por !p2, p0  }
0x20: {  	[sflag:s8] =	ssyncset.s32 @!p0 $0xFFFFF086;
	s6 =	sadd.s32 @!p0 s3, s7;
	s7 =	simm.s32 @!p0 $0x108  }
0x21: {  	s3 =	sadd.s32 s3, s9;
	s6 =	sadd.s32 @!p0 $0x88, s6;
	s7 =	simm.s32 @p2 $0x1082  }
0x22: {  	[simem:s7], [sflag:s8] =	dma.local @!p0 [hbm:s6], $0xF7A  }
0x23: {  	s9 =	sor.u32 $0xD0000000, s2;
	s6 =	simm.s32 $0x108;
	_ =	swait.ge @!p0 [sflag:s8], $0x0  }
0x24: {  	s3 =	sadd.s32 $0x88, s3;
	s6 =	simm.s32 @!p1 $0x1082;
	[sflag:s4] =	ssyncset.s32 $0xFFFFF086  }
0x25: {  	[simem:s6], [sflag:s4] =	dma.local [hbm:s3], $0xF7A  }
0x26: {  	[smem:$0x3F9A] =	sst s1;
	(tag) =	ssettag s2;
	_ =	strace s9  }
0x27: {  	s1 =	sld [smem:$0x3FAA]  }
0x28: {  	s2 =	sld [smem:$0x3FAB]  }
0x29: {  	s4 =	sld [smem:$0x3FAD]  }
0x2a: {  	p0 =	seq.s32 s5, $0x0;
	s5 =	sld [smem:$0x3FAE]  }
0x2b: {  	s6 =	sld [smem:$0x3FAF]  }
0x2c: {  	s7 =	sld [smem:$0x3FB0]  }
0x2d: {  	s3 =	simm.s32 $0x108;
	s8 =	sld [smem:$0x3FB1]  }
0x2e: {  	s3 =	simm.s32 @!p0 $0x1082;
	s9 =	sld [smem:$0x3FB2]  }
0x2f: {  	lr =	sadd.s32 s0, s3;
	s0 =	sld [smem:$0x3FA9]  }
0x30: {  	s3 =	sld [smem:$0x3FAC]  }
0x31: {  	[smem:$0x3FB5] =	sst s10  }
0x32: {  	s10 =	sld [smem:$0x3FB3];
	_ =	sdelay $0x3  }
0x33: {  	p0 =	seq.s32 s10, $0x1;
	s10 =	sld [smem:$0x3FB5];
	_ =	sdelay $0x3  }
0x34: {  	[smem:$0x3FB5] =	sst s10  }
0x35: {  	s10 =	sld [smem:$0x3FB4];
	_ =	sdelay $0x3  }
0x36: {  	p1 =	seq.s32 s10, $0x1;
	s10 =	sld [smem:$0x3FB5];
	_ =	sdelay $0x3  }
0x37: {  	[smem:$0x3FB5] =	sst s10  }
0x38: {  	s10 =	sld [smem:$0x3FB6]  }
0x39: {  	_ = 	snop;
	(pc) =	sbr.ind lr, $3  }
0x3a: {  	_ = 	snop  }
0x3b: {  	_ = 	snop  }
0x3c: {  	p2 =	seq.s32 s10, $0x1;
	s10 =	sld [smem:$0x3FB5]  }
0x3d: {  	_ =	shalt  }
0x3e: {  	_ =	shalt  }
0x3f: {  	_ =	shalt  }
0x40: {  	_ =	shalt  }
0x41: {  	_ =	shalt  }
0x42: {  	_ =	shalt  }
0x43: {  	_ =	shalt  }
0x44: {  	_ =	shalt  }
0x45: {  	_ =	shalt  }
0x46: {  	_ =	shalt  }
0x47: {  	_ =	shalt  }
0x48: {  	_ =	shalt  }
0x49: {  	_ =	shalt  }
0x4a: {  	_ =	shalt  }
0x4b: {  	_ =	shalt  }
0x4c: {  	_ =	shalt  }
0x4d: {  	_ =	shalt  }
0x4e: {  	_ =	shalt  }
0x4f: {  	_ =	shalt  }
0x50: {  	_ =	shalt  }
0x51: {  	_ =	shalt  }
0x52: {  	_ =	shalt  }
0x53: {  	_ =	shalt  }
0x54: {  	_ =	shalt  }
0x55: {  	_ =	shalt  }
0x56: {  	_ =	shalt  }
0x57: {  	_ =	shalt  }
0x58: {  	_ =	shalt  }
0x59: {  	_ =	shalt  }
0x5a: {  	_ =	shalt  }
0x5b: {  	_ =	shalt  }
0x5c: {  	_ =	shalt  }
0x5d: {  	_ =	shalt  }
0x5e: {  	_ =	shalt  }
0x5f: {  	_ =	shalt  }
0x60: {  	_ =	shalt  }
0x61: {  	_ =	shalt  }
0x62: {  	_ =	shalt  }
0x63: {  	_ =	shalt  }
0x64: {  	_ =	shalt  }
0x65: {  	_ =	shalt  }
0x66: {  	_ =	shalt  }
0x67: {  	_ =	shalt  }
0x68: {  	_ =	shalt  }
0x69: {  	_ =	shalt  }
0x6a: {  	_ =	shalt  }
0x6b: {  	_ =	shalt  }
0x6c: {  	_ =	shalt  }
0x6d: {  	_ =	shalt  }
0x6e: {  	_ =	shalt  }
0x6f: {  	_ =	shalt  }
0x70: {  	_ =	shalt  }
0x71: {  	_ =	shalt  }
0x72: {  	_ =	shalt  }
0x73: {  	_ =	shalt  }
0x74: {  	_ =	shalt  }
0x75: {  	_ =	shalt  }
0x76: {  	_ =	shalt  }
0x77: {  	_ =	shalt  }
0x78: {  	_ =	shalt  }
0x79: {  	_ =	shalt  }
0x7a: {  	_ =	shalt  }
0x7b: {  	_ =	shalt  }
0x7c: {  	_ =	shalt  }
0x7d: {  	_ =	shalt  }
0x7e: {  	_ =	shalt  }
0x7f: {  	_ =	shalt  }
0x80: {  	_ =	shalt  }
0x81: {  	_ =	shalt  }
0x82: {  	_ =	shalt  }
0x83: {  	_ =	shalt  }
0x84: {  	_ =	shalt  }
0x85: {  	_ =	shalt  }
0x86: {  	_ =	shalt  }
0x87: {  	_ =	shalt  }
.Lfunc_end0:
.L_simem_size_0:
called_computation.4_lowered:
.L_overlay_start_0:
0x88: {  	s2 =	sld [smem:$0x3FD9]  }
0x89: {  	s3 =	sld [smem:$0x3FFE];
	_ =	sdelay $0x1  }
0x8a: {  	s1 =	srdreg.scid  }
0x8b: {  	s0 =	sand.u32 $0x1, s1  }
0x8c: {  	s17 =	sshll.u32 s0, $0xA;
	s2 =	sadd.s32 s3, s2  }
0x8d: {  	s2 =	sadd.s32 s2, s17  }
0x8e: {  	[smem:$0x3FC1] =	sst s2  }
0x8f: {  	_ = 	snop  }
0x90: {  	s2 =	sld [smem:$0x3FD0];
	(tm) =	ssettm $0x1  }
0x91: {  	s18 =	sld [smem:$0x3FFB];
	_ =	sdelay $0x3  }
0x92: {  	_ =	strace s18  }
0x93: {  	s3 =	sld [smem:$0x3FFC];
	_ =	sdelay $0x3  }
0x94: {  	_ =	strace s3  }
0x95: {  	s3 =	sld [smem:$0x3FFD];
	_ =	sdelay $0x3  }
0x96: {  	_ =	strace s3  }
0x97: {  	_ =	strace $0x8FFFFFFF  }
0x98: {  	s19 =	sld [smem:$0x3FDB];
	_ =	sdelay $0x1  }
0x99: {  	s4 =	simm.s32 $_scs_section_size  }
0x9a: {  	s5 =	simm.s32 $_size__tile_overlayer_lowered;
	s6 =	simm.s32 $_tile_overlayer_lowered  }
0x9b: {  	s22 =	simm.s32 $0x1BFF;
	s21 =	sshll.u32 s6, $0x1;
	s3 =	sadd.s32 s4, s19  }
0x9c: {  	s7 =	simm.s32 $0x0;
	s20 =	sshll.u32 s5, $0x1;
	s5 =	sadd.s32 s21, s3  }
0x9d: {  	[timem:s7], [sflag:s22] =	dma.local [hbm:s5], s20  }
0x9e: {  	_ =	swait.ge [sflag:s22], s20  }
0x9f: {  	s4 =	ssub.s32 $0x0, s20;
	[sflag:s22] =	ssyncset.done $0x0  }
0xa0: {  	[sflag:s22] =	ssyncadd.s32 s4;
	_ =	sdelay $0x1  }
0xa1: {  	s23 =	simm.s32 $0x1B8B  }
0xa2: {  	_ =	swait.ge [sflag:s23], $0x1  }
0xa3: {  	[sflag:s23] =	ssyncset.done $0x0  }
0xa4: {  	s25 =	simm.s32 $0x1B8E;
	s24 =	sld [smem:$0x3FFE];
	[sflag:s23] =	ssyncadd.s32 $0xFFFFFFFF  }
0xa5: {  	s26 =	simm.s32 $execute0_lowered;
	[smem:$0x3FD2] =	sst s25  }
0xa6: {  	s5 =	sshll.u32 s26, $0x1;
	_ =	strace $0x80000052;
	[dreg:$0x1] =	wrdreg $0xFFFFFFFF  }
0xa7: {  	s28 =	simm.s32 $_size_execute0_lowered;
	s3 =	sadd.s32 s3, s5;
	[dreg:$0x0] =	wrdreg $0x0  }
0xa8: {  	s5 =	sshll.u32 s28, $0x1;
	[dreg:$0x2] =	wrdreg s3  }
0xa9: {  	[dreg:$0x3] =	wrdreg s5  }
0xaa: {  	[dreg:$0x4] =	wrdreg $0xC0  }
0xab: {  	_ =	task [dreg:s7], $0x5FFFF  }
0xac: {  	[dreg:$0x1] =	wrdreg $0xFFFFFFFF  }
0xad: {  	[dreg:$0x0] =	wrdreg $0x60  }
0xae: {  	[dreg:$0x2] =	wrdreg s24  }
0xaf: {  	[dreg:$0x3] =	wrdreg s2  }
0xb0: {  	[dreg:$0x4] =	wrdreg $0x95000  }
0xb1: {  	[dreg:$0x5] =	wrdreg $0x9  }
0xb2: {  	_ =	task.clear_ibuf [dreg:s7], $0x6FFFF;
	_ =	strace $0x90000052  }
0xb3: {  	s29 =	simm.s32 $0x9;
	_ =	strace $0x80000054  }
0xb4: {  	_ =	swait.ge [sflag:s29], $0x1  }
0xb5: {  	[sflag:s29] =	ssyncadd.s32 $0xFFFFFFFF  }
0xb6: {  	_ =	strace $0x90000054  }
0xb7: {  	_ =	sfence  }
0xb8: {  	s30 =	sld [smem:$0x0];
	_ =	sdelay $0x2  }
0xb9: {  	s31 =	sshll.u32 s1, $0xD;
	s1 =	sshrl.u32 s1, $0x2  }
0xba: {  	s3 =	sand.u32 $0x4000, s31;
	s1 =	sadd.s32 s1, s30  }
0xbb: {  	s0 =	sor.u32 s3, s0;
	s1 =	sshll.u32 s1, $0x11  }
0xbc: {  	s0 =	sor.u32 s1, s0  }
0xbd: {  	s0 =	sadd.s32 $0x8F2B, s0  }
0xbe: {  	[sflag:s0] =	ssyncadd.remote.s32 $0x1  }
0xbf: {  	_ =	sfence.sel $0xFFFF  }
0xc0: {  	[dreg:$0x0] =	wrdreg $0xFFFFFFFF;
	(pc) =	sbr.abs _section_cstart, $3  }
0xc1: {  	[dreg:$0x1] =	wrdreg $0xFFFFFFFF  }
0xc2: {  	_ =	task.clear_ibuf [dreg:s7], $0x2FFFF;
	_ =	strace $0x9FFFFFFF  }
0xc3: {  	(tm) =	ssettm $0x7FFFFFFF  }
tec
execute0_lowered:
.L_overlay_start_1:
0x0: {  	(tag) =	ssettag $0x1  }
0x1: {  	s0 =	rddreg [dreg:$0x0]  }
0x2: {  	s1 =	rddreg [dreg:$0x1]  }
0x3: {  	s2 =	rddreg [dreg:$0x2]  }
0x4: {  	s3 =	srdreg.scid;
	s4 =	simm.s32 $0x0;
	s28 =	stileid.u32  }
0x5: {  	s16 =	simm.s32 $0x5480;
	s17 =	simm.s32 $0x1;
	s18 =	simm.s32 $0x4000  }
0x6: {  	s19 =	simm.s32 $0x5000;
	s20 =	simm.s32 $0x5400;
	s21 =	simm.s32 $0x9480  }
0x7: {  	s9 =	sand.u32 $0x1, s3;
	[smem:$0x7FF] =	sst s4;
	s7 =	smul.u32 $0x11C00, s28  }
0x8: {  	s5 =	sadd.s32 $0x2AA00, s0;
	s10 =	smul.u32 $0x47000, s28;
	s12 =	sshll.u32 s28, $0x1  }
0x9: {  	s6 =	smul.u32 $0x11C000, s9;
	_ =	strace $0x80000053;
	s11 =	ssub.s32 $0x2, s9  }
0xa: {  	s13 =	sor.u32 s9, s12;
	s29 =	sshrl.u32 s10, $0x2;
	s30 =	sshrl.u32 s11, $0x1  }
0xb: {  	s13 =	smul.u32 $0x140, s13;
	s8 =	sadd.s32 s7, s6;
	s6 =	sadd.s32 $0x2A00, s0  }
0xc: {  	s7 =	sadd.s32 $0x2400, s0;
	s15 =	ssub.s32 s11, s30;
	s8 =	sshrl.u32 s8, $0x3  }
0xd: {  	s15 =	smax.u32 s15, $0x1;
	s0 =	sadd.s32 s8, s0;
	s8 =	sadd.s32 s29, s2  }
0xe: {  	s31 =	sadd.s32 $0x4000, s8;
	s10 =	sadd.s32 $0x8000, s8;
	s11 =	sadd.s32 $0xC000, s8  }
0xf: {  	v0 =	vimm.f32 $0.0e+00;
	s12 =	sadd.s32 $0x10000, s8;
	s14 =	sadd.s32 $0xCAA00, s0;
	[dreg:$0x4] =	wrdreg s31  }
.LBB2_1:
0x10: {  	s0 =	simm.s32 $0x0;
	s22 =	simm.s32 $0x200  }
.LBB2_2:
0x11: {  	p0 =	sne.s32 s22, $0xFE00;
	[tilespmem:s0+$0x54F0] =	vst v0  }
0x12: {  	[tilespmem:s0+$0x5480] =	vst v0  }
0x13: {  	[tilespmem:s0+$0x5490] =	vst v0  }
.Ltmp0:
0x14: {  	[tilespmem:s0+$0x54A0] =	vst v0;
	(pc) =	sbr.rel @p0 .LBB2_2-.Ltmp0, $4  }
0x15: {  	[tilespmem:s0+$0x54B0] =	vst v0  }
0x16: {  	[tilespmem:s0+$0x54C0] =	vst v0  }
0x17: {  	[tilespmem:s0+$0x54D0] =	vst v0  }
0x18: {  	[tilespmem:s0+$0x54E0] =	vst v0;
	s0 =	sshra.s32 s22, $0x2;
	s22 =	sadd.s32 $0x200, s22  }
0x19: {  	[tilespmem:s0+$0x54F0] =	vst v0  }
0x1a: {  	[tilespmem:s0+$0x5480] =	vst v0  }
0x1b: {  	[tilespmem:s0+$0x5490] =	vst v0  }
0x1c: {  	[tilespmem:s0+$0x54A0] =	vst v0  }
0x1d: {  	[tilespmem:s0+$0x54B0] =	vst v0  }
0x1e: {  	[tilespmem:s0+$0x54C0] =	vst v0  }
0x1f: {  	[tilespmem:s0+$0x54D0] =	vst v0  }
0x20: {  	[tilespmem:s0+$0x54E0] =	vst v0  }
0x21: {  	[spmem:s8] =	stream.linear.scatter [tilespmem:s16], [sflag:$0x1], $0x4000, $0x38;
	[tilespmem:$0x1B100] =	vst v63  }
0x22: {  	_ =	swait.ge [sflag:s17], $0x4000  }
0x23: {  	[sflag:s17] =	ssyncset.done $0x0  }
0x24: {  	s31 =	rddreg [dreg:$0x4];
	[sflag:s17] =	ssyncadd.s32 $0xFFFFC000  }
0x25: {  	[spmem:s31] =	stream.linear.scatter [tilespmem:s16], [sflag:$0x1], $0x4000, $0x38;
	[tilespmem:$0x1B100] =	vst v63  }
0x26: {  	_ =	swait.ge [sflag:s17], $0x4000  }
0x27: {  	[sflag:s17] =	ssyncset.done $0x0  }
0x28: {  	[sflag:s17] =	ssyncadd.s32 $0xFFFFC000  }
0x29: {  	[spmem:s10] =	stream.linear.scatter [tilespmem:s16], [sflag:$0x1], $0x4000, $0x38;
	[tilespmem:$0x1B100] =	vst v63  }
0x2a: {  	_ =	swait.ge [sflag:s17], $0x4000  }
0x2b: {  	[sflag:s17] =	ssyncset.done $0x0  }
0x2c: {  	[sflag:s17] =	ssyncadd.s32 $0xFFFFC000  }
0x2d: {  	[spmem:s11] =	stream.linear.scatter [tilespmem:s16], [sflag:$0x1], $0x4000, $0x38;
	[tilespmem:$0x1B100] =	vst v63  }
0x2e: {  	_ =	swait.ge [sflag:s17], $0x4000  }
0x2f: {  	[sflag:s17] =	ssyncset.done $0x0  }
0x30: {  	[sflag:s17] =	ssyncadd.s32 $0xFFFFC000  }
0x31: {  	[spmem:s12] =	stream.linear.scatter [tilespmem:s16], [sflag:$0x1], $0x1C00, $0x38;
	[tilespmem:$0x1B100] =	vst v63  }
.Ltmp1:
0x32: {  	_ =	swait.ge [sflag:s17], $0x1C00;
	(pc) =	sbr.rel .LBB2_4-.Ltmp1, $4  }
0x33: {  	[sflag:s17] =	ssyncset.done $0x0  }
0x34: {  	[sflag:s17] =	ssyncadd.s32 $0xFFFFE400  }
0x35: {  	[bflag:$0x0] =	sbarrier.arrive $0xFFFF  }
0x36: {  	s23 =	simm.s32 $0x0;
	s0 =	simm.s32 $0x0;
	s24 =	simm.s32 $0x0  }
.LBB2_10:
0x37: {  	s24 =	sadd.s32 $0x1, s24  }
0x38: {  	p0 =	sne.s32 s24, $0xA  }
.Ltmp2:
0x39: {  	_ = 	snop;
	(pc) =	sbr.rel @!p0 .LBB2_11-.Ltmp2, $1  }
0x3a: {  	_ =	sdelay $0x3  }
.LBB2_4:
0x3b: {  	s22 =	sshll.u32 s24, $0x5  }
0x3c: {  	s22 =	sadd.s32 s13, s22  }
0x3d: {  	s25 =	sshll.u32 s22, $0x6  }
0x3e: {  	s25 =	sadd.s32 s5, s25  }
0x3f: {  	[tilespmem:s23], [sflag:$0x1] =	stream.linear.gather [hbm4b:s25+s23], $0x4000, $0x38;
	[tilespmem:$0x1B100] =	vst v63  }
0x40: {  	_ =	swait.ge [sflag:s17], $0x4000  }
0x41: {  	s30 =	sshll.u32 s22, $0x4;
	[sflag:s17] =	ssyncset.done $0x0  }
0x42: {  	s25 =	sadd.s32 s6, s30;
	[sflag:s17] =	ssyncadd.s32 $0xFFFFC000  }
0x43: {  	[tilespmem:s18], [sflag:$0x1] =	stream.linear.gather [hbm4b:s25+s23], $0x1000, $0x38;
	[tilespmem:$0x1B100] =	vst v63  }
0x44: {  	_ =	swait.ge [sflag:s17], $0x1000  }
0x45: {  	s31 =	sshll.u32 s22, $0x2;
	[sflag:s17] =	ssyncset.done $0x0  }
0x46: {  	s25 =	sadd.s32 s1, s31;
	[sflag:s17] =	ssyncadd.s32 $0xFFFFF000  }
0x47: {  	[tilespmem:s19], [sflag:$0x1] =	stream.linear.gather [hbm4b:s25+s23], $0x400, $0x38;
	[tilespmem:$0x1B100] =	vst v63  }
0x48: {  	_ =	swait.ge [sflag:s17], $0x400  }
0x49: {  	s22 =	sshrl.u32 s22, $0x3;
	[sflag:s17] =	ssyncset.done $0x0  }
.Ltmp3:
0x4a: {  	s22 =	sadd.s32 s7, s22;
	[sflag:s17] =	ssyncadd.s32 $0xFFFFFC00;
	(pc) =	sbr.rel .LBB2_5-.Ltmp3, $4  }
0x4b: {  	[tilespmem:s20], [sflag:$0x1] =	stream.linear.gather [hbm4b:s22+s23], $0x20, $0x38;
	[tilespmem:$0x1B100] =	vst v63  }
0x4c: {  	_ =	swait.ge [sflag:s17], $0x20  }
0x4d: {  	[sflag:s17] =	ssyncset.done $0x0  }
0x4e: {  	s25 =	simm.s32 $0x0;
	[sflag:s17] =	ssyncadd.s32 $0xFFFFFFE0  }
.LBB2_8:
0x4f: {  	v1 =	vadd.f32 v36, v39;
	v2 =	vmul.f32 v35, v34  }
0x50: {  	v3 =	vadd.f32 v40, v38;
	v4 =	vadd.s32 s28, v25;
	[tilespmem:s31+$0x5480] =	vst v42  }
0x51: {  	[tilespmem:s31+$0x54E0] =	vst v1;
	v1 =	vadd.f32 v2, v37  }
0x52: {  	v2 =	vadd.f32 v43, v41;
	[tilespmem:s31+$0x54C0] =	vst v3  }
0x53: {  	[tilespmem:s31+$0x54F0] =	vst v1  }
0x54: {  	[tilespmem:s31+$0x54A0] =	vst v2  }
0x55: {  	v2 =	vmov s0;
	v1 =	vld.idx.msk [tilespmem:v4+s19+$0x0], $0xffff;
	_ =	sdelay $0x3  }
0x56: {  	s3 =	simm.s32 @!p0 $0x9480  }
0x57: {  	s9 =	simm.s32 @!p0 $0x5480;
	s26 =	simm.s32 @!p0 $0x1;
	s0 =	simm.s32 @!p0 $0x80;
	[tilespmem:v2+s21+$0x0] =	vst.idx.msk $0x1, v1  }
0x58: {  	[spmem:s2] =	stream.indirect.scatter.add.f32 @!p0 [tilespmem:s9], [sflag:$0x1], $0x80, s3, s0, $0xb8;
	[tilespmem:$0x1B100] =	vst v63  }
0x59: {  	_ =	swait.ge @!p0 [sflag:s26], $0x4000  }
0x5a: {  	[sflag:s26] =	ssyncset.done @!p0 $0x0  }
0x5b: {  	s0 =	smov.u32 s22;
	[sflag:s26] =	ssyncadd.s32 @!p0 $0xFFFFC000  }
.LBB2_9:
0x5c: {  	s25 =	sadd.s32 $0x1, s25  }
0x5d: {  	p0 =	sne.s32 s25, $0x20  }
.Ltmp4:
0x5e: {  	_ = 	snop;
	(pc) =	sbr.rel @!p0 .LBB2_10-.Ltmp4, $1  }
0x5f: {  	_ =	sdelay $0x3  }
.LBB2_5:
0x60: {  	v25 =	vmov s25;
	_ =	sdelay $0x4  }
0x61: {  	v1 =	vld.idx.msk [tilespmem:v25+s20+$0x0], $0xffff;
	_ =	sdelay $0x4  }
0x62: {  	(v2sf) =	vpush v1, $0x0;
	_ =	sdelay $0xe  }
0x63: {  	s26 =	spop (v2sf)  }
0x64: {  	p0 =	slt.s32 s26, $0x1  }
.Ltmp5:
0x65: {  	_ = 	snop;
	(pc) =	sbr.rel @p0 .LBB2_9-.Ltmp5, $1  }
0x66: {  	_ =	sdelay $0x3  }
0x67: {  	s22 =	sshll.u32 s25, $0x9;
	s28 =	sshll.u32 s25, $0x7  }
0x68: {  	s22 =	sand.u32 $0x3000, s22;
	s28 =	sand.u32 $0x380, s28  }
0x69: {  	s29 =	sor.u32 s28, s22  }
0x6a: {  	v1 =	vld [tilespmem:s29+$0x0]  }
0x6b: {  	v2 =	vld [tilespmem:s29+$0x10]  }
0x6c: {  	v3 =	vld [tilespmem:s29+$0x20]  }
0x6d: {  	v4 =	vld [tilespmem:s29+$0x30]  }
0x6e: {  	v5 =	vld [tilespmem:s29+$0x40]  }
0x6f: {  	v6 =	vld [tilespmem:s29+$0x50]  }
0x70: {  	v7 =	vld [tilespmem:s29+$0x60]  }
0x71: {  	v8 =	vld [tilespmem:s29+$0x70]  }
0x72: {  	v9 =	vld [tilespmem:s29+$0x400]  }
0x73: {  	v12 =	vshll.u32 v25, $0x7;
	s28 =	simm.s32 $0x0;
	v10 =	vld [tilespmem:s29+$0x410]  }
0x74: {  	v11 =	vld [tilespmem:s29+$0x420];
	v20 =	vadd.s32 s28, v12  }
0x75: {  	v13 =	vld [tilespmem:s29+$0x430]  }
0x76: {  	v14 =	vld [tilespmem:s29+$0x440]  }
0x77: {  	v15 =	vld [tilespmem:s29+$0x450];
	v18 =	vadd.s32 $0x20, v20  }
0x78: {  	v16 =	vld [tilespmem:s29+$0x460]  }
0x79: {  	v19 =	vadd.s32 $0x40, v20;
	v31 =	vld.idx.msk [tilespmem:v20+s18+$0x0], $0xffff  }
0x7a: {  	v17 =	vld [tilespmem:s29+$0x820]  }
0x7b: {  	v21 =	vld [tilespmem:s29+$0x830]  }
0x7c: {  	v34 =	vld.idx.msk [tilespmem:v18+s18+$0x0], $0xffff  }
0x7d: {  	v18 =	vld [tilespmem:s29+$0x860]  }
0x7e: {  	v24 =	vadd.s32 $0x60, v20;
	v36 =	vld.idx.msk [tilespmem:v19+s18+$0x0], $0xffff;
	v26 =	vmul.f32 v31, v1  }
0x7f: {  	v19 =	vld [tilespmem:s29+$0x800];
	v29 =	vmul.f32 v31, v7;
	v32 =	vmul.f32 v31, v6  }
0x80: {  	v20 =	vld [tilespmem:s29+$0x810];
	v28 =	vmul.f32 v31, v4;
	v38 =	vmul.f32 v31, v5  }
0x81: {  	v22 =	vld [tilespmem:s29+$0x870];
	v44 =	vmul.f32 v31, v2;
	v49 =	vmul.f32 v31, v3  }
0x82: {  	v23 =	vld [tilespmem:s29+$0xC30];
	v50 =	vmul.f32 v31, v8;
	v27 =	vmul.f32 v34, v9  }
0x83: {  	v35 =	vld.idx.msk [tilespmem:v24+s18+$0x0], $0xffff;
	v37 =	vmul.f32 v34, v11;
	v41 =	vmul.f32 v36, v17  }
0x84: {  	v24 =	vld [tilespmem:s29+$0x470];
	v39 =	vmul.f32 v36, v18;
	v30 =	vmul.f32 v36, v19  }
0x85: {  	v25 =	vshll.u32 v25, $0x5;
	v31 =	vld [tilespmem:s29+$0xC00];
	v40 =	vmul.f32 v36, v20;
	v46 =	vmul.f32 v34, v10  }
0x86: {  	v42 =	vmul.f32 v34, v13;
	v43 =	vmul.f32 v34, v16;
	v33 =	vadd.f32 v27, v26;
	v26 =	vld [tilespmem:s29+$0x850]  }
0x87: {  	v62 =	vmul.f32 v36, v21;
	v47 =	vmul.f32 v34, v15;
	v27 =	vld [tilespmem:s29+$0xC10];
	v44 =	vadd.f32 v46, v44  }
0x88: {  	v51 =	vmul.f32 v34, v14;
	v45 =	vadd.f32 v30, v33;
	v30 =	vadd.f32 v42, v28;
	v28 =	vld [tilespmem:s29+$0xC50]  }
0x89: {  	v52 =	vmul.f32 v34, v24;
	v63 =	vadd.f32 v47, v32;
	v42 =	vadd.f32 v43, v29;
	v29 =	vld [tilespmem:s29+$0x840]  }
0x8a: {  	v48 =	vmul.f32 v35, v23;
	v32 =	vld [tilespmem:s29+$0xC40];
	v38 =	vadd.f32 v51, v38;
	v33 =	vadd.f32 v62, v30  }
0x8b: {  	v61 =	vadd.f32 v52, v50;
	v40 =	vadd.f32 v40, v44;
	v30 =	vld [tilespmem:s29+$0xC60];
	v57 =	vmul.f32 v36, v26  }
0x8c: {  	p1 =	sne.s32 s26, $0x1;
	v62 =	vmul.f32 v35, v31;
	v58 =	vmul.f32 v35, v27;
	v56 =	vadd.f32 v48, v33;
	v33 =	vld [tilespmem:s29+$0xC20]  }
.Ltmp6:
0x8d: {  	s9 =	sshll.u32 s0, $0x9;
	v34 =	vld [tilespmem:s29+$0xC70];
	v39 =	vadd.f32 v39, v42;
	v46 =	vadd.f32 v57, v63;
	v59 =	vmul.f32 v35, v28;
	(pc) =	sbr.rel @!p1 .LBB2_8-.Ltmp6, $4  }
0x8e: {  	s31 =	sshra.s32 s9, $0x2;
	s29 =	sadd.s32 $0x1, s0;
	v42 =	vadd.f32 v62, v45;
	v53 =	vmul.f32 v36, v29;
	v40 =	vadd.f32 v58, v40  }
0x8f: {  	v43 =	vmul.f32 v36, v22;
	p0 =	sne.s32 s29, $0x80;
	v63 =	vadd.f32 v37, v49;
	[tilespmem:s31+$0x54B0] =	vst v56;
	v60 =	vadd.f32 v59, v46  }
0x90: {  	s29 =	simm.s32 @!p0 $0x0;
	v36 =	vmul.f32 v35, v30;
	v38 =	vadd.f32 v53, v38;
	[tilespmem:s31+$0x5490] =	vst v40;
	v40 =	vmul.f32 v35, v32  }
0x91: {  	s30 =	simm.s32 $0x1;
	v37 =	vadd.f32 v43, v61;
	p0 =	por p0, p0;
	v41 =	vadd.f32 v41, v63;
	s22 =	smov.u32 s29;
	[tilespmem:s31+$0x54D0] =	vst v60;
	v43 =	vmul.f32 v35, v33  }
.LBB2_7:
0x92: {  	s22 =	sadd.s32 $0x1, s29;
	v38 =	vadd.f32 v40, v38;
	v40 =	vadd.s32 s28, v25;
	s28 =	smov.u32 s30;
	s30 =	sadd.s32 $0x1, s30  }
0x93: {  	v41 =	vadd.f32 v43, v41;
	v36 =	vadd.f32 v36, v39;
	v35 =	vmul.f32 v35, v34;
	s3 =	smov.u32 s29;
	p2 =	sne.s32 s22, $0x80;
	p1 =	sne.s32 s26, s30;
	[tilespmem:s31+$0x5480] =	vst v42  }
0x94: {  	s22 =	simm.s32 @!p2 $0x0  }
0x95: {  	v35 =	vadd.f32 v35, v37;
	[tilespmem:s31+$0x54E0] =	vst v36  }
0x96: {  	[tilespmem:s31+$0x54C0] =	vst v38  }
0x97: {  	[tilespmem:s31+$0x54F0] =	vst v35  }
0x98: {  	[tilespmem:s31+$0x54A0] =	vst v41  }
0x99: {  	v36 =	vmov s0;
	s0 =	smov.u32 s3;
	v35 =	vld.idx.msk [tilespmem:v40+s19+$0x0], $0xffff;
	_ =	sdelay $0x4  }
0x9a: {  	s29 =	simm.s32 @!p0 $0x9480;
	s3 =	simm.s32 @!p0 $0x80;
	s31 =	simm.s32 @!p0 $0x5480  }
0x9b: {  	s9 =	simm.s32 @!p0 $0x1;
	v37 =	vadd.s32 s28, v12;
	[tilespmem:v36+s21+$0x0] =	vst.idx.msk $0x1, v35  }
0x9c: {  	v38 =	vadd.s32 $0x60, v37;
	v35 =	vadd.s32 $0x20, v37;
	v36 =	vadd.s32 $0x40, v37;
	[spmem:s2] =	stream.indirect.scatter.add.f32 @!p0 [tilespmem:s31], [sflag:$0x1], $0x80, s29, s3, $0xb8;
	[tilespmem:$0x1B100] =	vst v63  }
0x9d: {  	_ =	swait.ge @!p0 [sflag:s9], $0x4000  }
0x9e: {  	[sflag:s9] =	ssyncset.done @!p0 $0x0  }
0x9f: {  	[sflag:s9] =	ssyncadd.s32 @!p0 $0xFFFFC000;
	p0 =	por p2, p2  }
0xa0: {  	v37 =	vld.idx.msk [tilespmem:v37+s18+$0x0], $0xffff  }
0xa1: {  	v39 =	vld.idx.msk [tilespmem:v35+s18+$0x0], $0xffff  }
0xa2: {  	v35 =	vld.idx.msk [tilespmem:v38+s18+$0x0], $0xffff  }
0xa3: {  	v36 =	vld.idx.msk [tilespmem:v36+s18+$0x0], $0xffff;
	_ =	sdelay $0x2  }
0xa4: {  	v38 =	vmul.f32 v37, v1;
	v40 =	vmul.f32 v37, v7  }
0xa5: {  	v42 =	vmul.f32 v37, v6;
	v41 =	vmul.f32 v39, v9  }
0xa6: {  	v44 =	vmul.f32 v37, v4;
	v43 =	vmul.f32 v39, v11  }
0xa7: {  	v38 =	vadd.f32 v41, v38;
	v41 =	vmul.f32 v36, v17;
	v45 =	vmul.f32 v36, v18  }
0xa8: {  	v47 =	vmul.f32 v37, v5;
	v46 =	vmul.f32 v36, v19  }
0xa9: {  	v49 =	vmul.f32 v39, v16;
	v48 =	vmul.f32 v36, v20  }
0xaa: {  	v50 =	vmul.f32 v37, v2;
	v51 =	vmul.f32 v39, v13  }
0xab: {  	v49 =	vadd.f32 v49, v40;
	v52 =	vmul.f32 v36, v22;
	v46 =	vadd.f32 v46, v38  }
0xac: {  	v40 =	vadd.f32 v51, v44;
	v44 =	vmul.f32 v36, v21;
	v38 =	vmul.f32 v37, v3  }
0xad: {  	v53 =	vmul.f32 v39, v15;
	v51 =	vmul.f32 v39, v10  }
0xae: {  	v40 =	vadd.f32 v44, v40;
	v44 =	vmul.f32 v35, v23;
	v37 =	vmul.f32 v37, v8  }
0xaf: {  	v42 =	vadd.f32 v53, v42;
	v50 =	vadd.f32 v51, v50;
	v51 =	vmul.f32 v36, v29  }
0xb0: {  	s3 =	sshll.u32 s0, $0x9;
	v36 =	vmul.f32 v36, v26;
	v40 =	vadd.f32 v44, v40;
	v44 =	vmul.f32 v39, v14  }
0xb1: {  	s31 =	sshra.s32 s3, $0x2;
	v48 =	vadd.f32 v48, v50;
	v50 =	vmul.f32 v35, v27;
	v39 =	vmul.f32 v39, v24  }
0xb2: {  	v36 =	vadd.f32 v36, v42;
	[tilespmem:s31+$0x54B0] =	vst v40;
	v40 =	vmul.f32 v35, v28  }
.Ltmp7:
0xb3: {  	v42 =	vadd.f32 v50, v48;
	v44 =	vadd.f32 v44, v47;
	(pc) =	sbr.rel @p1 .LBB2_7-.Ltmp7, $4  }
0xb4: {  	v37 =	vadd.f32 v39, v37;
	v47 =	vadd.f32 v40, v36;
	v36 =	vmul.f32 v35, v30  }
0xb5: {  	v43 =	vadd.f32 v43, v38;
	v48 =	vmul.f32 v35, v31;
	v38 =	vadd.f32 v51, v44;
	[tilespmem:s31+$0x5490] =	vst v42  }
0xb6: {  	v39 =	vadd.f32 v45, v49;
	v37 =	vadd.f32 v52, v37;
	v40 =	vmul.f32 v35, v32;
	[tilespmem:s31+$0x54D0] =	vst v47  }
0xb7: {  	s29 =	smov.u32 s22;
	v41 =	vadd.f32 v41, v43;
	v43 =	vmul.f32 v35, v33;
	v42 =	vadd.f32 v48, v46  }
.Ltmp8:
0xb8: {  	_ = 	snop;
	(pc) =	sbr.rel .LBB2_8-.Ltmp8, $1  }
0xb9: {  	_ =	sdelay $0x3  }
.LBB2_11:
0xba: {  	p0 =	sgt.s32 s0, $0x0  }
0xbb: {  	s23 =	simm.s32 $0x54C0;
	v1 =	vimm.f32 @!p0 $0.0e+00;
	p0 =	por p0, p0  }
0xbc: {  	[tilespmem:s23+$0xFFFFFFD0] =	vst @!p0 v1  }
0xbd: {  	[tilespmem:s23+$0xFFFFFFE0] =	vst @!p0 v1  }
0xbe: {  	s3 =	simm.s32 $0x0;
	[tilespmem:s23+$0xFFFFFFF0] =	vst @!p0 v1  }
0xbf: {  	[tilespmem:s23+$0x0] =	vst @!p0 v1;
	v2 =	vmov @!p0 s3  }
0xc0: {  	[tilespmem:s23+$0x10] =	vst @!p0 v1  }
0xc1: {  	[tilespmem:s23+$0x20] =	vst @!p0 v1  }
0xc2: {  	s22 =	simm.s32 $0x1;
	[tilespmem:s23+$0x30] =	vst @!p0 v1  }
.LBB2_12:
0xc3: {  	p1 =	slt.s32 s22, s0;
	[tilespmem:s23+$0xFFFFFFC0] =	vst @!p0 v1;
	v3 =	vimm.s32 @!p0 $0x0;
	s3 =	simm.s32 @!p0 $0x9480;
	s9 =	smov.u32 s22  }
0xc4: {  	s23 =	sadd.s32 $0x80, s23;
	v1 =	vimm.f32 @!p1 $0.0e+00;
	[tilespmem:v2+s3+$0x0] =	vst.idx.msk @!p0 $0x1, v3;
	p0 =	por p1, p1  }
0xc5: {  	s22 =	sadd.s32 $0x1, s22;
	[tilespmem:s23+$0xFFFFFFD0] =	vst @!p0 v1  }
0xc6: {  	p1 =	sne.s32 s22, $0x80;
	[tilespmem:s23+$0xFFFFFFE0] =	vst @!p0 v1  }
.Ltmp9:
0xc7: {  	[tilespmem:s23+$0xFFFFFFF0] =	vst @!p0 v1;
	(pc) =	sbr.rel @p1 .LBB2_12-.Ltmp9, $4  }
0xc8: {  	v2 =	vmov @!p0 s9;
	[tilespmem:s23+$0x0] =	vst @!p0 v1  }
0xc9: {  	[tilespmem:s23+$0x10] =	vst @!p0 v1  }
0xca: {  	[tilespmem:s23+$0x20] =	vst @!p0 v1  }
0xcb: {  	[tilespmem:s23+$0x30] =	vst @!p0 v1  }
0xcc: {  	_ =	sdelay $0x2  }
0xcd: {  	[tilespmem:s23+$0xFFFFFFC0] =	vst @!p0 v1;
	v1 =	vimm.s32 @!p0 $0x0;
	s3 =	simm.s32 @!p0 $0x9480;
	p1 =	slt.s32 s0, $0x1  }
0xce: {  	[tilespmem:v2+s3+$0x0] =	vst.idx.msk @!p0 $0x1, v1;
	s0 =	simm.s32 @!p1 $0x80;
	s3 =	simm.s32 @!p1 $0x9480;
	s9 =	simm.s32 @!p1 $0x5480  }
0xcf: {  	[spmem:s2] =	stream.indirect.scatter.add.f32 @!p1 [tilespmem:s9], [sflag:$0x1], $0x80, s3, s0, $0xb8;
	[tilespmem:$0x1B100] =	vst v63  }
0xd0: {  	s0 =	simm.s32 @!p1 $0x1  }
0xd1: {  	s30 =	stileid.u32;
	_ =	swait.ge @!p1 [sflag:s0], $0x4000  }
0xd2: {  	s31 =	sshrl.u32 s8, $0x3;
	s4 =	sadd.s32 $0x1, s4;
	[sflag:s0] =	ssyncset.done @!p1 $0x0  }
0xd3: {  	p0 =	sne.s32 s4, s15;
	[sflag:s0] =	ssyncadd.s32 @!p1 $0xFFFFC000;
	s0 =	sshll.u32 s30, $0x6  }
.Ltmp10:
0xd4: {  	[bflag:$0x0] =	sbarrier.arrive $0xFFFF;
	s0 =	sor.u32 $0x1C01, s0;
	(pc) =	sbr.rel @p0 .LBB2_1-.Ltmp10, $4  }
0xd5: {  	[hbm:s14], [sflag:s0] =	dma.local [spmem:s31], $0x2380  }
0xd6: {  	_ =	swait.ge [sflag:s17], $0x2380  }
0xd7: {  	[sflag:s17] =	ssyncset.done $0x0  }
0xd8: {  	[sflag:s17] =	ssyncadd.s32 $0xFFFFDC80  }
0xd9: {  	_ =	sfence.sel $0x180000  }
0xda: {  	[bflag:$0x0] =	sbarrier.arrive $0xFFFF  }
0xdb: {  	_ =	strace $0x90000053  }
0xdc: {  	s0 =	stileid.u32;
	[bflag:$0x2] =	sbarrier.arrive $0xFFFF  }
0xdd: {  	p0 =	sne.s32 s0, $0x0;
	s0 =	rddreg [dreg:$0x3]  }
0xde: {  	s0 =	sadd.s32 @!p0 $0x100000, s0  }
0xdf: {  	[sflag:s0] =	ssyncadd.tile.s32 @!p0 $0x1;
	_ =	shalt  }
.Lfunc_end2:
_tile_overlayer_lowered:
.L_overlay_start_2:
0xe0: {  	(tag) =	ssettag $0x2  }
0xe1: {  	s0 =	rddreg [dreg:$0x0];
	s2 =	stileid.u32  }
0xe2: {  	s1 =	rddreg [dreg:$0x1];
	p0 =	sne.s32 s2, $0x0  }
0xe3: {  	s3 =	rddreg [dreg:$0x2];
	[bflag:$0x3] =	sbarrier.arrive $0xFFFF;
	s2 =	simm.s32 @!p0 $0x1C01  }
0xe4: {  	[timem:s3], [sflag:s2] =	dma.local @!p0 [hbm:s0], s1  }
0xe5: {  	s0 =	simm.s32 @!p0 $0x1  }
0xe6: {  	_ =	swait.ge @!p0 [sflag:s0], s1  }
0xe7: {  	s1 =	ssub.s32 @!p0 $0x0, s1;
	[sflag:s0] =	ssyncset.done @!p0 $0x0  }
0xe8: {  	[sflag:s0] =	ssyncadd.s32 @!p0 s1  }
0xe9: {  	[bflag:$0x3] =	sbarrier.arrive $0xFFFF  }
0xea: {  	_ =	shalt  }

// kernel: kernel.9.cloned.1.call-start
scs
__scs_entry_jumppad:
0x0: {  	(pc) =	sbr.rel $0x88, $3  }
0x1: {  	(tag) =	ssettag $0x0;
	lr =	simm.s32 $0x1  }
0x2: {  	[smem:$0x3F9A] =	sst lr;
	_ =	strace $0xD0000000  }
0x3: {  	_ = 	snop  }
0x4: {  	_ = 	snop  }
0x5: {  	_ = 	snop  }
0x6: {  	_ = 	snop  }
0x7: {  	_ = 	snop  }
__scs_overlays_trampoline_lowered:
0x8: {  	[smem:$0x3FA9] =	sst s0  }
0x9: {  	[smem:$0x3FAA] =	sst s1  }
0xa: {  	[smem:$0x3FAB] =	sst s2  }
0xb: {  	[smem:$0x3FAC] =	sst s3  }
0xc: {  	[smem:$0x3FAD] =	sst s4  }
0xd: {  	[smem:$0x3FAE] =	sst s5  }
0xe: {  	[smem:$0x3FAF] =	sst s6  }
0xf: {  	[smem:$0x3FB0] =	sst s7  }
0x10: {  	[smem:$0x3FB1] =	sst s8  }
0x11: {  	[smem:$0x3FB2] =	sst s9;
	s0 =	simm.s32 @!p0 $0x0  }
0x12: {  	s1 =	sld [smem:$0x3F98];
	s0 =	simm.s32 @p0 $0x1  }
0x13: {  	[smem:$0x3FB3] =	sst s0;
	s0 =	simm.s32 @!p1 $0x0  }
0x14: {  	s2 =	sld [smem:$0x3F97];
	s0 =	simm.s32 @p1 $0x1  }
0x15: {  	[smem:$0x3FB4] =	sst s0;
	s0 =	simm.s32 @!p2 $0x0  }
0x16: {  	s3 =	sld [smem:$0x3FDB];
	s0 =	simm.s32 @p2 $0x1  }
0x17: {  	s4 =	simm.s32 $0x1BF5;
	[smem:$0x3FB6] =	sst s0  }
0x18: {  	s0 =	sld [smem:$0x3F99];
	_ =	swait.ge [sflag:s4], $0x0  }
0x19: {  	s7 =	sld [smem:$0x3F9A]  }
0x1a: {  	s8 =	sadd.s32 $0xFFFFE003, lr  }
0x1b: {  	s9 =	sadd.s32 $0xFFFFFEF7, lr;
	s5 =	simm.s32 $0xFFFFFFFF;
	p2 =	slt.u32 s8, $0xFFFFF086  }
0x1c: {  	p1 =	slt.u32 s9, $0xF7A;
	s5 =	simm.s32 @!p2 $0x0  }
0x1d: {  	s5 =	simm.s32 @p1 $0x1;
	p0 =	seq.s32 s7, s2  }
0x1e: {  	s7 =	smul.u32 @!p0 $0xF7A, s2;
	p2 =	seq.s32 @!p0 s5, $0x0  }
0x1f: {  	s9 =	smul.u32 $0xF7A, s1;
	s8 =	simm.s32 @!p0 $0x1BF5;
	p2 =	por !p2, p0  }
0x20: {  	[sflag:s8] =	ssyncset.s32 @!p0 $0xFFFFF086;
	s6 =	sadd.s32 @!p0 s3, s7;
	s7 =	simm.s32 @!p0 $0x108  }
0x21: {  	s3 =	sadd.s32 s3, s9;
	s6 =	sadd.s32 @!p0 $0x88, s6;
	s7 =	simm.s32 @p2 $0x1082  }
0x22: {  	[simem:s7], [sflag:s8] =	dma.local @!p0 [hbm:s6], $0xF7A  }
0x23: {  	s9 =	sor.u32 $0xD0000000, s2;
	s6 =	simm.s32 $0x108;
	_ =	swait.ge @!p0 [sflag:s8], $0x0  }
0x24: {  	s3 =	sadd.s32 $0x88, s3;
	s6 =	simm.s32 @!p1 $0x1082;
	[sflag:s4] =	ssyncset.s32 $0xFFFFF086  }
0x25: {  	[simem:s6], [sflag:s4] =	dma.local [hbm:s3], $0xF7A  }
0x26: {  	[smem:$0x3F9A] =	sst s1;
	(tag) =	ssettag s2;
	_ =	strace s9  }
0x27: {  	s1 =	sld [smem:$0x3FAA]  }
0x28: {  	s2 =	sld [smem:$0x3FAB]  }
0x29: {  	s4 =	sld [smem:$0x3FAD]  }
0x2a: {  	p0 =	seq.s32 s5, $0x0;
	s5 =	sld [smem:$0x3FAE]  }
0x2b: {  	s6 =	sld [smem:$0x3FAF]  }
0x2c: {  	s7 =	sld [smem:$0x3FB0]  }
0x2d: {  	s3 =	simm.s32 $0x108;
	s8 =	sld [smem:$0x3FB1]  }
0x2e: {  	s3 =	simm.s32 @!p0 $0x1082;
	s9 =	sld [smem:$0x3FB2]  }
0x2f: {  	lr =	sadd.s32 s0, s3;
	s0 =	sld [smem:$0x3FA9]  }
0x30: {  	s3 =	sld [smem:$0x3FAC]  }
0x31: {  	[smem:$0x3FB5] =	sst s10  }
0x32: {  	s10 =	sld [smem:$0x3FB3];
	_ =	sdelay $0x3  }
0x33: {  	p0 =	seq.s32 s10, $0x1;
	s10 =	sld [smem:$0x3FB5];
	_ =	sdelay $0x3  }
0x34: {  	[smem:$0x3FB5] =	sst s10  }
0x35: {  	s10 =	sld [smem:$0x3FB4];
	_ =	sdelay $0x3  }
0x36: {  	p1 =	seq.s32 s10, $0x1;
	s10 =	sld [smem:$0x3FB5];
	_ =	sdelay $0x3  }
0x37: {  	[smem:$0x3FB5] =	sst s10  }
0x38: {  	s10 =	sld [smem:$0x3FB6]  }
0x39: {  	_ = 	snop;
	(pc) =	sbr.ind lr, $3  }
0x3a: {  	_ = 	snop  }
0x3b: {  	_ = 	snop  }
0x3c: {  	p2 =	seq.s32 s10, $0x1;
	s10 =	sld [smem:$0x3FB5]  }
0x3d: {  	_ =	shalt  }
0x3e: {  	_ =	shalt  }
0x3f: {  	_ =	shalt  }
0x40: {  	_ =	shalt  }
0x41: {  	_ =	shalt  }
0x42: {  	_ =	shalt  }
0x43: {  	_ =	shalt  }
0x44: {  	_ =	shalt  }
0x45: {  	_ =	shalt  }
0x46: {  	_ =	shalt  }
0x47: {  	_ =	shalt  }
0x48: {  	_ =	shalt  }
0x49: {  	_ =	shalt  }
0x4a: {  	_ =	shalt  }
0x4b: {  	_ =	shalt  }
0x4c: {  	_ =	shalt  }
0x4d: {  	_ =	shalt  }
0x4e: {  	_ =	shalt  }
0x4f: {  	_ =	shalt  }
0x50: {  	_ =	shalt  }
0x51: {  	_ =	shalt  }
0x52: {  	_ =	shalt  }
0x53: {  	_ =	shalt  }
0x54: {  	_ =	shalt  }
0x55: {  	_ =	shalt  }
0x56: {  	_ =	shalt  }
0x57: {  	_ =	shalt  }
0x58: {  	_ =	shalt  }
0x59: {  	_ =	shalt  }
0x5a: {  	_ =	shalt  }
0x5b: {  	_ =	shalt  }
0x5c: {  	_ =	shalt  }
0x5d: {  	_ =	shalt  }
0x5e: {  	_ =	shalt  }
0x5f: {  	_ =	shalt  }
0x60: {  	_ =	shalt  }
0x61: {  	_ =	shalt  }
0x62: {  	_ =	shalt  }
0x63: {  	_ =	shalt  }
0x64: {  	_ =	shalt  }
0x65: {  	_ =	shalt  }
0x66: {  	_ =	shalt  }
0x67: {  	_ =	shalt  }
0x68: {  	_ =	shalt  }
0x69: {  	_ =	shalt  }
0x6a: {  	_ =	shalt  }
0x6b: {  	_ =	shalt  }
0x6c: {  	_ =	shalt  }
0x6d: {  	_ =	shalt  }
0x6e: {  	_ =	shalt  }
0x6f: {  	_ =	shalt  }
0x70: {  	_ =	shalt  }
0x71: {  	_ =	shalt  }
0x72: {  	_ =	shalt  }
0x73: {  	_ =	shalt  }
0x74: {  	_ =	shalt  }
0x75: {  	_ =	shalt  }
0x76: {  	_ =	shalt  }
0x77: {  	_ =	shalt  }
0x78: {  	_ =	shalt  }
0x79: {  	_ =	shalt  }
0x7a: {  	_ =	shalt  }
0x7b: {  	_ =	shalt  }
0x7c: {  	_ =	shalt  }
0x7d: {  	_ =	shalt  }
0x7e: {  	_ =	shalt  }
0x7f: {  	_ =	shalt  }
0x80: {  	_ =	shalt  }
0x81: {  	_ =	shalt  }
0x82: {  	_ =	shalt  }
0x83: {  	_ =	shalt  }
0x84: {  	_ =	shalt  }
0x85: {  	_ =	shalt  }
0x86: {  	_ =	shalt  }
0x87: {  	_ =	shalt  }
.Lfunc_end0:
.L_simem_size_0:
called_computation.2_lowered:
.L_overlay_start_0:
0x88: {  	s2 =	sld [smem:$0x3FD9]  }
0x89: {  	s3 =	sld [smem:$0x3FFE];
	_ =	sdelay $0x1  }
0x8a: {  	s1 =	srdreg.scid  }
0x8b: {  	s0 =	sand.u32 $0x1, s1  }
0x8c: {  	s17 =	sshll.u32 s0, $0xA;
	s2 =	sadd.s32 s3, s2  }
0x8d: {  	s2 =	sadd.s32 s2, s17  }
0x8e: {  	[smem:$0x3FC1] =	sst s2  }
0x8f: {  	_ = 	snop  }
0x90: {  	s2 =	sld [smem:$0x3FD0];
	(tm) =	ssettm $0x1  }
0x91: {  	s18 =	sld [smem:$0x3FFB];
	_ =	sdelay $0x3  }
0x92: {  	_ =	strace s18  }
0x93: {  	s3 =	sld [smem:$0x3FFC];
	_ =	sdelay $0x3  }
0x94: {  	_ =	strace s3  }
0x95: {  	s3 =	sld [smem:$0x3FFD];
	_ =	sdelay $0x3  }
0x96: {  	_ =	strace s3  }
0x97: {  	_ =	strace $0x8FFFFFFF  }
0x98: {  	s19 =	sld [smem:$0x3FDB];
	_ =	sdelay $0x1  }
0x99: {  	s4 =	simm.s32 $_scs_section_size  }
0x9a: {  	s5 =	simm.s32 $_size__tile_overlayer_lowered;
	s6 =	simm.s32 $_tile_overlayer_lowered  }
0x9b: {  	s22 =	simm.s32 $0x1BFF;
	s21 =	sshll.u32 s6, $0x1;
	s3 =	sadd.s32 s4, s19  }
0x9c: {  	s7 =	simm.s32 $0x0;
	s20 =	sshll.u32 s5, $0x1;
	s5 =	sadd.s32 s21, s3  }
0x9d: {  	[timem:s7], [sflag:s22] =	dma.local [hbm:s5], s20  }
0x9e: {  	_ =	swait.ge [sflag:s22], s20  }
0x9f: {  	s4 =	ssub.s32 $0x0, s20;
	[sflag:s22] =	ssyncset.done $0x0  }
0xa0: {  	[sflag:s22] =	ssyncadd.s32 s4;
	_ =	sdelay $0x1  }
0xa1: {  	s23 =	simm.s32 $0x1B8B  }
0xa2: {  	_ =	swait.ge [sflag:s23], $0x1  }
0xa3: {  	[sflag:s23] =	ssyncset.done $0x0  }
0xa4: {  	s25 =	simm.s32 $0x1B8E;
	s24 =	sld [smem:$0x3FFE];
	[sflag:s23] =	ssyncadd.s32 $0xFFFFFFFF  }
0xa5: {  	s26 =	simm.s32 $execute0_lowered;
	[smem:$0x3FD2] =	sst s25  }
0xa6: {  	s5 =	sshll.u32 s26, $0x1;
	_ =	strace $0x8000004C;
	[dreg:$0x1] =	wrdreg $0xFFFFFFFF  }
0xa7: {  	s28 =	simm.s32 $_size_execute0_lowered;
	s3 =	sadd.s32 s3, s5;
	[dreg:$0x0] =	wrdreg $0x0  }
0xa8: {  	s5 =	sshll.u32 s28, $0x1;
	[dreg:$0x2] =	wrdreg s3  }
0xa9: {  	[dreg:$0x3] =	wrdreg s5  }
0xaa: {  	[dreg:$0x4] =	wrdreg $0xC0  }
0xab: {  	_ =	task [dreg:s7], $0x5FFFF  }
0xac: {  	[dreg:$0x1] =	wrdreg $0xFFFFFFFF  }
0xad: {  	[dreg:$0x0] =	wrdreg $0x60  }
0xae: {  	[dreg:$0x2] =	wrdreg s24  }
0xaf: {  	[dreg:$0x3] =	wrdreg s2  }
0xb0: {  	[dreg:$0x4] =	wrdreg $0x9  }
0xb1: {  	_ =	task.clear_ibuf [dreg:s7], $0x5FFFF;
	_ =	strace $0x9000004C  }
0xb2: {  	s29 =	simm.s32 $0x9;
	_ =	strace $0x8000004E  }
0xb3: {  	_ =	swait.ge [sflag:s29], $0x1  }
0xb4: {  	[sflag:s29] =	ssyncadd.s32 $0xFFFFFFFF  }
0xb5: {  	_ =	strace $0x9000004E  }
0xb6: {  	_ =	sfence  }
0xb7: {  	s30 =	sld [smem:$0x0];
	_ =	sdelay $0x2  }
0xb8: {  	s31 =	sshll.u32 s1, $0xD;
	s1 =	sshrl.u32 s1, $0x2  }
0xb9: {  	s3 =	sand.u32 $0x4000, s31;
	s1 =	sadd.s32 s1, s30  }
0xba: {  	s0 =	sor.u32 s3, s0;
	s1 =	sshll.u32 s1, $0x11  }
0xbb: {  	s0 =	sor.u32 s1, s0  }
0xbc: {  	s0 =	sadd.s32 $0x8F2B, s0  }
0xbd: {  	[sflag:s0] =	ssyncadd.remote.s32 $0x1  }
0xbe: {  	_ =	sfence.sel $0xFFFF  }
0xbf: {  	[dreg:$0x0] =	wrdreg $0xFFFFFFFF;
	(pc) =	sbr.abs _section_cstart, $3  }
0xc0: {  	[dreg:$0x1] =	wrdreg $0xFFFFFFFF  }
0xc1: {  	_ =	task.clear_ibuf [dreg:s7], $0x2FFFF;
	_ =	strace $0x9FFFFFFF  }
0xc2: {  	(tm) =	ssettm $0x7FFFFFFF  }
0xc3: {  	_ =	shalt  }
tec
execute0_lowered:
.L_overlay_start_1:
0x0: {  	(tag) =	ssettag $0x1  }
0x1: {  	s7 =	rddreg [dreg:$0x0]  }
0x2: {  	s0 =	rddreg [dreg:$0x1]  }
0x3: {  	s3 =	simm.s32 $0x0;
	s1 =	srdreg.scid;
	s2 =	stileid.u32  }
0x4: {  	s13 =	simm.s32 $0x1;
	s14 =	simm.s32 $0x2400;
	s15 =	simm.s32 $0x4800  }
0x5: {  	s16 =	simm.s32 $0x6C00;
	s17 =	simm.s32 $0x6D80;
	s19 =	simm.s32 $0x7080  }
0x6: {  	s20 =	simm.s32 $0x7180;
	s21 =	simm.s32 $0x6F80;
	s22 =	simm.s32 $0x13A00  }
0x7: {  	s25 =	simm.s32 $0x0;
	s1 =	sand.u32 $0x1, s1;
	s2 =	sshll.u32 s2, $0x1  }
0x8: {  	[smem:$0x7FF] =	sst s3;
	s4 =	sadd.s32 $0x600, s7;
	s2 =	sor.u32 s1, s2  }
0x9: {  	s26 =	sadd.s32 $0x1200, s7;
	s5 =	sadd.s32 $0xC00, s7;
	s28 =	smul.u32 $0x28, s2  }
0xa: {  	_ =	strace $0x8000004D;
	[dreg:$0x3] =	wrdreg s4;
	s29 =	smul.u32 $0x1400, s2  }
0xb: {  	[dreg:$0x4] =	wrdreg s26;
	s1 =	ssub.s32 $0x2, s1;
	s2 =	smul.u32 $0x500, s2  }
.Ltmp0:
0xc: {  	[dreg:$0x5] =	wrdreg s5;
	s6 =	sshrl.u32 s1, $0x1;
	(pc) =	sbr.rel .LBB2_1-.Ltmp0, $4  }
0xd: {  	s1 =	ssub.s32 s1, s6;
	s4 =	sadd.s32 s28, s7;
	s0 =	sadd.s32 s0, s2  }
0xe: {  	s5 =	sadd.s32 s29, s7;
	s30 =	sadd.s32 $0x1800, s4;
	[dreg:$0x8] =	wrdreg s0  }
0xf: {  	v0 =	vlaneseq.u32;
	s12 =	smax.u32 s1, $0x1;
	s31 =	sadd.s32 $0x1E00, s4;
	[dreg:$0x6] =	wrdreg s30  }
0x10: {  	v1 =	vimm.f32 $1.000000020e+30;
	v2 =	vor.u32 $0x80000000, v0;
	v3 =	vor.u32 $0x10, v0;
	s10 =	sadd.s32 $0x2A00, s5;
	s11 =	sadd.s32 $0x2400, s4;
	[dreg:$0x7] =	wrdreg s31  }
.LBB2_31:
0x11: {  	s0 =	rddreg [dreg:$0x8];
	s1 =	simm.s32 $0x7200  }
0x12: {  	[hbm4b:s0+s3] =	stream.linear.scatter [tilespmem:s1], [sflag:$0x1], $0x2800, $0x38;
	[tilespmem:$0x13B80] =	vst v63  }
0x13: {  	_ =	swait.ge [sflag:s13], $0x2800  }
0x14: {  	[sflag:s13] =	ssyncset.done $0x0  }
0x15: {  	s31 =	simm.s32 $0x9A00;
	[sflag:s13] =	ssyncadd.s32 $0xFFFFD800  }
0x16: {  	[hbm4b:s10+s3] =	stream.linear.scatter [tilespmem:s31], [sflag:$0x1], $0xA000, $0x38;
	[tilespmem:$0x13B80] =	vst v63  }
0x17: {  	s25 =	sadd.s32 $0x1, s25;
	_ =	swait.ge [sflag:s13], $0xA000  }
0x18: {  	p0 =	sne.s32 s25, s12;
	[sflag:s13] =	ssyncset.done $0x0  }
.Ltmp1:
0x19: {  	[sflag:s13] =	ssyncadd.s32 $0xFFFF6000;
	(pc) =	sbr.rel @!p0 .LBB2_32-.Ltmp1, $4  }
0x1a: {  	[hbm4b:s11+s3] =	stream.linear.scatter [tilespmem:s22], [sflag:$0x1], $0x140, $0x38;
	[tilespmem:$0x13B80] =	vst v63  }
0x1b: {  	_ =	swait.ge [sflag:s13], $0x140  }
0x1c: {  	[sflag:s13] =	ssyncset.done $0x0  }
0x1d: {  	[sflag:s13] =	ssyncadd.s32 $0xFFFFFEC0  }
.LBB2_1:
0x1e: {  	s0 =	rddreg [dreg:$0x0]  }
0x1f: {  	[tilespmem:s3], [sflag:$0x1] =	stream.linear.gather [hbm4b:s0+s3], $0x2400, $0x38;
	[tilespmem:$0x13B80] =	vst v63  }
0x20: {  	_ =	swait.ge [sflag:s13], $0x2400  }
0x21: {  	[sflag:s13] =	ssyncset.done $0x0  }
0x22: {  	s24 =	rddreg [dreg:$0x3];
	[sflag:s13] =	ssyncadd.s32 $0xFFFFDC00  }
0x23: {  	[tilespmem:s14], [sflag:$0x1] =	stream.linear.gather [hbm4b:s24+s3], $0x2400, $0x38;
	[tilespmem:$0x13B80] =	vst v63  }
0x24: {  	_ =	swait.ge [sflag:s13], $0x2400  }
0x25: {  	[sflag:s13] =	ssyncset.done $0x0  }
0x26: {  	s26 =	rddreg [dreg:$0x4];
	[sflag:s13] =	ssyncadd.s32 $0xFFFFDC00  }
0x27: {  	[tilespmem:s15], [sflag:$0x1] =	stream.linear.gather [hbm4b:s26+s3], $0x2400, $0x38;
	[tilespmem:$0x13B80] =	vst v63  }
0x28: {  	_ =	swait.ge [sflag:s13], $0x2400  }
0x29: {  	[sflag:s13] =	ssyncset.done $0x0  }
0x2a: {  	s29 =	rddreg [dreg:$0x6];
	[sflag:s13] =	ssyncadd.s32 $0xFFFFDC00  }
0x2b: {  	[tilespmem:s16], [sflag:$0x1] =	stream.linear.gather [hbm4b:s29+s3], $0x140, $0x38;
	[tilespmem:$0x13B80] =	vst v63  }
0x2c: {  	_ =	swait.ge [sflag:s13], $0x140  }
0x2d: {  	[sflag:s13] =	ssyncset.done $0x0  }
0x2e: {  	s30 =	rddreg [dreg:$0x7];
	[sflag:s13] =	ssyncadd.s32 $0xFFFFFEC0  }
0x2f: {  	[tilespmem:s17], [sflag:$0x1] =	stream.linear.gather [hbm4b:s30+s3], $0x140, $0x38;
	[tilespmem:$0x13B80] =	vst v63  }
0x30: {  	_ =	swait.ge [sflag:s13], $0x140  }
0x31: {  	[sflag:s13] =	ssyncset.done $0x0  }
0x32: {  	s1 =	simm.s32 $0x6F00;
	s31 =	rddreg [dreg:$0x5];
	[sflag:s13] =	ssyncadd.s32 $0xFFFFFEC0  }
0x33: {  	[tilespmem:s1], [sflag:$0x1] =	stream.linear.gather [hbm4b:s31+s3], $0x80, $0x38;
	[tilespmem:$0x13B80] =	vst v63  }
0x34: {  	_ =	swait.ge [sflag:s13], $0x80  }
0x35: {  	[sflag:s13] =	ssyncset.done $0x0  }
0x36: {  	[sflag:s13] =	ssyncadd.s32 $0xFFFFFF80  }
0x37: {  	v4 =	vld [tilespmem:$0x6F00];
	_ =	sdelay $0x4  }
0x38: {  	(v2sf) =	vpush v4, $0x1;
	_ =	sdelay $0xa  }
.Ltmp2:
0x39: {  	_ = 	snop;
	(pc) =	sbr.rel .LBB2_2-.Ltmp2, $3  }
0x3a: {  	_ = 	snop  }
0x3b: {  	v5 =	vadd.f32 $0.0e+00, v4;
	_ =	sdelay $0x1  }
0x3c: {  	s28 =	simm.s32 $0x0;
	v4 =	vbroadcast v5, $0x2;
	v5 =	vbroadcast v5, $0x0;
	s26 =	spop (v2sf)  }
.LBB2_29:
0x3d: {  	v9 =	vld [tilespmem:$0x7180]  }
0x3e: {  	v10 =	vld [tilespmem:$0x7190];
	_ =	sdelay $0x3  }
0x3f: {  	[tilespmem:$0x7080] =	vst v9  }
0x40: {  	[tilespmem:$0x7090] =	vst v10  }
.LBB2_30:
0x41: {  	p0 =	slt.s32 s29, $0x20  }
0x42: {  	v9 =	vld [tilespmem:$0x7080];
	s29 =	simm.s32 @!p0 $0x20  }
0x43: {  	v10 =	vmov s29  }
0x44: {  	vm0 =	vgt.s32 v10, v0;
	_ =	sdelay $0x5  }
0x45: {  	v11 =	vld.idx.msk [tilespmem:v9+s3+$0x0], vm0;
	_ =	sdelay $0x1  }
0x46: {  	v12 =	vld.idx.msk [tilespmem:v9+s14+$0x0], vm0;
	_ =	sdelay $0x2  }
0x47: {  	v11 =	vsub.f32 v11, v7;
	_ =	sdelay $0x1  }
0x48: {  	v12 =	vsub.f32 v12, v8;
	v11 =	vmul.f32 v11, v4;
	_ =	sdelay $0x1  }
0x49: {  	v12 =	vmul.f32 v12, v4;
	v11 =	vmax.f32 v11, $-1.000000000e+00  }
0x4a: {  	v11 =	vmin.f32 v11, $1.000000000e+00  }
0x4b: {  	v12 =	vmax.f32 v12, $-1.000000000e+00;
	v13 =	vadd.f32 $1.000000000e+00, v11  }
0x4c: {  	v12 =	vmin.f32 v12, $1.000000000e+00;
	v11 =	vadd.f32 $-1.000000000e+00, v11  }
0x4d: {  	v14 =	vadd.f32 $1.000000000e+00, v12;
	v13 =	vmul.f32 v13, v13  }
0x4e: {  	v12 =	vadd.f32 $-1.000000000e+00, v12;
	v11 =	vmul.f32 v11, v11  }
0x4f: {  	v14 =	vmul.f32 v14, v14;
	v13 =	vmul.f32 $-1.250000000e-01, v13  }
0x50: {  	v12 =	vmul.f32 v12, v12;
	v11 =	vmul.f32 $-1.250000000e-01, v11  }
0x51: {  	v14 =	vmul.f32 $-1.250000000e-01, v14;
	v13 =	vmul.f32 $1.442695020e+00, v13  }
0x52: {  	v12 =	vmul.f32 $-1.250000000e-01, v12;
	v11 =	vmul.f32 $1.442695020e+00, v11  }
0x53: {  	v43 =	vmul.f32 $1.442695020e+00, v14;
	(erf) = vpow2.f32 v13  }
0x54: {  	(erf) = vpow2.f32 v11  }
0x55: {  	v44 =	vmul.f32 $1.442695020e+00, v12;
	(erf) = vpow2.f32 v43;
	_ =	sdelay $0x1  }
0x56: {  	(erf) = vpow2.f32 v44;
	_ =	sdelay $0x3  }
0x57: {  	v9 =	vld.idx.msk [tilespmem:v9+s15+$0x0], vm0  }
0x58: {  	v45 =	vpop (erf)  }
0x59: {  	v46 =	vpop (erf)  }
0x5a: {  	v13 =	vpop (erf)  }
0x5b: {  	s0 =	sshll.u32 s28, $0x7;
	v15 =	vmul.f32 v13, v45  }
0x5c: {  	s1 =	sshra.s32 s0, $0x2;
	v9 =	vnsel vm0, $0x0, v9;
	v47 =	vpop (erf);
	v13 =	vmul.f32 v13, v46  }
0x5d: {  	s0 =	sand.u32 $0x3FFFFF80, s0;
	[tilespmem:s1+$0x7200] =	vst v9;
	v11 =	vmul.f32 v47, v45;
	v48 =	vnsel vm0, $0x0, v15  }
0x5e: {  	v50 =	vmul.f32 v47, v46;
	v51 =	vnsel vm0, $0x0, v13;
	[tilespmem:s0+$0x9A00] =	vst v48  }
0x5f: {  	v49 =	vnsel vm0, $0x0, v11;
	[tilespmem:s0+$0x9A40] =	vst v51  }
0x60: {  	v52 =	vnsel vm0, $0x0, v50;
	[tilespmem:s0+$0x9A20] =	vst v49  }
0x61: {  	[tilespmem:s0+$0x9A60] =	vst v52  }
0x62: {  	v9 =	vld [tilespmem:$0x7090];
	_ =	sdelay $0x1  }
0x63: {  	vm15 =	vgt.s32 v10, v3;
	_ =	sdelay $0x5  }
0x64: {  	v53 =	vld.idx.msk [tilespmem:v9+s3+$0x0], vm15;
	_ =	sdelay $0x1  }
0x65: {  	v54 =	vld.idx.msk [tilespmem:v9+s14+$0x0], vm15;
	_ =	sdelay $0x2  }
0x66: {  	v7 =	vsub.f32 v53, v7;
	_ =	sdelay $0x1  }
0x67: {  	v55 =	vsub.f32 v54, v8;
	v7 =	vmul.f32 v7, v4;
	_ =	sdelay $0x1  }
0x68: {  	v8 =	vmul.f32 v55, v4;
	v7 =	vmax.f32 v7, $-1.000000000e+00  }
0x69: {  	v7 =	vmin.f32 v7, $1.000000000e+00  }
0x6a: {  	v8 =	vmax.f32 v8, $-1.000000000e+00;
	v56 =	vadd.f32 $1.000000000e+00, v7  }
0x6b: {  	v8 =	vmin.f32 v8, $1.000000000e+00;
	v7 =	vadd.f32 $-1.000000000e+00, v7  }
0x6c: {  	v57 =	vadd.f32 $1.000000000e+00, v8;
	v11 =	vmul.f32 v56, v56  }
0x6d: {  	v8 =	vadd.f32 $-1.000000000e+00, v8;
	v7 =	vmul.f32 v7, v7  }
0x6e: {  	v12 =	vmul.f32 v57, v57;
	v11 =	vmul.f32 $-1.250000000e-01, v11  }
0x6f: {  	v8 =	vmul.f32 v8, v8;
	v7 =	vmul.f32 $-1.250000000e-01, v7  }
0x70: {  	v12 =	vmul.f32 $-1.250000000e-01, v12;
	v11 =	vmul.f32 $1.442695020e+00, v11  }
0x71: {  	v8 =	vmul.f32 $-1.250000000e-01, v8;
	v7 =	vmul.f32 $1.442695020e+00, v7  }
0x72: {  	v58 =	vmul.f32 $1.442695020e+00, v12;
	(erf) = vpow2.f32 v11  }
0x73: {  	(erf) = vpow2.f32 v7;
	v7 =	vmul.f32 $1.442695020e+00, v8  }
0x74: {  	(erf) = vpow2.f32 v58  }
0x75: {  	(erf) = vpow2.f32 v7;
	_ =	sdelay $0x4  }
0x76: {  	v7 =	vld.idx.msk [tilespmem:v9+s15+$0x0], vm15  }
0x77: {  	v59 =	vpop (erf)  }
0x78: {  	v60 =	vpop (erf)  }
0x79: {  	v11 =	vpop (erf)  }
0x7a: {  	v61 =	vpop (erf);
	v62 =	vmul.f32 v11, v59  }
0x7b: {  	s28 =	sadd.s32 $0x1, s28;
	v7 =	vnsel vm15, $0x0, v7;
	v8 =	vmul.f32 v61, v59  }
0x7c: {  	p0 =	sne.s32 s28, $0x140;
	[tilespmem:s1+$0x7210] =	vst v7;
	v11 =	vmul.f32 v11, v60;
	v7 =	vnsel vm15, $0x0, v62  }
.Ltmp3:
0x7d: {  	v63 =	vmul.f32 v61, v60;
	[tilespmem:s0+$0x9A10] =	vst v7;
	v7 =	vnsel vm15, $0x0, v8;
	(pc) =	sbr.rel @!p0 .LBB2_31-.Ltmp3, $4  }
0x7e: {  	[tilespmem:s0+$0x9A30] =	vst v7;
	v7 =	vnsel vm15, $0x0, v11  }
0x7f: {  	[tilespmem:s0+$0x9A50] =	vst v7;
	v7 =	vnsel vm15, $0x0, v63  }
0x80: {  	[tilespmem:s0+$0x9A70] =	vst v7  }
0x81: {  	[tilespmem:v6+s22+$0x0] =	vst.idx.msk $0x1, v10  }
.LBB2_2:
0x82: {  	v6 =	vmov s28;
	_ =	sdelay $0x4  }
0x83: {  	v7 =	vld.idx.msk [tilespmem:v6+s16+$0x0], $0xffff;
	_ =	sdelay $0x1  }
0x84: {  	v8 =	vld [tilespmem:$0x11C0];
	_ =	sdelay $0x2  }
0x85: {  	(v2sf) =	vpush v7, $0x0;
	_ =	sdelay $0x1  }
0x86: {  	(v2sf) =	vpush v8, $0x0;
	_ =	sdelay $0xc  }
0x87: {  	s0 =	spop (v2sf)  }
0x88: {  	s2 =	ssub.f32 s0, s26  }
0x89: {  	s1 =	spop (v2sf)  }
0x8a: {  	p0 =	slt.f32 s1, s2  }
0x8b: {  	s4 =	simm.s32 $0x1AA0  }
0x8c: {  	s4 =	simm.s32 @!p0 $0x8E0  }
0x8d: {  	v8 =	vld [tilespmem:s4+$0x0];
	_ =	sdelay $0x4  }
0x8e: {  	(v2sf) =	vpush v8, $0x0;
	_ =	sdelay $0xe  }
0x8f: {  	s5 =	spop (v2sf)  }
0x90: {  	s6 =	simm.s32 $0x2380;
	s1 =	simm.s32 $0x11C1;
	p1 =	slt.f32 s5, s2  }
0x91: {  	s1 =	simm.s32 @!p0 $0x0;
	s6 =	simm.s32 @!p0 $0x11C0;
	s5 =	sor.u32 $0x1, s4  }
0x92: {  	s1 =	smov.u32 @p1 s5;
	s4 =	smov.u32 @p1 s6  }
0x93: {  	s5 =	sadd.s32 s1, s4  }
0x94: {  	s5 =	sshrl.u32 s5, $0x1  }
0x95: {  	v8 =	vld [tilespmem:s5+$0x0];
	_ =	sdelay $0x4  }
0x96: {  	(v2sf) =	vpush v8, $0x0;
	_ =	sdelay $0xe  }
0x97: {  	s9 =	spop (v2sf)  }
0x98: {  	p0 =	slt.f32 s9, s2  }
0x99: {  	s6 =	sor.u32 $0x1, s5  }
0x9a: {  	s1 =	smov.u32 @p0 s6;
	s5 =	smov.u32 @p0 s4  }
0x9b: {  	s4 =	sadd.s32 s1, s5  }
0x9c: {  	s4 =	sshrl.u32 s4, $0x1  }
0x9d: {  	v8 =	vld [tilespmem:s4+$0x0];
	_ =	sdelay $0x4  }
0x9e: {  	(v2sf) =	vpush v8, $0x0;
	_ =	sdelay $0xe  }
0x9f: {  	s18 =	spop (v2sf)  }
0xa0: {  	p0 =	slt.f32 s18, s2  }
0xa1: {  	s6 =	sadd.s32 $0x1, s4  }
0xa2: {  	s1 =	smov.u32 @p0 s6;
	s4 =	smov.u32 @p0 s5  }
0xa3: {  	s5 =	sxor.u32 s1, s4  }
0xa4: {  	s6 =	sand.u32 s1, s4;
	s5 =	sshrl.u32 s5, $0x1  }
0xa5: {  	s5 =	sadd.s32 s5, s6  }
0xa6: {  	v8 =	vld [tilespmem:s5+$0x0];
	_ =	sdelay $0x4  }
0xa7: {  	(v2sf) =	vpush v8, $0x0;
	_ =	sdelay $0xe  }
0xa8: {  	s23 =	spop (v2sf)  }
0xa9: {  	p0 =	slt.f32 s23, s2  }
0xaa: {  	s6 =	sadd.s32 $0x1, s5  }
0xab: {  	s1 =	smov.u32 @p0 s6;
	s5 =	smov.u32 @p0 s4  }
0xac: {  	s4 =	sadd.s32 s1, s5  }
0xad: {  	s4 =	sshrl.u32 s4, $0x1  }
0xae: {  	v8 =	vld [tilespmem:s4+$0x0];
	_ =	sdelay $0x4  }
0xaf: {  	(v2sf) =	vpush v8, $0x0;
	_ =	sdelay $0xe  }
0xb0: {  	s24 =	spop (v2sf)  }
0xb1: {  	p0 =	slt.f32 s24, s2  }
0xb2: {  	s6 =	sadd.s32 $0x1, s4  }
0xb3: {  	s1 =	smov.u32 @p0 s6;
	s4 =	smov.u32 @p0 s5  }
0xb4: {  	s5 =	sadd.s32 s1, s4  }
0xb5: {  	s5 =	sshrl.u32 s5, $0x1  }
0xb6: {  	v8 =	vld [tilespmem:s5+$0x0];
	_ =	sdelay $0x4  }
0xb7: {  	(v2sf) =	vpush v8, $0x0;
	_ =	sdelay $0xe  }
0xb8: {  	s31 =	spop (v2sf)  }
0xb9: {  	p0 =	slt.f32 s31, s2  }
0xba: {  	s6 =	sadd.s32 $0x1, s5  }
0xbb: {  	s1 =	smov.u32 @p0 s6;
	s5 =	smov.u32 @p0 s4  }
0xbc: {  	s4 =	sadd.s32 s1, s5  }
0xbd: {  	s4 =	sshrl.u32 s4, $0x1  }
0xbe: {  	v8 =	vld [tilespmem:s4+$0x0];
	_ =	sdelay $0x4  }
0xbf: {  	(v2sf) =	vpush v8, $0x0;
	_ =	sdelay $0xe  }
0xc0: {  	s7 =	spop (v2sf)  }
0xc1: {  	p0 =	slt.f32 s7, s2  }
0xc2: {  	s6 =	sadd.s32 $0x1, s4  }
0xc3: {  	s1 =	smov.u32 @p0 s6;
	s4 =	smov.u32 @p0 s5  }
0xc4: {  	s5 =	sadd.s32 s1, s4  }
0xc5: {  	s5 =	sshrl.u32 s5, $0x1  }
0xc6: {  	v8 =	vld [tilespmem:s5+$0x0];
	_ =	sdelay $0x4  }
0xc7: {  	(v2sf) =	vpush v8, $0x0;
	_ =	sdelay $0xe  }
0xc8: {  	s8 =	spop (v2sf)  }
0xc9: {  	p0 =	slt.f32 s8, s2  }
0xca: {  	s6 =	sadd.s32 $0x1, s5  }
0xcb: {  	s1 =	smov.u32 @p0 s6;
	s5 =	smov.u32 @p0 s4  }
0xcc: {  	s4 =	sadd.s32 s1, s5  }
0xcd: {  	s4 =	sshrl.u32 s4, $0x1  }
0xce: {  	v8 =	vld [tilespmem:s4+$0x0];
	_ =	sdelay $0x4  }
0xcf: {  	(v2sf) =	vpush v8, $0x0;
	_ =	sdelay $0xe  }
0xd0: {  	s9 =	spop (v2sf)  }
0xd1: {  	p0 =	slt.f32 s9, s2  }
0xd2: {  	s6 =	sadd.s32 $0x1, s4  }
0xd3: {  	s1 =	smov.u32 @p0 s6;
	s4 =	smov.u32 @p0 s5  }
0xd4: {  	s5 =	sadd.s32 s1, s4  }
0xd5: {  	s5 =	sshrl.u32 s5, $0x1  }
0xd6: {  	v8 =	vld [tilespmem:s5+$0x0];
	_ =	sdelay $0x4  }
0xd7: {  	(v2sf) =	vpush v8, $0x0;
	_ =	sdelay $0xe  }
0xd8: {  	s18 =	spop (v2sf)  }
0xd9: {  	p0 =	slt.f32 s18, s2  }
0xda: {  	s6 =	sadd.s32 $0x1, s5  }
0xdb: {  	s1 =	smov.u32 @p0 s6;
	s5 =	smov.u32 @p0 s4  }
0xdc: {  	s4 =	sadd.s32 s1, s5  }
0xdd: {  	s4 =	sshrl.u32 s4, $0x1  }
0xde: {  	v8 =	vld [tilespmem:s4+$0x0];
	_ =	sdelay $0x4  }
0xdf: {  	(v2sf) =	vpush v8, $0x0;
	_ =	sdelay $0xe  }
0xe0: {  	s23 =	spop (v2sf)  }
0xe1: {  	p0 =	slt.f32 s23, s2  }
0xe2: {  	s6 =	sadd.s32 $0x1, s4  }
0xe3: {  	s1 =	smov.u32 @p0 s6;
	s4 =	smov.u32 @p0 s5  }
0xe4: {  	s5 =	sadd.s32 s1, s4  }
0xe5: {  	s5 =	sshrl.u32 s5, $0x1  }
0xe6: {  	v8 =	vld [tilespmem:s5+$0x0];
	_ =	sdelay $0x4  }
0xe7: {  	(v2sf) =	vpush v8, $0x0;
	_ =	sdelay $0xe  }
0xe8: {  	s24 =	spop (v2sf)  }
0xe9: {  	p0 =	slt.f32 s24, s2  }
0xea: {  	s6 =	sadd.s32 $0x1, s5  }
0xeb: {  	s1 =	smov.u32 @p0 s6;
	s5 =	smov.u32 @p0 s4  }
0xec: {  	s4 =	sadd.s32 s1, s5  }
0xed: {  	s4 =	sshrl.u32 s4, $0x1  }
0xee: {  	v8 =	vld [tilespmem:s4+$0x0];
	_ =	sdelay $0x4  }
0xef: {  	(v2sf) =	vpush v8, $0x0;
	_ =	sdelay $0xe  }
0xf0: {  	s31 =	spop (v2sf)  }
0xf1: {  	p0 =	slt.f32 s31, s2  }
0xf2: {  	s2 =	sadd.s32 $0x1, s4  }
0xf3: {  	s1 =	smov.u32 @p0 s2  }
0xf4: {  	p0 =	sgt.u32 s1, $0x237F  }
.Ltmp4:
0xf5: {  	_ = 	snop;
	(pc) =	sbr.rel @p0 .LBB2_6-.Ltmp4, $2  }
0xf6: {  	_ =	sdelay $0x2  }
0xf7: {  	s30 =	simm.s32 $0x0;
	s29 =	simm.s32 $0x0;
	v8 =	vld.idx.msk [tilespmem:v6+s17+$0x0], $0xffff  }
0xf8: {  	s4 =	sand.u32 $0x3FF0, s1;
	s0 =	sadd.f32 s0, s26  }
0xf9: {  	s29 =	simm.s32 $0x0;
	s1 =	sadd.s32 $0x2400, s4;
	s2 =	smov.u32 s4  }
.LBB2_4:
0xfa: {  	v9 =	vld [tilespmem:s2+$0x0]  }
0xfb: {  	v10 =	vld [tilespmem:s1+$0x0];
	_ =	sdelay $0x4  }
0xfc: {  	v11 =	vsub.f32 v9, v7;
	v10 =	vsub.f32 v10, v8;
	_ =	sdelay $0x1  }
0xfd: {  	v11 =	vmul.f32 v11, v11;
	v10 =	vmul.f32 v10, v10;
	_ =	sdelay $0x1  }
0xfe: {  	v10 =	vadd.f32 v10, v11;
	_ =	sdelay $0x1  }
0xff: {  	vm0 =	vle.f32 v10, v5  }
0x100: {  	v11 =	vmpcnt.ones.xlane vm0;
	_ =	sdelay $0x1  }
0x101: {  	(v2sf) =	vpush v11, $0x0  }
0x102: {  	(v2sf) =	vpush v9, $0xF;
	_ =	sdelay $0xd  }
0x103: {  	s5 =	spop (v2sf)  }
0x104: {  	p0 =	sgt.u32 s4, $0x236F;
	s6 =	spop (v2sf)  }
0x105: {  	v9 =	vor.u32 s4, v0;
	p1 =	sle.f32 @!p0 s6, s0  }
0x106: {  	[tilespmem:s29+$0x7080] =	vst.msk vm0, v9  }
0x107: {  	[tilespmem:s29+$0x6F80] =	vst.msk vm0, v10;
	s29 =	sadd.s32 s29, s5;
	p1 =	por p0, !p1  }
0x108: {  	p2 =	slt.s32 @!p1 s29, $0x91  }
0x109: {  	p2 =	por p1, !p2  }
.Ltmp5:
0x10a: {  	_ = 	snop;
	(pc) =	sbr.rel @!p2 .LBB2_4-.Ltmp5, $2  }
0x10b: {  	_ =	sdelay $0x2  }
0x10c: {  	s1 =	sadd.s32 $0x10, s1;
	s2 =	sadd.s32 $0x10, s2;
	s4 =	sadd.s32 $0x10, s4  }
0x10d: {  	s0 =	smov.u32 s29  }
0x10e: {  	s0 =	smov.u32 @p0 s29  }
0x10f: {  	s29 =	smov.u32 @p1 s0  }
.LBB2_6:
0x110: {  	p0 =	slt.s32 s29, $0x21  }
.Ltmp6:
0x111: {  	_ = 	snop;
	(pc) =	sbr.rel @p0 .LBB2_30-.Ltmp6, $2  }
0x112: {  	_ =	sdelay $0x2  }
0x113: {  	[tilespmem:s29+$0x6F80] =	vst v1  }
.Ltmp7:
0x114: {  	(pc) =	sbr.rel .LBB2_8-.Ltmp7, $3  }
0x115: {  	_ =	sdelay $0x1  }
0x116: {  	s0 =	sadd.s32 $0xF, s29  }
0x117: {  	s31 =	sshra.s32 s0, $0x4  }
.LBB2_10:
0x118: {  	p2 =	por $0x0, $0x0  }
0x119: {  	s1 =	simm.s32 @!p2 $0x0  }
0x11a: {  	p4 =	por $0x0, $0x0;
	s1 =	simm.s32 @p2 $0x1  }
0x11b: {  	[smem:$0x7F9] =	sst s1;
	s1 =	simm.s32 @!p4 $0x0  }
0x11c: {  	s1 =	simm.s32 @p4 $0x1;
	p4 =	por $0x0, $0x0  }
0x11d: {  	s4 =	simm.f32 $1.000000020e+30;
	[smem:$0x7FA] =	sst s1;
	s1 =	simm.s32 @!p4 $0x0  }
0x11e: {  	s6 =	simm.s32 $0x0;
	s24 =	simm.s32 $0x6F80;
	s1 =	simm.s32 @p4 $0x1  }
0x11f: {  	s5 =	simm.f32 $1.000000020e+30;
	[smem:$0x7FB] =	sst s1;
	s1 =	simm.s32 $0x80000000  }
.LBB2_27:
0x120: {  	s9 =	sld [smem:$0x7FB];
	_ =	sdelay $0x1  }
0x121: {  	s8 =	simm.s32 @!p3 $0x0  }
0x122: {  	v18, _, _ =	vpop @p3 (xrf0);
	s8 =	simm.s32 @p3 $0x1;
	p3 =	seq.s32 s9, $0x1;
	s9 =	sld [smem:$0x7FC]  }
0x123: {  	s7 =	sld [smem:$0x7F9];
	_ =	sdelay $0x1  }
0x124: {  	[smem:$0x7EF] =	sst s8;
	s8 =	simm.s32 @!p1 $0x0;
	p2 =	seq.s32 s9, $0x1  }
0x125: {  	p0 =	seq.s32 s7, $0x1;
	s8 =	simm.s32 @p1 $0x1;
	s9 =	simm.s32 @!p2 $0x0  }
0x126: {  	s7 =	spop @p0 (v2sf);
	[smem:$0x7F0] =	sst s8;
	s9 =	simm.s32 @p2 $0x1  }
0x127: {  	s8 =	spop @p3 (v2sf);
	[smem:$0x7FC] =	sst s9;
	s9 =	sadd.s32 @p2 $0x10, s24  }
0x128: {  	s23 =	smov.u32 @p2 s9;
	p2 =	slt.f32 @p3 s8, s4;
	_ =	sdelay $0x1  }
0x129: {  	s24 =	sld [smem:$0x7FD];
	s9 =	simm.s32 @!p2 $0x0  }
0x12a: {  	s9 =	simm.s32 @p2 $0x1  }
0x12b: {  	[smem:$0x7F3] =	sst s9  }
0x12c: {  	p4 =	seq.s32 s24, $0x1;
	s24 =	sld [smem:$0x7F3]  }
0x12d: {  	p5 =	por !p5, !p0;
	s7 =	sadd.s32 @p0 s1, s7;
	v62 =	vld [tilespmem:s23+$0x0];
	s23 =	sld [smem:$0x7FC]  }
0x12e: {  	vm0 =	veq.f32 @p1 v11, v15;
	s7 =	smov.u32 @p5 s6;
	s6 =	sld [smem:$0x7FA]  }
0x12f: {  	v15 =	vnsel @p1 vm0, $0x80000010, v2;
	s9 =	sld [smem:$0x7EF];
	p5 =	seq.s32 s24, $0x1  }
0x130: {  	s1 =	sadd.s32 @p0 $0x10, s1;
	v11, _, _ =	vpop @p4 (xrf0);
	(xrf0) =	vmin.scan.msk.u32 @p1 $0xffff, v15;
	p1 =	seq.s32 s23, $0x1;
	p5 =	por !p5, !p3  }
0x131: {  	(xrf0) =	vmin.scan.msk.f32 @p1 $0xffff, v10;
	p1 =	seq.s32 s6, $0x1;
	s8 =	smov.u32 @p5 s4;
	s4 =	simm.s32 $0x80000000  }
0x132: {  	p2 =	seq.s32 s9, $0x1;
	s4 =	smov.u32 @p0 s1;
	s1 =	spop @p1 (v2sf)  }
0x133: {  	s23 =	sld [smem:$0x7F3];
	s5 =	smov.u32 @p3 s8;
	s8 =	spop @p2 (v2sf)  }
0x134: {  	s9 =	sld [smem:$0x7F8];
	(v2sf) =	vpush @p2 v18, $0xF;
	p5 =	por p2, p2;
	p2 =	slt.f32 @p2 s8, s5  }
0x135: {  	s6 =	simm.s32 $0x0  }
0x136: {  	s6 =	smov.u32 @p0 s7;
	s7 =	simm.s32 @!p2 $0x0  }
0x137: {  	p0 =	seq.s32 s23, $0x1;
	s7 =	simm.s32 @p2 $0x1;
	p2 =	seq.s32 s9, $0x1  }
0x138: {  	p6 =	por @p1 p6, p6;
	[smem:$0x7F6] =	sst s7;
	p0 =	por @!p3 p2, p2  }
0x139: {  	s7 =	simm.s32 @!p0 $0x0;
	p6 =	por @!p1 p0, p0;
	s23 =	sld [smem:$0x7F6]  }
0x13a: {  	s7 =	simm.s32 @p0 $0x1;
	p6 =	por !p6, !p1  }
0x13b: {  	[smem:$0x7F3] =	sst s7;
	s7 =	simm.s32 @!p6 $0x0  }
0x13c: {  	s24 =	sld [smem:$0x7F0];
	s7 =	simm.s32 @p6 $0x1;
	p6 =	seq.s32 s23, $0x1  }
0x13d: {  	s9 =	sld [smem:$0x7FC];
	p6 =	por !p6, !p5  }
0x13e: {  	[smem:$0x7F1] =	sst s7;
	s7 =	simm.s32 @!p6 $0x0  }
0x13f: {  	p2 =	seq.s32 s24, $0x1;
	s24 =	sld [smem:$0x7F1];
	s7 =	simm.s32 @p6 $0x1  }
0x140: {  	[smem:$0x7F2] =	sst s7  }
0x141: {  	p0 =	seq.s32 s9, $0x1;
	s9 =	sld [smem:$0x7F2]  }
0x142: {  	s23 =	sld [smem:$0x7F3]  }
0x143: {  	s1 =	sadd.s32 @p1 s4, s1;
	p6 =	seq.s32 s24, $0x1  }
0x144: {  	s1 =	smov.u32 @p6 s6;
	p6 =	seq.s32 s9, $0x1  }
0x145: {  	s8 =	smov.u32 @p6 s5;
	p6 =	seq.s32 s23, $0x1  }
0x146: {  	p6 =	por @p3 p6, p6  }
0x147: {  	v19 =	vbroadcast @p4 v11, $0xF;
	s5 =	simm.s32 @!p6 $0x0  }
0x148: {  	s5 =	simm.s32 @p6 $0x1  }
0x149: {  	v13 =	vpsel p4, v17, v13;
	v16 =	vpsel p4, v19, v16;
	[smem:$0x7F4] =	sst s5  }
0x14a: {  	vm0 =	veq.f32 @p4 v13, v16;
	s24 =	sld [smem:$0x7F4]  }
0x14b: {  	(v2sf) =	vpush @p4 v11, $0xF;
	v11 =	vnsel @p4 vm0, $0x80000010, v2;
	s4 =	sadd.s32 @p1 $0x10, s4;
	s7 =	simm.s32 $0x80000000  }
0x14c: {  	(xrf0) =	vmin.scan.msk.u32 @p4 $0xffff, v11;
	s7 =	smov.u32 @p1 s4;
	s4 =	simm.s32 $0x0  }
0x14d: {  	(xrf0) =	vmin.scan.msk.f32 $0xffff, v62;
	s4 =	smov.u32 @p1 s1;
	p1 =	seq.s32 s24, $0x1  }
0x14e: {  	v11, _, _ =	vpop @p2 (xrf0);
	s6 =	spop @p3 (v2sf);
	p1 =	por @!p3 p0, p0  }
0x14f: {  	v13, _, _ =	vpop @p0 (xrf0);
	v10 =	vpsel p0, v10, v14;
	s1 =	sadd.s32 @p3 s7, s6;
	s5 =	simm.f32 $1.000000020e+30;
	p1 =	por !p1, !p3  }
0x150: {  	v14 =	vbroadcast @p0 v13, $0xF;
	v9 =	vpsel p0, v10, v9;
	s5 =	smov.u32 @p5 s8;
	s8 =	spop @p2 (v2sf);
	s6 =	simm.s32 @!p1 $0x0  }
0x151: {  	p6 =	slt.f32 @p2 s8, s5;
	s6 =	simm.s32 @p1 $0x1  }
0x152: {  	(v2sf) =	vpush @p2 v11, $0xF;
	v11, _, _ =	vpop @p4 (xrf0);
	v10 =	vpsel p0, v14, v12;
	[smem:$0x7F5] =	sst s6  }
0x153: {  	vm0 =	veq.f32 @p0 v9, v10;
	v9, _, _ =	vpop (xrf0);
	(v2sf) =	vpush @p0 v13, $0xF;
	s9 =	simm.s32 @!p6 $0x0;
	s6 =	sld [smem:$0x7F5]  }
0x154: {  	v10 =	vnsel @p0 vm0, $0x80000010, v2;
	v63 =	vbroadcast v9, $0xF;
	s9 =	simm.s32 @p6 $0x1  }
0x155: {  	(xrf0) =	vmin.scan.msk.u32 @p0 $0xffff, v10;
	[smem:$0x7F7] =	sst s9;
	p1 =	por !p6, !p2  }
0x156: {  	vm15 =	veq.f32 v62, v63;
	s8 =	smov.u32 @p1 s5;
	p6 =	seq.s32 s6, $0x1;
	s6 =	sld [smem:$0x7F6]  }
0x157: {  	v10 =	vnsel vm15, $0x80000010, v2;
	s5 =	simm.s32 $0x80000000;
	s1 =	smov.u32 @p6 s4;
	s4 =	sadd.s32 @p3 $0x10, s7  }
0x158: {  	(v2sf) =	vpush @p4 v11, $0xF;
	(xrf0) =	vmin.scan.msk.u32 $0xffff, v10;
	s9 =	sld [smem:$0x7F7];
	s5 =	smov.u32 @p3 s4  }
0x159: {  	s4 =	simm.f32 $1.000000020e+30;
	p1 =	seq.s32 s6, $0x1;
	s6 =	spop @p5 (v2sf)  }
0x15a: {  	s4 =	smov.u32 @p2 s8;
	s8 =	simm.s32 $0x0;
	p1 =	por @!p5 p0, p0  }
0x15b: {  	(v2sf) =	vpush v9, $0xF;
	v9, _, _ =	vpop @p0 (xrf0);
	s7 =	spop @p4 (v2sf);
	s8 =	smov.u32 @p3 s1;
	p1 =	por @p5 p1, p1  }
0x15c: {  	s1 =	sadd.s32 @p5 s5, s6;
	(v2sf) =	vpush @p0 v9, $0xF;
	p6 =	slt.f32 @p4 s7, s4;
	p1 =	por @!p5 p0, p0  }
0x15d: {  	s6 =	simm.f32 $1.000000020e+30;
	p3 =	por !p1, !p5;
	p1 =	seq.s32 s9, $0x1  }
0x15e: {  	v9, _, _ =	vpop (xrf0);
	s1 =	smov.u32 @p3 s8;
	p3 =	por !p6, !p4;
	p1 =	por @!p2 p0, p0  }
0x15f: {  	(v2sf) =	vpush v9, $0xF;
	s7 =	smov.u32 @p3 s4;
	s4 =	sadd.s32 @p5 $0x10, s5;
	s5 =	simm.s32 $0x80000000  }
0x160: {  	p6 =	por @!p4 p0, p0;
	p1 =	por @p2 p1, p1;
	s5 =	smov.u32 @p5 s4  }
0x161: {  	s6 =	smov.u32 @p4 s7;
	s4 =	simm.s32 $0x0;
	s7 =	spop @p2 (v2sf)  }
0x162: {  	p1 =	por @!p2 p0, p0;
	s4 =	smov.u32 @p5 s1;
	s1 =	spop @p0 (v2sf)  }
0x163: {  	s7 =	sadd.s32 @p2 s5, s7;
	p5 =	por !p1, !p2;
	p3 =	slt.f32 @p0 s1, s6  }
0x164: {  	s7 =	smov.u32 @p5 s4;
	s4 =	sadd.s32 @p2 $0x10, s5;
	s5 =	simm.s32 $0x80000000  }
0x165: {  	p1 =	por @p4 p6, p6;
	s5 =	smov.u32 @p2 s4;
	s4 =	simm.s32 $0x0  }
0x166: {  	p1 =	por @!p4 p0, p0;
	p5 =	por !p3, !p0;
	s4 =	smov.u32 @p2 s7  }
0x167: {  	p3 =	por @!p0 p0, p0;
	s1 =	smov.u32 @p5 s6;
	s6 =	spop @p4 (v2sf)  }
0x168: {  	p2 =	por !p1, !p4;
	p1 =	por @p0 p3, p3;
	s6 =	sadd.s32 @p4 s5, s6  }
0x169: {  	p1 =	por @!p0 p0, p0;
	s18 =	smov.u32 @p0 s1;
	s6 =	smov.u32 @p2 s4  }
0x16a: {  	s4 =	sadd.s32 @p4 $0x10, s5;
	s5 =	simm.s32 $0x80000000;
	s23 =	spop (v2sf)  }
0x16b: {  	s5 =	smov.u32 @p4 s4;
	s4 =	simm.s32 $0x0;
	s7 =	spop @p0 (v2sf)  }
0x16c: {  	p1 =	por !p1, !p0;
	s4 =	smov.u32 @p4 s6;
	s1 =	sadd.s32 @p0 s5, s7  }
0x16d: {  	p6 =	slt.f32 s23, s18;
	s1 =	smov.u32 @p1 s4;
	s4 =	sadd.s32 @p0 $0x10, s5  }
0x16e: {  	s24 =	spop (v2sf);
	s2 =	smov.u32 @p0 s4  }
0x16f: {  	s0 =	smov.u32 @p0 s1;
	p0 =	por p6, p6;
	s1 =	sadd.s32 s2, s24  }
0x170: {  	s0 =	smov.u32 @p0 s1  }
.LBB2_28:
0x171: {  	v9 =	vmov s0;
	_ =	sdelay $0x4  }
0x172: {  	v11 =	vmov s30;
	s30 =	sadd.s32 $0x1, s30;
	v10 =	vld.idx.msk [tilespmem:v9+s19+$0x0], $0xffff  }
0x173: {  	p0 =	sne.s32 s30, $0x20  }
.Ltmp8:
0x174: {  	_ = 	snop;
	(pc) =	sbr.rel @!p0 .LBB2_29-.Ltmp8, $3  }
0x175: {  	_ =	sdelay $0x1  }
0x176: {  	[tilespmem:v11+s20+$0x0] =	vst.idx.msk $0x1, v10  }
0x177: {  	[tilespmem:v9+s21+$0x0] =	vst.idx.msk $0x1, v1  }
.LBB2_8:
0x178: {  	p0 =	slt.s32 s31, $0x1  }
.Ltmp9:
0x179: {  	_ = 	snop;
	(pc) =	sbr.rel @p0 .LBB2_28-.Ltmp9, $2  }
0x17a: {  	_ =	sdelay $0x2  }
0x17b: {  	s0 =	simm.s32 $0x0  }
0x17c: {  	p4 =	sne.s32 s31, $0x1;
	p0 =	por $0x0, $0x0  }
.Ltmp10:
0x17d: {  	s4 =	simm.s32 @!p0 $0x0;
	(pc) =	sbr.rel @!p4 .LBB2_10-.Ltmp10, $4  }
0x17e: {  	s18 =	simm.f32 $1.000000020e+30;
	p1 =	por $0x0, $0x0;
	s4 =	simm.s32 @p0 $0x1  }
0x17f: {  	s23 =	simm.s32 $0x6F80;
	[smem:$0x7FC] =	sst s4;
	s4 =	simm.s32 @!p1 $0x0  }
0x180: {  	s2 =	simm.s32 $0x80000000;
	s1 =	sadd.s32 $0xFFFFFFFF, s31;
	s4 =	simm.s32 @p1 $0x1  }
0x181: {  	p3 =	por $0x0, $0x0;
	p1 =	por $0x0, $0x0;
	[smem:$0x7FD] =	sst s4  }
0x182: {  	p4 =	sne.s32 s1, $0x1  }
.Ltmp11:
0x183: {  	_ = 	snop;
	(pc) =	sbr.rel @!p4 .LBB2_12-.Ltmp11, $4  }
0x184: {  	p0 =	por $0x1, $0x1  }
0x185: {  	s4 =	simm.s32 @!p0 $0x0  }
0x186: {  	s4 =	simm.s32 @p0 $0x1  }
0x187: {  	s1 =	sadd.s32 $0xFFFFFFFF, s1;
	v11 =	vld [tilespmem:s23+$0x0];
	[smem:$0x7FC] =	sst s4  }
0x188: {  	p4 =	sne.s32 s1, $0x1  }
.Ltmp12:
0x189: {  	_ = 	snop;
	(pc) =	sbr.rel @!p4 .LBB2_14-.Ltmp12, $4  }
0x18a: {  	p2 =	por $0x1, $0x1  }
0x18b: {  	s4 =	simm.s32 @!p2 $0x0  }
0x18c: {  	s24 =	simm.s32 $0x6F90;
	s4 =	simm.s32 @p2 $0x1  }
0x18d: {  	s1 =	sadd.s32 $0xFFFFFFFF, s1;
	v10 =	vld [tilespmem:s24+$0x0];
	[smem:$0x7FD] =	sst s4;
	(xrf0) =	vmin.scan.msk.f32 $0xffff, v11  }
0x18e: {  	_ =	sdelay $0x4  }
0x18f: {  	v12, _, _ =	vpop (xrf0)  }
0x190: {  	p4 =	sne.s32 s1, $0x1;
	(v2sf) =	vpush v12, $0xF  }
.Ltmp13:
0x191: {  	_ = 	snop;
	(pc) =	sbr.rel @!p4 .LBB2_16-.Ltmp13, $3  }
0x192: {  	_ =	sdelay $0x1  }
0x193: {  	s24 =	simm.s32 $0x6FA0  }
0x194: {  	s1 =	sadd.s32 $0xFFFFFFFF, s1;
	p1 =	por $0x1, $0x1;
	v9 =	vld [tilespmem:s24+$0x0];
	(xrf0) =	vmin.scan.msk.f32 $0xffff, v10;
	v15 =	vbroadcast v12, $0xF  }
0x195: {  	_ = 	snop  }
0x196: {  	p4 =	sne.s32 s1, $0x1;
	vm0 =	veq.f32 v11, v15  }
.Ltmp14:
0x197: {  	v11 =	vnsel vm0, $0x80000010, v2;
	(pc) =	sbr.rel @!p4 .LBB2_18-.Ltmp14, $3  }
0x198: {  	_ =	sdelay $0x1  }
0x199: {  	s24 =	simm.s32 $0x6FB0;
	(xrf0) =	vmin.scan.msk.u32 $0xffff, v11;
	v11, _, _ =	vpop (xrf0)  }
0x19a: {  	s1 =	sadd.s32 $0xFFFFFFFF, s1;
	p3 =	por $0x1, $0x1;
	v13 =	vld [tilespmem:s24+$0x0];
	(xrf0) =	vmin.scan.msk.f32 $0xffff, v9;
	v15 =	vbroadcast v11, $0xF;
	(v2sf) =	vpush v11, $0xF  }
0x19b: {  	_ = 	snop  }
0x19c: {  	vm0 =	veq.f32 v10, v15  }
0x19d: {  	v10 =	vnsel vm0, $0x80000010, v2;
	_ =	sdelay $0x1  }
0x19e: {  	v11, _, _ =	vpop (xrf0)  }
0x19f: {  	(xrf0) =	vmin.scan.msk.u32 $0xffff, v10;
	v10, _, _ =	vpop (xrf0);
	(v2sf) =	vpush v11, $0xF  }
0x1a0: {  	(v2sf) =	vpush v10, $0xF;
	_ =	sdelay $0x7  }
0x1a1: {  	p4 =	sne.s32 s1, $0x1  }
.Ltmp15:
0x1a2: {  	_ = 	snop;
	(pc) =	sbr.rel @!p4 .LBB2_20-.Ltmp15, $3  }
0x1a3: {  	_ =	sdelay $0x1  }
0x1a4: {  	s24 =	simm.s32 $0x6FC0  }
0x1a5: {  	s1 =	sadd.s32 $0xFFFFFFFF, s1;
	v14 =	vld [tilespmem:s24+$0x0];
	(xrf0) =	vmin.scan.msk.f32 $0xffff, v13;
	v12 =	vbroadcast v10, $0xF  }
0x1a6: {  	_ =	sdelay $0x3  }
0x1a7: {  	v11, _, _ =	vpop (xrf0)  }
0x1a8: {  	p4 =	por $0x1, $0x1;
	(v2sf) =	vpush v11, $0xF;
	v15, _, _ =	vpop (xrf0)  }
0x1a9: {  	s4 =	simm.s32 @!p4 $0x0;
	(v2sf) =	vpush v15, $0xF  }
0x1aa: {  	s4 =	simm.s32 @p4 $0x1  }
0x1ab: {  	[smem:$0x7FB] =	sst s4;
	s4 =	spop (v2sf)  }
0x1ac: {  	s24 =	simm.s32 $0x6FD0;
	vm0 =	veq.f32 v9, v12;
	p2 =	slt.f32 s4, s18  }
0x1ad: {  	s5 =	simm.f32 $1.000000020e+30;
	p5 =	por $0x1, $0x1;
	v10 =	vnsel vm0, $0x80000010, v2;
	p4 =	sne.s32 s1, $0x1  }
.Ltmp16:
0x1ae: {  	(xrf0) =	vmin.scan.msk.u32 $0xffff, v10;
	v10 =	vld [tilespmem:s24+$0x0];
	s5 =	smov.u32 @p2 s4;
	s4 =	simm.s32 @!p5 $0x0;
	(pc) =	sbr.rel @!p4 .LBB2_22-.Ltmp16, $4  }
0x1af: {  	s4 =	simm.s32 @p5 $0x1  }
0x1b0: {  	[smem:$0x7FA] =	sst s4;
	s4 =	simm.s32 @!p2 $0x0  }
0x1b1: {  	s4 =	simm.s32 @p2 $0x1  }
0x1b2: {  	s1 =	sadd.s32 $0xFFFFFFFF, s1;
	(xrf0) =	vmin.scan.msk.f32 $0xffff, v14;
	v16 =	vbroadcast v15, $0xF;
	[smem:$0x7F8] =	sst s4  }
0x1b3: {  	_ = 	snop  }
0x1b4: {  	vm0 =	veq.f32 v13, v16  }
0x1b5: {  	v11 =	vnsel vm0, $0x80000010, v2;
	_ =	sdelay $0x1  }
0x1b6: {  	v15, _, _ =	vpop (xrf0)  }
0x1b7: {  	(v2sf) =	vpush v15, $0xF;
	(xrf0) =	vmin.scan.msk.u32 $0xffff, v11;
	v11, _, _ =	vpop (xrf0)  }
0x1b8: {  	(v2sf) =	vpush v11, $0xF;
	_ =	sdelay $0x3  }
0x1b9: {  	p4 =	sne.s32 s1, $0x1  }
.Ltmp17:
0x1ba: {  	s6 =	spop (v2sf);
	s7 =	sadd.s32 $0xFFFFFFFF, s1;
	(pc) =	sbr.rel @!p4 .LBB2_24-.Ltmp17, $4  }
0x1bb: {  	p5 =	por p2, p2;
	p2 =	por $0x1, $0x1;
	p6 =	slt.f32 s6, s5  }
0x1bc: {  	s4 =	smov.u32 s5;
	s24 =	simm.s32 $0x6FE0;
	s1 =	simm.s32 @!p2 $0x0;
	(xrf0) =	vmin.scan.msk.f32 $0xffff, v10  }
0x1bd: {  	v18 =	vld [tilespmem:s24+$0x0];
	s1 =	simm.s32 @p2 $0x1;
	s4 =	smov.u32 @p6 s6;
	v15 =	vbroadcast v11, $0xF  }
0x1be: {  	[smem:$0x7F9] =	sst s1;
	s1 =	simm.s32 $0x80000000;
	s6 =	simm.s32 $0x0;
	v11 =	vmov v14  }
.LBB2_25:
0x1bf: {  	p4 =	sne.s32 s7, $0x1;
	s7 =	sadd.s32 $0xFFFFFFFF, s7;
	vm0 =	veq.f32 v11, v15;
	s8 =	spop (v2sf);
	v11 =	vmov v10  }
.Ltmp18:
0x1c0: {  	v15 =	vnsel vm0, $0x80000010, v2;
	s9 =	spop (v2sf);
	s8 =	sadd.s32 s1, s8;
	(pc) =	sbr.rel @p4 .LBB2_25-.Ltmp18, $4  }
0x1c1: {  	(xrf0) =	vmin.scan.msk.u32 $0xffff, v15;
	v10, _, _ =	vpop (xrf0);
	s6 =	smov.u32 @p5 s8;
	p5 =	por p6, p6;
	p6 =	slt.f32 s9, s4  }
0x1c2: {  	s24 =	sadd.s32 $0x10, s24;
	(xrf0) =	vmin.scan.msk.f32 $0xffff, v18;
	v17, _, _ =	vpop (xrf0);
	(v2sf) =	vpush v10, $0xF;
	v10 =	vmov v18  }
0x1c3: {  	v18 =	vld [tilespmem:s24+$0x0];
	v15 =	vbroadcast v17, $0xF;
	(v2sf) =	vpush v17, $0xF;
	s4 =	smov.u32 @p6 s9  }
0x1c4: {  	s1 =	sadd.s32 $0x10, s1  }
.Ltmp19:
0x1c5: {  	(pc) =	sbr.rel .LBB2_27-.Ltmp19, $2  }
0x1c6: {  	_ =	sdelay $0x2  }
0x1c7: {  	v17 =	vmov v10;
	v10 =	vmov v18  }
.LBB2_12:
0x1c8: {  	p2 =	por $0x0, $0x0  }
0x1c9: {  	s1 =	simm.s32 @!p2 $0x0  }
0x1ca: {  	p4 =	por $0x0, $0x0;
	s1 =	simm.s32 @p2 $0x1  }
.Ltmp20:
0x1cb: {  	[smem:$0x7F9] =	sst s1;
	s1 =	simm.s32 @!p4 $0x0;
	(pc) =	sbr.rel .LBB2_27-.Ltmp20, $4  }
0x1cc: {  	s1 =	simm.s32 @p4 $0x1;
	p4 =	por $0x0, $0x0  }
0x1cd: {  	s4 =	simm.f32 $1.000000020e+30;
	[smem:$0x7FA] =	sst s1;
	s1 =	simm.s32 @!p4 $0x0  }
0x1ce: {  	s6 =	simm.s32 $0x0;
	s24 =	simm.s32 $0x6F80;
	s1 =	simm.s32 @p4 $0x1  }
0x1cf: {  	s5 =	simm.f32 $1.000000020e+30;
	v10 =	vmov v11;
	[smem:$0x7FB] =	sst s1;
	s1 =	simm.s32 $0x80000000  }
.LBB2_14:
0x1d0: {  	p2 =	por $0x0, $0x0  }
0x1d1: {  	s1 =	simm.s32 @!p2 $0x0  }
0x1d2: {  	p4 =	por $0x0, $0x0;
	s1 =	simm.s32 @p2 $0x1  }
.Ltmp21:
0x1d3: {  	[smem:$0x7F9] =	sst s1;
	s1 =	simm.s32 @!p4 $0x0;
	(pc) =	sbr.rel .LBB2_27-.Ltmp21, $4  }
0x1d4: {  	s1 =	simm.s32 @p4 $0x1;
	p4 =	por $0x0, $0x0  }
0x1d5: {  	[smem:$0x7FA] =	sst s1;
	s1 =	simm.s32 @!p4 $0x0  }
0x1d6: {  	s4 =	simm.f32 $1.000000020e+30;
	s6 =	simm.s32 $0x0;
	s1 =	simm.s32 @p4 $0x1  }
0x1d7: {  	v17 =	vmov v11;
	s5 =	simm.f32 $1.000000020e+30;
	[smem:$0x7FB] =	sst s1;
	s1 =	simm.s32 $0x80000000  }
.LBB2_16:
0x1d8: {  	p2 =	por $0x0, $0x0  }
0x1d9: {  	s1 =	simm.s32 @!p2 $0x0  }
0x1da: {  	p4 =	por $0x0, $0x0;
	s1 =	simm.s32 @p2 $0x1  }
.Ltmp22:
0x1db: {  	[smem:$0x7F9] =	sst s1;
	s1 =	simm.s32 @!p4 $0x0;
	(pc) =	sbr.rel .LBB2_27-.Ltmp22, $4  }
0x1dc: {  	s1 =	simm.s32 @p4 $0x1;
	p4 =	por $0x0, $0x0  }
0x1dd: {  	[smem:$0x7FA] =	sst s1;
	s1 =	simm.s32 @!p4 $0x0  }
0x1de: {  	s4 =	simm.f32 $1.000000020e+30;
	s6 =	simm.s32 $0x0;
	s1 =	simm.s32 @p4 $0x1  }
0x1df: {  	v17 =	vmov v10;
	s5 =	simm.f32 $1.000000020e+30;
	v10 =	vmov v9;
	[smem:$0x7FB] =	sst s1;
	s1 =	simm.s32 $0x80000000  }
.LBB2_18:
0x1e0: {  	p2 =	por $0x0, $0x0  }
0x1e1: {  	s1 =	simm.s32 @!p2 $0x0  }
0x1e2: {  	p4 =	por $0x0, $0x0;
	s1 =	simm.s32 @p2 $0x1  }
.Ltmp23:
0x1e3: {  	[smem:$0x7F9] =	sst s1;
	s1 =	simm.s32 @!p4 $0x0;
	(pc) =	sbr.rel .LBB2_27-.Ltmp23, $4  }
0x1e4: {  	s1 =	simm.s32 @p4 $0x1;
	p4 =	por $0x0, $0x0  }
0x1e5: {  	[smem:$0x7FA] =	sst s1;
	s1 =	simm.s32 @!p4 $0x0  }
0x1e6: {  	s4 =	simm.f32 $1.000000020e+30;
	s6 =	simm.s32 $0x0;
	s1 =	simm.s32 @p4 $0x1  }
0x1e7: {  	v11 =	vmov v10;
	v17 =	vmov v9;
	s5 =	simm.f32 $1.000000020e+30;
	v10 =	vmov v13;
	[smem:$0x7FB] =	sst s1;
	s1 =	simm.s32 $0x80000000  }
.LBB2_20:
0x1e8: {  	p2 =	por $0x0, $0x0  }
0x1e9: {  	s1 =	simm.s32 @!p2 $0x0  }
0x1ea: {  	p4 =	por $0x0, $0x0;
	s1 =	simm.s32 @p2 $0x1  }
.Ltmp24:
0x1eb: {  	[smem:$0x7F9] =	sst s1;
	s1 =	simm.s32 @!p4 $0x0;
	(pc) =	sbr.rel .LBB2_27-.Ltmp24, $4  }
0x1ec: {  	s1 =	simm.s32 @p4 $0x1;
	p4 =	por $0x1, $0x1  }
0x1ed: {  	[smem:$0x7FA] =	sst s1;
	s1 =	simm.s32 @!p4 $0x0  }
0x1ee: {  	s4 =	simm.f32 $1.000000020e+30;
	s6 =	simm.s32 $0x0;
	s1 =	simm.s32 @p4 $0x1  }
0x1ef: {  	v17 =	vmovc v13;
	v11 =	vmov v9;
	s5 =	simm.f32 $1.000000020e+30;
	v15 =	vmov v12;
	v10 =	vmov v14;
	[smem:$0x7FB] =	sst s1;
	s1 =	simm.s32 $0x80000000  }
.LBB2_22:
.Ltmp25:
0x1f0: {  	(pc) =	sbr.rel .LBB2_27-.Ltmp25, $4  }
0x1f1: {  	p6 =	por p2, p2;
	p2 =	por $0x0, $0x0  }
0x1f2: {  	s1 =	simm.s32 @!p2 $0x0  }
0x1f3: {  	s4 =	smov.u32 s5;
	s1 =	simm.s32 @p2 $0x1;
	_ =	sdelay $0x1  }
0x1f4: {  	v11 =	vmov v13;
	v17 =	vmov v14;
	s6 =	simm.s32 $0x0;
	v15 =	vmov v16;
	[smem:$0x7F9] =	sst s1;
	s1 =	simm.s32 $0x80000000  }
.LBB2_24:
.Ltmp26:
0x1f5: {  	(pc) =	sbr.rel .LBB2_27-.Ltmp26, $2  }
0x1f6: {  	_ =	sdelay $0x2  }
0x1f7: {  	v17 =	vmov v10;
	v11 =	vmov v14;
	s1 =	simm.s32 $0x80000000;
	s6 =	simm.s32 $0x0;
	v10 =	vmov v18  }
.LBB2_32:
0x1f8: {  	_ =	sfence.sel $0x180000  }
0x1f9: {  	[bflag:$0x0] =	sbarrier.arrive $0xFFFF  }
0x1fa: {  	_ =	strace $0x9000004D  }
0x1fb: {  	s0 =	stileid.u32;
	[bflag:$0x2] =	sbarrier.arrive $0xFFFF  }
0x1fc: {  	p0 =	sne.s32 s0, $0x0;
	s0 =	rddreg [dreg:$0x2]  }
0x1fd: {  	s0 =	sadd.s32 @!p0 $0x100000, s0  }
0x1fe: {  	[sflag:s0] =	ssyncadd.tile.s32 @!p0 $0x1;
	_ =	shalt  }
.Lfunc_end2:
_tile_overlayer_lowered:
.L_overlay_start_2:
0x1ff: {  	(tag) =	ssettag $0x2  }
0x200: {  	s0 =	rddreg [dreg:$0x0];
	s2 =	stileid.u32  }
0x201: {  	s1 =	rddreg [dreg:$0x1];
	p0 =	sne.s32 s2, $0x0  }
0x202: {  	s3 =	rddreg [dreg:$0x2];
	[bflag:$0x3] =	sbarrier.arrive $0xFFFF;
	s2 =	simm.s32 @!p0 $0x1C01  }
0x203: {  	[timem:s3], [sflag:s2] =	dma.local @!p0 [hbm:s0], s1  }
0x204: {  	s0 =	simm.s32 @!p0 $0x1  }
0x205: {  	_ =	swait.ge @!p0 [sflag:s0], s1  }
0x206: {  	s1 =	ssub.s32 @!p0 $0x0, s1;
	[sflag:s0] =	ssyncset.done @!p0 $0x0  }
0x207: {  	[sflag:s0] =	ssyncadd.s32 @!p0 s1  }
0x208: {  	[bflag:$0x3] =	sbarrier.arrive $0xFFFF  }
0x209: {  	_ =	shalt  }

</sc_bundles>
